<compile_context>
chip_gen: v7x
topology: tpu7x:2x2x1
jax: 0.10.2.dev20260603
libtpu: 0.0.44.dev20260713+nightly
codegen_flags: <defaults>
</compile_context>

<pallas_src>
import functools

import jax
import jax.numpy as jnp
from jax import lax
from jax.experimental import pallas as pl
from jax.experimental.pallas import tpu as pltpu
from jax.experimental.pallas import tpu_sc as plsc

R = 128
N = 32768
L = 16
NCHUNK = N // L
NC, NS = 2, 16
NW = NC * NS
ROWS_PER_W = R // NW
MAX_ITERS = 24
G = 64
GSUB = G // L
NG = N // G
UNROLL = 8

_GATHER_DNUMS = lax.GatherDimensionNumbers(
    offset_dims=(), collapsed_slice_dims=(0,), start_index_map=(0,))


def _gather16(x, idx):
    return lax.gather(x, idx[:, None], dimension_numbers=_GATHER_DNUMS,
                      slice_sizes=(1,),
                      mode=lax.GatherScatterMode.PROMISE_IN_BOUNDS)


def _lane0(x):
    return lax.squeeze(lax.slice(x, (0,), (1,)), (0,))


def _butterfly(x, op):
    idx = lax.iota(jnp.int32, L)
    for s in (8, 4, 2, 1):
        x = op(x, _gather16(x, jnp.bitwise_xor(idx, s)))
    return x


def _find_tau(row_buf, tau_buf, sm_cand, sm_done):
    zero = jnp.zeros((L,), jnp.float32)
    neg = jnp.full((L,), -3e38, jnp.float32)

    def max_body(i, accs):
        base = i * (L * UNROLL)
        return tuple(
            jnp.maximum(a, row_buf[pl.ds(base + u * L, L)])
            for u, a in enumerate(accs))

    accs = lax.fori_loop(0, NCHUNK // UNROLL, max_body, (neg,) * UNROLL)
    acc = accs[0]
    for a in accs[1:]:
        acc = jnp.maximum(acc, a)
    mv = _butterfly(acc, jnp.maximum)
    tau0v = mv - 1.0
    tau0s = _lane0(tau0v)

    def cand_body(i, cnt):
        for w in range(2):
            g = i * 2 + w
            base = g * G
            a = row_buf[pl.ds(base, L)]
            for u in range(1, GSUB):
                a = jnp.maximum(a, row_buf[pl.ds(base + u * L, L)])
            gmax = _lane0(_butterfly(a, jnp.maximum))
            sm_cand[cnt] = g
            cnt = cnt + (gmax > tau0s).astype(jnp.int32)
        return cnt

    ncand = lax.fori_loop(0, NG // 2, cand_body, jnp.int32(0))

    tau_buf[pl.ds(0, L)] = tau0v
    sm_done[0] = jnp.int32(0)

    def it_body(t, carry):
        @pl.when(sm_done[0] == 0)
        def _():
            tauv = tau_buf[pl.ds(0, L)]

            def p_body(j, sk):
                s_acc, k_acc = sk
                base = sm_cand[j] * G
                for u in range(GSUB):
                    v = row_buf[pl.ds(base + u * L, L)]
                    mask = v > tauv
                    s_acc = s_acc + jnp.where(mask, v, 0.0)
                    k_acc = k_acc + jnp.where(mask, 1.0, 0.0)
                return (s_acc, k_acc)

            s_acc, k_acc = lax.fori_loop(0, ncand, p_body, (zero, zero))
            sv = _butterfly(s_acc, jnp.add)
            kv = _butterfly(k_acc, jnp.add)
            new_tauv = (sv - 1.0) / kv
            sm_done[0] = (_lane0(new_tauv) <= _lane0(tauv)).astype(jnp.int32)
            tau_buf[pl.ds(0, L)] = jnp.maximum(new_tauv, tauv)
        return carry

    with jax.named_scope("p2_michelot"):
        lax.fori_loop(0, MAX_ITERS, it_body, jnp.int32(0))
    return ncand


def _make_sc_kernel():
    mesh = plsc.VectorSubcoreMesh(core_axis_name="c", subcore_axis_name="s")

    @functools.partial(
        pl.kernel,
        mesh=mesh,
        out_type=jax.ShapeDtypeStruct((R, N), jnp.float32),
        scratch_types=[pltpu.VMEM((N,), jnp.float32),
                       pltpu.VMEM((N,), jnp.float32),
                       pltpu.VMEM((N,), jnp.float32),
                       pltpu.VMEM((L,), jnp.float32),
                       pltpu.SMEM((NG,), jnp.int32),
                       pltpu.SMEM((NG,), jnp.int32),
                       pltpu.SMEM((1,), jnp.int32),
                       pltpu.SemaphoreType.DMA,
                       pltpu.SemaphoreType.DMA,
                       pltpu.SemaphoreType.DMA],
    )
    def sc_sparsemax(x_hbm, out_hbm, a0, a1, zbuf, tau_buf,
                     sm_cand_a, sm_cand_b, sm_done, si0, si1, so):
        inb, sin = (a0, a1), (si0, si1)
        cands = (sm_cand_a, sm_cand_b)
        wid = lax.axis_index("s") * NC + lax.axis_index("c")
        base_row = wid * ROWS_PER_W
        zero = jnp.zeros((L,), jnp.float32)

        h_in = [None, None]
        h_out = None
        h_in[0] = pltpu.async_copy(x_hbm.at[base_row], inb[0], sin[0])

        def z_body(i, c):
            base = i * (L * UNROLL)
            for u in range(UNROLL):
                zbuf[pl.ds(base + u * L, L)] = zero
            return c

        lax.fori_loop(0, NCHUNK // UNROLL, z_body, jnp.int32(0))

        prev_ncand = jnp.int32(0)
        for r in range(ROWS_PER_W):
            b = r % 2
            if r + 1 < ROWS_PER_W:
                nb = (r + 1) % 2
                h_in[nb] = pltpu.async_copy(
                    x_hbm.at[base_row + r + 1], inb[nb], sin[nb])
            h_in[b].wait()
            rb = inb[b]
            sm_cand = cands[r % 2]
            sm_prev = cands[(r + 1) % 2]
            ncand = _find_tau(rb, tau_buf, sm_cand, sm_done)
            if h_out is not None:
                h_out.wait()

            def rz_body(j, c):
                gb = sm_prev[j] * G
                for u in range(GSUB):
                    zbuf[pl.ds(gb + u * L, L)] = zero
                return c

            lax.fori_loop(0, prev_ncand, rz_body, jnp.int32(0))
            tauv = tau_buf[pl.ds(0, L)]

            def wr_body(j, c):
                gb = sm_cand[j] * G
                for u in range(GSUB):
                    sl = pl.ds(gb + u * L, L)
                    zbuf[sl] = jnp.maximum(rb[sl] - tauv, 0.0)
                return c

            with jax.named_scope("p3_write"):
                lax.fori_loop(0, ncand, wr_body, jnp.int32(0))
            h_out = pltpu.async_copy(zbuf, out_hbm.at[base_row + r], so)
            prev_ncand = ncand
        h_out.wait()

    return sc_sparsemax


_SC_SPARSEMAX = _make_sc_kernel()


def kernel(logits):
    return _SC_SPARSEMAX(logits)

# --- scband reference (transcript-rebuilt; emitter-appended) ---
"""Pipeline reference for scband-sparsemax-83133386982279 (READ-ONLY COPY).

The authoritative reference and input builder live on the scoring server;
editing this copy changes nothing except your own understanding.
"""

import jax, jax.numpy as jnp
import numpy as np


def setup_inputs(seed: int = 0) -> dict:
    key = jax.random.key(seed)
    logits = jax.random.normal(key, (128, 32768), dtype=jnp.float32)
    return {"logits": logits}


def reference(logits):
    dim = -1
    # sort descending along dim
    sorted_logits = -jnp.sort(-logits, axis=dim)
    cumsum_logits = jnp.cumsum(sorted_logits, axis=dim)
    n = logits.shape[dim]
    r = jnp.arange(1, n + 1, dtype=logits.dtype)
    view_shape = [1] * logits.ndim
    view_shape[dim] = -1
    r = jnp.broadcast_to(r.reshape(view_shape), logits.shape)
    bound = 1 + r * sorted_logits
    is_gt = (bound > cumsum_logits).astype(logits.dtype)
    k_max = jnp.max(is_gt * r, axis=dim, keepdims=True)
    tau = (jnp.sum(sorted_logits * is_gt, axis=dim, keepdims=True) - 1) / k_max
    output = jnp.clip(logits - tau, 0, None)
    return output

if __name__ == "__main__":
    import jax
    _d = setup_inputs()
    print(jax.jit(kernel)(*tuple(_d.values())))

</pallas_src>

<mosaic_0001>
#map = affine_map<(d0, d1) -> (0, 0)>
module attributes {stable_mosaic.version = 14 : i64} {
  func.func @sc_sparsemax(%arg0: i32, %arg1: i32, %arg2: memref<128x32768xf32, #tpu.memory_space<hbm>>, %arg3: memref<128x32768xf32, #tpu.memory_space<hbm>>, %arg4: memref<32768xf32, #tpu.memory_space<vmem>>, %arg5: memref<32768xf32, #tpu.memory_space<vmem>>, %arg6: memref<32768xf32, #tpu.memory_space<vmem>>, %arg7: memref<16xf32, #tpu.memory_space<vmem>>, %arg8: memref<512xi32, #tpu.memory_space<smem>>, %arg9: memref<512xi32, #tpu.memory_space<smem>>, %arg10: memref<1xi32, #tpu.memory_space<smem>>, %arg11: memref<!tpu.dma_semaphore, #tpu.memory_space<semaphore_mem>>, %arg12: memref<!tpu.dma_semaphore, #tpu.memory_space<semaphore_mem>>, %arg13: memref<!tpu.dma_semaphore, #tpu.memory_space<semaphore_mem>>) attributes {dimension_semantics = [#tpu.dimension_semantics<core_parallel>, #tpu.dimension_semantics<subcore_parallel>], iteration_bounds = array<i64: 2, 16>, scalar_prefetch = 0 : i64, scratch_operands = 10 : i64, tpu.core_type = #tpu.core_type<sc_vector_subcore>, window_params = [{transform_indices = #map}, {transform_indices = #map}]} {
    %mul3A = arith.constant 2 : i32
    %mul3A_0 = arith.muli %arg1, %mul3A : i32
    %add3A = arith.addi %mul3A_0, %arg0 : i32
    %mul3A_1 = arith.constant 4 : i32
    %mul3A_2 = arith.muli %add3A, %mul3A_1 : i32
    %broadcast_in_dim3A = arith.constant 0.000000e+00 : f32
    %broadcast_in_dim3A_3 = vector.broadcast %broadcast_in_dim3A : f32 to vector<16xf32>
    %dma_start3A = arith.constant 0 : i32
    %dma_start3A_4 = tpu.memref_slice %arg2[%mul3A_2, %dma_start3A] : memref<128x32768xf32, #tpu.memory_space<hbm>> -> memref<1x32768xf32, #tpu.memory_space<hbm>>
    %dma_start3A_5 = tpu.memref_squeeze %dma_start3A_4 : memref<1x32768xf32, #tpu.memory_space<hbm>> -> memref<32768xf32, #tpu.memory_space<hbm>>
    %dma_start3A_6 = arith.constant 0 : i32
    %dma_start3A_7 = tpu.memref_slice %arg2[%mul3A_2, %dma_start3A_6] : memref<128x32768xf32, #tpu.memory_space<hbm>> -> memref<1x32768xf32, #tpu.memory_space<hbm>>
    %dma_start3A_8 = tpu.memref_squeeze %dma_start3A_7 : memref<1x32768xf32, #tpu.memory_space<hbm>> -> memref<32768xf32, #tpu.memory_space<hbm>>
    tpu.enqueue_dma source(%dma_start3A_8 : memref<32768xf32, #tpu.memory_space<hbm>>) target(%arg4 : memref<32768xf32, #tpu.memory_space<vmem>>) target_semaphore(%arg11 : memref<!tpu.dma_semaphore, #tpu.memory_space<semaphore_mem>>)
    %scan3A = arith.constant 0 : i32
    %scan3A_9 = arith.constant 0 : i32
    %scan3A_10 = arith.constant 256 : i32
    %scan3A_11 = arith.addi %scan3A_9, %scan3A_10 : i32
    %scan3A_12 = arith.constant 1 : i32
    scf.for %scan3A_494 = %scan3A_9 to %scan3A_11 step %scan3A_12  : i32 {
      %mul3A_495 = arith.constant 128 : i32
      %mul3A_496 = arith.muli %scan3A_494, %mul3A_495 : i32
      %add3A_497 = arith.constant 0 : i32
      %add3A_498 = arith.addi %mul3A_496, %add3A_497 : i32
      %swap3A_499 = arith.index_cast %add3A_498 : i32 to index
      %swap3A_500 = tpu.vector_load %arg6[%swap3A_499] {strides = array<i32>} : memref<32768xf32, #tpu.memory_space<vmem>>, vector<16xf32>,
      %swap3A_501 = vector.shape_cast %swap3A_500 : vector<16xf32> to vector<16xf32>
      %swap3A_502 = vector.shape_cast %broadcast_in_dim3A_3 : vector<16xf32> to vector<16xf32>
      tpu.vector_store %arg6[%swap3A_499], %swap3A_502 {strides = array<i32>} : memref<32768xf32, #tpu.memory_space<vmem>>, vector<16xf32>,
      %add3A_503 = arith.constant 16 : i32
      %add3A_504 = arith.addi %mul3A_496, %add3A_503 : i32
      %swap3A_505 = arith.index_cast %add3A_504 : i32 to index
      %swap3A_506 = tpu.vector_load %arg6[%swap3A_505] {strides = array<i32>} : memref<32768xf32, #tpu.memory_space<vmem>>, vector<16xf32>,
      %swap3A_507 = vector.shape_cast %swap3A_506 : vector<16xf32> to vector<16xf32>
      %swap3A_508 = vector.shape_cast %broadcast_in_dim3A_3 : vector<16xf32> to vector<16xf32>
      tpu.vector_store %arg6[%swap3A_505], %swap3A_508 {strides = array<i32>} : memref<32768xf32, #tpu.memory_space<vmem>>, vector<16xf32>,
      %add3A_509 = arith.constant 32 : i32
      %add3A_510 = arith.addi %mul3A_496, %add3A_509 : i32
      %swap3A_511 = arith.index_cast %add3A_510 : i32 to index
      %swap3A_512 = tpu.vector_load %arg6[%swap3A_511] {strides = array<i32>} : memref<32768xf32, #tpu.memory_space<vmem>>, vector<16xf32>,
      %swap3A_513 = vector.shape_cast %swap3A_512 : vector<16xf32> to vector<16xf32>
      %swap3A_514 = vector.shape_cast %broadcast_in_dim3A_3 : vector<16xf32> to vector<16xf32>
      tpu.vector_store %arg6[%swap3A_511], %swap3A_514 {strides = array<i32>} : memref<32768xf32, #tpu.memory_space<vmem>>, vector<16xf32>,
      %add3A_515 = arith.constant 48 : i32
      %add3A_516 = arith.addi %mul3A_496, %add3A_515 : i32
      %swap3A_517 = arith.index_cast %add3A_516 : i32 to index
      %swap3A_518 = tpu.vector_load %arg6[%swap3A_517] {strides = array<i32>} : memref<32768xf32, #tpu.memory_space<vmem>>, vector<16xf32>,
      %swap3A_519 = vector.shape_cast %swap3A_518 : vector<16xf32> to vector<16xf32>
      %swap3A_520 = vector.shape_cast %broadcast_in_dim3A_3 : vector<16xf32> to vector<16xf32>
      tpu.vector_store %arg6[%swap3A_517], %swap3A_520 {strides = array<i32>} : memref<32768xf32, #tpu.memory_space<vmem>>, vector<16xf32>,
      %add3A_521 = arith.constant 64 : i32
      %add3A_522 = arith.addi %mul3A_496, %add3A_521 : i32
      %swap3A_523 = arith.index_cast %add3A_522 : i32 to index
      %swap3A_524 = tpu.vector_load %arg6[%swap3A_523] {strides = array<i32>} : memref<32768xf32, #tpu.memory_space<vmem>>, vector<16xf32>,
      %swap3A_525 = vector.shape_cast %swap3A_524 : vector<16xf32> to vector<16xf32>
      %swap3A_526 = vector.shape_cast %broadcast_in_dim3A_3 : vector<16xf32> to vector<16xf32>
      tpu.vector_store %arg6[%swap3A_523], %swap3A_526 {strides = array<i32>} : memref<32768xf32, #tpu.memory_space<vmem>>, vector<16xf32>,
      %add3A_527 = arith.constant 80 : i32
      %add3A_528 = arith.addi %mul3A_496, %add3A_527 : i32
      %swap3A_529 = arith.index_cast %add3A_528 : i32 to index
      %swap3A_530 = tpu.vector_load %arg6[%swap3A_529] {strides = array<i32>} : memref<32768xf32, #tpu.memory_space<vmem>>, vector<16xf32>,
      %swap3A_531 = vector.shape_cast %swap3A_530 : vector<16xf32> to vector<16xf32>
      %swap3A_532 = vector.shape_cast %broadcast_in_dim3A_3 : vector<16xf32> to vector<16xf32>
      tpu.vector_store %arg6[%swap3A_529], %swap3A_532 {strides = array<i32>} : memref<32768xf32, #tpu.memory_space<vmem>>, vector<16xf32>,
      %add3A_533 = arith.constant 96 : i32
      %add3A_534 = arith.addi %mul3A_496, %add3A_533 : i32
      %swap3A_535 = arith.index_cast %add3A_534 : i32 to index
      %swap3A_536 = tpu.vector_load %arg6[%swap3A_535] {strides = array<i32>} : memref<32768xf32, #tpu.memory_space<vmem>>, vector<16xf32>,
      %swap3A_537 = vector.shape_cast %swap3A_536 : vector<16xf32> to vector<16xf32>
      %swap3A_538 = vector.shape_cast %broadcast_in_dim3A_3 : vector<16xf32> to vector<16xf32>
      tpu.vector_store %arg6[%swap3A_535], %swap3A_538 {strides = array<i32>} : memref<32768xf32, #tpu.memory_space<vmem>>, vector<16xf32>,
      %add3A_539 = arith.constant 112 : i32
      %add3A_540 = arith.addi %mul3A_496, %add3A_539 : i32
      %swap3A_541 = arith.index_cast %add3A_540 : i32 to index
      %swap3A_542 = tpu.vector_load %arg6[%swap3A_541] {strides = array<i32>} : memref<32768xf32, #tpu.memory_space<vmem>>, vector<16xf32>,
      %swap3A_543 = vector.shape_cast %swap3A_542 : vector<16xf32> to vector<16xf32>
      %swap3A_544 = vector.shape_cast %broadcast_in_dim3A_3 : vector<16xf32> to vector<16xf32>
      tpu.vector_store %arg6[%swap3A_541], %swap3A_544 {strides = array<i32>} : memref<32768xf32, #tpu.memory_space<vmem>>, vector<16xf32>,
    }
    %scan3A_13 = arith.constant 256 : i32
    %add3A_14 = arith.constant 0 : i32
    %add3A_15 = arith.addi %mul3A_2, %add3A_14 : i32
    %add3A_16 = arith.constant 1 : i32
    %add3A_17 = arith.addi %add3A_15, %add3A_16 : i32
    %dma_start3A_18 = arith.constant 0 : i32
    %dma_start3A_19 = tpu.memref_slice %arg2[%add3A_17, %dma_start3A_18] : memref<128x32768xf32, #tpu.memory_space<hbm>> -> memref<1x32768xf32, #tpu.memory_space<hbm>>
    %dma_start3A_20 = tpu.memref_squeeze %dma_start3A_19 : memref<1x32768xf32, #tpu.memory_space<hbm>> -> memref<32768xf32, #tpu.memory_space<hbm>>
    %dma_start3A_21 = arith.constant 0 : i32
    %dma_start3A_22 = tpu.memref_slice %arg2[%add3A_17, %dma_start3A_21] : memref<128x32768xf32, #tpu.memory_space<hbm>> -> memref<1x32768xf32, #tpu.memory_space<hbm>>
    %dma_start3A_23 = tpu.memref_squeeze %dma_start3A_22 : memref<1x32768xf32, #tpu.memory_space<hbm>> -> memref<32768xf32, #tpu.memory_space<hbm>>
    tpu.enqueue_dma source(%dma_start3A_23 : memref<32768xf32, #tpu.memory_space<hbm>>) target(%arg5 : memref<32768xf32, #tpu.memory_space<vmem>>) target_semaphore(%arg12 : memref<!tpu.dma_semaphore, #tpu.memory_space<semaphore_mem>>)
    %dma_wait3A = arith.constant 0 : i32
    %dma_wait3A_24 = tpu.memref_slice %arg2[%mul3A_2, %dma_wait3A] : memref<128x32768xf32, #tpu.memory_space<hbm>> -> memref<1x32768xf32, #tpu.memory_space<hbm>>
    %dma_wait3A_25 = tpu.memref_squeeze %dma_wait3A_24 : memref<1x32768xf32, #tpu.memory_space<hbm>> -> memref<32768xf32, #tpu.memory_space<hbm>>
    %dma_wait3A_26 = arith.constant 0 : i32
    %dma_wait3A_27 = tpu.memref_slice %arg2[%mul3A_2, %dma_wait3A_26] : memref<128x32768xf32, #tpu.memory_space<hbm>> -> memref<1x32768xf32, #tpu.memory_space<hbm>>
    %dma_wait3A_28 = tpu.memref_squeeze %dma_wait3A_27 : memref<1x32768xf32, #tpu.memory_space<hbm>> -> memref<32768xf32, #tpu.memory_space<hbm>>
    tpu.wait_dma2 semaphore(%arg11 : memref<!tpu.dma_semaphore, #tpu.memory_space<semaphore_mem>>) src(%dma_wait3A_28 : memref<32768xf32, #tpu.memory_space<hbm>>) dst(%arg4 : memref<32768xf32, #tpu.memory_space<vmem>>)
    %broadcast_in_dim3A_29 = arith.constant 0.000000e+00 : f32
    %broadcast_in_dim3A_30 = vector.broadcast %broadcast_in_dim3A_29 : f32 to vector<16xf32>
    %broadcast_in_dim3A_31 = arith.constant -3.000000e+38 : f32
    %broadcast_in_dim3A_32 = vector.broadcast %broadcast_in_dim3A_31 : f32 to vector<16xf32>
    %scan3A_33 = arith.constant 0 : i32
    %scan3A_34 = arith.constant 256 : i32
    %scan3A_35 = arith.addi %scan3A_33, %scan3A_34 : i32
    %scan3A_36 = arith.constant 1 : i32
    %scan3A_37:8 = scf.for %scan3A_494 = %scan3A_33 to %scan3A_35 step %scan3A_36 iter_args(%scan3A_495 = %broadcast_in_dim3A_32, %scan3A_496 = %broadcast_in_dim3A_32, %scan3A_497 = %broadcast_in_dim3A_32, %scan3A_498 = %broadcast_in_dim3A_32, %scan3A_499 = %broadcast_in_dim3A_32, %scan3A_500 = %broadcast_in_dim3A_32, %scan3A_501 = %broadcast_in_dim3A_32, %scan3A_502 = %broadcast_in_dim3A_32) -> (vector<16xf32>, vector<16xf32>, vector<16xf32>, vector<16xf32>, vector<16xf32>, vector<16xf32>, vector<16xf32>, vector<16xf32>)  : i32 {
      %mul3A_503 = arith.constant 128 : i32
      %mul3A_504 = arith.muli %scan3A_494, %mul3A_503 : i32
      %add3A_505 = arith.constant 0 : i32
      %add3A_506 = arith.addi %mul3A_504, %add3A_505 : i32
      %get3A_507 = arith.index_cast %add3A_506 : i32 to index
      %get3A_508 = tpu.vector_load %arg4[%get3A_507] {strides = array<i32>} : memref<32768xf32, #tpu.memory_space<vmem>>, vector<16xf32>,
      %get3A_509 = vector.shape_cast %get3A_508 : vector<16xf32> to vector<16xf32>
      %max3A_510 = arith.maximumf %scan3A_495, %get3A_509 : vector<16xf32>
      %add3A_511 = arith.constant 16 : i32
      %add3A_512 = arith.addi %mul3A_504, %add3A_511 : i32
      %get3A_513 = arith.index_cast %add3A_512 : i32 to index
      %get3A_514 = tpu.vector_load %arg4[%get3A_513] {strides = array<i32>} : memref<32768xf32, #tpu.memory_space<vmem>>, vector<16xf32>,
      %get3A_515 = vector.shape_cast %get3A_514 : vector<16xf32> to vector<16xf32>
      %max3A_516 = arith.maximumf %scan3A_496, %get3A_515 : vector<16xf32>
      %add3A_517 = arith.constant 32 : i32
      %add3A_518 = arith.addi %mul3A_504, %add3A_517 : i32
      %get3A_519 = arith.index_cast %add3A_518 : i32 to index
      %get3A_520 = tpu.vector_load %arg4[%get3A_519] {strides = array<i32>} : memref<32768xf32, #tpu.memory_space<vmem>>, vector<16xf32>,
      %get3A_521 = vector.shape_cast %get3A_520 : vector<16xf32> to vector<16xf32>
      %max3A_522 = arith.maximumf %scan3A_497, %get3A_521 : vector<16xf32>
      %add3A_523 = arith.constant 48 : i32
      %add3A_524 = arith.addi %mul3A_504, %add3A_523 : i32
      %get3A_525 = arith.index_cast %add3A_524 : i32 to index
      %get3A_526 = tpu.vector_load %arg4[%get3A_525] {strides = array<i32>} : memref<32768xf32, #tpu.memory_space<vmem>>, vector<16xf32>,
      %get3A_527 = vector.shape_cast %get3A_526 : vector<16xf32> to vector<16xf32>
      %max3A_528 = arith.maximumf %scan3A_498, %get3A_527 : vector<16xf32>
      %add3A_529 = arith.constant 64 : i32
      %add3A_530 = arith.addi %mul3A_504, %add3A_529 : i32
      %get3A_531 = arith.index_cast %add3A_530 : i32 to index
      %get3A_532 = tpu.vector_load %arg4[%get3A_531] {strides = array<i32>} : memref<32768xf32, #tpu.memory_space<vmem>>, vector<16xf32>,
      %get3A_533 = vector.shape_cast %get3A_532 : vector<16xf32> to vector<16xf32>
      %max3A_534 = arith.maximumf %scan3A_499, %get3A_533 : vector<16xf32>
      %add3A_535 = arith.constant 80 : i32
      %add3A_536 = arith.addi %mul3A_504, %add3A_535 : i32
      %get3A_537 = arith.index_cast %add3A_536 : i32 to index
      %get3A_538 = tpu.vector_load %arg4[%get3A_537] {strides = array<i32>} : memref<32768xf32, #tpu.memory_space<vmem>>, vector<16xf32>,
      %get3A_539 = vector.shape_cast %get3A_538 : vector<16xf32> to vector<16xf32>
      %max3A_540 = arith.maximumf %scan3A_500, %get3A_539 : vector<16xf32>
      %add3A_541 = arith.constant 96 : i32
      %add3A_542 = arith.addi %mul3A_504, %add3A_541 : i32
      %get3A_543 = arith.index_cast %add3A_542 : i32 to index
      %get3A_544 = tpu.vector_load %arg4[%get3A_543] {strides = array<i32>} : memref<32768xf32, #tpu.memory_space<vmem>>, vector<16xf32>,
      %get3A_545 = vector.shape_cast %get3A_544 : vector<16xf32> to vector<16xf32>
      %max3A_546 = arith.maximumf %scan3A_501, %get3A_545 : vector<16xf32>
      %add3A_547 = arith.constant 112 : i32
      %add3A_548 = arith.addi %mul3A_504, %add3A_547 : i32
      %get3A_549 = arith.index_cast %add3A_548 : i32 to index
      %get3A_550 = tpu.vector_load %arg4[%get3A_549] {strides = array<i32>} : memref<32768xf32, #tpu.memory_space<vmem>>, vector<16xf32>,
      %get3A_551 = vector.shape_cast %get3A_550 : vector<16xf32> to vector<16xf32>
      %max3A_552 = arith.maximumf %scan3A_502, %get3A_551 : vector<16xf32>
      scf.yield %max3A_510, %max3A_516, %max3A_522, %max3A_528, %max3A_534, %max3A_540, %max3A_546, %max3A_552 : vector<16xf32>, vector<16xf32>, vector<16xf32>, vector<16xf32>, vector<16xf32>, vector<16xf32>, vector<16xf32>, vector<16xf32>
    }
    %scan3A_38 = arith.constant 256 : i32
    %max3A = arith.maximumf %scan3A_37#0, %scan3A_37#1 : vector<16xf32>
    %max3A_39 = arith.maximumf %max3A, %scan3A_37#2 : vector<16xf32>
    %max3A_40 = arith.maximumf %max3A_39, %scan3A_37#3 : vector<16xf32>
    %max3A_41 = arith.maximumf %max3A_40, %scan3A_37#4 : vector<16xf32>
    %max3A_42 = arith.maximumf %max3A_41, %scan3A_37#5 : vector<16xf32>
    %max3A_43 = arith.maximumf %max3A_42, %scan3A_37#6 : vector<16xf32>
    %max3A_44 = arith.maximumf %max3A_43, %scan3A_37#7 : vector<16xf32>
    %iota3A = tpu.iota {dimensions = array<i32: 0>} : vector<16xi32>
    %xor3A = arith.constant 8 : i32
    %xor3A_45 = vector.broadcast %xor3A : i32 to vector<16xi32>
    %xor3A_46 = arith.xori %iota3A, %xor3A_45 : vector<16xi32>
    %broadcast_in_dim3A_47 = vector.shape_cast %xor3A_46 : vector<16xi32> to vector<16x1xi32>
    %gather3A = vector.shape_cast %broadcast_in_dim3A_47 : vector<16x1xi32> to vector<16xi32>
    %gather3A_48 = tpu.dynamic_gather %max3A_44[%gather3A] in [0] : vector<16xf32>, vector<16xi32> -> vector<16xf32>
    %max3A_49 = arith.maximumf %max3A_44, %gather3A_48 : vector<16xf32>
    %xor3A_50 = arith.constant 4 : i32
    %xor3A_51 = vector.broadcast %xor3A_50 : i32 to vector<16xi32>
    %xor3A_52 = arith.xori %iota3A, %xor3A_51 : vector<16xi32>
    %broadcast_in_dim3A_53 = vector.shape_cast %xor3A_52 : vector<16xi32> to vector<16x1xi32>
    %gather3A_54 = vector.shape_cast %broadcast_in_dim3A_53 : vector<16x1xi32> to vector<16xi32>
    %gather3A_55 = tpu.dynamic_gather %max3A_49[%gather3A_54] in [0] : vector<16xf32>, vector<16xi32> -> vector<16xf32>
    %max3A_56 = arith.maximumf %max3A_49, %gather3A_55 : vector<16xf32>
    %xor3A_57 = arith.constant 2 : i32
    %xor3A_58 = vector.broadcast %xor3A_57 : i32 to vector<16xi32>
    %xor3A_59 = arith.xori %iota3A, %xor3A_58 : vector<16xi32>
    %broadcast_in_dim3A_60 = vector.shape_cast %xor3A_59 : vector<16xi32> to vector<16x1xi32>
    %gather3A_61 = vector.shape_cast %broadcast_in_dim3A_60 : vector<16x1xi32> to vector<16xi32>
    %gather3A_62 = tpu.dynamic_gather %max3A_56[%gather3A_61] in [0] : vector<16xf32>, vector<16xi32> -> vector<16xf32>
    %max3A_63 = arith.maximumf %max3A_56, %gather3A_62 : vector<16xf32>
    %xor3A_64 = arith.constant 1 : i32
    %xor3A_65 = vector.broadcast %xor3A_64 : i32 to vector<16xi32>
    %xor3A_66 = arith.xori %iota3A, %xor3A_65 : vector<16xi32>
    %broadcast_in_dim3A_67 = vector.shape_cast %xor3A_66 : vector<16xi32> to vector<16x1xi32>
    %gather3A_68 = vector.shape_cast %broadcast_in_dim3A_67 : vector<16x1xi32> to vector<16xi32>
    %gather3A_69 = tpu.dynamic_gather %max3A_63[%gather3A_68] in [0] : vector<16xf32>, vector<16xi32> -> vector<16xf32>
    %max3A_70 = arith.maximumf %max3A_63, %gather3A_69 : vector<16xf32>
    %sub3A = arith.constant 1.000000e+00 : f32
    %sub3A_71 = vector.broadcast %sub3A : f32 to vector<16xf32>
    %sub3A_72 = arith.subf %max3A_70, %sub3A_71 : vector<16xf32>
    %slice3A = vector.extract_strided_slice %sub3A_72 {offsets = [0], sizes = [1], strides = [1]} : vector<16xf32> to vector<1xf32>
    %squeeze3A = vector.extract %slice3A[0] : f32 from vector<1xf32>
    %scan3A_73 = arith.constant 0 : i32
    %scan3A_74 = arith.constant 0 : i32
    %scan3A_75 = arith.constant 256 : i32
    %scan3A_76 = arith.addi %scan3A_74, %scan3A_75 : i32
    %scan3A_77 = arith.constant 1 : i32
    %scan3A_78 = scf.for %scan3A_494 = %scan3A_74 to %scan3A_76 step %scan3A_77 iter_args(%scan3A_495 = %scan3A_73) -> (i32)  : i32 {
      %mul3A_496 = arith.constant 2 : i32
      %mul3A_497 = arith.muli %scan3A_494, %mul3A_496 : i32
      %add3A_498 = arith.constant 0 : i32
      %add3A_499 = arith.addi %mul3A_497, %add3A_498 : i32
      %mul3A_500 = arith.constant 64 : i32
      %mul3A_501 = arith.muli %add3A_499, %mul3A_500 : i32
      %get3A_502 = arith.index_cast %mul3A_501 : i32 to index
      %get3A_503 = tpu.vector_load %arg4[%get3A_502] {strides = array<i32>} : memref<32768xf32, #tpu.memory_space<vmem>>, vector<16xf32>,
      %get3A_504 = vector.shape_cast %get3A_503 : vector<16xf32> to vector<16xf32>
      %add3A_505 = arith.constant 16 : i32
      %add3A_506 = arith.addi %mul3A_501, %add3A_505 : i32
      %get3A_507 = arith.index_cast %add3A_506 : i32 to index
      %get3A_508 = tpu.vector_load %arg4[%get3A_507] {strides = array<i32>} : memref<32768xf32, #tpu.memory_space<vmem>>, vector<16xf32>,
      %get3A_509 = vector.shape_cast %get3A_508 : vector<16xf32> to vector<16xf32>
      %max3A_510 = arith.maximumf %get3A_504, %get3A_509 : vector<16xf32>
      %add3A_511 = arith.constant 32 : i32
      %add3A_512 = arith.addi %mul3A_501, %add3A_511 : i32
      %get3A_513 = arith.index_cast %add3A_512 : i32 to index
      %get3A_514 = tpu.vector_load %arg4[%get3A_513] {strides = array<i32>} : memref<32768xf32, #tpu.memory_space<vmem>>, vector<16xf32>,
      %get3A_515 = vector.shape_cast %get3A_514 : vector<16xf32> to vector<16xf32>
      %max3A_516 = arith.maximumf %max3A_510, %get3A_515 : vector<16xf32>
      %add3A_517 = arith.constant 48 : i32
      %add3A_518 = arith.addi %mul3A_501, %add3A_517 : i32
      %get3A_519 = arith.index_cast %add3A_518 : i32 to index
      %get3A_520 = tpu.vector_load %arg4[%get3A_519] {strides = array<i32>} : memref<32768xf32, #tpu.memory_space<vmem>>, vector<16xf32>,
      %get3A_521 = vector.shape_cast %get3A_520 : vector<16xf32> to vector<16xf32>
      %max3A_522 = arith.maximumf %max3A_516, %get3A_521 : vector<16xf32>
      %iota3A_523 = tpu.iota {dimensions = array<i32: 0>} : vector<16xi32>
      %xor3A_524 = arith.constant 8 : i32
      %xor3A_525 = vector.broadcast %xor3A_524 : i32 to vector<16xi32>
      %xor3A_526 = arith.xori %iota3A_523, %xor3A_525 : vector<16xi32>
      %broadcast_in_dim3A_527 = vector.shape_cast %xor3A_526 : vector<16xi32> to vector<16x1xi32>
      %gather3A_528 = vector.shape_cast %broadcast_in_dim3A_527 : vector<16x1xi32> to vector<16xi32>
      %gather3A_529 = tpu.dynamic_gather %max3A_522[%gather3A_528] in [0] : vector<16xf32>, vector<16xi32> -> vector<16xf32>
      %max3A_530 = arith.maximumf %max3A_522, %gather3A_529 : vector<16xf32>
      %xor3A_531 = arith.constant 4 : i32
      %xor3A_532 = vector.broadcast %xor3A_531 : i32 to vector<16xi32>
      %xor3A_533 = arith.xori %iota3A_523, %xor3A_532 : vector<16xi32>
      %broadcast_in_dim3A_534 = vector.shape_cast %xor3A_533 : vector<16xi32> to vector<16x1xi32>
      %gather3A_535 = vector.shape_cast %broadcast_in_dim3A_534 : vector<16x1xi32> to vector<16xi32>
      %gather3A_536 = tpu.dynamic_gather %max3A_530[%gather3A_535] in [0] : vector<16xf32>, vector<16xi32> -> vector<16xf32>
      %max3A_537 = arith.maximumf %max3A_530, %gather3A_536 : vector<16xf32>
      %xor3A_538 = arith.constant 2 : i32
      %xor3A_539 = vector.broadcast %xor3A_538 : i32 to vector<16xi32>
      %xor3A_540 = arith.xori %iota3A_523, %xor3A_539 : vector<16xi32>
      %broadcast_in_dim3A_541 = vector.shape_cast %xor3A_540 : vector<16xi32> to vector<16x1xi32>
      %gather3A_542 = vector.shape_cast %broadcast_in_dim3A_541 : vector<16x1xi32> to vector<16xi32>
      %gather3A_543 = tpu.dynamic_gather %max3A_537[%gather3A_542] in [0] : vector<16xf32>, vector<16xi32> -> vector<16xf32>
      %max3A_544 = arith.maximumf %max3A_537, %gather3A_543 : vector<16xf32>
      %xor3A_545 = arith.constant 1 : i32
      %xor3A_546 = vector.broadcast %xor3A_545 : i32 to vector<16xi32>
      %xor3A_547 = arith.xori %iota3A_523, %xor3A_546 : vector<16xi32>
      %broadcast_in_dim3A_548 = vector.shape_cast %xor3A_547 : vector<16xi32> to vector<16x1xi32>
      %gather3A_549 = vector.shape_cast %broadcast_in_dim3A_548 : vector<16x1xi32> to vector<16xi32>
      %gather3A_550 = tpu.dynamic_gather %max3A_544[%gather3A_549] in [0] : vector<16xf32>, vector<16xi32> -> vector<16xf32>
      %max3A_551 = arith.maximumf %max3A_544, %gather3A_550 : vector<16xf32>
      %slice3A_552 = vector.extract_strided_slice %max3A_551 {offsets = [0], sizes = [1], strides = [1]} : vector<16xf32> to vector<1xf32>
      %squeeze3A_553 = vector.extract %slice3A_552[0] : f32 from vector<1xf32>
      %swap3A_554 = arith.index_cast %scan3A_495 : i32 to index
      %swap3A_555 = memref.load %arg8[%swap3A_554] : memref<512xi32, #tpu.memory_space<smem>>
      memref.store %add3A_499, %arg8[%swap3A_554] : memref<512xi32, #tpu.memory_space<smem>>
      %gt3A = arith.cmpf ogt, %squeeze3A_553, %squeeze3A : f32
      %convert_element_type3A = arith.extui %gt3A : i1 to i32
      %add3A_556 = arith.addi %scan3A_495, %convert_element_type3A : i32
      %mul3A_557 = arith.constant 2 : i32
      %mul3A_558 = arith.muli %scan3A_494, %mul3A_557 : i32
      %add3A_559 = arith.constant 1 : i32
      %add3A_560 = arith.addi %mul3A_558, %add3A_559 : i32
      %mul3A_561 = arith.constant 64 : i32
      %mul3A_562 = arith.muli %add3A_560, %mul3A_561 : i32
      %get3A_563 = arith.index_cast %mul3A_562 : i32 to index
      %get3A_564 = tpu.vector_load %arg4[%get3A_563] {strides = array<i32>} : memref<32768xf32, #tpu.memory_space<vmem>>, vector<16xf32>,
      %get3A_565 = vector.shape_cast %get3A_564 : vector<16xf32> to vector<16xf32>
      %add3A_566 = arith.constant 16 : i32
      %add3A_567 = arith.addi %mul3A_562, %add3A_566 : i32
      %get3A_568 = arith.index_cast %add3A_567 : i32 to index
      %get3A_569 = tpu.vector_load %arg4[%get3A_568] {strides = array<i32>} : memref<32768xf32, #tpu.memory_space<vmem>>, vector<16xf32>,
      %get3A_570 = vector.shape_cast %get3A_569 : vector<16xf32> to vector<16xf32>
      %max3A_571 = arith.maximumf %get3A_565, %get3A_570 : vector<16xf32>
      %add3A_572 = arith.constant 32 : i32
      %add3A_573 = arith.addi %mul3A_562, %add3A_572 : i32
      %get3A_574 = arith.index_cast %add3A_573 : i32 to index
      %get3A_575 = tpu.vector_load %arg4[%get3A_574] {strides = array<i32>} : memref<32768xf32, #tpu.memory_space<vmem>>, vector<16xf32>,
      %get3A_576 = vector.shape_cast %get3A_575 : vector<16xf32> to vector<16xf32>
      %max3A_577 = arith.maximumf %max3A_571, %get3A_576 : vector<16xf32>
      %add3A_578 = arith.constant 48 : i32
      %add3A_579 = arith.addi %mul3A_562, %add3A_578 : i32
      %get3A_580 = arith.index_cast %add3A_579 : i32 to index
      %get3A_581 = tpu.vector_load %arg4[%get3A_580] {strides = array<i32>} : memref<32768xf32, #tpu.memory_space<vmem>>, vector<16xf32>,
      %get3A_582 = vector.shape_cast %get3A_581 : vector<16xf32> to vector<16xf32>
      %max3A_583 = arith.maximumf %max3A_577, %get3A_582 : vector<16xf32>
      %iota3A_584 = tpu.iota {dimensions = array<i32: 0>} : vector<16xi32>
      %xor3A_585 = arith.constant 8 : i32
      %xor3A_586 = vector.broadcast %xor3A_585 : i32 to vector<16xi32>
      %xor3A_587 = arith.xori %iota3A_584, %xor3A_586 : vector<16xi32>
      %broadcast_in_dim3A_588 = vector.shape_cast %xor3A_587 : vector<16xi32> to vector<16x1xi32>
      %gather3A_589 = vector.shape_cast %broadcast_in_dim3A_588 : vector<16x1xi32> to vector<16xi32>
      %gather3A_590 = tpu.dynamic_gather %max3A_583[%gather3A_589] in [0] : vector<16xf32>, vector<16xi32> -> vector<16xf32>
      %max3A_591 = arith.maximumf %max3A_583, %gather3A_590 : vector<16xf32>
      %xor3A_592 = arith.constant 4 : i32
      %xor3A_593 = vector.broadcast %xor3A_592 : i32 to vector<16xi32>
      %xor3A_594 = arith.xori %iota3A_584, %xor3A_593 : vector<16xi32>
      %broadcast_in_dim3A_595 = vector.shape_cast %xor3A_594 : vector<16xi32> to vector<16x1xi32>
      %gather3A_596 = vector.shape_cast %broadcast_in_dim3A_595 : vector<16x1xi32> to vector<16xi32>
      %gather3A_597 = tpu.dynamic_gather %max3A_591[%gather3A_596] in [0] : vector<16xf32>, vector<16xi32> -> vector<16xf32>
      %max3A_598 = arith.maximumf %max3A_591, %gather3A_597 : vector<16xf32>
      %xor3A_599 = arith.constant 2 : i32
      %xor3A_600 = vector.broadcast %xor3A_599 : i32 to vector<16xi32>
      %xor3A_601 = arith.xori %iota3A_584, %xor3A_600 : vector<16xi32>
      %broadcast_in_dim3A_602 = vector.shape_cast %xor3A_601 : vector<16xi32> to vector<16x1xi32>
      %gather3A_603 = vector.shape_cast %broadcast_in_dim3A_602 : vector<16x1xi32> to vector<16xi32>
      %gather3A_604 = tpu.dynamic_gather %max3A_598[%gather3A_603] in [0] : vector<16xf32>, vector<16xi32> -> vector<16xf32>
      %max3A_605 = arith.maximumf %max3A_598, %gather3A_604 : vector<16xf32>
      %xor3A_606 = arith.constant 1 : i32
      %xor3A_607 = vector.broadcast %xor3A_606 : i32 to vector<16xi32>
      %xor3A_608 = arith.xori %iota3A_584, %xor3A_607 : vector<16xi32>
      %broadcast_in_dim3A_609 = vector.shape_cast %xor3A_608 : vector<16xi32> to vector<16x1xi32>
      %gather3A_610 = vector.shape_cast %broadcast_in_dim3A_609 : vector<16x1xi32> to vector<16xi32>
      %gather3A_611 = tpu.dynamic_gather %max3A_605[%gather3A_610] in [0] : vector<16xf32>, vector<16xi32> -> vector<16xf32>
      %max3A_612 = arith.maximumf %max3A_605, %gather3A_611 : vector<16xf32>
      %slice3A_613 = vector.extract_strided_slice %max3A_612 {offsets = [0], sizes = [1], strides = [1]} : vector<16xf32> to vector<1xf32>
      %squeeze3A_614 = vector.extract %slice3A_613[0] : f32 from vector<1xf32>
      %swap3A_615 = arith.index_cast %add3A_556 : i32 to index
      %swap3A_616 = memref.load %arg8[%swap3A_615] : memref<512xi32, #tpu.memory_space<smem>>
      memref.store %add3A_560, %arg8[%swap3A_615] : memref<512xi32, #tpu.memory_space<smem>>
      %gt3A_617 = arith.cmpf ogt, %squeeze3A_614, %squeeze3A : f32
      %convert_element_type3A_618 = arith.extui %gt3A_617 : i1 to i32
      %add3A_619 = arith.addi %add3A_556, %convert_element_type3A_618 : i32
      scf.yield %add3A_619 : i32
    }
    %scan3A_79 = arith.constant 256 : i32
    %swap3A = arith.constant 0 : index
    %swap3A_80 = tpu.vector_load %arg7[%swap3A] {strides = array<i32>} : memref<16xf32, #tpu.memory_space<vmem>>, vector<16xf32>,
    %swap3A_81 = vector.shape_cast %swap3A_80 : vector<16xf32> to vector<16xf32>
    %swap3A_82 = vector.shape_cast %sub3A_72 : vector<16xf32> to vector<16xf32>
    tpu.vector_store %arg7[%swap3A], %swap3A_82 {strides = array<i32>} : memref<16xf32, #tpu.memory_space<vmem>>, vector<16xf32>,
    %swap3A_83 = arith.constant 0 : i32
    %swap3A_84 = arith.constant 0 : i32
    %swap3A_85 = arith.index_cast %swap3A_84 : i32 to index
    %swap3A_86 = memref.load %arg10[%swap3A_85] : memref<1xi32, #tpu.memory_space<smem>>
    memref.store %swap3A_83, %arg10[%swap3A_85] : memref<1xi32, #tpu.memory_space<smem>>
    "tpu.trace_start"() <{level = 10 : i32, message = "p2_michelot"}> : () -> ()
    %scan3A_87 = arith.constant 0 : i32
    %scan3A_88 = arith.constant 0 : i32
    %scan3A_89 = arith.constant 24 : i32
    %scan3A_90 = arith.addi %scan3A_88, %scan3A_89 : i32
    %scan3A_91 = arith.constant 1 : i32
    scf.for %scan3A_494 = %scan3A_88 to %scan3A_90 step %scan3A_91  : i32 {
      %get3A_495 = arith.constant 0 : i32
      %get3A_496 = arith.index_cast %get3A_495 : i32 to index
      %get3A_497 = memref.load %arg10[%get3A_496] : memref<1xi32, #tpu.memory_space<smem>>
      %eq3A = arith.constant 0 : i32
      %eq3A_498 = arith.cmpi eq, %get3A_497, %eq3A : i32
      %convert_element_type3A = arith.extui %eq3A_498 : i1 to i32
      %cond3A = arith.constant 0 : i32
      %cond3A_499 = arith.cmpi ne, %convert_element_type3A, %cond3A : i32
      scf.if %cond3A_499 {
        %get3A_500 = arith.constant 0 : index
        %get3A_501 = tpu.vector_load %arg7[%get3A_500] {strides = array<i32>} : memref<16xf32, #tpu.memory_space<vmem>>, vector<16xf32>,
        %get3A_502 = vector.shape_cast %get3A_501 : vector<16xf32> to vector<16xf32>
        %while3A_503 = arith.constant 0 : i32
        %while3A_504 = arith.subi %scan3A_78, %while3A_503 : i32
        %while3A_505 = arith.addi %while3A_503, %while3A_504 : i32
        %while3A_506 = arith.constant 1 : i32
        %while3A_507 = arith.divsi %while3A_504, %while3A_506 : i32
        %while3A_508 = arith.muli %while3A_507, %while3A_506 : i32
        %while3A_509 = arith.addi %while3A_503, %while3A_508 : i32
        %while3A_510 = arith.constant 1 : i32
        %while3A_511:2 = scf.for %while3A_588 = %while3A_503 to %while3A_509 step %while3A_510 iter_args(%while3A_589 = %broadcast_in_dim3A_30, %while3A_590 = %broadcast_in_dim3A_30) -> (vector<16xf32>, vector<16xf32>)  : i32 {
          %get3A_591 = arith.index_cast %while3A_588 : i32 to index
          %get3A_592 = memref.load %arg8[%get3A_591] : memref<512xi32, #tpu.memory_space<smem>>
          %mul3A_593 = arith.constant 64 : i32
          %mul3A_594 = arith.muli %get3A_592, %mul3A_593 : i32
          %add3A_595 = arith.constant 0 : i32
          %add3A_596 = arith.addi %mul3A_594, %add3A_595 : i32
          %get3A_597 = arith.index_cast %add3A_596 : i32 to index
          %get3A_598 = tpu.vector_load %arg4[%get3A_597] {strides = array<i32>} : memref<32768xf32, #tpu.memory_space<vmem>>, vector<16xf32>,
          %get3A_599 = vector.shape_cast %get3A_598 : vector<16xf32> to vector<16xf32>
          %gt3A = arith.cmpf ogt, %get3A_599, %get3A_502 : vector<16xf32>
          %jit3A = arith.constant 0.000000e+00 : f32
          %broadcast_in_dim3A_600 = vector.broadcast %jit3A : f32 to vector<16xf32>
          %select_n3A = arith.select %gt3A, %get3A_599, %broadcast_in_dim3A_600 : vector<16xi1>, vector<16xf32>
          %add3A_601 = arith.addf %while3A_589, %select_n3A : vector<16xf32>
          %jit3A_602 = arith.constant 1.000000e+00 : f32
          %jit3A_603 = arith.constant 0.000000e+00 : f32
          %broadcast_in_dim3A_604 = vector.broadcast %jit3A_602 : f32 to vector<16xf32>
          %broadcast_in_dim3A_605 = vector.broadcast %jit3A_603 : f32 to vector<16xf32>
          %select_n3A_606 = arith.select %gt3A, %broadcast_in_dim3A_604, %broadcast_in_dim3A_605 : vector<16xi1>, vector<16xf32>
          %add3A_607 = arith.addf %while3A_590, %select_n3A_606 : vector<16xf32>
          %add3A_608 = arith.constant 16 : i32
          %add3A_609 = arith.addi %mul3A_594, %add3A_608 : i32
          %get3A_610 = arith.index_cast %add3A_609 : i32 to index
          %get3A_611 = tpu.vector_load %arg4[%get3A_610] {strides = array<i32>} : memref<32768xf32, #tpu.memory_space<vmem>>, vector<16xf32>,
          %get3A_612 = vector.shape_cast %get3A_611 : vector<16xf32> to vector<16xf32>
          %gt3A_613 = arith.cmpf ogt, %get3A_612, %get3A_502 : vector<16xf32>
          %jit3A_614 = arith.constant 0.000000e+00 : f32
          %broadcast_in_dim3A_615 = vector.broadcast %jit3A_614 : f32 to vector<16xf32>
          %select_n3A_616 = arith.select %gt3A_613, %get3A_612, %broadcast_in_dim3A_615 : vector<16xi1>, vector<16xf32>
          %add3A_617 = arith.addf %add3A_601, %select_n3A_616 : vector<16xf32>
          %jit3A_618 = arith.constant 1.000000e+00 : f32
          %jit3A_619 = arith.constant 0.000000e+00 : f32
          %broadcast_in_dim3A_620 = vector.broadcast %jit3A_618 : f32 to vector<16xf32>
          %broadcast_in_dim3A_621 = vector.broadcast %jit3A_619 : f32 to vector<16xf32>
          %select_n3A_622 = arith.select %gt3A_613, %broadcast_in_dim3A_620, %broadcast_in_dim3A_621 : vector<16xi1>, vector<16xf32>
          %add3A_623 = arith.addf %add3A_607, %select_n3A_622 : vector<16xf32>
          %add3A_624 = arith.constant 32 : i32
          %add3A_625 = arith.addi %mul3A_594, %add3A_624 : i32
          %get3A_626 = arith.index_cast %add3A_625 : i32 to index
          %get3A_627 = tpu.vector_load %arg4[%get3A_626] {strides = array<i32>} : memref<32768xf32, #tpu.memory_space<vmem>>, vector<16xf32>,
          %get3A_628 = vector.shape_cast %get3A_627 : vector<16xf32> to vector<16xf32>
          %gt3A_629 = arith.cmpf ogt, %get3A_628, %get3A_502 : vector<16xf32>
          %jit3A_630 = arith.constant 0.000000e+00 : f32
          %broadcast_in_dim3A_631 = vector.broadcast %jit3A_630 : f32 to vector<16xf32>
          %select_n3A_632 = arith.select %gt3A_629, %get3A_628, %broadcast_in_dim3A_631 : vector<16xi1>, vector<16xf32>
          %add3A_633 = arith.addf %add3A_617, %select_n3A_632 : vector<16xf32>
          %jit3A_634 = arith.constant 1.000000e+00 : f32
          %jit3A_635 = arith.constant 0.000000e+00 : f32
          %broadcast_in_dim3A_636 = vector.broadcast %jit3A_634 : f32 to vector<16xf32>
          %broadcast_in_dim3A_637 = vector.broadcast %jit3A_635 : f32 to vector<16xf32>
          %select_n3A_638 = arith.select %gt3A_629, %broadcast_in_dim3A_636, %broadcast_in_dim3A_637 : vector<16xi1>, vector<16xf32>
          %add3A_639 = arith.addf %add3A_623, %select_n3A_638 : vector<16xf32>
          %add3A_640 = arith.constant 48 : i32
          %add3A_641 = arith.addi %mul3A_594, %add3A_640 : i32
          %get3A_642 = arith.index_cast %add3A_641 : i32 to index
          %get3A_643 = tpu.vector_load %arg4[%get3A_642] {strides = array<i32>} : memref<32768xf32, #tpu.memory_space<vmem>>, vector<16xf32>,
          %get3A_644 = vector.shape_cast %get3A_643 : vector<16xf32> to vector<16xf32>
          %gt3A_645 = arith.cmpf ogt, %get3A_644, %get3A_502 : vector<16xf32>
          %jit3A_646 = arith.constant 0.000000e+00 : f32
          %broadcast_in_dim3A_647 = vector.broadcast %jit3A_646 : f32 to vector<16xf32>
          %select_n3A_648 = arith.select %gt3A_645, %get3A_644, %broadcast_in_dim3A_647 : vector<16xi1>, vector<16xf32>
          %add3A_649 = arith.addf %add3A_633, %select_n3A_648 : vector<16xf32>
          %jit3A_650 = arith.constant 1.000000e+00 : f32
          %jit3A_651 = arith.constant 0.000000e+00 : f32
          %broadcast_in_dim3A_652 = vector.broadcast %jit3A_650 : f32 to vector<16xf32>
          %broadcast_in_dim3A_653 = vector.broadcast %jit3A_651 : f32 to vector<16xf32>
          %select_n3A_654 = arith.select %gt3A_645, %broadcast_in_dim3A_652, %broadcast_in_dim3A_653 : vector<16xi1>, vector<16xf32>
          %add3A_655 = arith.addf %add3A_639, %select_n3A_654 : vector<16xf32>
          scf.yield %add3A_649, %add3A_655 : vector<16xf32>, vector<16xf32>
        }
        %while3A_512 = arith.constant 1 : i32
        %while3A_513:2 = scf.for %while3A_588 = %while3A_509 to %while3A_505 step %while3A_512 iter_args(%while3A_589 = %while3A_511#0, %while3A_590 = %while3A_511#1) -> (vector<16xf32>, vector<16xf32>)  : i32 {
          %get3A_591 = arith.index_cast %while3A_588 : i32 to index
          %get3A_592 = memref.load %arg8[%get3A_591] : memref<512xi32, #tpu.memory_space<smem>>
          %mul3A_593 = arith.constant 64 : i32
          %mul3A_594 = arith.muli %get3A_592, %mul3A_593 : i32
          %add3A_595 = arith.constant 0 : i32
          %add3A_596 = arith.addi %mul3A_594, %add3A_595 : i32
          %get3A_597 = arith.index_cast %add3A_596 : i32 to index
          %get3A_598 = tpu.vector_load %arg4[%get3A_597] {strides = array<i32>} : memref<32768xf32, #tpu.memory_space<vmem>>, vector<16xf32>,
          %get3A_599 = vector.shape_cast %get3A_598 : vector<16xf32> to vector<16xf32>
          %gt3A = arith.cmpf ogt, %get3A_599, %get3A_502 : vector<16xf32>
          %jit3A = arith.constant 0.000000e+00 : f32
          %broadcast_in_dim3A_600 = vector.broadcast %jit3A : f32 to vector<16xf32>
          %select_n3A = arith.select %gt3A, %get3A_599, %broadcast_in_dim3A_600 : vector<16xi1>, vector<16xf32>
          %add3A_601 = arith.addf %while3A_589, %select_n3A : vector<16xf32>
          %jit3A_602 = arith.constant 1.000000e+00 : f32
          %jit3A_603 = arith.constant 0.000000e+00 : f32
          %broadcast_in_dim3A_604 = vector.broadcast %jit3A_602 : f32 to vector<16xf32>
          %broadcast_in_dim3A_605 = vector.broadcast %jit3A_603 : f32 to vector<16xf32>
          %select_n3A_606 = arith.select %gt3A, %broadcast_in_dim3A_604, %broadcast_in_dim3A_605 : vector<16xi1>, vector<16xf32>
          %add3A_607 = arith.addf %while3A_590, %select_n3A_606 : vector<16xf32>
          %add3A_608 = arith.constant 16 : i32
          %add3A_609 = arith.addi %mul3A_594, %add3A_608 : i32
          %get3A_610 = arith.index_cast %add3A_609 : i32 to index
          %get3A_611 = tpu.vector_load %arg4[%get3A_610] {strides = array<i32>} : memref<32768xf32, #tpu.memory_space<vmem>>, vector<16xf32>,
          %get3A_612 = vector.shape_cast %get3A_611 : vector<16xf32> to vector<16xf32>
          %gt3A_613 = arith.cmpf ogt, %get3A_612, %get3A_502 : vector<16xf32>
          %jit3A_614 = arith.constant 0.000000e+00 : f32
          %broadcast_in_dim3A_615 = vector.broadcast %jit3A_614 : f32 to vector<16xf32>
          %select_n3A_616 = arith.select %gt3A_613, %get3A_612, %broadcast_in_dim3A_615 : vector<16xi1>, vector<16xf32>
          %add3A_617 = arith.addf %add3A_601, %select_n3A_616 : vector<16xf32>
          %jit3A_618 = arith.constant 1.000000e+00 : f32
          %jit3A_619 = arith.constant 0.000000e+00 : f32
          %broadcast_in_dim3A_620 = vector.broadcast %jit3A_618 : f32 to vector<16xf32>
          %broadcast_in_dim3A_621 = vector.broadcast %jit3A_619 : f32 to vector<16xf32>
          %select_n3A_622 = arith.select %gt3A_613, %broadcast_in_dim3A_620, %broadcast_in_dim3A_621 : vector<16xi1>, vector<16xf32>
          %add3A_623 = arith.addf %add3A_607, %select_n3A_622 : vector<16xf32>
          %add3A_624 = arith.constant 32 : i32
          %add3A_625 = arith.addi %mul3A_594, %add3A_624 : i32
          %get3A_626 = arith.index_cast %add3A_625 : i32 to index
          %get3A_627 = tpu.vector_load %arg4[%get3A_626] {strides = array<i32>} : memref<32768xf32, #tpu.memory_space<vmem>>, vector<16xf32>,
          %get3A_628 = vector.shape_cast %get3A_627 : vector<16xf32> to vector<16xf32>
          %gt3A_629 = arith.cmpf ogt, %get3A_628, %get3A_502 : vector<16xf32>
          %jit3A_630 = arith.constant 0.000000e+00 : f32
          %broadcast_in_dim3A_631 = vector.broadcast %jit3A_630 : f32 to vector<16xf32>
          %select_n3A_632 = arith.select %gt3A_629, %get3A_628, %broadcast_in_dim3A_631 : vector<16xi1>, vector<16xf32>
          %add3A_633 = arith.addf %add3A_617, %select_n3A_632 : vector<16xf32>
          %jit3A_634 = arith.constant 1.000000e+00 : f32
          %jit3A_635 = arith.constant 0.000000e+00 : f32
          %broadcast_in_dim3A_636 = vector.broadcast %jit3A_634 : f32 to vector<16xf32>
          %broadcast_in_dim3A_637 = vector.broadcast %jit3A_635 : f32 to vector<16xf32>
          %select_n3A_638 = arith.select %gt3A_629, %broadcast_in_dim3A_636, %broadcast_in_dim3A_637 : vector<16xi1>, vector<16xf32>
          %add3A_639 = arith.addf %add3A_623, %select_n3A_638 : vector<16xf32>
          %add3A_640 = arith.constant 48 : i32
          %add3A_641 = arith.addi %mul3A_594, %add3A_640 : i32
          %get3A_642 = arith.index_cast %add3A_641 : i32 to index
          %get3A_643 = tpu.vector_load %arg4[%get3A_642] {strides = array<i32>} : memref<32768xf32, #tpu.memory_space<vmem>>, vector<16xf32>,
          %get3A_644 = vector.shape_cast %get3A_643 : vector<16xf32> to vector<16xf32>
          %gt3A_645 = arith.cmpf ogt, %get3A_644, %get3A_502 : vector<16xf32>
          %jit3A_646 = arith.constant 0.000000e+00 : f32
          %broadcast_in_dim3A_647 = vector.broadcast %jit3A_646 : f32 to vector<16xf32>
          %select_n3A_648 = arith.select %gt3A_645, %get3A_644, %broadcast_in_dim3A_647 : vector<16xi1>, vector<16xf32>
          %add3A_649 = arith.addf %add3A_633, %select_n3A_648 : vector<16xf32>
          %jit3A_650 = arith.constant 1.000000e+00 : f32
          %jit3A_651 = arith.constant 0.000000e+00 : f32
          %broadcast_in_dim3A_652 = vector.broadcast %jit3A_650 : f32 to vector<16xf32>
          %broadcast_in_dim3A_653 = vector.broadcast %jit3A_651 : f32 to vector<16xf32>
          %select_n3A_654 = arith.select %gt3A_645, %broadcast_in_dim3A_652, %broadcast_in_dim3A_653 : vector<16xi1>, vector<16xf32>
          %add3A_655 = arith.addf %add3A_639, %select_n3A_654 : vector<16xf32>
          scf.yield %add3A_649, %add3A_655 : vector<16xf32>, vector<16xf32>
        }
        %iota3A_514 = tpu.iota {dimensions = array<i32: 0>} : vector<16xi32>
        %xor3A_515 = arith.constant 8 : i32
        %xor3A_516 = vector.broadcast %xor3A_515 : i32 to vector<16xi32>
        %xor3A_517 = arith.xori %iota3A_514, %xor3A_516 : vector<16xi32>
        %broadcast_in_dim3A_518 = vector.shape_cast %xor3A_517 : vector<16xi32> to vector<16x1xi32>
        %gather3A_519 = vector.shape_cast %broadcast_in_dim3A_518 : vector<16x1xi32> to vector<16xi32>
        %gather3A_520 = tpu.dynamic_gather %while3A_513#0[%gather3A_519] in [0] : vector<16xf32>, vector<16xi32> -> vector<16xf32>
        %add3A_521 = arith.addf %while3A_513#0, %gather3A_520 : vector<16xf32>
        %xor3A_522 = arith.constant 4 : i32
        %xor3A_523 = vector.broadcast %xor3A_522 : i32 to vector<16xi32>
        %xor3A_524 = arith.xori %iota3A_514, %xor3A_523 : vector<16xi32>
        %broadcast_in_dim3A_525 = vector.shape_cast %xor3A_524 : vector<16xi32> to vector<16x1xi32>
        %gather3A_526 = vector.shape_cast %broadcast_in_dim3A_525 : vector<16x1xi32> to vector<16xi32>
        %gather3A_527 = tpu.dynamic_gather %add3A_521[%gather3A_526] in [0] : vector<16xf32>, vector<16xi32> -> vector<16xf32>
        %add3A_528 = arith.addf %add3A_521, %gather3A_527 : vector<16xf32>
        %xor3A_529 = arith.constant 2 : i32
        %xor3A_530 = vector.broadcast %xor3A_529 : i32 to vector<16xi32>
        %xor3A_531 = arith.xori %iota3A_514, %xor3A_530 : vector<16xi32>
        %broadcast_in_dim3A_532 = vector.shape_cast %xor3A_531 : vector<16xi32> to vector<16x1xi32>
        %gather3A_533 = vector.shape_cast %broadcast_in_dim3A_532 : vector<16x1xi32> to vector<16xi32>
        %gather3A_534 = tpu.dynamic_gather %add3A_528[%gather3A_533] in [0] : vector<16xf32>, vector<16xi32> -> vector<16xf32>
        %add3A_535 = arith.addf %add3A_528, %gather3A_534 : vector<16xf32>
        %xor3A_536 = arith.constant 1 : i32
        %xor3A_537 = vector.broadcast %xor3A_536 : i32 to vector<16xi32>
        %xor3A_538 = arith.xori %iota3A_514, %xor3A_537 : vector<16xi32>
        %broadcast_in_dim3A_539 = vector.shape_cast %xor3A_538 : vector<16xi32> to vector<16x1xi32>
        %gather3A_540 = vector.shape_cast %broadcast_in_dim3A_539 : vector<16x1xi32> to vector<16xi32>
        %gather3A_541 = tpu.dynamic_gather %add3A_535[%gather3A_540] in [0] : vector<16xf32>, vector<16xi32> -> vector<16xf32>
        %add3A_542 = arith.addf %add3A_535, %gather3A_541 : vector<16xf32>
        %iota3A_543 = tpu.iota {dimensions = array<i32: 0>} : vector<16xi32>
        %xor3A_544 = arith.constant 8 : i32
        %xor3A_545 = vector.broadcast %xor3A_544 : i32 to vector<16xi32>
        %xor3A_546 = arith.xori %iota3A_543, %xor3A_545 : vector<16xi32>
        %broadcast_in_dim3A_547 = vector.shape_cast %xor3A_546 : vector<16xi32> to vector<16x1xi32>
        %gather3A_548 = vector.shape_cast %broadcast_in_dim3A_547 : vector<16x1xi32> to vector<16xi32>
        %gather3A_549 = tpu.dynamic_gather %while3A_513#1[%gather3A_548] in [0] : vector<16xf32>, vector<16xi32> -> vector<16xf32>
        %add3A_550 = arith.addf %while3A_513#1, %gather3A_549 : vector<16xf32>
        %xor3A_551 = arith.constant 4 : i32
        %xor3A_552 = vector.broadcast %xor3A_551 : i32 to vector<16xi32>
        %xor3A_553 = arith.xori %iota3A_543, %xor3A_552 : vector<16xi32>
        %broadcast_in_dim3A_554 = vector.shape_cast %xor3A_553 : vector<16xi32> to vector<16x1xi32>
        %gather3A_555 = vector.shape_cast %broadcast_in_dim3A_554 : vector<16x1xi32> to vector<16xi32>
        %gather3A_556 = tpu.dynamic_gather %add3A_550[%gather3A_555] in [0] : vector<16xf32>, vector<16xi32> -> vector<16xf32>
        %add3A_557 = arith.addf %add3A_550, %gather3A_556 : vector<16xf32>
        %xor3A_558 = arith.constant 2 : i32
        %xor3A_559 = vector.broadcast %xor3A_558 : i32 to vector<16xi32>
        %xor3A_560 = arith.xori %iota3A_543, %xor3A_559 : vector<16xi32>
        %broadcast_in_dim3A_561 = vector.shape_cast %xor3A_560 : vector<16xi32> to vector<16x1xi32>
        %gather3A_562 = vector.shape_cast %broadcast_in_dim3A_561 : vector<16x1xi32> to vector<16xi32>
        %gather3A_563 = tpu.dynamic_gather %add3A_557[%gather3A_562] in [0] : vector<16xf32>, vector<16xi32> -> vector<16xf32>
        %add3A_564 = arith.addf %add3A_557, %gather3A_563 : vector<16xf32>
        %xor3A_565 = arith.constant 1 : i32
        %xor3A_566 = vector.broadcast %xor3A_565 : i32 to vector<16xi32>
        %xor3A_567 = arith.xori %iota3A_543, %xor3A_566 : vector<16xi32>
        %broadcast_in_dim3A_568 = vector.shape_cast %xor3A_567 : vector<16xi32> to vector<16x1xi32>
        %gather3A_569 = vector.shape_cast %broadcast_in_dim3A_568 : vector<16x1xi32> to vector<16xi32>
        %gather3A_570 = tpu.dynamic_gather %add3A_564[%gather3A_569] in [0] : vector<16xf32>, vector<16xi32> -> vector<16xf32>
        %add3A_571 = arith.addf %add3A_564, %gather3A_570 : vector<16xf32>
        %sub3A_572 = arith.constant 1.000000e+00 : f32
        %sub3A_573 = vector.broadcast %sub3A_572 : f32 to vector<16xf32>
        %sub3A_574 = arith.subf %add3A_542, %sub3A_573 : vector<16xf32>
        %div3A = arith.divf %sub3A_574, %add3A_571 : vector<16xf32>
        %slice3A_575 = vector.extract_strided_slice %div3A {offsets = [0], sizes = [1], strides = [1]} : vector<16xf32> to vector<1xf32>
        %squeeze3A_576 = vector.extract %slice3A_575[0] : f32 from vector<1xf32>
        %slice3A_577 = vector.extract_strided_slice %get3A_502 {offsets = [0], sizes = [1], strides = [1]} : vector<16xf32> to vector<1xf32>
        %squeeze3A_578 = vector.extract %slice3A_577[0] : f32 from vector<1xf32>
        %le3A = arith.cmpf ole, %squeeze3A_576, %squeeze3A_578 : f32
        %convert_element_type3A_579 = arith.extui %le3A : i1 to i32
        %swap3A_580 = arith.constant 0 : i32
        %swap3A_581 = arith.index_cast %swap3A_580 : i32 to index
        %swap3A_582 = memref.load %arg10[%swap3A_581] : memref<1xi32, #tpu.memory_space<smem>>
        memref.store %convert_element_type3A_579, %arg10[%swap3A_581] : memref<1xi32, #tpu.memory_space<smem>>
        %max3A_583 = arith.maximumf %div3A, %get3A_502 : vector<16xf32>
        %swap3A_584 = arith.constant 0 : index
        %swap3A_585 = tpu.vector_load %arg7[%swap3A_584] {strides = array<i32>} : memref<16xf32, #tpu.memory_space<vmem>>, vector<16xf32>,
        %swap3A_586 = vector.shape_cast %swap3A_585 : vector<16xf32> to vector<16xf32>
        %swap3A_587 = vector.shape_cast %max3A_583 : vector<16xf32> to vector<16xf32>
        tpu.vector_store %arg7[%swap3A_584], %swap3A_587 {strides = array<i32>} : memref<16xf32, #tpu.memory_space<vmem>>, vector<16xf32>,
      } else {
      }
    }
    %scan3A_92 = arith.constant 24 : i32
    %while3A = arith.constant 0 : i32
    %while3A_93 = arith.constant 0 : i32
    %while3A_94 = arith.constant 0 : i32
    "tpu.trace_stop"() : () -> ()
    %while3A_95 = arith.subi %while3A_94, %while3A_93 : i32
    %while3A_96 = arith.addi %while3A_93, %while3A_95 : i32
    %while3A_97 = arith.constant 1 : i32
    %while3A_98 = arith.divsi %while3A_95, %while3A_97 : i32
    %while3A_99 = arith.muli %while3A_98, %while3A_97 : i32
    %while3A_100 = arith.addi %while3A_93, %while3A_99 : i32
    %while3A_101 = arith.constant 1 : i32
    scf.for %while3A_494 = %while3A_93 to %while3A_100 step %while3A_101  : i32 {
      %get3A_495 = arith.index_cast %while3A_494 : i32 to index
      %get3A_496 = memref.load %arg9[%get3A_495] : memref<512xi32, #tpu.memory_space<smem>>
      %mul3A_497 = arith.constant 64 : i32
      %mul3A_498 = arith.muli %get3A_496, %mul3A_497 : i32
      %add3A_499 = arith.constant 0 : i32
      %add3A_500 = arith.addi %mul3A_498, %add3A_499 : i32
      %swap3A_501 = arith.index_cast %add3A_500 : i32 to index
      %swap3A_502 = tpu.vector_load %arg6[%swap3A_501] {strides = array<i32>} : memref<32768xf32, #tpu.memory_space<vmem>>, vector<16xf32>,
      %swap3A_503 = vector.shape_cast %swap3A_502 : vector<16xf32> to vector<16xf32>
      %swap3A_504 = vector.shape_cast %broadcast_in_dim3A_3 : vector<16xf32> to vector<16xf32>
      tpu.vector_store %arg6[%swap3A_501], %swap3A_504 {strides = array<i32>} : memref<32768xf32, #tpu.memory_space<vmem>>, vector<16xf32>,
      %add3A_505 = arith.constant 16 : i32
      %add3A_506 = arith.addi %mul3A_498, %add3A_505 : i32
      %swap3A_507 = arith.index_cast %add3A_506 : i32 to index
      %swap3A_508 = tpu.vector_load %arg6[%swap3A_507] {strides = array<i32>} : memref<32768xf32, #tpu.memory_space<vmem>>, vector<16xf32>,
      %swap3A_509 = vector.shape_cast %swap3A_508 : vector<16xf32> to vector<16xf32>
      %swap3A_510 = vector.shape_cast %broadcast_in_dim3A_3 : vector<16xf32> to vector<16xf32>
      tpu.vector_store %arg6[%swap3A_507], %swap3A_510 {strides = array<i32>} : memref<32768xf32, #tpu.memory_space<vmem>>, vector<16xf32>,
      %add3A_511 = arith.constant 32 : i32
      %add3A_512 = arith.addi %mul3A_498, %add3A_511 : i32
      %swap3A_513 = arith.index_cast %add3A_512 : i32 to index
      %swap3A_514 = tpu.vector_load %arg6[%swap3A_513] {strides = array<i32>} : memref<32768xf32, #tpu.memory_space<vmem>>, vector<16xf32>,
      %swap3A_515 = vector.shape_cast %swap3A_514 : vector<16xf32> to vector<16xf32>
      %swap3A_516 = vector.shape_cast %broadcast_in_dim3A_3 : vector<16xf32> to vector<16xf32>
      tpu.vector_store %arg6[%swap3A_513], %swap3A_516 {strides = array<i32>} : memref<32768xf32, #tpu.memory_space<vmem>>, vector<16xf32>,
      %add3A_517 = arith.constant 48 : i32
      %add3A_518 = arith.addi %mul3A_498, %add3A_517 : i32
      %swap3A_519 = arith.index_cast %add3A_518 : i32 to index
      %swap3A_520 = tpu.vector_load %arg6[%swap3A_519] {strides = array<i32>} : memref<32768xf32, #tpu.memory_space<vmem>>, vector<16xf32>,
      %swap3A_521 = vector.shape_cast %swap3A_520 : vector<16xf32> to vector<16xf32>
      %swap3A_522 = vector.shape_cast %broadcast_in_dim3A_3 : vector<16xf32> to vector<16xf32>
      tpu.vector_store %arg6[%swap3A_519], %swap3A_522 {strides = array<i32>} : memref<32768xf32, #tpu.memory_space<vmem>>, vector<16xf32>,
    }
    %while3A_102 = arith.constant 1 : i32
    scf.for %while3A_494 = %while3A_100 to %while3A_96 step %while3A_102  : i32 {
      %get3A_495 = arith.index_cast %while3A_494 : i32 to index
      %get3A_496 = memref.load %arg9[%get3A_495] : memref<512xi32, #tpu.memory_space<smem>>
      %mul3A_497 = arith.constant 64 : i32
      %mul3A_498 = arith.muli %get3A_496, %mul3A_497 : i32
      %add3A_499 = arith.constant 0 : i32
      %add3A_500 = arith.addi %mul3A_498, %add3A_499 : i32
      %swap3A_501 = arith.index_cast %add3A_500 : i32 to index
      %swap3A_502 = tpu.vector_load %arg6[%swap3A_501] {strides = array<i32>} : memref<32768xf32, #tpu.memory_space<vmem>>, vector<16xf32>,
      %swap3A_503 = vector.shape_cast %swap3A_502 : vector<16xf32> to vector<16xf32>
      %swap3A_504 = vector.shape_cast %broadcast_in_dim3A_3 : vector<16xf32> to vector<16xf32>
      tpu.vector_store %arg6[%swap3A_501], %swap3A_504 {strides = array<i32>} : memref<32768xf32, #tpu.memory_space<vmem>>, vector<16xf32>,
      %add3A_505 = arith.constant 16 : i32
      %add3A_506 = arith.addi %mul3A_498, %add3A_505 : i32
      %swap3A_507 = arith.index_cast %add3A_506 : i32 to index
      %swap3A_508 = tpu.vector_load %arg6[%swap3A_507] {strides = array<i32>} : memref<32768xf32, #tpu.memory_space<vmem>>, vector<16xf32>,
      %swap3A_509 = vector.shape_cast %swap3A_508 : vector<16xf32> to vector<16xf32>
      %swap3A_510 = vector.shape_cast %broadcast_in_dim3A_3 : vector<16xf32> to vector<16xf32>
      tpu.vector_store %arg6[%swap3A_507], %swap3A_510 {strides = array<i32>} : memref<32768xf32, #tpu.memory_space<vmem>>, vector<16xf32>,
      %add3A_511 = arith.constant 32 : i32
      %add3A_512 = arith.addi %mul3A_498, %add3A_511 : i32
      %swap3A_513 = arith.index_cast %add3A_512 : i32 to index
      %swap3A_514 = tpu.vector_load %arg6[%swap3A_513] {strides = array<i32>} : memref<32768xf32, #tpu.memory_space<vmem>>, vector<16xf32>,
      %swap3A_515 = vector.shape_cast %swap3A_514 : vector<16xf32> to vector<16xf32>
      %swap3A_516 = vector.shape_cast %broadcast_in_dim3A_3 : vector<16xf32> to vector<16xf32>
      tpu.vector_store %arg6[%swap3A_513], %swap3A_516 {strides = array<i32>} : memref<32768xf32, #tpu.memory_space<vmem>>, vector<16xf32>,
      %add3A_517 = arith.constant 48 : i32
      %add3A_518 = arith.addi %mul3A_498, %add3A_517 : i32
      %swap3A_519 = arith.index_cast %add3A_518 : i32 to index
      %swap3A_520 = tpu.vector_load %arg6[%swap3A_519] {strides = array<i32>} : memref<32768xf32, #tpu.memory_space<vmem>>, vector<16xf32>,
      %swap3A_521 = vector.shape_cast %swap3A_520 : vector<16xf32> to vector<16xf32>
      %swap3A_522 = vector.shape_cast %broadcast_in_dim3A_3 : vector<16xf32> to vector<16xf32>
      tpu.vector_store %arg6[%swap3A_519], %swap3A_522 {strides = array<i32>} : memref<32768xf32, #tpu.memory_space<vmem>>, vector<16xf32>,
    }
    %get3A = arith.constant 0 : index
    %get3A_103 = tpu.vector_load %arg7[%get3A] {strides = array<i32>} : memref<16xf32, #tpu.memory_space<vmem>>, vector<16xf32>,
    %get3A_104 = vector.shape_cast %get3A_103 : vector<16xf32> to vector<16xf32>
    %while3A_105 = arith.constant 0 : i32
    %while3A_106 = arith.constant 0 : i32
    "tpu.trace_start"() <{level = 10 : i32, message = "p3_write"}> : () -> ()
    %while3A_107 = arith.subi %scan3A_78, %while3A_106 : i32
    %while3A_108 = arith.addi %while3A_106, %while3A_107 : i32
    %while3A_109 = arith.constant 1 : i32
    %while3A_110 = arith.divsi %while3A_107, %while3A_109 : i32
    %while3A_111 = arith.muli %while3A_110, %while3A_109 : i32
    %while3A_112 = arith.addi %while3A_106, %while3A_111 : i32
    %while3A_113 = arith.constant 1 : i32
    scf.for %while3A_494 = %while3A_106 to %while3A_112 step %while3A_113  : i32 {
      %get3A_495 = arith.index_cast %while3A_494 : i32 to index
      %get3A_496 = memref.load %arg8[%get3A_495] : memref<512xi32, #tpu.memory_space<smem>>
      %mul3A_497 = arith.constant 64 : i32
      %mul3A_498 = arith.muli %get3A_496, %mul3A_497 : i32
      %add3A_499 = arith.constant 0 : i32
      %add3A_500 = arith.addi %mul3A_498, %add3A_499 : i32
      %get3A_501 = arith.index_cast %add3A_500 : i32 to index
      %get3A_502 = tpu.vector_load %arg4[%get3A_501] {strides = array<i32>} : memref<32768xf32, #tpu.memory_space<vmem>>, vector<16xf32>,
      %get3A_503 = vector.shape_cast %get3A_502 : vector<16xf32> to vector<16xf32>
      %sub3A_504 = arith.subf %get3A_503, %get3A_104 : vector<16xf32>
      %max3A_505 = arith.constant 0.000000e+00 : f32
      %max3A_506 = vector.broadcast %max3A_505 : f32 to vector<16xf32>
      %max3A_507 = arith.maximumf %sub3A_504, %max3A_506 : vector<16xf32>
      %swap3A_508 = arith.index_cast %add3A_500 : i32 to index
      %swap3A_509 = tpu.vector_load %arg6[%swap3A_508] {strides = array<i32>} : memref<32768xf32, #tpu.memory_space<vmem>>, vector<16xf32>,
      %swap3A_510 = vector.shape_cast %swap3A_509 : vector<16xf32> to vector<16xf32>
      %swap3A_511 = vector.shape_cast %max3A_507 : vector<16xf32> to vector<16xf32>
      tpu.vector_store %arg6[%swap3A_508], %swap3A_511 {strides = array<i32>} : memref<32768xf32, #tpu.memory_space<vmem>>, vector<16xf32>,
      %add3A_512 = arith.constant 16 : i32
      %add3A_513 = arith.addi %mul3A_498, %add3A_512 : i32
      %get3A_514 = arith.index_cast %add3A_513 : i32 to index
      %get3A_515 = tpu.vector_load %arg4[%get3A_514] {strides = array<i32>} : memref<32768xf32, #tpu.memory_space<vmem>>, vector<16xf32>,
      %get3A_516 = vector.shape_cast %get3A_515 : vector<16xf32> to vector<16xf32>
      %sub3A_517 = arith.subf %get3A_516, %get3A_104 : vector<16xf32>
      %max3A_518 = arith.constant 0.000000e+00 : f32
      %max3A_519 = vector.broadcast %max3A_518 : f32 to vector<16xf32>
      %max3A_520 = arith.maximumf %sub3A_517, %max3A_519 : vector<16xf32>
      %swap3A_521 = arith.index_cast %add3A_513 : i32 to index
      %swap3A_522 = tpu.vector_load %arg6[%swap3A_521] {strides = array<i32>} : memref<32768xf32, #tpu.memory_space<vmem>>, vector<16xf32>,
      %swap3A_523 = vector.shape_cast %swap3A_522 : vector<16xf32> to vector<16xf32>
      %swap3A_524 = vector.shape_cast %max3A_520 : vector<16xf32> to vector<16xf32>
      tpu.vector_store %arg6[%swap3A_521], %swap3A_524 {strides = array<i32>} : memref<32768xf32, #tpu.memory_space<vmem>>, vector<16xf32>,
      %add3A_525 = arith.constant 32 : i32
      %add3A_526 = arith.addi %mul3A_498, %add3A_525 : i32
      %get3A_527 = arith.index_cast %add3A_526 : i32 to index
      %get3A_528 = tpu.vector_load %arg4[%get3A_527] {strides = array<i32>} : memref<32768xf32, #tpu.memory_space<vmem>>, vector<16xf32>,
      %get3A_529 = vector.shape_cast %get3A_528 : vector<16xf32> to vector<16xf32>
      %sub3A_530 = arith.subf %get3A_529, %get3A_104 : vector<16xf32>
      %max3A_531 = arith.constant 0.000000e+00 : f32
      %max3A_532 = vector.broadcast %max3A_531 : f32 to vector<16xf32>
      %max3A_533 = arith.maximumf %sub3A_530, %max3A_532 : vector<16xf32>
      %swap3A_534 = arith.index_cast %add3A_526 : i32 to index
      %swap3A_535 = tpu.vector_load %arg6[%swap3A_534] {strides = array<i32>} : memref<32768xf32, #tpu.memory_space<vmem>>, vector<16xf32>,
      %swap3A_536 = vector.shape_cast %swap3A_535 : vector<16xf32> to vector<16xf32>
      %swap3A_537 = vector.shape_cast %max3A_533 : vector<16xf32> to vector<16xf32>
      tpu.vector_store %arg6[%swap3A_534], %swap3A_537 {strides = array<i32>} : memref<32768xf32, #tpu.memory_space<vmem>>, vector<16xf32>,
      %add3A_538 = arith.constant 48 : i32
      %add3A_539 = arith.addi %mul3A_498, %add3A_538 : i32
      %get3A_540 = arith.index_cast %add3A_539 : i32 to index
      %get3A_541 = tpu.vector_load %arg4[%get3A_540] {strides = array<i32>} : memref<32768xf32, #tpu.memory_space<vmem>>, vector<16xf32>,
      %get3A_542 = vector.shape_cast %get3A_541 : vector<16xf32> to vector<16xf32>
      %sub3A_543 = arith.subf %get3A_542, %get3A_104 : vector<16xf32>
      %max3A_544 = arith.constant 0.000000e+00 : f32
      %max3A_545 = vector.broadcast %max3A_544 : f32 to vector<16xf32>
      %max3A_546 = arith.maximumf %sub3A_543, %max3A_545 : vector<16xf32>
      %swap3A_547 = arith.index_cast %add3A_539 : i32 to index
      %swap3A_548 = tpu.vector_load %arg6[%swap3A_547] {strides = array<i32>} : memref<32768xf32, #tpu.memory_space<vmem>>, vector<16xf32>,
      %swap3A_549 = vector.shape_cast %swap3A_548 : vector<16xf32> to vector<16xf32>
      %swap3A_550 = vector.shape_cast %max3A_546 : vector<16xf32> to vector<16xf32>
      tpu.vector_store %arg6[%swap3A_547], %swap3A_550 {strides = array<i32>} : memref<32768xf32, #tpu.memory_space<vmem>>, vector<16xf32>,
    }
    %while3A_114 = arith.constant 1 : i32
    scf.for %while3A_494 = %while3A_112 to %while3A_108 step %while3A_114  : i32 {
      %get3A_495 = arith.index_cast %while3A_494 : i32 to index
      %get3A_496 = memref.load %arg8[%get3A_495] : memref<512xi32, #tpu.memory_space<smem>>
      %mul3A_497 = arith.constant 64 : i32
      %mul3A_498 = arith.muli %get3A_496, %mul3A_497 : i32
      %add3A_499 = arith.constant 0 : i32
      %add3A_500 = arith.addi %mul3A_498, %add3A_499 : i32
      %get3A_501 = arith.index_cast %add3A_500 : i32 to index
      %get3A_502 = tpu.vector_load %arg4[%get3A_501] {strides = array<i32>} : memref<32768xf32, #tpu.memory_space<vmem>>, vector<16xf32>,
      %get3A_503 = vector.shape_cast %get3A_502 : vector<16xf32> to vector<16xf32>
      %sub3A_504 = arith.subf %get3A_503, %get3A_104 : vector<16xf32>
      %max3A_505 = arith.constant 0.000000e+00 : f32
      %max3A_506 = vector.broadcast %max3A_505 : f32 to vector<16xf32>
      %max3A_507 = arith.maximumf %sub3A_504, %max3A_506 : vector<16xf32>
      %swap3A_508 = arith.index_cast %add3A_500 : i32 to index
      %swap3A_509 = tpu.vector_load %arg6[%swap3A_508] {strides = array<i32>} : memref<32768xf32, #tpu.memory_space<vmem>>, vector<16xf32>,
      %swap3A_510 = vector.shape_cast %swap3A_509 : vector<16xf32> to vector<16xf32>
      %swap3A_511 = vector.shape_cast %max3A_507 : vector<16xf32> to vector<16xf32>
      tpu.vector_store %arg6[%swap3A_508], %swap3A_511 {strides = array<i32>} : memref<32768xf32, #tpu.memory_space<vmem>>, vector<16xf32>,
      %add3A_512 = arith.constant 16 : i32
      %add3A_513 = arith.addi %mul3A_498, %add3A_512 : i32
      %get3A_514 = arith.index_cast %add3A_513 : i32 to index
      %get3A_515 = tpu.vector_load %arg4[%get3A_514] {strides = array<i32>} : memref<32768xf32, #tpu.memory_space<vmem>>, vector<16xf32>,
      %get3A_516 = vector.shape_cast %get3A_515 : vector<16xf32> to vector<16xf32>
      %sub3A_517 = arith.subf %get3A_516, %get3A_104 : vector<16xf32>
      %max3A_518 = arith.constant 0.000000e+00 : f32
      %max3A_519 = vector.broadcast %max3A_518 : f32 to vector<16xf32>
      %max3A_520 = arith.maximumf %sub3A_517, %max3A_519 : vector<16xf32>
      %swap3A_521 = arith.index_cast %add3A_513 : i32 to index
      %swap3A_522 = tpu.vector_load %arg6[%swap3A_521] {strides = array<i32>} : memref<32768xf32, #tpu.memory_space<vmem>>, vector<16xf32>,
      %swap3A_523 = vector.shape_cast %swap3A_522 : vector<16xf32> to vector<16xf32>
      %swap3A_524 = vector.shape_cast %max3A_520 : vector<16xf32> to vector<16xf32>
      tpu.vector_store %arg6[%swap3A_521], %swap3A_524 {strides = array<i32>} : memref<32768xf32, #tpu.memory_space<vmem>>, vector<16xf32>,
      %add3A_525 = arith.constant 32 : i32
      %add3A_526 = arith.addi %mul3A_498, %add3A_525 : i32
      %get3A_527 = arith.index_cast %add3A_526 : i32 to index
      %get3A_528 = tpu.vector_load %arg4[%get3A_527] {strides = array<i32>} : memref<32768xf32, #tpu.memory_space<vmem>>, vector<16xf32>,
      %get3A_529 = vector.shape_cast %get3A_528 : vector<16xf32> to vector<16xf32>
      %sub3A_530 = arith.subf %get3A_529, %get3A_104 : vector<16xf32>
      %max3A_531 = arith.constant 0.000000e+00 : f32
      %max3A_532 = vector.broadcast %max3A_531 : f32 to vector<16xf32>
      %max3A_533 = arith.maximumf %sub3A_530, %max3A_532 : vector<16xf32>
      %swap3A_534 = arith.index_cast %add3A_526 : i32 to index
      %swap3A_535 = tpu.vector_load %arg6[%swap3A_534] {strides = array<i32>} : memref<32768xf32, #tpu.memory_space<vmem>>, vector<16xf32>,
      %swap3A_536 = vector.shape_cast %swap3A_535 : vector<16xf32> to vector<16xf32>
      %swap3A_537 = vector.shape_cast %max3A_533 : vector<16xf32> to vector<16xf32>
      tpu.vector_store %arg6[%swap3A_534], %swap3A_537 {strides = array<i32>} : memref<32768xf32, #tpu.memory_space<vmem>>, vector<16xf32>,
      %add3A_538 = arith.constant 48 : i32
      %add3A_539 = arith.addi %mul3A_498, %add3A_538 : i32
      %get3A_540 = arith.index_cast %add3A_539 : i32 to index
      %get3A_541 = tpu.vector_load %arg4[%get3A_540] {strides = array<i32>} : memref<32768xf32, #tpu.memory_space<vmem>>, vector<16xf32>,
      %get3A_542 = vector.shape_cast %get3A_541 : vector<16xf32> to vector<16xf32>
      %sub3A_543 = arith.subf %get3A_542, %get3A_104 : vector<16xf32>
      %max3A_544 = arith.constant 0.000000e+00 : f32
      %max3A_545 = vector.broadcast %max3A_544 : f32 to vector<16xf32>
      %max3A_546 = arith.maximumf %sub3A_543, %max3A_545 : vector<16xf32>
      %swap3A_547 = arith.index_cast %add3A_539 : i32 to index
      %swap3A_548 = tpu.vector_load %arg6[%swap3A_547] {strides = array<i32>} : memref<32768xf32, #tpu.memory_space<vmem>>, vector<16xf32>,
      %swap3A_549 = vector.shape_cast %swap3A_548 : vector<16xf32> to vector<16xf32>
      %swap3A_550 = vector.shape_cast %max3A_546 : vector<16xf32> to vector<16xf32>
      tpu.vector_store %arg6[%swap3A_547], %swap3A_550 {strides = array<i32>} : memref<32768xf32, #tpu.memory_space<vmem>>, vector<16xf32>,
    }
    "tpu.trace_stop"() : () -> ()
    %add3A_115 = arith.constant 0 : i32
    %add3A_116 = arith.addi %mul3A_2, %add3A_115 : i32
    %dma_start3A_117 = arith.constant 0 : i32
    %dma_start3A_118 = tpu.memref_slice %arg3[%add3A_116, %dma_start3A_117] : memref<128x32768xf32, #tpu.memory_space<hbm>> -> memref<1x32768xf32, #tpu.memory_space<hbm>>
    %dma_start3A_119 = tpu.memref_squeeze %dma_start3A_118 : memref<1x32768xf32, #tpu.memory_space<hbm>> -> memref<32768xf32, #tpu.memory_space<hbm>>
    %dma_start3A_120 = arith.constant 0 : i32
    %dma_start3A_121 = tpu.memref_slice %arg3[%add3A_116, %dma_start3A_120] : memref<128x32768xf32, #tpu.memory_space<hbm>> -> memref<1x32768xf32, #tpu.memory_space<hbm>>
    %dma_start3A_122 = tpu.memref_squeeze %dma_start3A_121 : memref<1x32768xf32, #tpu.memory_space<hbm>> -> memref<32768xf32, #tpu.memory_space<hbm>>
    tpu.enqueue_dma source(%arg6 : memref<32768xf32, #tpu.memory_space<vmem>>) target(%dma_start3A_122 : memref<32768xf32, #tpu.memory_space<hbm>>) target_semaphore(%arg13 : memref<!tpu.dma_semaphore, #tpu.memory_space<semaphore_mem>>)
    %add3A_123 = arith.constant 1 : i32
    %add3A_124 = arith.addi %mul3A_2, %add3A_123 : i32
    %add3A_125 = arith.constant 1 : i32
    %add3A_126 = arith.addi %add3A_124, %add3A_125 : i32
    %dma_start3A_127 = arith.constant 0 : i32
    %dma_start3A_128 = tpu.memref_slice %arg2[%add3A_126, %dma_start3A_127] : memref<128x32768xf32, #tpu.memory_space<hbm>> -> memref<1x32768xf32, #tpu.memory_space<hbm>>
    %dma_start3A_129 = tpu.memref_squeeze %dma_start3A_128 : memref<1x32768xf32, #tpu.memory_space<hbm>> -> memref<32768xf32, #tpu.memory_space<hbm>>
    %dma_start3A_130 = arith.constant 0 : i32
    %dma_start3A_131 = tpu.memref_slice %arg2[%add3A_126, %dma_start3A_130] : memref<128x32768xf32, #tpu.memory_space<hbm>> -> memref<1x32768xf32, #tpu.memory_space<hbm>>
    %dma_start3A_132 = tpu.memref_squeeze %dma_start3A_131 : memref<1x32768xf32, #tpu.memory_space<hbm>> -> memref<32768xf32, #tpu.memory_space<hbm>>
    tpu.enqueue_dma source(%dma_start3A_132 : memref<32768xf32, #tpu.memory_space<hbm>>) target(%arg4 : memref<32768xf32, #tpu.memory_space<vmem>>) target_semaphore(%arg11 : memref<!tpu.dma_semaphore, #tpu.memory_space<semaphore_mem>>)
    %dma_wait3A_133 = arith.constant 0 : i32
    %dma_wait3A_134 = tpu.memref_slice %arg2[%add3A_17, %dma_wait3A_133] : memref<128x32768xf32, #tpu.memory_space<hbm>> -> memref<1x32768xf32, #tpu.memory_space<hbm>>
    %dma_wait3A_135 = tpu.memref_squeeze %dma_wait3A_134 : memref<1x32768xf32, #tpu.memory_space<hbm>> -> memref<32768xf32, #tpu.memory_space<hbm>>
    %dma_wait3A_136 = arith.constant 0 : i32
    %dma_wait3A_137 = tpu.memref_slice %arg2[%add3A_17, %dma_wait3A_136] : memref<128x32768xf32, #tpu.memory_space<hbm>> -> memref<1x32768xf32, #tpu.memory_space<hbm>>
    %dma_wait3A_138 = tpu.memref_squeeze %dma_wait3A_137 : memref<1x32768xf32, #tpu.memory_space<hbm>> -> memref<32768xf32, #tpu.memory_space<hbm>>
    tpu.wait_dma2 semaphore(%arg12 : memref<!tpu.dma_semaphore, #tpu.memory_space<semaphore_mem>>) src(%dma_wait3A_138 : memref<32768xf32, #tpu.memory_space<hbm>>) dst(%arg5 : memref<32768xf32, #tpu.memory_space<vmem>>)
    %broadcast_in_dim3A_139 = arith.constant 0.000000e+00 : f32
    %broadcast_in_dim3A_140 = vector.broadcast %broadcast_in_dim3A_139 : f32 to vector<16xf32>
    %broadcast_in_dim3A_141 = arith.constant -3.000000e+38 : f32
    %broadcast_in_dim3A_142 = vector.broadcast %broadcast_in_dim3A_141 : f32 to vector<16xf32>
    %scan3A_143 = arith.constant 0 : i32
    %scan3A_144 = arith.constant 256 : i32
    %scan3A_145 = arith.addi %scan3A_143, %scan3A_144 : i32
    %scan3A_146 = arith.constant 1 : i32
    %scan3A_147:8 = scf.for %scan3A_494 = %scan3A_143 to %scan3A_145 step %scan3A_146 iter_args(%scan3A_495 = %broadcast_in_dim3A_142, %scan3A_496 = %broadcast_in_dim3A_142, %scan3A_497 = %broadcast_in_dim3A_142, %scan3A_498 = %broadcast_in_dim3A_142, %scan3A_499 = %broadcast_in_dim3A_142, %scan3A_500 = %broadcast_in_dim3A_142, %scan3A_501 = %broadcast_in_dim3A_142, %scan3A_502 = %broadcast_in_dim3A_142) -> (vector<16xf32>, vector<16xf32>, vector<16xf32>, vector<16xf32>, vector<16xf32>, vector<16xf32>, vector<16xf32>, vector<16xf32>)  : i32 {
      %mul3A_503 = arith.constant 128 : i32
      %mul3A_504 = arith.muli %scan3A_494, %mul3A_503 : i32
      %add3A_505 = arith.constant 0 : i32
      %add3A_506 = arith.addi %mul3A_504, %add3A_505 : i32
      %get3A_507 = arith.index_cast %add3A_506 : i32 to index
      %get3A_508 = tpu.vector_load %arg5[%get3A_507] {strides = array<i32>} : memref<32768xf32, #tpu.memory_space<vmem>>, vector<16xf32>,
      %get3A_509 = vector.shape_cast %get3A_508 : vector<16xf32> to vector<16xf32>
      %max3A_510 = arith.maximumf %scan3A_495, %get3A_509 : vector<16xf32>
      %add3A_511 = arith.constant 16 : i32
      %add3A_512 = arith.addi %mul3A_504, %add3A_511 : i32
      %get3A_513 = arith.index_cast %add3A_512 : i32 to index
      %get3A_514 = tpu.vector_load %arg5[%get3A_513] {strides = array<i32>} : memref<32768xf32, #tpu.memory_space<vmem>>, vector<16xf32>,
      %get3A_515 = vector.shape_cast %get3A_514 : vector<16xf32> to vector<16xf32>
      %max3A_516 = arith.maximumf %scan3A_496, %get3A_515 : vector<16xf32>
      %add3A_517 = arith.constant 32 : i32
      %add3A_518 = arith.addi %mul3A_504, %add3A_517 : i32
      %get3A_519 = arith.index_cast %add3A_518 : i32 to index
      %get3A_520 = tpu.vector_load %arg5[%get3A_519] {strides = array<i32>} : memref<32768xf32, #tpu.memory_space<vmem>>, vector<16xf32>,
      %get3A_521 = vector.shape_cast %get3A_520 : vector<16xf32> to vector<16xf32>
      %max3A_522 = arith.maximumf %scan3A_497, %get3A_521 : vector<16xf32>
      %add3A_523 = arith.constant 48 : i32
      %add3A_524 = arith.addi %mul3A_504, %add3A_523 : i32
      %get3A_525 = arith.index_cast %add3A_524 : i32 to index
      %get3A_526 = tpu.vector_load %arg5[%get3A_525] {strides = array<i32>} : memref<32768xf32, #tpu.memory_space<vmem>>, vector<16xf32>,
      %get3A_527 = vector.shape_cast %get3A_526 : vector<16xf32> to vector<16xf32>
      %max3A_528 = arith.maximumf %scan3A_498, %get3A_527 : vector<16xf32>
      %add3A_529 = arith.constant 64 : i32
      %add3A_530 = arith.addi %mul3A_504, %add3A_529 : i32
      %get3A_531 = arith.index_cast %add3A_530 : i32 to index
      %get3A_532 = tpu.vector_load %arg5[%get3A_531] {strides = array<i32>} : memref<32768xf32, #tpu.memory_space<vmem>>, vector<16xf32>,
      %get3A_533 = vector.shape_cast %get3A_532 : vector<16xf32> to vector<16xf32>
      %max3A_534 = arith.maximumf %scan3A_499, %get3A_533 : vector<16xf32>
      %add3A_535 = arith.constant 80 : i32
      %add3A_536 = arith.addi %mul3A_504, %add3A_535 : i32
      %get3A_537 = arith.index_cast %add3A_536 : i32 to index
      %get3A_538 = tpu.vector_load %arg5[%get3A_537] {strides = array<i32>} : memref<32768xf32, #tpu.memory_space<vmem>>, vector<16xf32>,
      %get3A_539 = vector.shape_cast %get3A_538 : vector<16xf32> to vector<16xf32>
      %max3A_540 = arith.maximumf %scan3A_500, %get3A_539 : vector<16xf32>
      %add3A_541 = arith.constant 96 : i32
      %add3A_542 = arith.addi %mul3A_504, %add3A_541 : i32
      %get3A_543 = arith.index_cast %add3A_542 : i32 to index
      %get3A_544 = tpu.vector_load %arg5[%get3A_543] {strides = array<i32>} : memref<32768xf32, #tpu.memory_space<vmem>>, vector<16xf32>,
      %get3A_545 = vector.shape_cast %get3A_544 : vector<16xf32> to vector<16xf32>
      %max3A_546 = arith.maximumf %scan3A_501, %get3A_545 : vector<16xf32>
      %add3A_547 = arith.constant 112 : i32
      %add3A_548 = arith.addi %mul3A_504, %add3A_547 : i32
      %get3A_549 = arith.index_cast %add3A_548 : i32 to index
      %get3A_550 = tpu.vector_load %arg5[%get3A_549] {strides = array<i32>} : memref<32768xf32, #tpu.memory_space<vmem>>, vector<16xf32>,
      %get3A_551 = vector.shape_cast %get3A_550 : vector<16xf32> to vector<16xf32>
      %max3A_552 = arith.maximumf %scan3A_502, %get3A_551 : vector<16xf32>
      scf.yield %max3A_510, %max3A_516, %max3A_522, %max3A_528, %max3A_534, %max3A_540, %max3A_546, %max3A_552 : vector<16xf32>, vector<16xf32>, vector<16xf32>, vector<16xf32>, vector<16xf32>, vector<16xf32>, vector<16xf32>, vector<16xf32>
    }
    %scan3A_148 = arith.constant 256 : i32
    %max3A_149 = arith.maximumf %scan3A_147#0, %scan3A_147#1 : vector<16xf32>
    %max3A_150 = arith.maximumf %max3A_149, %scan3A_147#2 : vector<16xf32>
    %max3A_151 = arith.maximumf %max3A_150, %scan3A_147#3 : vector<16xf32>
    %max3A_152 = arith.maximumf %max3A_151, %scan3A_147#4 : vector<16xf32>
    %max3A_153 = arith.maximumf %max3A_152, %scan3A_147#5 : vector<16xf32>
    %max3A_154 = arith.maximumf %max3A_153, %scan3A_147#6 : vector<16xf32>
    %max3A_155 = arith.maximumf %max3A_154, %scan3A_147#7 : vector<16xf32>
    %iota3A_156 = tpu.iota {dimensions = array<i32: 0>} : vector<16xi32>
    %xor3A_157 = arith.constant 8 : i32
    %xor3A_158 = vector.broadcast %xor3A_157 : i32 to vector<16xi32>
    %xor3A_159 = arith.xori %iota3A_156, %xor3A_158 : vector<16xi32>
    %broadcast_in_dim3A_160 = vector.shape_cast %xor3A_159 : vector<16xi32> to vector<16x1xi32>
    %gather3A_161 = vector.shape_cast %broadcast_in_dim3A_160 : vector<16x1xi32> to vector<16xi32>
    %gather3A_162 = tpu.dynamic_gather %max3A_155[%gather3A_161] in [0] : vector<16xf32>, vector<16xi32> -> vector<16xf32>
    %max3A_163 = arith.maximumf %max3A_155, %gather3A_162 : vector<16xf32>
    %xor3A_164 = arith.constant 4 : i32
    %xor3A_165 = vector.broadcast %xor3A_164 : i32 to vector<16xi32>
    %xor3A_166 = arith.xori %iota3A_156, %xor3A_165 : vector<16xi32>
    %broadcast_in_dim3A_167 = vector.shape_cast %xor3A_166 : vector<16xi32> to vector<16x1xi32>
    %gather3A_168 = vector.shape_cast %broadcast_in_dim3A_167 : vector<16x1xi32> to vector<16xi32>
    %gather3A_169 = tpu.dynamic_gather %max3A_163[%gather3A_168] in [0] : vector<16xf32>, vector<16xi32> -> vector<16xf32>
    %max3A_170 = arith.maximumf %max3A_163, %gather3A_169 : vector<16xf32>
    %xor3A_171 = arith.constant 2 : i32
    %xor3A_172 = vector.broadcast %xor3A_171 : i32 to vector<16xi32>
    %xor3A_173 = arith.xori %iota3A_156, %xor3A_172 : vector<16xi32>
    %broadcast_in_dim3A_174 = vector.shape_cast %xor3A_173 : vector<16xi32> to vector<16x1xi32>
    %gather3A_175 = vector.shape_cast %broadcast_in_dim3A_174 : vector<16x1xi32> to vector<16xi32>
    %gather3A_176 = tpu.dynamic_gather %max3A_170[%gather3A_175] in [0] : vector<16xf32>, vector<16xi32> -> vector<16xf32>
    %max3A_177 = arith.maximumf %max3A_170, %gather3A_176 : vector<16xf32>
    %xor3A_178 = arith.constant 1 : i32
    %xor3A_179 = vector.broadcast %xor3A_178 : i32 to vector<16xi32>
    %xor3A_180 = arith.xori %iota3A_156, %xor3A_179 : vector<16xi32>
    %broadcast_in_dim3A_181 = vector.shape_cast %xor3A_180 : vector<16xi32> to vector<16x1xi32>
    %gather3A_182 = vector.shape_cast %broadcast_in_dim3A_181 : vector<16x1xi32> to vector<16xi32>
    %gather3A_183 = tpu.dynamic_gather %max3A_177[%gather3A_182] in [0] : vector<16xf32>, vector<16xi32> -> vector<16xf32>
    %max3A_184 = arith.maximumf %max3A_177, %gather3A_183 : vector<16xf32>
    %sub3A_185 = arith.constant 1.000000e+00 : f32
    %sub3A_186 = vector.broadcast %sub3A_185 : f32 to vector<16xf32>
    %sub3A_187 = arith.subf %max3A_184, %sub3A_186 : vector<16xf32>
    %slice3A_188 = vector.extract_strided_slice %sub3A_187 {offsets = [0], sizes = [1], strides = [1]} : vector<16xf32> to vector<1xf32>
    %squeeze3A_189 = vector.extract %slice3A_188[0] : f32 from vector<1xf32>
    %scan3A_190 = arith.constant 0 : i32
    %scan3A_191 = arith.constant 0 : i32
    %scan3A_192 = arith.constant 256 : i32
    %scan3A_193 = arith.addi %scan3A_191, %scan3A_192 : i32
    %scan3A_194 = arith.constant 1 : i32
    %scan3A_195 = scf.for %scan3A_494 = %scan3A_191 to %scan3A_193 step %scan3A_194 iter_args(%scan3A_495 = %scan3A_190) -> (i32)  : i32 {
      %mul3A_496 = arith.constant 2 : i32
      %mul3A_497 = arith.muli %scan3A_494, %mul3A_496 : i32
      %add3A_498 = arith.constant 0 : i32
      %add3A_499 = arith.addi %mul3A_497, %add3A_498 : i32
      %mul3A_500 = arith.constant 64 : i32
      %mul3A_501 = arith.muli %add3A_499, %mul3A_500 : i32
      %get3A_502 = arith.index_cast %mul3A_501 : i32 to index
      %get3A_503 = tpu.vector_load %arg5[%get3A_502] {strides = array<i32>} : memref<32768xf32, #tpu.memory_space<vmem>>, vector<16xf32>,
      %get3A_504 = vector.shape_cast %get3A_503 : vector<16xf32> to vector<16xf32>
      %add3A_505 = arith.constant 16 : i32
      %add3A_506 = arith.addi %mul3A_501, %add3A_505 : i32
      %get3A_507 = arith.index_cast %add3A_506 : i32 to index
      %get3A_508 = tpu.vector_load %arg5[%get3A_507] {strides = array<i32>} : memref<32768xf32, #tpu.memory_space<vmem>>, vector<16xf32>,
      %get3A_509 = vector.shape_cast %get3A_508 : vector<16xf32> to vector<16xf32>
      %max3A_510 = arith.maximumf %get3A_504, %get3A_509 : vector<16xf32>
      %add3A_511 = arith.constant 32 : i32
      %add3A_512 = arith.addi %mul3A_501, %add3A_511 : i32
      %get3A_513 = arith.index_cast %add3A_512 : i32 to index
      %get3A_514 = tpu.vector_load %arg5[%get3A_513] {strides = array<i32>} : memref<32768xf32, #tpu.memory_space<vmem>>, vector<16xf32>,
      %get3A_515 = vector.shape_cast %get3A_514 : vector<16xf32> to vector<16xf32>
      %max3A_516 = arith.maximumf %max3A_510, %get3A_515 : vector<16xf32>
      %add3A_517 = arith.constant 48 : i32
      %add3A_518 = arith.addi %mul3A_501, %add3A_517 : i32
      %get3A_519 = arith.index_cast %add3A_518 : i32 to index
      %get3A_520 = tpu.vector_load %arg5[%get3A_519] {strides = array<i32>} : memref<32768xf32, #tpu.memory_space<vmem>>, vector<16xf32>,
      %get3A_521 = vector.shape_cast %get3A_520 : vector<16xf32> to vector<16xf32>
      %max3A_522 = arith.maximumf %max3A_516, %get3A_521 : vector<16xf32>
      %iota3A_523 = tpu.iota {dimensions = array<i32: 0>} : vector<16xi32>
      %xor3A_524 = arith.constant 8 : i32
      %xor3A_525 = vector.broadcast %xor3A_524 : i32 to vector<16xi32>
      %xor3A_526 = arith.xori %iota3A_523, %xor3A_525 : vector<16xi32>
      %broadcast_in_dim3A_527 = vector.shape_cast %xor3A_526 : vector<16xi32> to vector<16x1xi32>
      %gather3A_528 = vector.shape_cast %broadcast_in_dim3A_527 : vector<16x1xi32> to vector<16xi32>
      %gather3A_529 = tpu.dynamic_gather %max3A_522[%gather3A_528] in [0] : vector<16xf32>, vector<16xi32> -> vector<16xf32>
      %max3A_530 = arith.maximumf %max3A_522, %gather3A_529 : vector<16xf32>
      %xor3A_531 = arith.constant 4 : i32
      %xor3A_532 = vector.broadcast %xor3A_531 : i32 to vector<16xi32>
      %xor3A_533 = arith.xori %iota3A_523, %xor3A_532 : vector<16xi32>
      %broadcast_in_dim3A_534 = vector.shape_cast %xor3A_533 : vector<16xi32> to vector<16x1xi32>
      %gather3A_535 = vector.shape_cast %broadcast_in_dim3A_534 : vector<16x1xi32> to vector<16xi32>
      %gather3A_536 = tpu.dynamic_gather %max3A_530[%gather3A_535] in [0] : vector<16xf32>, vector<16xi32> -> vector<16xf32>
      %max3A_537 = arith.maximumf %max3A_530, %gather3A_536 : vector<16xf32>
      %xor3A_538 = arith.constant 2 : i32
      %xor3A_539 = vector.broadcast %xor3A_538 : i32 to vector<16xi32>
      %xor3A_540 = arith.xori %iota3A_523, %xor3A_539 : vector<16xi32>
      %broadcast_in_dim3A_541 = vector.shape_cast %xor3A_540 : vector<16xi32> to vector<16x1xi32>
      %gather3A_542 = vector.shape_cast %broadcast_in_dim3A_541 : vector<16x1xi32> to vector<16xi32>
      %gather3A_543 = tpu.dynamic_gather %max3A_537[%gather3A_542] in [0] : vector<16xf32>, vector<16xi32> -> vector<16xf32>
      %max3A_544 = arith.maximumf %max3A_537, %gather3A_543 : vector<16xf32>
      %xor3A_545 = arith.constant 1 : i32
      %xor3A_546 = vector.broadcast %xor3A_545 : i32 to vector<16xi32>
      %xor3A_547 = arith.xori %iota3A_523, %xor3A_546 : vector<16xi32>
      %broadcast_in_dim3A_548 = vector.shape_cast %xor3A_547 : vector<16xi32> to vector<16x1xi32>
      %gather3A_549 = vector.shape_cast %broadcast_in_dim3A_548 : vector<16x1xi32> to vector<16xi32>
      %gather3A_550 = tpu.dynamic_gather %max3A_544[%gather3A_549] in [0] : vector<16xf32>, vector<16xi32> -> vector<16xf32>
      %max3A_551 = arith.maximumf %max3A_544, %gather3A_550 : vector<16xf32>
      %slice3A_552 = vector.extract_strided_slice %max3A_551 {offsets = [0], sizes = [1], strides = [1]} : vector<16xf32> to vector<1xf32>
      %squeeze3A_553 = vector.extract %slice3A_552[0] : f32 from vector<1xf32>
      %swap3A_554 = arith.index_cast %scan3A_495 : i32 to index
      %swap3A_555 = memref.load %arg9[%swap3A_554] : memref<512xi32, #tpu.memory_space<smem>>
      memref.store %add3A_499, %arg9[%swap3A_554] : memref<512xi32, #tpu.memory_space<smem>>
      %gt3A = arith.cmpf ogt, %squeeze3A_553, %squeeze3A_189 : f32
      %convert_element_type3A = arith.extui %gt3A : i1 to i32
      %add3A_556 = arith.addi %scan3A_495, %convert_element_type3A : i32
      %mul3A_557 = arith.constant 2 : i32
      %mul3A_558 = arith.muli %scan3A_494, %mul3A_557 : i32
      %add3A_559 = arith.constant 1 : i32
      %add3A_560 = arith.addi %mul3A_558, %add3A_559 : i32
      %mul3A_561 = arith.constant 64 : i32
      %mul3A_562 = arith.muli %add3A_560, %mul3A_561 : i32
      %get3A_563 = arith.index_cast %mul3A_562 : i32 to index
      %get3A_564 = tpu.vector_load %arg5[%get3A_563] {strides = array<i32>} : memref<32768xf32, #tpu.memory_space<vmem>>, vector<16xf32>,
      %get3A_565 = vector.shape_cast %get3A_564 : vector<16xf32> to vector<16xf32>
      %add3A_566 = arith.constant 16 : i32
      %add3A_567 = arith.addi %mul3A_562, %add3A_566 : i32
      %get3A_568 = arith.index_cast %add3A_567 : i32 to index
      %get3A_569 = tpu.vector_load %arg5[%get3A_568] {strides = array<i32>} : memref<32768xf32, #tpu.memory_space<vmem>>, vector<16xf32>,
      %get3A_570 = vector.shape_cast %get3A_569 : vector<16xf32> to vector<16xf32>
      %max3A_571 = arith.maximumf %get3A_565, %get3A_570 : vector<16xf32>
      %add3A_572 = arith.constant 32 : i32
      %add3A_573 = arith.addi %mul3A_562, %add3A_572 : i32
      %get3A_574 = arith.index_cast %add3A_573 : i32 to index
      %get3A_575 = tpu.vector_load %arg5[%get3A_574] {strides = array<i32>} : memref<32768xf32, #tpu.memory_space<vmem>>, vector<16xf32>,
      %get3A_576 = vector.shape_cast %get3A_575 : vector<16xf32> to vector<16xf32>
      %max3A_577 = arith.maximumf %max3A_571, %get3A_576 : vector<16xf32>
      %add3A_578 = arith.constant 48 : i32
      %add3A_579 = arith.addi %mul3A_562, %add3A_578 : i32
      %get3A_580 = arith.index_cast %add3A_579 : i32 to index
      %get3A_581 = tpu.vector_load %arg5[%get3A_580] {strides = array<i32>} : memref<32768xf32, #tpu.memory_space<vmem>>, vector<16xf32>,
      %get3A_582 = vector.shape_cast %get3A_581 : vector<16xf32> to vector<16xf32>
      %max3A_583 = arith.maximumf %max3A_577, %get3A_582 : vector<16xf32>
      %iota3A_584 = tpu.iota {dimensions = array<i32: 0>} : vector<16xi32>
      %xor3A_585 = arith.constant 8 : i32
      %xor3A_586 = vector.broadcast %xor3A_585 : i32 to vector<16xi32>
      %xor3A_587 = arith.xori %iota3A_584, %xor3A_586 : vector<16xi32>
      %broadcast_in_dim3A_588 = vector.shape_cast %xor3A_587 : vector<16xi32> to vector<16x1xi32>
      %gather3A_589 = vector.shape_cast %broadcast_in_dim3A_588 : vector<16x1xi32> to vector<16xi32>
      %gather3A_590 = tpu.dynamic_gather %max3A_583[%gather3A_589] in [0] : vector<16xf32>, vector<16xi32> -> vector<16xf32>
      %max3A_591 = arith.maximumf %max3A_583, %gather3A_590 : vector<16xf32>
      %xor3A_592 = arith.constant 4 : i32
      %xor3A_593 = vector.broadcast %xor3A_592 : i32 to vector<16xi32>
      %xor3A_594 = arith.xori %iota3A_584, %xor3A_593 : vector<16xi32>
      %broadcast_in_dim3A_595 = vector.shape_cast %xor3A_594 : vector<16xi32> to vector<16x1xi32>
      %gather3A_596 = vector.shape_cast %broadcast_in_dim3A_595 : vector<16x1xi32> to vector<16xi32>
      %gather3A_597 = tpu.dynamic_gather %max3A_591[%gather3A_596] in [0] : vector<16xf32>, vector<16xi32> -> vector<16xf32>
      %max3A_598 = arith.maximumf %max3A_591, %gather3A_597 : vector<16xf32>
      %xor3A_599 = arith.constant 2 : i32
      %xor3A_600 = vector.broadcast %xor3A_599 : i32 to vector<16xi32>
      %xor3A_601 = arith.xori %iota3A_584, %xor3A_600 : vector<16xi32>
      %broadcast_in_dim3A_602 = vector.shape_cast %xor3A_601 : vector<16xi32> to vector<16x1xi32>
      %gather3A_603 = vector.shape_cast %broadcast_in_dim3A_602 : vector<16x1xi32> to vector<16xi32>
      %gather3A_604 = tpu.dynamic_gather %max3A_598[%gather3A_603] in [0] : vector<16xf32>, vector<16xi32> -> vector<16xf32>
      %max3A_605 = arith.maximumf %max3A_598, %gather3A_604 : vector<16xf32>
      %xor3A_606 = arith.constant 1 : i32
      %xor3A_607 = vector.broadcast %xor3A_606 : i32 to vector<16xi32>
      %xor3A_608 = arith.xori %iota3A_584, %xor3A_607 : vector<16xi32>
      %broadcast_in_dim3A_609 = vector.shape_cast %xor3A_608 : vector<16xi32> to vector<16x1xi32>
      %gather3A_610 = vector.shape_cast %broadcast_in_dim3A_609 : vector<16x1xi32> to vector<16xi32>
      %gather3A_611 = tpu.dynamic_gather %max3A_605[%gather3A_610] in [0] : vector<16xf32>, vector<16xi32> -> vector<16xf32>
      %max3A_612 = arith.maximumf %max3A_605, %gather3A_611 : vector<16xf32>
      %slice3A_613 = vector.extract_strided_slice %max3A_612 {offsets = [0], sizes = [1], strides = [1]} : vector<16xf32> to vector<1xf32>
      %squeeze3A_614 = vector.extract %slice3A_613[0] : f32 from vector<1xf32>
      %swap3A_615 = arith.index_cast %add3A_556 : i32 to index
      %swap3A_616 = memref.load %arg9[%swap3A_615] : memref<512xi32, #tpu.memory_space<smem>>
      memref.store %add3A_560, %arg9[%swap3A_615] : memref<512xi32, #tpu.memory_space<smem>>
      %gt3A_617 = arith.cmpf ogt, %squeeze3A_614, %squeeze3A_189 : f32
      %convert_element_type3A_618 = arith.extui %gt3A_617 : i1 to i32
      %add3A_619 = arith.addi %add3A_556, %convert_element_type3A_618 : i32
      scf.yield %add3A_619 : i32
    }
    %scan3A_196 = arith.constant 256 : i32
    %swap3A_197 = arith.constant 0 : index
    %swap3A_198 = tpu.vector_load %arg7[%swap3A_197] {strides = array<i32>} : memref<16xf32, #tpu.memory_space<vmem>>, vector<16xf32>,
    %swap3A_199 = vector.shape_cast %swap3A_198 : vector<16xf32> to vector<16xf32>
    %swap3A_200 = vector.shape_cast %sub3A_187 : vector<16xf32> to vector<16xf32>
    tpu.vector_store %arg7[%swap3A_197], %swap3A_200 {strides = array<i32>} : memref<16xf32, #tpu.memory_space<vmem>>, vector<16xf32>,
    %swap3A_201 = arith.constant 0 : i32
    %swap3A_202 = arith.constant 0 : i32
    %swap3A_203 = arith.index_cast %swap3A_202 : i32 to index
    %swap3A_204 = memref.load %arg10[%swap3A_203] : memref<1xi32, #tpu.memory_space<smem>>
    memref.store %swap3A_201, %arg10[%swap3A_203] : memref<1xi32, #tpu.memory_space<smem>>
    "tpu.trace_start"() <{level = 10 : i32, message = "p2_michelot"}> : () -> ()
    %scan3A_205 = arith.constant 0 : i32
    %scan3A_206 = arith.constant 0 : i32
    %scan3A_207 = arith.constant 24 : i32
    %scan3A_208 = arith.addi %scan3A_206, %scan3A_207 : i32
    %scan3A_209 = arith.constant 1 : i32
    scf.for %scan3A_494 = %scan3A_206 to %scan3A_208 step %scan3A_209  : i32 {
      %get3A_495 = arith.constant 0 : i32
      %get3A_496 = arith.index_cast %get3A_495 : i32 to index
      %get3A_497 = memref.load %arg10[%get3A_496] : memref<1xi32, #tpu.memory_space<smem>>
      %eq3A = arith.constant 0 : i32
      %eq3A_498 = arith.cmpi eq, %get3A_497, %eq3A : i32
      %convert_element_type3A = arith.extui %eq3A_498 : i1 to i32
      %cond3A = arith.constant 0 : i32
      %cond3A_499 = arith.cmpi ne, %convert_element_type3A, %cond3A : i32
      scf.if %cond3A_499 {
        %get3A_500 = arith.constant 0 : index
        %get3A_501 = tpu.vector_load %arg7[%get3A_500] {strides = array<i32>} : memref<16xf32, #tpu.memory_space<vmem>>, vector<16xf32>,
        %get3A_502 = vector.shape_cast %get3A_501 : vector<16xf32> to vector<16xf32>
        %while3A_503 = arith.constant 0 : i32
        %while3A_504 = arith.subi %scan3A_195, %while3A_503 : i32
        %while3A_505 = arith.addi %while3A_503, %while3A_504 : i32
        %while3A_506 = arith.constant 1 : i32
        %while3A_507 = arith.divsi %while3A_504, %while3A_506 : i32
        %while3A_508 = arith.muli %while3A_507, %while3A_506 : i32
        %while3A_509 = arith.addi %while3A_503, %while3A_508 : i32
        %while3A_510 = arith.constant 1 : i32
        %while3A_511:2 = scf.for %while3A_588 = %while3A_503 to %while3A_509 step %while3A_510 iter_args(%while3A_589 = %broadcast_in_dim3A_140, %while3A_590 = %broadcast_in_dim3A_140) -> (vector<16xf32>, vector<16xf32>)  : i32 {
          %get3A_591 = arith.index_cast %while3A_588 : i32 to index
          %get3A_592 = memref.load %arg9[%get3A_591] : memref<512xi32, #tpu.memory_space<smem>>
          %mul3A_593 = arith.constant 64 : i32
          %mul3A_594 = arith.muli %get3A_592, %mul3A_593 : i32
          %add3A_595 = arith.constant 0 : i32
          %add3A_596 = arith.addi %mul3A_594, %add3A_595 : i32
          %get3A_597 = arith.index_cast %add3A_596 : i32 to index
          %get3A_598 = tpu.vector_load %arg5[%get3A_597] {strides = array<i32>} : memref<32768xf32, #tpu.memory_space<vmem>>, vector<16xf32>,
          %get3A_599 = vector.shape_cast %get3A_598 : vector<16xf32> to vector<16xf32>
          %gt3A = arith.cmpf ogt, %get3A_599, %get3A_502 : vector<16xf32>
          %jit3A = arith.constant 0.000000e+00 : f32
          %broadcast_in_dim3A_600 = vector.broadcast %jit3A : f32 to vector<16xf32>
          %select_n3A = arith.select %gt3A, %get3A_599, %broadcast_in_dim3A_600 : vector<16xi1>, vector<16xf32>
          %add3A_601 = arith.addf %while3A_589, %select_n3A : vector<16xf32>
          %jit3A_602 = arith.constant 1.000000e+00 : f32
          %jit3A_603 = arith.constant 0.000000e+00 : f32
          %broadcast_in_dim3A_604 = vector.broadcast %jit3A_602 : f32 to vector<16xf32>
          %broadcast_in_dim3A_605 = vector.broadcast %jit3A_603 : f32 to vector<16xf32>
          %select_n3A_606 = arith.select %gt3A, %broadcast_in_dim3A_604, %broadcast_in_dim3A_605 : vector<16xi1>, vector<16xf32>
          %add3A_607 = arith.addf %while3A_590, %select_n3A_606 : vector<16xf32>
          %add3A_608 = arith.constant 16 : i32
          %add3A_609 = arith.addi %mul3A_594, %add3A_608 : i32
          %get3A_610 = arith.index_cast %add3A_609 : i32 to index
          %get3A_611 = tpu.vector_load %arg5[%get3A_610] {strides = array<i32>} : memref<32768xf32, #tpu.memory_space<vmem>>, vector<16xf32>,
          %get3A_612 = vector.shape_cast %get3A_611 : vector<16xf32> to vector<16xf32>
          %gt3A_613 = arith.cmpf ogt, %get3A_612, %get3A_502 : vector<16xf32>
          %jit3A_614 = arith.constant 0.000000e+00 : f32
          %broadcast_in_dim3A_615 = vector.broadcast %jit3A_614 : f32 to vector<16xf32>
          %select_n3A_616 = arith.select %gt3A_613, %get3A_612, %broadcast_in_dim3A_615 : vector<16xi1>, vector<16xf32>
          %add3A_617 = arith.addf %add3A_601, %select_n3A_616 : vector<16xf32>
          %jit3A_618 = arith.constant 1.000000e+00 : f32
          %jit3A_619 = arith.constant 0.000000e+00 : f32
          %broadcast_in_dim3A_620 = vector.broadcast %jit3A_618 : f32 to vector<16xf32>
          %broadcast_in_dim3A_621 = vector.broadcast %jit3A_619 : f32 to vector<16xf32>
          %select_n3A_622 = arith.select %gt3A_613, %broadcast_in_dim3A_620, %broadcast_in_dim3A_621 : vector<16xi1>, vector<16xf32>
          %add3A_623 = arith.addf %add3A_607, %select_n3A_622 : vector<16xf32>
          %add3A_624 = arith.constant 32 : i32
          %add3A_625 = arith.addi %mul3A_594, %add3A_624 : i32
          %get3A_626 = arith.index_cast %add3A_625 : i32 to index
          %get3A_627 = tpu.vector_load %arg5[%get3A_626] {strides = array<i32>} : memref<32768xf32, #tpu.memory_space<vmem>>, vector<16xf32>,
          %get3A_628 = vector.shape_cast %get3A_627 : vector<16xf32> to vector<16xf32>
          %gt3A_629 = arith.cmpf ogt, %get3A_628, %get3A_502 : vector<16xf32>
          %jit3A_630 = arith.constant 0.000000e+00 : f32
          %broadcast_in_dim3A_631 = vector.broadcast %jit3A_630 : f32 to vector<16xf32>
          %select_n3A_632 = arith.select %gt3A_629, %get3A_628, %broadcast_in_dim3A_631 : vector<16xi1>, vector<16xf32>
          %add3A_633 = arith.addf %add3A_617, %select_n3A_632 : vector<16xf32>
          %jit3A_634 = arith.constant 1.000000e+00 : f32
          %jit3A_635 = arith.constant 0.000000e+00 : f32
          %broadcast_in_dim3A_636 = vector.broadcast %jit3A_634 : f32 to vector<16xf32>
          %broadcast_in_dim3A_637 = vector.broadcast %jit3A_635 : f32 to vector<16xf32>
          %select_n3A_638 = arith.select %gt3A_629, %broadcast_in_dim3A_636, %broadcast_in_dim3A_637 : vector<16xi1>, vector<16xf32>
          %add3A_639 = arith.addf %add3A_623, %select_n3A_638 : vector<16xf32>
          %add3A_640 = arith.constant 48 : i32
          %add3A_641 = arith.addi %mul3A_594, %add3A_640 : i32
          %get3A_642 = arith.index_cast %add3A_641 : i32 to index
          %get3A_643 = tpu.vector_load %arg5[%get3A_642] {strides = array<i32>} : memref<32768xf32, #tpu.memory_space<vmem>>, vector<16xf32>,
          %get3A_644 = vector.shape_cast %get3A_643 : vector<16xf32> to vector<16xf32>
          %gt3A_645 = arith.cmpf ogt, %get3A_644, %get3A_502 : vector<16xf32>
          %jit3A_646 = arith.constant 0.000000e+00 : f32
          %broadcast_in_dim3A_647 = vector.broadcast %jit3A_646 : f32 to vector<16xf32>
          %select_n3A_648 = arith.select %gt3A_645, %get3A_644, %broadcast_in_dim3A_647 : vector<16xi1>, vector<16xf32>
          %add3A_649 = arith.addf %add3A_633, %select_n3A_648 : vector<16xf32>
          %jit3A_650 = arith.constant 1.000000e+00 : f32
          %jit3A_651 = arith.constant 0.000000e+00 : f32
          %broadcast_in_dim3A_652 = vector.broadcast %jit3A_650 : f32 to vector<16xf32>
          %broadcast_in_dim3A_653 = vector.broadcast %jit3A_651 : f32 to vector<16xf32>
          %select_n3A_654 = arith.select %gt3A_645, %broadcast_in_dim3A_652, %broadcast_in_dim3A_653 : vector<16xi1>, vector<16xf32>
          %add3A_655 = arith.addf %add3A_639, %select_n3A_654 : vector<16xf32>
          scf.yield %add3A_649, %add3A_655 : vector<16xf32>, vector<16xf32>
        }
        %while3A_512 = arith.constant 1 : i32
        %while3A_513:2 = scf.for %while3A_588 = %while3A_509 to %while3A_505 step %while3A_512 iter_args(%while3A_589 = %while3A_511#0, %while3A_590 = %while3A_511#1) -> (vector<16xf32>, vector<16xf32>)  : i32 {
          %get3A_591 = arith.index_cast %while3A_588 : i32 to index
          %get3A_592 = memref.load %arg9[%get3A_591] : memref<512xi32, #tpu.memory_space<smem>>
          %mul3A_593 = arith.constant 64 : i32
          %mul3A_594 = arith.muli %get3A_592, %mul3A_593 : i32
          %add3A_595 = arith.constant 0 : i32
          %add3A_596 = arith.addi %mul3A_594, %add3A_595 : i32
          %get3A_597 = arith.index_cast %add3A_596 : i32 to index
          %get3A_598 = tpu.vector_load %arg5[%get3A_597] {strides = array<i32>} : memref<32768xf32, #tpu.memory_space<vmem>>, vector<16xf32>,
          %get3A_599 = vector.shape_cast %get3A_598 : vector<16xf32> to vector<16xf32>
          %gt3A = arith.cmpf ogt, %get3A_599, %get3A_502 : vector<16xf32>
          %jit3A = arith.constant 0.000000e+00 : f32
          %broadcast_in_dim3A_600 = vector.broadcast %jit3A : f32 to vector<16xf32>
          %select_n3A = arith.select %gt3A, %get3A_599, %broadcast_in_dim3A_600 : vector<16xi1>, vector<16xf32>
          %add3A_601 = arith.addf %while3A_589, %select_n3A : vector<16xf32>
          %jit3A_602 = arith.constant 1.000000e+00 : f32
          %jit3A_603 = arith.constant 0.000000e+00 : f32
          %broadcast_in_dim3A_604 = vector.broadcast %jit3A_602 : f32 to vector<16xf32>
          %broadcast_in_dim3A_605 = vector.broadcast %jit3A_603 : f32 to vector<16xf32>
          %select_n3A_606 = arith.select %gt3A, %broadcast_in_dim3A_604, %broadcast_in_dim3A_605 : vector<16xi1>, vector<16xf32>
          %add3A_607 = arith.addf %while3A_590, %select_n3A_606 : vector<16xf32>
          %add3A_608 = arith.constant 16 : i32
          %add3A_609 = arith.addi %mul3A_594, %add3A_608 : i32
          %get3A_610 = arith.index_cast %add3A_609 : i32 to index
          %get3A_611 = tpu.vector_load %arg5[%get3A_610] {strides = array<i32>} : memref<32768xf32, #tpu.memory_space<vmem>>, vector<16xf32>,
          %get3A_612 = vector.shape_cast %get3A_611 : vector<16xf32> to vector<16xf32>
          %gt3A_613 = arith.cmpf ogt, %get3A_612, %get3A_502 : vector<16xf32>
          %jit3A_614 = arith.constant 0.000000e+00 : f32
          %broadcast_in_dim3A_615 = vector.broadcast %jit3A_614 : f32 to vector<16xf32>
          %select_n3A_616 = arith.select %gt3A_613, %get3A_612, %broadcast_in_dim3A_615 : vector<16xi1>, vector<16xf32>
          %add3A_617 = arith.addf %add3A_601, %select_n3A_616 : vector<16xf32>
          %jit3A_618 = arith.constant 1.000000e+00 : f32
          %jit3A_619 = arith.constant 0.000000e+00 : f32
          %broadcast_in_dim3A_620 = vector.broadcast %jit3A_618 : f32 to vector<16xf32>
          %broadcast_in_dim3A_621 = vector.broadcast %jit3A_619 : f32 to vector<16xf32>
          %select_n3A_622 = arith.select %gt3A_613, %broadcast_in_dim3A_620, %broadcast_in_dim3A_621 : vector<16xi1>, vector<16xf32>
          %add3A_623 = arith.addf %add3A_607, %select_n3A_622 : vector<16xf32>
          %add3A_624 = arith.constant 32 : i32
          %add3A_625 = arith.addi %mul3A_594, %add3A_624 : i32
          %get3A_626 = arith.index_cast %add3A_625 : i32 to index
          %get3A_627 = tpu.vector_load %arg5[%get3A_626] {strides = array<i32>} : memref<32768xf32, #tpu.memory_space<vmem>>, vector<16xf32>,
          %get3A_628 = vector.shape_cast %get3A_627 : vector<16xf32> to vector<16xf32>
          %gt3A_629 = arith.cmpf ogt, %get3A_628, %get3A_502 : vector<16xf32>
          %jit3A_630 = arith.constant 0.000000e+00 : f32
          %broadcast_in_dim3A_631 = vector.broadcast %jit3A_630 : f32 to vector<16xf32>
          %select_n3A_632 = arith.select %gt3A_629, %get3A_628, %broadcast_in_dim3A_631 : vector<16xi1>, vector<16xf32>
          %add3A_633 = arith.addf %add3A_617, %select_n3A_632 : vector<16xf32>
          %jit3A_634 = arith.constant 1.000000e+00 : f32
          %jit3A_635 = arith.constant 0.000000e+00 : f32
          %broadcast_in_dim3A_636 = vector.broadcast %jit3A_634 : f32 to vector<16xf32>
          %broadcast_in_dim3A_637 = vector.broadcast %jit3A_635 : f32 to vector<16xf32>
          %select_n3A_638 = arith.select %gt3A_629, %broadcast_in_dim3A_636, %broadcast_in_dim3A_637 : vector<16xi1>, vector<16xf32>
          %add3A_639 = arith.addf %add3A_623, %select_n3A_638 : vector<16xf32>
          %add3A_640 = arith.constant 48 : i32
          %add3A_641 = arith.addi %mul3A_594, %add3A_640 : i32
          %get3A_642 = arith.index_cast %add3A_641 : i32 to index
          %get3A_643 = tpu.vector_load %arg5[%get3A_642] {strides = array<i32>} : memref<32768xf32, #tpu.memory_space<vmem>>, vector<16xf32>,
          %get3A_644 = vector.shape_cast %get3A_643 : vector<16xf32> to vector<16xf32>
          %gt3A_645 = arith.cmpf ogt, %get3A_644, %get3A_502 : vector<16xf32>
          %jit3A_646 = arith.constant 0.000000e+00 : f32
          %broadcast_in_dim3A_647 = vector.broadcast %jit3A_646 : f32 to vector<16xf32>
          %select_n3A_648 = arith.select %gt3A_645, %get3A_644, %broadcast_in_dim3A_647 : vector<16xi1>, vector<16xf32>
          %add3A_649 = arith.addf %add3A_633, %select_n3A_648 : vector<16xf32>
          %jit3A_650 = arith.constant 1.000000e+00 : f32
          %jit3A_651 = arith.constant 0.000000e+00 : f32
          %broadcast_in_dim3A_652 = vector.broadcast %jit3A_650 : f32 to vector<16xf32>
          %broadcast_in_dim3A_653 = vector.broadcast %jit3A_651 : f32 to vector<16xf32>
          %select_n3A_654 = arith.select %gt3A_645, %broadcast_in_dim3A_652, %broadcast_in_dim3A_653 : vector<16xi1>, vector<16xf32>
          %add3A_655 = arith.addf %add3A_639, %select_n3A_654 : vector<16xf32>
          scf.yield %add3A_649, %add3A_655 : vector<16xf32>, vector<16xf32>
        }
        %iota3A_514 = tpu.iota {dimensions = array<i32: 0>} : vector<16xi32>
        %xor3A_515 = arith.constant 8 : i32
        %xor3A_516 = vector.broadcast %xor3A_515 : i32 to vector<16xi32>
        %xor3A_517 = arith.xori %iota3A_514, %xor3A_516 : vector<16xi32>
        %broadcast_in_dim3A_518 = vector.shape_cast %xor3A_517 : vector<16xi32> to vector<16x1xi32>
        %gather3A_519 = vector.shape_cast %broadcast_in_dim3A_518 : vector<16x1xi32> to vector<16xi32>
        %gather3A_520 = tpu.dynamic_gather %while3A_513#0[%gather3A_519] in [0] : vector<16xf32>, vector<16xi32> -> vector<16xf32>
        %add3A_521 = arith.addf %while3A_513#0, %gather3A_520 : vector<16xf32>
        %xor3A_522 = arith.constant 4 : i32
        %xor3A_523 = vector.broadcast %xor3A_522 : i32 to vector<16xi32>
        %xor3A_524 = arith.xori %iota3A_514, %xor3A_523 : vector<16xi32>
        %broadcast_in_dim3A_525 = vector.shape_cast %xor3A_524 : vector<16xi32> to vector<16x1xi32>
        %gather3A_526 = vector.shape_cast %broadcast_in_dim3A_525 : vector<16x1xi32> to vector<16xi32>
        %gather3A_527 = tpu.dynamic_gather %add3A_521[%gather3A_526] in [0] : vector<16xf32>, vector<16xi32> -> vector<16xf32>
        %add3A_528 = arith.addf %add3A_521, %gather3A_527 : vector<16xf32>
        %xor3A_529 = arith.constant 2 : i32
        %xor3A_530 = vector.broadcast %xor3A_529 : i32 to vector<16xi32>
        %xor3A_531 = arith.xori %iota3A_514, %xor3A_530 : vector<16xi32>
        %broadcast_in_dim3A_532 = vector.shape_cast %xor3A_531 : vector<16xi32> to vector<16x1xi32>
        %gather3A_533 = vector.shape_cast %broadcast_in_dim3A_532 : vector<16x1xi32> to vector<16xi32>
        %gather3A_534 = tpu.dynamic_gather %add3A_528[%gather3A_533] in [0] : vector<16xf32>, vector<16xi32> -> vector<16xf32>
        %add3A_535 = arith.addf %add3A_528, %gather3A_534 : vector<16xf32>
        %xor3A_536 = arith.constant 1 : i32
        %xor3A_537 = vector.broadcast %xor3A_536 : i32 to vector<16xi32>
        %xor3A_538 = arith.xori %iota3A_514, %xor3A_537 : vector<16xi32>
        %broadcast_in_dim3A_539 = vector.shape_cast %xor3A_538 : vector<16xi32> to vector<16x1xi32>
        %gather3A_540 = vector.shape_cast %broadcast_in_dim3A_539 : vector<16x1xi32> to vector<16xi32>
        %gather3A_541 = tpu.dynamic_gather %add3A_535[%gather3A_540] in [0] : vector<16xf32>, vector<16xi32> -> vector<16xf32>
        %add3A_542 = arith.addf %add3A_535, %gather3A_541 : vector<16xf32>
        %iota3A_543 = tpu.iota {dimensions = array<i32: 0>} : vector<16xi32>
        %xor3A_544 = arith.constant 8 : i32
        %xor3A_545 = vector.broadcast %xor3A_544 : i32 to vector<16xi32>
        %xor3A_546 = arith.xori %iota3A_543, %xor3A_545 : vector<16xi32>
        %broadcast_in_dim3A_547 = vector.shape_cast %xor3A_546 : vector<16xi32> to vector<16x1xi32>
        %gather3A_548 = vector.shape_cast %broadcast_in_dim3A_547 : vector<16x1xi32> to vector<16xi32>
        %gather3A_549 = tpu.dynamic_gather %while3A_513#1[%gather3A_548] in [0] : vector<16xf32>, vector<16xi32> -> vector<16xf32>
        %add3A_550 = arith.addf %while3A_513#1, %gather3A_549 : vector<16xf32>
        %xor3A_551 = arith.constant 4 : i32
        %xor3A_552 = vector.broadcast %xor3A_551 : i32 to vector<16xi32>
        %xor3A_553 = arith.xori %iota3A_543, %xor3A_552 : vector<16xi32>
        %broadcast_in_dim3A_554 = vector.shape_cast %xor3A_553 : vector<16xi32> to vector<16x1xi32>
        %gather3A_555 = vector.shape_cast %broadcast_in_dim3A_554 : vector<16x1xi32> to vector<16xi32>
        %gather3A_556 = tpu.dynamic_gather %add3A_550[%gather3A_555] in [0] : vector<16xf32>, vector<16xi32> -> vector<16xf32>
        %add3A_557 = arith.addf %add3A_550, %gather3A_556 : vector<16xf32>
        %xor3A_558 = arith.constant 2 : i32
        %xor3A_559 = vector.broadcast %xor3A_558 : i32 to vector<16xi32>
        %xor3A_560 = arith.xori %iota3A_543, %xor3A_559 : vector<16xi32>
        %broadcast_in_dim3A_561 = vector.shape_cast %xor3A_560 : vector<16xi32> to vector<16x1xi32>
        %gather3A_562 = vector.shape_cast %broadcast_in_dim3A_561 : vector<16x1xi32> to vector<16xi32>
        %gather3A_563 = tpu.dynamic_gather %add3A_557[%gather3A_562] in [0] : vector<16xf32>, vector<16xi32> -> vector<16xf32>
        %add3A_564 = arith.addf %add3A_557, %gather3A_563 : vector<16xf32>
        %xor3A_565 = arith.constant 1 : i32
        %xor3A_566 = vector.broadcast %xor3A_565 : i32 to vector<16xi32>
        %xor3A_567 = arith.xori %iota3A_543, %xor3A_566 : vector<16xi32>
        %broadcast_in_dim3A_568 = vector.shape_cast %xor3A_567 : vector<16xi32> to vector<16x1xi32>
        %gather3A_569 = vector.shape_cast %broadcast_in_dim3A_568 : vector<16x1xi32> to vector<16xi32>
        %gather3A_570 = tpu.dynamic_gather %add3A_564[%gather3A_569] in [0] : vector<16xf32>, vector<16xi32> -> vector<16xf32>
        %add3A_571 = arith.addf %add3A_564, %gather3A_570 : vector<16xf32>
        %sub3A_572 = arith.constant 1.000000e+00 : f32
        %sub3A_573 = vector.broadcast %sub3A_572 : f32 to vector<16xf32>
        %sub3A_574 = arith.subf %add3A_542, %sub3A_573 : vector<16xf32>
        %div3A = arith.divf %sub3A_574, %add3A_571 : vector<16xf32>
        %slice3A_575 = vector.extract_strided_slice %div3A {offsets = [0], sizes = [1], strides = [1]} : vector<16xf32> to vector<1xf32>
        %squeeze3A_576 = vector.extract %slice3A_575[0] : f32 from vector<1xf32>
        %slice3A_577 = vector.extract_strided_slice %get3A_502 {offsets = [0], sizes = [1], strides = [1]} : vector<16xf32> to vector<1xf32>
        %squeeze3A_578 = vector.extract %slice3A_577[0] : f32 from vector<1xf32>
        %le3A = arith.cmpf ole, %squeeze3A_576, %squeeze3A_578 : f32
        %convert_element_type3A_579 = arith.extui %le3A : i1 to i32
        %swap3A_580 = arith.constant 0 : i32
        %swap3A_581 = arith.index_cast %swap3A_580 : i32 to index
        %swap3A_582 = memref.load %arg10[%swap3A_581] : memref<1xi32, #tpu.memory_space<smem>>
        memref.store %convert_element_type3A_579, %arg10[%swap3A_581] : memref<1xi32, #tpu.memory_space<smem>>
        %max3A_583 = arith.maximumf %div3A, %get3A_502 : vector<16xf32>
        %swap3A_584 = arith.constant 0 : index
        %swap3A_585 = tpu.vector_load %arg7[%swap3A_584] {strides = array<i32>} : memref<16xf32, #tpu.memory_space<vmem>>, vector<16xf32>,
        %swap3A_586 = vector.shape_cast %swap3A_585 : vector<16xf32> to vector<16xf32>
        %swap3A_587 = vector.shape_cast %max3A_583 : vector<16xf32> to vector<16xf32>
        tpu.vector_store %arg7[%swap3A_584], %swap3A_587 {strides = array<i32>} : memref<16xf32, #tpu.memory_space<vmem>>, vector<16xf32>,
      } else {
      }
    }
    %scan3A_210 = arith.constant 24 : i32
    "tpu.trace_stop"() : () -> ()
    %dma_wait3A_211 = arith.constant 0 : i32
    %dma_wait3A_212 = tpu.memref_slice %arg3[%add3A_116, %dma_wait3A_211] : memref<128x32768xf32, #tpu.memory_space<hbm>> -> memref<1x32768xf32, #tpu.memory_space<hbm>>
    %dma_wait3A_213 = tpu.memref_squeeze %dma_wait3A_212 : memref<1x32768xf32, #tpu.memory_space<hbm>> -> memref<32768xf32, #tpu.memory_space<hbm>>
    %dma_wait3A_214 = arith.constant 0 : i32
    %dma_wait3A_215 = tpu.memref_slice %arg3[%add3A_116, %dma_wait3A_214] : memref<128x32768xf32, #tpu.memory_space<hbm>> -> memref<1x32768xf32, #tpu.memory_space<hbm>>
    %dma_wait3A_216 = tpu.memref_squeeze %dma_wait3A_215 : memref<1x32768xf32, #tpu.memory_space<hbm>> -> memref<32768xf32, #tpu.memory_space<hbm>>
    tpu.wait_dma2 semaphore(%arg13 : memref<!tpu.dma_semaphore, #tpu.memory_space<semaphore_mem>>) src(%arg6 : memref<32768xf32, #tpu.memory_space<vmem>>) dst(%dma_wait3A_216 : memref<32768xf32, #tpu.memory_space<hbm>>)
    %while3A_217 = arith.constant 0 : i32
    %while3A_218 = arith.constant 0 : i32
    %while3A_219 = arith.subi %scan3A_78, %while3A_218 : i32
    %while3A_220 = arith.addi %while3A_218, %while3A_219 : i32
    %while3A_221 = arith.constant 1 : i32
    %while3A_222 = arith.divsi %while3A_219, %while3A_221 : i32
    %while3A_223 = arith.muli %while3A_222, %while3A_221 : i32
    %while3A_224 = arith.addi %while3A_218, %while3A_223 : i32
    %while3A_225 = arith.constant 1 : i32
    scf.for %while3A_494 = %while3A_218 to %while3A_224 step %while3A_225  : i32 {
      %get3A_495 = arith.index_cast %while3A_494 : i32 to index
      %get3A_496 = memref.load %arg8[%get3A_495] : memref<512xi32, #tpu.memory_space<smem>>
      %mul3A_497 = arith.constant 64 : i32
      %mul3A_498 = arith.muli %get3A_496, %mul3A_497 : i32
      %add3A_499 = arith.constant 0 : i32
      %add3A_500 = arith.addi %mul3A_498, %add3A_499 : i32
      %swap3A_501 = arith.index_cast %add3A_500 : i32 to index
      %swap3A_502 = tpu.vector_load %arg6[%swap3A_501] {strides = array<i32>} : memref<32768xf32, #tpu.memory_space<vmem>>, vector<16xf32>,
      %swap3A_503 = vector.shape_cast %swap3A_502 : vector<16xf32> to vector<16xf32>
      %swap3A_504 = vector.shape_cast %broadcast_in_dim3A_3 : vector<16xf32> to vector<16xf32>
      tpu.vector_store %arg6[%swap3A_501], %swap3A_504 {strides = array<i32>} : memref<32768xf32, #tpu.memory_space<vmem>>, vector<16xf32>,
      %add3A_505 = arith.constant 16 : i32
      %add3A_506 = arith.addi %mul3A_498, %add3A_505 : i32
      %swap3A_507 = arith.index_cast %add3A_506 : i32 to index
      %swap3A_508 = tpu.vector_load %arg6[%swap3A_507] {strides = array<i32>} : memref<32768xf32, #tpu.memory_space<vmem>>, vector<16xf32>,
      %swap3A_509 = vector.shape_cast %swap3A_508 : vector<16xf32> to vector<16xf32>
      %swap3A_510 = vector.shape_cast %broadcast_in_dim3A_3 : vector<16xf32> to vector<16xf32>
      tpu.vector_store %arg6[%swap3A_507], %swap3A_510 {strides = array<i32>} : memref<32768xf32, #tpu.memory_space<vmem>>, vector<16xf32>,
      %add3A_511 = arith.constant 32 : i32
      %add3A_512 = arith.addi %mul3A_498, %add3A_511 : i32
      %swap3A_513 = arith.index_cast %add3A_512 : i32 to index
      %swap3A_514 = tpu.vector_load %arg6[%swap3A_513] {strides = array<i32>} : memref<32768xf32, #tpu.memory_space<vmem>>, vector<16xf32>,
      %swap3A_515 = vector.shape_cast %swap3A_514 : vector<16xf32> to vector<16xf32>
      %swap3A_516 = vector.shape_cast %broadcast_in_dim3A_3 : vector<16xf32> to vector<16xf32>
      tpu.vector_store %arg6[%swap3A_513], %swap3A_516 {strides = array<i32>} : memref<32768xf32, #tpu.memory_space<vmem>>, vector<16xf32>,
      %add3A_517 = arith.constant 48 : i32
      %add3A_518 = arith.addi %mul3A_498, %add3A_517 : i32
      %swap3A_519 = arith.index_cast %add3A_518 : i32 to index
      %swap3A_520 = tpu.vector_load %arg6[%swap3A_519] {strides = array<i32>} : memref<32768xf32, #tpu.memory_space<vmem>>, vector<16xf32>,
      %swap3A_521 = vector.shape_cast %swap3A_520 : vector<16xf32> to vector<16xf32>
      %swap3A_522 = vector.shape_cast %broadcast_in_dim3A_3 : vector<16xf32> to vector<16xf32>
      tpu.vector_store %arg6[%swap3A_519], %swap3A_522 {strides = array<i32>} : memref<32768xf32, #tpu.memory_space<vmem>>, vector<16xf32>,
    }
    %while3A_226 = arith.constant 1 : i32
    scf.for %while3A_494 = %while3A_224 to %while3A_220 step %while3A_226  : i32 {
      %get3A_495 = arith.index_cast %while3A_494 : i32 to index
      %get3A_496 = memref.load %arg8[%get3A_495] : memref<512xi32, #tpu.memory_space<smem>>
      %mul3A_497 = arith.constant 64 : i32
      %mul3A_498 = arith.muli %get3A_496, %mul3A_497 : i32
      %add3A_499 = arith.constant 0 : i32
      %add3A_500 = arith.addi %mul3A_498, %add3A_499 : i32
      %swap3A_501 = arith.index_cast %add3A_500 : i32 to index
      %swap3A_502 = tpu.vector_load %arg6[%swap3A_501] {strides = array<i32>} : memref<32768xf32, #tpu.memory_space<vmem>>, vector<16xf32>,
      %swap3A_503 = vector.shape_cast %swap3A_502 : vector<16xf32> to vector<16xf32>
      %swap3A_504 = vector.shape_cast %broadcast_in_dim3A_3 : vector<16xf32> to vector<16xf32>
      tpu.vector_store %arg6[%swap3A_501], %swap3A_504 {strides = array<i32>} : memref<32768xf32, #tpu.memory_space<vmem>>, vector<16xf32>,
      %add3A_505 = arith.constant 16 : i32
      %add3A_506 = arith.addi %mul3A_498, %add3A_505 : i32
      %swap3A_507 = arith.index_cast %add3A_506 : i32 to index
      %swap3A_508 = tpu.vector_load %arg6[%swap3A_507] {strides = array<i32>} : memref<32768xf32, #tpu.memory_space<vmem>>, vector<16xf32>,
      %swap3A_509 = vector.shape_cast %swap3A_508 : vector<16xf32> to vector<16xf32>
      %swap3A_510 = vector.shape_cast %broadcast_in_dim3A_3 : vector<16xf32> to vector<16xf32>
      tpu.vector_store %arg6[%swap3A_507], %swap3A_510 {strides = array<i32>} : memref<32768xf32, #tpu.memory_space<vmem>>, vector<16xf32>,
      %add3A_511 = arith.constant 32 : i32
      %add3A_512 = arith.addi %mul3A_498, %add3A_511 : i32
      %swap3A_513 = arith.index_cast %add3A_512 : i32 to index
      %swap3A_514 = tpu.vector_load %arg6[%swap3A_513] {strides = array<i32>} : memref<32768xf32, #tpu.memory_space<vmem>>, vector<16xf32>,
      %swap3A_515 = vector.shape_cast %swap3A_514 : vector<16xf32> to vector<16xf32>
      %swap3A_516 = vector.shape_cast %broadcast_in_dim3A_3 : vector<16xf32> to vector<16xf32>
      tpu.vector_store %arg6[%swap3A_513], %swap3A_516 {strides = array<i32>} : memref<32768xf32, #tpu.memory_space<vmem>>, vector<16xf32>,
      %add3A_517 = arith.constant 48 : i32
      %add3A_518 = arith.addi %mul3A_498, %add3A_517 : i32
      %swap3A_519 = arith.index_cast %add3A_518 : i32 to index
      %swap3A_520 = tpu.vector_load %arg6[%swap3A_519] {strides = array<i32>} : memref<32768xf32, #tpu.memory_space<vmem>>, vector<16xf32>,
      %swap3A_521 = vector.shape_cast %swap3A_520 : vector<16xf32> to vector<16xf32>
      %swap3A_522 = vector.shape_cast %broadcast_in_dim3A_3 : vector<16xf32> to vector<16xf32>
      tpu.vector_store %arg6[%swap3A_519], %swap3A_522 {strides = array<i32>} : memref<32768xf32, #tpu.memory_space<vmem>>, vector<16xf32>,
    }
    %get3A_227 = arith.constant 0 : index
    %get3A_228 = tpu.vector_load %arg7[%get3A_227] {strides = array<i32>} : memref<16xf32, #tpu.memory_space<vmem>>, vector<16xf32>,
    %get3A_229 = vector.shape_cast %get3A_228 : vector<16xf32> to vector<16xf32>
    %while3A_230 = arith.constant 0 : i32
    %while3A_231 = arith.constant 0 : i32
    "tpu.trace_start"() <{level = 10 : i32, message = "p3_write"}> : () -> ()
    %while3A_232 = arith.subi %scan3A_195, %while3A_231 : i32
    %while3A_233 = arith.addi %while3A_231, %while3A_232 : i32
    %while3A_234 = arith.constant 1 : i32
    %while3A_235 = arith.divsi %while3A_232, %while3A_234 : i32
    %while3A_236 = arith.muli %while3A_235, %while3A_234 : i32
    %while3A_237 = arith.addi %while3A_231, %while3A_236 : i32
    %while3A_238 = arith.constant 1 : i32
    scf.for %while3A_494 = %while3A_231 to %while3A_237 step %while3A_238  : i32 {
      %get3A_495 = arith.index_cast %while3A_494 : i32 to index
      %get3A_496 = memref.load %arg9[%get3A_495] : memref<512xi32, #tpu.memory_space<smem>>
      %mul3A_497 = arith.constant 64 : i32
      %mul3A_498 = arith.muli %get3A_496, %mul3A_497 : i32
      %add3A_499 = arith.constant 0 : i32
      %add3A_500 = arith.addi %mul3A_498, %add3A_499 : i32
      %get3A_501 = arith.index_cast %add3A_500 : i32 to index
      %get3A_502 = tpu.vector_load %arg5[%get3A_501] {strides = array<i32>} : memref<32768xf32, #tpu.memory_space<vmem>>, vector<16xf32>,
      %get3A_503 = vector.shape_cast %get3A_502 : vector<16xf32> to vector<16xf32>
      %sub3A_504 = arith.subf %get3A_503, %get3A_229 : vector<16xf32>
      %max3A_505 = arith.constant 0.000000e+00 : f32
      %max3A_506 = vector.broadcast %max3A_505 : f32 to vector<16xf32>
      %max3A_507 = arith.maximumf %sub3A_504, %max3A_506 : vector<16xf32>
      %swap3A_508 = arith.index_cast %add3A_500 : i32 to index
      %swap3A_509 = tpu.vector_load %arg6[%swap3A_508] {strides = array<i32>} : memref<32768xf32, #tpu.memory_space<vmem>>, vector<16xf32>,
      %swap3A_510 = vector.shape_cast %swap3A_509 : vector<16xf32> to vector<16xf32>
      %swap3A_511 = vector.shape_cast %max3A_507 : vector<16xf32> to vector<16xf32>
      tpu.vector_store %arg6[%swap3A_508], %swap3A_511 {strides = array<i32>} : memref<32768xf32, #tpu.memory_space<vmem>>, vector<16xf32>,
      %add3A_512 = arith.constant 16 : i32
      %add3A_513 = arith.addi %mul3A_498, %add3A_512 : i32
      %get3A_514 = arith.index_cast %add3A_513 : i32 to index
      %get3A_515 = tpu.vector_load %arg5[%get3A_514] {strides = array<i32>} : memref<32768xf32, #tpu.memory_space<vmem>>, vector<16xf32>,
      %get3A_516 = vector.shape_cast %get3A_515 : vector<16xf32> to vector<16xf32>
      %sub3A_517 = arith.subf %get3A_516, %get3A_229 : vector<16xf32>
      %max3A_518 = arith.constant 0.000000e+00 : f32
      %max3A_519 = vector.broadcast %max3A_518 : f32 to vector<16xf32>
      %max3A_520 = arith.maximumf %sub3A_517, %max3A_519 : vector<16xf32>
      %swap3A_521 = arith.index_cast %add3A_513 : i32 to index
      %swap3A_522 = tpu.vector_load %arg6[%swap3A_521] {strides = array<i32>} : memref<32768xf32, #tpu.memory_space<vmem>>, vector<16xf32>,
      %swap3A_523 = vector.shape_cast %swap3A_522 : vector<16xf32> to vector<16xf32>
      %swap3A_524 = vector.shape_cast %max3A_520 : vector<16xf32> to vector<16xf32>
      tpu.vector_store %arg6[%swap3A_521], %swap3A_524 {strides = array<i32>} : memref<32768xf32, #tpu.memory_space<vmem>>, vector<16xf32>,
      %add3A_525 = arith.constant 32 : i32
      %add3A_526 = arith.addi %mul3A_498, %add3A_525 : i32
      %get3A_527 = arith.index_cast %add3A_526 : i32 to index
      %get3A_528 = tpu.vector_load %arg5[%get3A_527] {strides = array<i32>} : memref<32768xf32, #tpu.memory_space<vmem>>, vector<16xf32>,
      %get3A_529 = vector.shape_cast %get3A_528 : vector<16xf32> to vector<16xf32>
      %sub3A_530 = arith.subf %get3A_529, %get3A_229 : vector<16xf32>
      %max3A_531 = arith.constant 0.000000e+00 : f32
      %max3A_532 = vector.broadcast %max3A_531 : f32 to vector<16xf32>
      %max3A_533 = arith.maximumf %sub3A_530, %max3A_532 : vector<16xf32>
      %swap3A_534 = arith.index_cast %add3A_526 : i32 to index
      %swap3A_535 = tpu.vector_load %arg6[%swap3A_534] {strides = array<i32>} : memref<32768xf32, #tpu.memory_space<vmem>>, vector<16xf32>,
      %swap3A_536 = vector.shape_cast %swap3A_535 : vector<16xf32> to vector<16xf32>
      %swap3A_537 = vector.shape_cast %max3A_533 : vector<16xf32> to vector<16xf32>
      tpu.vector_store %arg6[%swap3A_534], %swap3A_537 {strides = array<i32>} : memref<32768xf32, #tpu.memory_space<vmem>>, vector<16xf32>,
      %add3A_538 = arith.constant 48 : i32
      %add3A_539 = arith.addi %mul3A_498, %add3A_538 : i32
      %get3A_540 = arith.index_cast %add3A_539 : i32 to index
      %get3A_541 = tpu.vector_load %arg5[%get3A_540] {strides = array<i32>} : memref<32768xf32, #tpu.memory_space<vmem>>, vector<16xf32>,
      %get3A_542 = vector.shape_cast %get3A_541 : vector<16xf32> to vector<16xf32>
      %sub3A_543 = arith.subf %get3A_542, %get3A_229 : vector<16xf32>
      %max3A_544 = arith.constant 0.000000e+00 : f32
      %max3A_545 = vector.broadcast %max3A_544 : f32 to vector<16xf32>
      %max3A_546 = arith.maximumf %sub3A_543, %max3A_545 : vector<16xf32>
      %swap3A_547 = arith.index_cast %add3A_539 : i32 to index
      %swap3A_548 = tpu.vector_load %arg6[%swap3A_547] {strides = array<i32>} : memref<32768xf32, #tpu.memory_space<vmem>>, vector<16xf32>,
      %swap3A_549 = vector.shape_cast %swap3A_548 : vector<16xf32> to vector<16xf32>
      %swap3A_550 = vector.shape_cast %max3A_546 : vector<16xf32> to vector<16xf32>
      tpu.vector_store %arg6[%swap3A_547], %swap3A_550 {strides = array<i32>} : memref<32768xf32, #tpu.memory_space<vmem>>, vector<16xf32>,
    }
    %while3A_239 = arith.constant 1 : i32
    scf.for %while3A_494 = %while3A_237 to %while3A_233 step %while3A_239  : i32 {
      %get3A_495 = arith.index_cast %while3A_494 : i32 to index
      %get3A_496 = memref.load %arg9[%get3A_495] : memref<512xi32, #tpu.memory_space<smem>>
      %mul3A_497 = arith.constant 64 : i32
      %mul3A_498 = arith.muli %get3A_496, %mul3A_497 : i32
      %add3A_499 = arith.constant 0 : i32
      %add3A_500 = arith.addi %mul3A_498, %add3A_499 : i32
      %get3A_501 = arith.index_cast %add3A_500 : i32 to index
      %get3A_502 = tpu.vector_load %arg5[%get3A_501] {strides = array<i32>} : memref<32768xf32, #tpu.memory_space<vmem>>, vector<16xf32>,
      %get3A_503 = vector.shape_cast %get3A_502 : vector<16xf32> to vector<16xf32>
      %sub3A_504 = arith.subf %get3A_503, %get3A_229 : vector<16xf32>
      %max3A_505 = arith.constant 0.000000e+00 : f32
      %max3A_506 = vector.broadcast %max3A_505 : f32 to vector<16xf32>
      %max3A_507 = arith.maximumf %sub3A_504, %max3A_506 : vector<16xf32>
      %swap3A_508 = arith.index_cast %add3A_500 : i32 to index
      %swap3A_509 = tpu.vector_load %arg6[%swap3A_508] {strides = array<i32>} : memref<32768xf32, #tpu.memory_space<vmem>>, vector<16xf32>,
      %swap3A_510 = vector.shape_cast %swap3A_509 : vector<16xf32> to vector<16xf32>
      %swap3A_511 = vector.shape_cast %max3A_507 : vector<16xf32> to vector<16xf32>
      tpu.vector_store %arg6[%swap3A_508], %swap3A_511 {strides = array<i32>} : memref<32768xf32, #tpu.memory_space<vmem>>, vector<16xf32>,
      %add3A_512 = arith.constant 16 : i32
      %add3A_513 = arith.addi %mul3A_498, %add3A_512 : i32
      %get3A_514 = arith.index_cast %add3A_513 : i32 to index
      %get3A_515 = tpu.vector_load %arg5[%get3A_514] {strides = array<i32>} : memref<32768xf32, #tpu.memory_space<vmem>>, vector<16xf32>,
      %get3A_516 = vector.shape_cast %get3A_515 : vector<16xf32> to vector<16xf32>
      %sub3A_517 = arith.subf %get3A_516, %get3A_229 : vector<16xf32>
      %max3A_518 = arith.constant 0.000000e+00 : f32
      %max3A_519 = vector.broadcast %max3A_518 : f32 to vector<16xf32>
      %max3A_520 = arith.maximumf %sub3A_517, %max3A_519 : vector<16xf32>
      %swap3A_521 = arith.index_cast %add3A_513 : i32 to index
      %swap3A_522 = tpu.vector_load %arg6[%swap3A_521] {strides = array<i32>} : memref<32768xf32, #tpu.memory_space<vmem>>, vector<16xf32>,
      %swap3A_523 = vector.shape_cast %swap3A_522 : vector<16xf32> to vector<16xf32>
      %swap3A_524 = vector.shape_cast %max3A_520 : vector<16xf32> to vector<16xf32>
      tpu.vector_store %arg6[%swap3A_521], %swap3A_524 {strides = array<i32>} : memref<32768xf32, #tpu.memory_space<vmem>>, vector<16xf32>,
      %add3A_525 = arith.constant 32 : i32
      %add3A_526 = arith.addi %mul3A_498, %add3A_525 : i32
      %get3A_527 = arith.index_cast %add3A_526 : i32 to index
      %get3A_528 = tpu.vector_load %arg5[%get3A_527] {strides = array<i32>} : memref<32768xf32, #tpu.memory_space<vmem>>, vector<16xf32>,
      %get3A_529 = vector.shape_cast %get3A_528 : vector<16xf32> to vector<16xf32>
      %sub3A_530 = arith.subf %get3A_529, %get3A_229 : vector<16xf32>
      %max3A_531 = arith.constant 0.000000e+00 : f32
      %max3A_532 = vector.broadcast %max3A_531 : f32 to vector<16xf32>
      %max3A_533 = arith.maximumf %sub3A_530, %max3A_532 : vector<16xf32>
      %swap3A_534 = arith.index_cast %add3A_526 : i32 to index
      %swap3A_535 = tpu.vector_load %arg6[%swap3A_534] {strides = array<i32>} : memref<32768xf32, #tpu.memory_space<vmem>>, vector<16xf32>,
      %swap3A_536 = vector.shape_cast %swap3A_535 : vector<16xf32> to vector<16xf32>
      %swap3A_537 = vector.shape_cast %max3A_533 : vector<16xf32> to vector<16xf32>
      tpu.vector_store %arg6[%swap3A_534], %swap3A_537 {strides = array<i32>} : memref<32768xf32, #tpu.memory_space<vmem>>, vector<16xf32>,
      %add3A_538 = arith.constant 48 : i32
      %add3A_539 = arith.addi %mul3A_498, %add3A_538 : i32
      %get3A_540 = arith.index_cast %add3A_539 : i32 to index
      %get3A_541 = tpu.vector_load %arg5[%get3A_540] {strides = array<i32>} : memref<32768xf32, #tpu.memory_space<vmem>>, vector<16xf32>,
      %get3A_542 = vector.shape_cast %get3A_541 : vector<16xf32> to vector<16xf32>
      %sub3A_543 = arith.subf %get3A_542, %get3A_229 : vector<16xf32>
      %max3A_544 = arith.constant 0.000000e+00 : f32
      %max3A_545 = vector.broadcast %max3A_544 : f32 to vector<16xf32>
      %max3A_546 = arith.maximumf %sub3A_543, %max3A_545 : vector<16xf32>
      %swap3A_547 = arith.index_cast %add3A_539 : i32 to index
      %swap3A_548 = tpu.vector_load %arg6[%swap3A_547] {strides = array<i32>} : memref<32768xf32, #tpu.memory_space<vmem>>, vector<16xf32>,
      %swap3A_549 = vector.shape_cast %swap3A_548 : vector<16xf32> to vector<16xf32>
      %swap3A_550 = vector.shape_cast %max3A_546 : vector<16xf32> to vector<16xf32>
      tpu.vector_store %arg6[%swap3A_547], %swap3A_550 {strides = array<i32>} : memref<32768xf32, #tpu.memory_space<vmem>>, vector<16xf32>,
    }
    "tpu.trace_stop"() : () -> ()
    %add3A_240 = arith.constant 1 : i32
    %add3A_241 = arith.addi %mul3A_2, %add3A_240 : i32
    %dma_start3A_242 = arith.constant 0 : i32
    %dma_start3A_243 = tpu.memref_slice %arg3[%add3A_241, %dma_start3A_242] : memref<128x32768xf32, #tpu.memory_space<hbm>> -> memref<1x32768xf32, #tpu.memory_space<hbm>>
    %dma_start3A_244 = tpu.memref_squeeze %dma_start3A_243 : memref<1x32768xf32, #tpu.memory_space<hbm>> -> memref<32768xf32, #tpu.memory_space<hbm>>
    %dma_start3A_245 = arith.constant 0 : i32
    %dma_start3A_246 = tpu.memref_slice %arg3[%add3A_241, %dma_start3A_245] : memref<128x32768xf32, #tpu.memory_space<hbm>> -> memref<1x32768xf32, #tpu.memory_space<hbm>>
    %dma_start3A_247 = tpu.memref_squeeze %dma_start3A_246 : memref<1x32768xf32, #tpu.memory_space<hbm>> -> memref<32768xf32, #tpu.memory_space<hbm>>
    tpu.enqueue_dma source(%arg6 : memref<32768xf32, #tpu.memory_space<vmem>>) target(%dma_start3A_247 : memref<32768xf32, #tpu.memory_space<hbm>>) target_semaphore(%arg13 : memref<!tpu.dma_semaphore, #tpu.memory_space<semaphore_mem>>)
    %add3A_248 = arith.constant 2 : i32
    %add3A_249 = arith.addi %mul3A_2, %add3A_248 : i32
    %add3A_250 = arith.constant 1 : i32
    %add3A_251 = arith.addi %add3A_249, %add3A_250 : i32
    %dma_start3A_252 = arith.constant 0 : i32
    %dma_start3A_253 = tpu.memref_slice %arg2[%add3A_251, %dma_start3A_252] : memref<128x32768xf32, #tpu.memory_space<hbm>> -> memref<1x32768xf32, #tpu.memory_space<hbm>>
    %dma_start3A_254 = tpu.memref_squeeze %dma_start3A_253 : memref<1x32768xf32, #tpu.memory_space<hbm>> -> memref<32768xf32, #tpu.memory_space<hbm>>
    %dma_start3A_255 = arith.constant 0 : i32
    %dma_start3A_256 = tpu.memref_slice %arg2[%add3A_251, %dma_start3A_255] : memref<128x32768xf32, #tpu.memory_space<hbm>> -> memref<1x32768xf32, #tpu.memory_space<hbm>>
    %dma_start3A_257 = tpu.memref_squeeze %dma_start3A_256 : memref<1x32768xf32, #tpu.memory_space<hbm>> -> memref<32768xf32, #tpu.memory_space<hbm>>
    tpu.enqueue_dma source(%dma_start3A_257 : memref<32768xf32, #tpu.memory_space<hbm>>) target(%arg5 : memref<32768xf32, #tpu.memory_space<vmem>>) target_semaphore(%arg12 : memref<!tpu.dma_semaphore, #tpu.memory_space<semaphore_mem>>)
    %dma_wait3A_258 = arith.constant 0 : i32
    %dma_wait3A_259 = tpu.memref_slice %arg2[%add3A_126, %dma_wait3A_258] : memref<128x32768xf32, #tpu.memory_space<hbm>> -> memref<1x32768xf32, #tpu.memory_space<hbm>>
    %dma_wait3A_260 = tpu.memref_squeeze %dma_wait3A_259 : memref<1x32768xf32, #tpu.memory_space<hbm>> -> memref<32768xf32, #tpu.memory_space<hbm>>
    %dma_wait3A_261 = arith.constant 0 : i32
    %dma_wait3A_262 = tpu.memref_slice %arg2[%add3A_126, %dma_wait3A_261] : memref<128x32768xf32, #tpu.memory_space<hbm>> -> memref<1x32768xf32, #tpu.memory_space<hbm>>
    %dma_wait3A_263 = tpu.memref_squeeze %dma_wait3A_262 : memref<1x32768xf32, #tpu.memory_space<hbm>> -> memref<32768xf32, #tpu.memory_space<hbm>>
    tpu.wait_dma2 semaphore(%arg11 : memref<!tpu.dma_semaphore, #tpu.memory_space<semaphore_mem>>) src(%dma_wait3A_263 : memref<32768xf32, #tpu.memory_space<hbm>>) dst(%arg4 : memref<32768xf32, #tpu.memory_space<vmem>>)
    %broadcast_in_dim3A_264 = arith.constant 0.000000e+00 : f32
    %broadcast_in_dim3A_265 = vector.broadcast %broadcast_in_dim3A_264 : f32 to vector<16xf32>
    %broadcast_in_dim3A_266 = arith.constant -3.000000e+38 : f32
    %broadcast_in_dim3A_267 = vector.broadcast %broadcast_in_dim3A_266 : f32 to vector<16xf32>
    %scan3A_268 = arith.constant 0 : i32
    %scan3A_269 = arith.constant 256 : i32
    %scan3A_270 = arith.addi %scan3A_268, %scan3A_269 : i32
    %scan3A_271 = arith.constant 1 : i32
    %scan3A_272:8 = scf.for %scan3A_494 = %scan3A_268 to %scan3A_270 step %scan3A_271 iter_args(%scan3A_495 = %broadcast_in_dim3A_267, %scan3A_496 = %broadcast_in_dim3A_267, %scan3A_497 = %broadcast_in_dim3A_267, %scan3A_498 = %broadcast_in_dim3A_267, %scan3A_499 = %broadcast_in_dim3A_267, %scan3A_500 = %broadcast_in_dim3A_267, %scan3A_501 = %broadcast_in_dim3A_267, %scan3A_502 = %broadcast_in_dim3A_267) -> (vector<16xf32>, vector<16xf32>, vector<16xf32>, vector<16xf32>, vector<16xf32>, vector<16xf32>, vector<16xf32>, vector<16xf32>)  : i32 {
      %mul3A_503 = arith.constant 128 : i32
      %mul3A_504 = arith.muli %scan3A_494, %mul3A_503 : i32
      %add3A_505 = arith.constant 0 : i32
      %add3A_506 = arith.addi %mul3A_504, %add3A_505 : i32
      %get3A_507 = arith.index_cast %add3A_506 : i32 to index
      %get3A_508 = tpu.vector_load %arg4[%get3A_507] {strides = array<i32>} : memref<32768xf32, #tpu.memory_space<vmem>>, vector<16xf32>,
      %get3A_509 = vector.shape_cast %get3A_508 : vector<16xf32> to vector<16xf32>
      %max3A_510 = arith.maximumf %scan3A_495, %get3A_509 : vector<16xf32>
      %add3A_511 = arith.constant 16 : i32
      %add3A_512 = arith.addi %mul3A_504, %add3A_511 : i32
      %get3A_513 = arith.index_cast %add3A_512 : i32 to index
      %get3A_514 = tpu.vector_load %arg4[%get3A_513] {strides = array<i32>} : memref<32768xf32, #tpu.memory_space<vmem>>, vector<16xf32>,
      %get3A_515 = vector.shape_cast %get3A_514 : vector<16xf32> to vector<16xf32>
      %max3A_516 = arith.maximumf %scan3A_496, %get3A_515 : vector<16xf32>
      %add3A_517 = arith.constant 32 : i32
      %add3A_518 = arith.addi %mul3A_504, %add3A_517 : i32
      %get3A_519 = arith.index_cast %add3A_518 : i32 to index
      %get3A_520 = tpu.vector_load %arg4[%get3A_519] {strides = array<i32>} : memref<32768xf32, #tpu.memory_space<vmem>>, vector<16xf32>,
      %get3A_521 = vector.shape_cast %get3A_520 : vector<16xf32> to vector<16xf32>
      %max3A_522 = arith.maximumf %scan3A_497, %get3A_521 : vector<16xf32>
      %add3A_523 = arith.constant 48 : i32
      %add3A_524 = arith.addi %mul3A_504, %add3A_523 : i32
      %get3A_525 = arith.index_cast %add3A_524 : i32 to index
      %get3A_526 = tpu.vector_load %arg4[%get3A_525] {strides = array<i32>} : memref<32768xf32, #tpu.memory_space<vmem>>, vector<16xf32>,
      %get3A_527 = vector.shape_cast %get3A_526 : vector<16xf32> to vector<16xf32>
      %max3A_528 = arith.maximumf %scan3A_498, %get3A_527 : vector<16xf32>
      %add3A_529 = arith.constant 64 : i32
      %add3A_530 = arith.addi %mul3A_504, %add3A_529 : i32
      %get3A_531 = arith.index_cast %add3A_530 : i32 to index
      %get3A_532 = tpu.vector_load %arg4[%get3A_531] {strides = array<i32>} : memref<32768xf32, #tpu.memory_space<vmem>>, vector<16xf32>,
      %get3A_533 = vector.shape_cast %get3A_532 : vector<16xf32> to vector<16xf32>
      %max3A_534 = arith.maximumf %scan3A_499, %get3A_533 : vector<16xf32>
      %add3A_535 = arith.constant 80 : i32
      %add3A_536 = arith.addi %mul3A_504, %add3A_535 : i32
      %get3A_537 = arith.index_cast %add3A_536 : i32 to index
      %get3A_538 = tpu.vector_load %arg4[%get3A_537] {strides = array<i32>} : memref<32768xf32, #tpu.memory_space<vmem>>, vector<16xf32>,
      %get3A_539 = vector.shape_cast %get3A_538 : vector<16xf32> to vector<16xf32>
      %max3A_540 = arith.maximumf %scan3A_500, %get3A_539 : vector<16xf32>
      %add3A_541 = arith.constant 96 : i32
      %add3A_542 = arith.addi %mul3A_504, %add3A_541 : i32
      %get3A_543 = arith.index_cast %add3A_542 : i32 to index
      %get3A_544 = tpu.vector_load %arg4[%get3A_543] {strides = array<i32>} : memref<32768xf32, #tpu.memory_space<vmem>>, vector<16xf32>,
      %get3A_545 = vector.shape_cast %get3A_544 : vector<16xf32> to vector<16xf32>
      %max3A_546 = arith.maximumf %scan3A_501, %get3A_545 : vector<16xf32>
      %add3A_547 = arith.constant 112 : i32
      %add3A_548 = arith.addi %mul3A_504, %add3A_547 : i32
      %get3A_549 = arith.index_cast %add3A_548 : i32 to index
      %get3A_550 = tpu.vector_load %arg4[%get3A_549] {strides = array<i32>} : memref<32768xf32, #tpu.memory_space<vmem>>, vector<16xf32>,
      %get3A_551 = vector.shape_cast %get3A_550 : vector<16xf32> to vector<16xf32>
      %max3A_552 = arith.maximumf %scan3A_502, %get3A_551 : vector<16xf32>
      scf.yield %max3A_510, %max3A_516, %max3A_522, %max3A_528, %max3A_534, %max3A_540, %max3A_546, %max3A_552 : vector<16xf32>, vector<16xf32>, vector<16xf32>, vector<16xf32>, vector<16xf32>, vector<16xf32>, vector<16xf32>, vector<16xf32>
    }
    %scan3A_273 = arith.constant 256 : i32
    %max3A_274 = arith.maximumf %scan3A_272#0, %scan3A_272#1 : vector<16xf32>
    %max3A_275 = arith.maximumf %max3A_274, %scan3A_272#2 : vector<16xf32>
    %max3A_276 = arith.maximumf %max3A_275, %scan3A_272#3 : vector<16xf32>
    %max3A_277 = arith.maximumf %max3A_276, %scan3A_272#4 : vector<16xf32>
    %max3A_278 = arith.maximumf %max3A_277, %scan3A_272#5 : vector<16xf32>
    %max3A_279 = arith.maximumf %max3A_278, %scan3A_272#6 : vector<16xf32>
    %max3A_280 = arith.maximumf %max3A_279, %scan3A_272#7 : vector<16xf32>
    %iota3A_281 = tpu.iota {dimensions = array<i32: 0>} : vector<16xi32>
    %xor3A_282 = arith.constant 8 : i32
    %xor3A_283 = vector.broadcast %xor3A_282 : i32 to vector<16xi32>
    %xor3A_284 = arith.xori %iota3A_281, %xor3A_283 : vector<16xi32>
    %broadcast_in_dim3A_285 = vector.shape_cast %xor3A_284 : vector<16xi32> to vector<16x1xi32>
    %gather3A_286 = vector.shape_cast %broadcast_in_dim3A_285 : vector<16x1xi32> to vector<16xi32>
    %gather3A_287 = tpu.dynamic_gather %max3A_280[%gather3A_286] in [0] : vector<16xf32>, vector<16xi32> -> vector<16xf32>
    %max3A_288 = arith.maximumf %max3A_280, %gather3A_287 : vector<16xf32>
    %xor3A_289 = arith.constant 4 : i32
    %xor3A_290 = vector.broadcast %xor3A_289 : i32 to vector<16xi32>
    %xor3A_291 = arith.xori %iota3A_281, %xor3A_290 : vector<16xi32>
    %broadcast_in_dim3A_292 = vector.shape_cast %xor3A_291 : vector<16xi32> to vector<16x1xi32>
    %gather3A_293 = vector.shape_cast %broadcast_in_dim3A_292 : vector<16x1xi32> to vector<16xi32>
    %gather3A_294 = tpu.dynamic_gather %max3A_288[%gather3A_293] in [0] : vector<16xf32>, vector<16xi32> -> vector<16xf32>
    %max3A_295 = arith.maximumf %max3A_288, %gather3A_294 : vector<16xf32>
    %xor3A_296 = arith.constant 2 : i32
    %xor3A_297 = vector.broadcast %xor3A_296 : i32 to vector<16xi32>
    %xor3A_298 = arith.xori %iota3A_281, %xor3A_297 : vector<16xi32>
    %broadcast_in_dim3A_299 = vector.shape_cast %xor3A_298 : vector<16xi32> to vector<16x1xi32>
    %gather3A_300 = vector.shape_cast %broadcast_in_dim3A_299 : vector<16x1xi32> to vector<16xi32>
    %gather3A_301 = tpu.dynamic_gather %max3A_295[%gather3A_300] in [0] : vector<16xf32>, vector<16xi32> -> vector<16xf32>
    %max3A_302 = arith.maximumf %max3A_295, %gather3A_301 : vector<16xf32>
    %xor3A_303 = arith.constant 1 : i32
    %xor3A_304 = vector.broadcast %xor3A_303 : i32 to vector<16xi32>
    %xor3A_305 = arith.xori %iota3A_281, %xor3A_304 : vector<16xi32>
    %broadcast_in_dim3A_306 = vector.shape_cast %xor3A_305 : vector<16xi32> to vector<16x1xi32>
    %gather3A_307 = vector.shape_cast %broadcast_in_dim3A_306 : vector<16x1xi32> to vector<16xi32>
    %gather3A_308 = tpu.dynamic_gather %max3A_302[%gather3A_307] in [0] : vector<16xf32>, vector<16xi32> -> vector<16xf32>
    %max3A_309 = arith.maximumf %max3A_302, %gather3A_308 : vector<16xf32>
    %sub3A_310 = arith.constant 1.000000e+00 : f32
    %sub3A_311 = vector.broadcast %sub3A_310 : f32 to vector<16xf32>
    %sub3A_312 = arith.subf %max3A_309, %sub3A_311 : vector<16xf32>
    %slice3A_313 = vector.extract_strided_slice %sub3A_312 {offsets = [0], sizes = [1], strides = [1]} : vector<16xf32> to vector<1xf32>
    %squeeze3A_314 = vector.extract %slice3A_313[0] : f32 from vector<1xf32>
    %scan3A_315 = arith.constant 0 : i32
    %scan3A_316 = arith.constant 0 : i32
    %scan3A_317 = arith.constant 256 : i32
    %scan3A_318 = arith.addi %scan3A_316, %scan3A_317 : i32
    %scan3A_319 = arith.constant 1 : i32
    %scan3A_320 = scf.for %scan3A_494 = %scan3A_316 to %scan3A_318 step %scan3A_319 iter_args(%scan3A_495 = %scan3A_315) -> (i32)  : i32 {
      %mul3A_496 = arith.constant 2 : i32
      %mul3A_497 = arith.muli %scan3A_494, %mul3A_496 : i32
      %add3A_498 = arith.constant 0 : i32
      %add3A_499 = arith.addi %mul3A_497, %add3A_498 : i32
      %mul3A_500 = arith.constant 64 : i32
      %mul3A_501 = arith.muli %add3A_499, %mul3A_500 : i32
      %get3A_502 = arith.index_cast %mul3A_501 : i32 to index
      %get3A_503 = tpu.vector_load %arg4[%get3A_502] {strides = array<i32>} : memref<32768xf32, #tpu.memory_space<vmem>>, vector<16xf32>,
      %get3A_504 = vector.shape_cast %get3A_503 : vector<16xf32> to vector<16xf32>
      %add3A_505 = arith.constant 16 : i32
      %add3A_506 = arith.addi %mul3A_501, %add3A_505 : i32
      %get3A_507 = arith.index_cast %add3A_506 : i32 to index
      %get3A_508 = tpu.vector_load %arg4[%get3A_507] {strides = array<i32>} : memref<32768xf32, #tpu.memory_space<vmem>>, vector<16xf32>,
      %get3A_509 = vector.shape_cast %get3A_508 : vector<16xf32> to vector<16xf32>
      %max3A_510 = arith.maximumf %get3A_504, %get3A_509 : vector<16xf32>
      %add3A_511 = arith.constant 32 : i32
      %add3A_512 = arith.addi %mul3A_501, %add3A_511 : i32
      %get3A_513 = arith.index_cast %add3A_512 : i32 to index
      %get3A_514 = tpu.vector_load %arg4[%get3A_513] {strides = array<i32>} : memref<32768xf32, #tpu.memory_space<vmem>>, vector<16xf32>,
      %get3A_515 = vector.shape_cast %get3A_514 : vector<16xf32> to vector<16xf32>
      %max3A_516 = arith.maximumf %max3A_510, %get3A_515 : vector<16xf32>
      %add3A_517 = arith.constant 48 : i32
      %add3A_518 = arith.addi %mul3A_501, %add3A_517 : i32
      %get3A_519 = arith.index_cast %add3A_518 : i32 to index
      %get3A_520 = tpu.vector_load %arg4[%get3A_519] {strides = array<i32>} : memref<32768xf32, #tpu.memory_space<vmem>>, vector<16xf32>,
      %get3A_521 = vector.shape_cast %get3A_520 : vector<16xf32> to vector<16xf32>
      %max3A_522 = arith.maximumf %max3A_516, %get3A_521 : vector<16xf32>
      %iota3A_523 = tpu.iota {dimensions = array<i32: 0>} : vector<16xi32>
      %xor3A_524 = arith.constant 8 : i32
      %xor3A_525 = vector.broadcast %xor3A_524 : i32 to vector<16xi32>
      %xor3A_526 = arith.xori %iota3A_523, %xor3A_525 : vector<16xi32>
      %broadcast_in_dim3A_527 = vector.shape_cast %xor3A_526 : vector<16xi32> to vector<16x1xi32>
      %gather3A_528 = vector.shape_cast %broadcast_in_dim3A_527 : vector<16x1xi32> to vector<16xi32>
      %gather3A_529 = tpu.dynamic_gather %max3A_522[%gather3A_528] in [0] : vector<16xf32>, vector<16xi32> -> vector<16xf32>
      %max3A_530 = arith.maximumf %max3A_522, %gather3A_529 : vector<16xf32>
      %xor3A_531 = arith.constant 4 : i32
      %xor3A_532 = vector.broadcast %xor3A_531 : i32 to vector<16xi32>
      %xor3A_533 = arith.xori %iota3A_523, %xor3A_532 : vector<16xi32>
      %broadcast_in_dim3A_534 = vector.shape_cast %xor3A_533 : vector<16xi32> to vector<16x1xi32>
      %gather3A_535 = vector.shape_cast %broadcast_in_dim3A_534 : vector<16x1xi32> to vector<16xi32>
      %gather3A_536 = tpu.dynamic_gather %max3A_530[%gather3A_535] in [0] : vector<16xf32>, vector<16xi32> -> vector<16xf32>
      %max3A_537 = arith.maximumf %max3A_530, %gather3A_536 : vector<16xf32>
      %xor3A_538 = arith.constant 2 : i32
      %xor3A_539 = vector.broadcast %xor3A_538 : i32 to vector<16xi32>
      %xor3A_540 = arith.xori %iota3A_523, %xor3A_539 : vector<16xi32>
      %broadcast_in_dim3A_541 = vector.shape_cast %xor3A_540 : vector<16xi32> to vector<16x1xi32>
      %gather3A_542 = vector.shape_cast %broadcast_in_dim3A_541 : vector<16x1xi32> to vector<16xi32>
      %gather3A_543 = tpu.dynamic_gather %max3A_537[%gather3A_542] in [0] : vector<16xf32>, vector<16xi32> -> vector<16xf32>
      %max3A_544 = arith.maximumf %max3A_537, %gather3A_543 : vector<16xf32>
      %xor3A_545 = arith.constant 1 : i32
      %xor3A_546 = vector.broadcast %xor3A_545 : i32 to vector<16xi32>
      %xor3A_547 = arith.xori %iota3A_523, %xor3A_546 : vector<16xi32>
      %broadcast_in_dim3A_548 = vector.shape_cast %xor3A_547 : vector<16xi32> to vector<16x1xi32>
      %gather3A_549 = vector.shape_cast %broadcast_in_dim3A_548 : vector<16x1xi32> to vector<16xi32>
      %gather3A_550 = tpu.dynamic_gather %max3A_544[%gather3A_549] in [0] : vector<16xf32>, vector<16xi32> -> vector<16xf32>
      %max3A_551 = arith.maximumf %max3A_544, %gather3A_550 : vector<16xf32>
      %slice3A_552 = vector.extract_strided_slice %max3A_551 {offsets = [0], sizes = [1], strides = [1]} : vector<16xf32> to vector<1xf32>
      %squeeze3A_553 = vector.extract %slice3A_552[0] : f32 from vector<1xf32>
      %swap3A_554 = arith.index_cast %scan3A_495 : i32 to index
      %swap3A_555 = memref.load %arg8[%swap3A_554] : memref<512xi32, #tpu.memory_space<smem>>
      memref.store %add3A_499, %arg8[%swap3A_554] : memref<512xi32, #tpu.memory_space<smem>>
      %gt3A = arith.cmpf ogt, %squeeze3A_553, %squeeze3A_314 : f32
      %convert_element_type3A = arith.extui %gt3A : i1 to i32
      %add3A_556 = arith.addi %scan3A_495, %convert_element_type3A : i32
      %mul3A_557 = arith.constant 2 : i32
      %mul3A_558 = arith.muli %scan3A_494, %mul3A_557 : i32
      %add3A_559 = arith.constant 1 : i32
      %add3A_560 = arith.addi %mul3A_558, %add3A_559 : i32
      %mul3A_561 = arith.constant 64 : i32
      %mul3A_562 = arith.muli %add3A_560, %mul3A_561 : i32
      %get3A_563 = arith.index_cast %mul3A_562 : i32 to index
      %get3A_564 = tpu.vector_load %arg4[%get3A_563] {strides = array<i32>} : memref<32768xf32, #tpu.memory_space<vmem>>, vector<16xf32>,
      %get3A_565 = vector.shape_cast %get3A_564 : vector<16xf32> to vector<16xf32>
      %add3A_566 = arith.constant 16 : i32
      %add3A_567 = arith.addi %mul3A_562, %add3A_566 : i32
      %get3A_568 = arith.index_cast %add3A_567 : i32 to index
      %get3A_569 = tpu.vector_load %arg4[%get3A_568] {strides = array<i32>} : memref<32768xf32, #tpu.memory_space<vmem>>, vector<16xf32>,
      %get3A_570 = vector.shape_cast %get3A_569 : vector<16xf32> to vector<16xf32>
      %max3A_571 = arith.maximumf %get3A_565, %get3A_570 : vector<16xf32>
      %add3A_572 = arith.constant 32 : i32
      %add3A_573 = arith.addi %mul3A_562, %add3A_572 : i32
      %get3A_574 = arith.index_cast %add3A_573 : i32 to index
      %get3A_575 = tpu.vector_load %arg4[%get3A_574] {strides = array<i32>} : memref<32768xf32, #tpu.memory_space<vmem>>, vector<16xf32>,
      %get3A_576 = vector.shape_cast %get3A_575 : vector<16xf32> to vector<16xf32>
      %max3A_577 = arith.maximumf %max3A_571, %get3A_576 : vector<16xf32>
      %add3A_578 = arith.constant 48 : i32
      %add3A_579 = arith.addi %mul3A_562, %add3A_578 : i32
      %get3A_580 = arith.index_cast %add3A_579 : i32 to index
      %get3A_581 = tpu.vector_load %arg4[%get3A_580] {strides = array<i32>} : memref<32768xf32, #tpu.memory_space<vmem>>, vector<16xf32>,
      %get3A_582 = vector.shape_cast %get3A_581 : vector<16xf32> to vector<16xf32>
      %max3A_583 = arith.maximumf %max3A_577, %get3A_582 : vector<16xf32>
      %iota3A_584 = tpu.iota {dimensions = array<i32: 0>} : vector<16xi32>
      %xor3A_585 = arith.constant 8 : i32
      %xor3A_586 = vector.broadcast %xor3A_585 : i32 to vector<16xi32>
      %xor3A_587 = arith.xori %iota3A_584, %xor3A_586 : vector<16xi32>
      %broadcast_in_dim3A_588 = vector.shape_cast %xor3A_587 : vector<16xi32> to vector<16x1xi32>
      %gather3A_589 = vector.shape_cast %broadcast_in_dim3A_588 : vector<16x1xi32> to vector<16xi32>
      %gather3A_590 = tpu.dynamic_gather %max3A_583[%gather3A_589] in [0] : vector<16xf32>, vector<16xi32> -> vector<16xf32>
      %max3A_591 = arith.maximumf %max3A_583, %gather3A_590 : vector<16xf32>
      %xor3A_592 = arith.constant 4 : i32
      %xor3A_593 = vector.broadcast %xor3A_592 : i32 to vector<16xi32>
      %xor3A_594 = arith.xori %iota3A_584, %xor3A_593 : vector<16xi32>
      %broadcast_in_dim3A_595 = vector.shape_cast %xor3A_594 : vector<16xi32> to vector<16x1xi32>
      %gather3A_596 = vector.shape_cast %broadcast_in_dim3A_595 : vector<16x1xi32> to vector<16xi32>
      %gather3A_597 = tpu.dynamic_gather %max3A_591[%gather3A_596] in [0] : vector<16xf32>, vector<16xi32> -> vector<16xf32>
      %max3A_598 = arith.maximumf %max3A_591, %gather3A_597 : vector<16xf32>
      %xor3A_599 = arith.constant 2 : i32
      %xor3A_600 = vector.broadcast %xor3A_599 : i32 to vector<16xi32>
      %xor3A_601 = arith.xori %iota3A_584, %xor3A_600 : vector<16xi32>
      %broadcast_in_dim3A_602 = vector.shape_cast %xor3A_601 : vector<16xi32> to vector<16x1xi32>
      %gather3A_603 = vector.shape_cast %broadcast_in_dim3A_602 : vector<16x1xi32> to vector<16xi32>
      %gather3A_604 = tpu.dynamic_gather %max3A_598[%gather3A_603] in [0] : vector<16xf32>, vector<16xi32> -> vector<16xf32>
      %max3A_605 = arith.maximumf %max3A_598, %gather3A_604 : vector<16xf32>
      %xor3A_606 = arith.constant 1 : i32
      %xor3A_607 = vector.broadcast %xor3A_606 : i32 to vector<16xi32>
      %xor3A_608 = arith.xori %iota3A_584, %xor3A_607 : vector<16xi32>
      %broadcast_in_dim3A_609 = vector.shape_cast %xor3A_608 : vector<16xi32> to vector<16x1xi32>
      %gather3A_610 = vector.shape_cast %broadcast_in_dim3A_609 : vector<16x1xi32> to vector<16xi32>
      %gather3A_611 = tpu.dynamic_gather %max3A_605[%gather3A_610] in [0] : vector<16xf32>, vector<16xi32> -> vector<16xf32>
      %max3A_612 = arith.maximumf %max3A_605, %gather3A_611 : vector<16xf32>
      %slice3A_613 = vector.extract_strided_slice %max3A_612 {offsets = [0], sizes = [1], strides = [1]} : vector<16xf32> to vector<1xf32>
      %squeeze3A_614 = vector.extract %slice3A_613[0] : f32 from vector<1xf32>
      %swap3A_615 = arith.index_cast %add3A_556 : i32 to index
      %swap3A_616 = memref.load %arg8[%swap3A_615] : memref<512xi32, #tpu.memory_space<smem>>
      memref.store %add3A_560, %arg8[%swap3A_615] : memref<512xi32, #tpu.memory_space<smem>>
      %gt3A_617 = arith.cmpf ogt, %squeeze3A_614, %squeeze3A_314 : f32
      %convert_element_type3A_618 = arith.extui %gt3A_617 : i1 to i32
      %add3A_619 = arith.addi %add3A_556, %convert_element_type3A_618 : i32
      scf.yield %add3A_619 : i32
    }
    %scan3A_321 = arith.constant 256 : i32
    %swap3A_322 = arith.constant 0 : index
    %swap3A_323 = tpu.vector_load %arg7[%swap3A_322] {strides = array<i32>} : memref<16xf32, #tpu.memory_space<vmem>>, vector<16xf32>,
    %swap3A_324 = vector.shape_cast %swap3A_323 : vector<16xf32> to vector<16xf32>
    %swap3A_325 = vector.shape_cast %sub3A_312 : vector<16xf32> to vector<16xf32>
    tpu.vector_store %arg7[%swap3A_322], %swap3A_325 {strides = array<i32>} : memref<16xf32, #tpu.memory_space<vmem>>, vector<16xf32>,
    %swap3A_326 = arith.constant 0 : i32
    %swap3A_327 = arith.constant 0 : i32
    %swap3A_328 = arith.index_cast %swap3A_327 : i32 to index
    %swap3A_329 = memref.load %arg10[%swap3A_328] : memref<1xi32, #tpu.memory_space<smem>>
    memref.store %swap3A_326, %arg10[%swap3A_328] : memref<1xi32, #tpu.memory_space<smem>>
    "tpu.trace_start"() <{level = 10 : i32, message = "p2_michelot"}> : () -> ()
    %scan3A_330 = arith.constant 0 : i32
    %scan3A_331 = arith.constant 0 : i32
    %scan3A_332 = arith.constant 24 : i32
    %scan3A_333 = arith.addi %scan3A_331, %scan3A_332 : i32
    %scan3A_334 = arith.constant 1 : i32
    scf.for %scan3A_494 = %scan3A_331 to %scan3A_333 step %scan3A_334  : i32 {
      %get3A_495 = arith.constant 0 : i32
      %get3A_496 = arith.index_cast %get3A_495 : i32 to index
      %get3A_497 = memref.load %arg10[%get3A_496] : memref<1xi32, #tpu.memory_space<smem>>
      %eq3A = arith.constant 0 : i32
      %eq3A_498 = arith.cmpi eq, %get3A_497, %eq3A : i32
      %convert_element_type3A = arith.extui %eq3A_498 : i1 to i32
      %cond3A = arith.constant 0 : i32
      %cond3A_499 = arith.cmpi ne, %convert_element_type3A, %cond3A : i32
      scf.if %cond3A_499 {
        %get3A_500 = arith.constant 0 : index
        %get3A_501 = tpu.vector_load %arg7[%get3A_500] {strides = array<i32>} : memref<16xf32, #tpu.memory_space<vmem>>, vector<16xf32>,
        %get3A_502 = vector.shape_cast %get3A_501 : vector<16xf32> to vector<16xf32>
        %while3A_503 = arith.constant 0 : i32
        %while3A_504 = arith.subi %scan3A_320, %while3A_503 : i32
        %while3A_505 = arith.addi %while3A_503, %while3A_504 : i32
        %while3A_506 = arith.constant 1 : i32
        %while3A_507 = arith.divsi %while3A_504, %while3A_506 : i32
        %while3A_508 = arith.muli %while3A_507, %while3A_506 : i32
        %while3A_509 = arith.addi %while3A_503, %while3A_508 : i32
        %while3A_510 = arith.constant 1 : i32
        %while3A_511:2 = scf.for %while3A_588 = %while3A_503 to %while3A_509 step %while3A_510 iter_args(%while3A_589 = %broadcast_in_dim3A_265, %while3A_590 = %broadcast_in_dim3A_265) -> (vector<16xf32>, vector<16xf32>)  : i32 {
          %get3A_591 = arith.index_cast %while3A_588 : i32 to index
          %get3A_592 = memref.load %arg8[%get3A_591] : memref<512xi32, #tpu.memory_space<smem>>
          %mul3A_593 = arith.constant 64 : i32
          %mul3A_594 = arith.muli %get3A_592, %mul3A_593 : i32
          %add3A_595 = arith.constant 0 : i32
          %add3A_596 = arith.addi %mul3A_594, %add3A_595 : i32
          %get3A_597 = arith.index_cast %add3A_596 : i32 to index
          %get3A_598 = tpu.vector_load %arg4[%get3A_597] {strides = array<i32>} : memref<32768xf32, #tpu.memory_space<vmem>>, vector<16xf32>,
          %get3A_599 = vector.shape_cast %get3A_598 : vector<16xf32> to vector<16xf32>
          %gt3A = arith.cmpf ogt, %get3A_599, %get3A_502 : vector<16xf32>
          %jit3A = arith.constant 0.000000e+00 : f32
          %broadcast_in_dim3A_600 = vector.broadcast %jit3A : f32 to vector<16xf32>
          %select_n3A = arith.select %gt3A, %get3A_599, %broadcast_in_dim3A_600 : vector<16xi1>, vector<16xf32>
          %add3A_601 = arith.addf %while3A_589, %select_n3A : vector<16xf32>
          %jit3A_602 = arith.constant 1.000000e+00 : f32
          %jit3A_603 = arith.constant 0.000000e+00 : f32
          %broadcast_in_dim3A_604 = vector.broadcast %jit3A_602 : f32 to vector<16xf32>
          %broadcast_in_dim3A_605 = vector.broadcast %jit3A_603 : f32 to vector<16xf32>
          %select_n3A_606 = arith.select %gt3A, %broadcast_in_dim3A_604, %broadcast_in_dim3A_605 : vector<16xi1>, vector<16xf32>
          %add3A_607 = arith.addf %while3A_590, %select_n3A_606 : vector<16xf32>
          %add3A_608 = arith.constant 16 : i32
          %add3A_609 = arith.addi %mul3A_594, %add3A_608 : i32
          %get3A_610 = arith.index_cast %add3A_609 : i32 to index
          %get3A_611 = tpu.vector_load %arg4[%get3A_610] {strides = array<i32>} : memref<32768xf32, #tpu.memory_space<vmem>>, vector<16xf32>,
          %get3A_612 = vector.shape_cast %get3A_611 : vector<16xf32> to vector<16xf32>
          %gt3A_613 = arith.cmpf ogt, %get3A_612, %get3A_502 : vector<16xf32>
          %jit3A_614 = arith.constant 0.000000e+00 : f32
          %broadcast_in_dim3A_615 = vector.broadcast %jit3A_614 : f32 to vector<16xf32>
          %select_n3A_616 = arith.select %gt3A_613, %get3A_612, %broadcast_in_dim3A_615 : vector<16xi1>, vector<16xf32>
          %add3A_617 = arith.addf %add3A_601, %select_n3A_616 : vector<16xf32>
          %jit3A_618 = arith.constant 1.000000e+00 : f32
          %jit3A_619 = arith.constant 0.000000e+00 : f32
          %broadcast_in_dim3A_620 = vector.broadcast %jit3A_618 : f32 to vector<16xf32>
          %broadcast_in_dim3A_621 = vector.broadcast %jit3A_619 : f32 to vector<16xf32>
          %select_n3A_622 = arith.select %gt3A_613, %broadcast_in_dim3A_620, %broadcast_in_dim3A_621 : vector<16xi1>, vector<16xf32>
          %add3A_623 = arith.addf %add3A_607, %select_n3A_622 : vector<16xf32>
          %add3A_624 = arith.constant 32 : i32
          %add3A_625 = arith.addi %mul3A_594, %add3A_624 : i32
          %get3A_626 = arith.index_cast %add3A_625 : i32 to index
          %get3A_627 = tpu.vector_load %arg4[%get3A_626] {strides = array<i32>} : memref<32768xf32, #tpu.memory_space<vmem>>, vector<16xf32>,
          %get3A_628 = vector.shape_cast %get3A_627 : vector<16xf32> to vector<16xf32>
          %gt3A_629 = arith.cmpf ogt, %get3A_628, %get3A_502 : vector<16xf32>
          %jit3A_630 = arith.constant 0.000000e+00 : f32
          %broadcast_in_dim3A_631 = vector.broadcast %jit3A_630 : f32 to vector<16xf32>
          %select_n3A_632 = arith.select %gt3A_629, %get3A_628, %broadcast_in_dim3A_631 : vector<16xi1>, vector<16xf32>
          %add3A_633 = arith.addf %add3A_617, %select_n3A_632 : vector<16xf32>
          %jit3A_634 = arith.constant 1.000000e+00 : f32
          %jit3A_635 = arith.constant 0.000000e+00 : f32
          %broadcast_in_dim3A_636 = vector.broadcast %jit3A_634 : f32 to vector<16xf32>
          %broadcast_in_dim3A_637 = vector.broadcast %jit3A_635 : f32 to vector<16xf32>
          %select_n3A_638 = arith.select %gt3A_629, %broadcast_in_dim3A_636, %broadcast_in_dim3A_637 : vector<16xi1>, vector<16xf32>
          %add3A_639 = arith.addf %add3A_623, %select_n3A_638 : vector<16xf32>
          %add3A_640 = arith.constant 48 : i32
          %add3A_641 = arith.addi %mul3A_594, %add3A_640 : i32
          %get3A_642 = arith.index_cast %add3A_641 : i32 to index
          %get3A_643 = tpu.vector_load %arg4[%get3A_642] {strides = array<i32>} : memref<32768xf32, #tpu.memory_space<vmem>>, vector<16xf32>,
          %get3A_644 = vector.shape_cast %get3A_643 : vector<16xf32> to vector<16xf32>
          %gt3A_645 = arith.cmpf ogt, %get3A_644, %get3A_502 : vector<16xf32>
          %jit3A_646 = arith.constant 0.000000e+00 : f32
          %broadcast_in_dim3A_647 = vector.broadcast %jit3A_646 : f32 to vector<16xf32>
          %select_n3A_648 = arith.select %gt3A_645, %get3A_644, %broadcast_in_dim3A_647 : vector<16xi1>, vector<16xf32>
          %add3A_649 = arith.addf %add3A_633, %select_n3A_648 : vector<16xf32>
          %jit3A_650 = arith.constant 1.000000e+00 : f32
          %jit3A_651 = arith.constant 0.000000e+00 : f32
          %broadcast_in_dim3A_652 = vector.broadcast %jit3A_650 : f32 to vector<16xf32>
          %broadcast_in_dim3A_653 = vector.broadcast %jit3A_651 : f32 to vector<16xf32>
          %select_n3A_654 = arith.select %gt3A_645, %broadcast_in_dim3A_652, %broadcast_in_dim3A_653 : vector<16xi1>, vector<16xf32>
          %add3A_655 = arith.addf %add3A_639, %select_n3A_654 : vector<16xf32>
          scf.yield %add3A_649, %add3A_655 : vector<16xf32>, vector<16xf32>
        }
        %while3A_512 = arith.constant 1 : i32
        %while3A_513:2 = scf.for %while3A_588 = %while3A_509 to %while3A_505 step %while3A_512 iter_args(%while3A_589 = %while3A_511#0, %while3A_590 = %while3A_511#1) -> (vector<16xf32>, vector<16xf32>)  : i32 {
          %get3A_591 = arith.index_cast %while3A_588 : i32 to index
          %get3A_592 = memref.load %arg8[%get3A_591] : memref<512xi32, #tpu.memory_space<smem>>
          %mul3A_593 = arith.constant 64 : i32
          %mul3A_594 = arith.muli %get3A_592, %mul3A_593 : i32
          %add3A_595 = arith.constant 0 : i32
          %add3A_596 = arith.addi %mul3A_594, %add3A_595 : i32
          %get3A_597 = arith.index_cast %add3A_596 : i32 to index
          %get3A_598 = tpu.vector_load %arg4[%get3A_597] {strides = array<i32>} : memref<32768xf32, #tpu.memory_space<vmem>>, vector<16xf32>,
          %get3A_599 = vector.shape_cast %get3A_598 : vector<16xf32> to vector<16xf32>
          %gt3A = arith.cmpf ogt, %get3A_599, %get3A_502 : vector<16xf32>
          %jit3A = arith.constant 0.000000e+00 : f32
          %broadcast_in_dim3A_600 = vector.broadcast %jit3A : f32 to vector<16xf32>
          %select_n3A = arith.select %gt3A, %get3A_599, %broadcast_in_dim3A_600 : vector<16xi1>, vector<16xf32>
          %add3A_601 = arith.addf %while3A_589, %select_n3A : vector<16xf32>
          %jit3A_602 = arith.constant 1.000000e+00 : f32
          %jit3A_603 = arith.constant 0.000000e+00 : f32
          %broadcast_in_dim3A_604 = vector.broadcast %jit3A_602 : f32 to vector<16xf32>
          %broadcast_in_dim3A_605 = vector.broadcast %jit3A_603 : f32 to vector<16xf32>
          %select_n3A_606 = arith.select %gt3A, %broadcast_in_dim3A_604, %broadcast_in_dim3A_605 : vector<16xi1>, vector<16xf32>
          %add3A_607 = arith.addf %while3A_590, %select_n3A_606 : vector<16xf32>
          %add3A_608 = arith.constant 16 : i32
          %add3A_609 = arith.addi %mul3A_594, %add3A_608 : i32
          %get3A_610 = arith.index_cast %add3A_609 : i32 to index
          %get3A_611 = tpu.vector_load %arg4[%get3A_610] {strides = array<i32>} : memref<32768xf32, #tpu.memory_space<vmem>>, vector<16xf32>,
          %get3A_612 = vector.shape_cast %get3A_611 : vector<16xf32> to vector<16xf32>
          %gt3A_613 = arith.cmpf ogt, %get3A_612, %get3A_502 : vector<16xf32>
          %jit3A_614 = arith.constant 0.000000e+00 : f32
          %broadcast_in_dim3A_615 = vector.broadcast %jit3A_614 : f32 to vector<16xf32>
          %select_n3A_616 = arith.select %gt3A_613, %get3A_612, %broadcast_in_dim3A_615 : vector<16xi1>, vector<16xf32>
          %add3A_617 = arith.addf %add3A_601, %select_n3A_616 : vector<16xf32>
          %jit3A_618 = arith.constant 1.000000e+00 : f32
          %jit3A_619 = arith.constant 0.000000e+00 : f32
          %broadcast_in_dim3A_620 = vector.broadcast %jit3A_618 : f32 to vector<16xf32>
          %broadcast_in_dim3A_621 = vector.broadcast %jit3A_619 : f32 to vector<16xf32>
          %select_n3A_622 = arith.select %gt3A_613, %broadcast_in_dim3A_620, %broadcast_in_dim3A_621 : vector<16xi1>, vector<16xf32>
          %add3A_623 = arith.addf %add3A_607, %select_n3A_622 : vector<16xf32>
          %add3A_624 = arith.constant 32 : i32
          %add3A_625 = arith.addi %mul3A_594, %add3A_624 : i32
          %get3A_626 = arith.index_cast %add3A_625 : i32 to index
          %get3A_627 = tpu.vector_load %arg4[%get3A_626] {strides = array<i32>} : memref<32768xf32, #tpu.memory_space<vmem>>, vector<16xf32>,
          %get3A_628 = vector.shape_cast %get3A_627 : vector<16xf32> to vector<16xf32>
          %gt3A_629 = arith.cmpf ogt, %get3A_628, %get3A_502 : vector<16xf32>
          %jit3A_630 = arith.constant 0.000000e+00 : f32
          %broadcast_in_dim3A_631 = vector.broadcast %jit3A_630 : f32 to vector<16xf32>
          %select_n3A_632 = arith.select %gt3A_629, %get3A_628, %broadcast_in_dim3A_631 : vector<16xi1>, vector<16xf32>
          %add3A_633 = arith.addf %add3A_617, %select_n3A_632 : vector<16xf32>
          %jit3A_634 = arith.constant 1.000000e+00 : f32
          %jit3A_635 = arith.constant 0.000000e+00 : f32
          %broadcast_in_dim3A_636 = vector.broadcast %jit3A_634 : f32 to vector<16xf32>
          %broadcast_in_dim3A_637 = vector.broadcast %jit3A_635 : f32 to vector<16xf32>
          %select_n3A_638 = arith.select %gt3A_629, %broadcast_in_dim3A_636, %broadcast_in_dim3A_637 : vector<16xi1>, vector<16xf32>
          %add3A_639 = arith.addf %add3A_623, %select_n3A_638 : vector<16xf32>
          %add3A_640 = arith.constant 48 : i32
          %add3A_641 = arith.addi %mul3A_594, %add3A_640 : i32
          %get3A_642 = arith.index_cast %add3A_641 : i32 to index
          %get3A_643 = tpu.vector_load %arg4[%get3A_642] {strides = array<i32>} : memref<32768xf32, #tpu.memory_space<vmem>>, vector<16xf32>,
          %get3A_644 = vector.shape_cast %get3A_643 : vector<16xf32> to vector<16xf32>
          %gt3A_645 = arith.cmpf ogt, %get3A_644, %get3A_502 : vector<16xf32>
          %jit3A_646 = arith.constant 0.000000e+00 : f32
          %broadcast_in_dim3A_647 = vector.broadcast %jit3A_646 : f32 to vector<16xf32>
          %select_n3A_648 = arith.select %gt3A_645, %get3A_644, %broadcast_in_dim3A_647 : vector<16xi1>, vector<16xf32>
          %add3A_649 = arith.addf %add3A_633, %select_n3A_648 : vector<16xf32>
          %jit3A_650 = arith.constant 1.000000e+00 : f32
          %jit3A_651 = arith.constant 0.000000e+00 : f32
          %broadcast_in_dim3A_652 = vector.broadcast %jit3A_650 : f32 to vector<16xf32>
          %broadcast_in_dim3A_653 = vector.broadcast %jit3A_651 : f32 to vector<16xf32>
          %select_n3A_654 = arith.select %gt3A_645, %broadcast_in_dim3A_652, %broadcast_in_dim3A_653 : vector<16xi1>, vector<16xf32>
          %add3A_655 = arith.addf %add3A_639, %select_n3A_654 : vector<16xf32>
          scf.yield %add3A_649, %add3A_655 : vector<16xf32>, vector<16xf32>
        }
        %iota3A_514 = tpu.iota {dimensions = array<i32: 0>} : vector<16xi32>
        %xor3A_515 = arith.constant 8 : i32
        %xor3A_516 = vector.broadcast %xor3A_515 : i32 to vector<16xi32>
        %xor3A_517 = arith.xori %iota3A_514, %xor3A_516 : vector<16xi32>
        %broadcast_in_dim3A_518 = vector.shape_cast %xor3A_517 : vector<16xi32> to vector<16x1xi32>
        %gather3A_519 = vector.shape_cast %broadcast_in_dim3A_518 : vector<16x1xi32> to vector<16xi32>
        %gather3A_520 = tpu.dynamic_gather %while3A_513#0[%gather3A_519] in [0] : vector<16xf32>, vector<16xi32> -> vector<16xf32>
        %add3A_521 = arith.addf %while3A_513#0, %gather3A_520 : vector<16xf32>
        %xor3A_522 = arith.constant 4 : i32
        %xor3A_523 = vector.broadcast %xor3A_522 : i32 to vector<16xi32>
        %xor3A_524 = arith.xori %iota3A_514, %xor3A_523 : vector<16xi32>
        %broadcast_in_dim3A_525 = vector.shape_cast %xor3A_524 : vector<16xi32> to vector<16x1xi32>
        %gather3A_526 = vector.shape_cast %broadcast_in_dim3A_525 : vector<16x1xi32> to vector<16xi32>
        %gather3A_527 = tpu.dynamic_gather %add3A_521[%gather3A_526] in [0] : vector<16xf32>, vector<16xi32> -> vector<16xf32>
        %add3A_528 = arith.addf %add3A_521, %gather3A_527 : vector<16xf32>
        %xor3A_529 = arith.constant 2 : i32
        %xor3A_530 = vector.broadcast %xor3A_529 : i32 to vector<16xi32>
        %xor3A_531 = arith.xori %iota3A_514, %xor3A_530 : vector<16xi32>
        %broadcast_in_dim3A_532 = vector.shape_cast %xor3A_531 : vector<16xi32> to vector<16x1xi32>
        %gather3A_533 = vector.shape_cast %broadcast_in_dim3A_532 : vector<16x1xi32> to vector<16xi32>
        %gather3A_534 = tpu.dynamic_gather %add3A_528[%gather3A_533] in [0] : vector<16xf32>, vector<16xi32> -> vector<16xf32>
        %add3A_535 = arith.addf %add3A_528, %gather3A_534 : vector<16xf32>
        %xor3A_536 = arith.constant 1 : i32
        %xor3A_537 = vector.broadcast %xor3A_536 : i32 to vector<16xi32>
        %xor3A_538 = arith.xori %iota3A_514, %xor3A_537 : vector<16xi32>
        %broadcast_in_dim3A_539 = vector.shape_cast %xor3A_538 : vector<16xi32> to vector<16x1xi32>
        %gather3A_540 = vector.shape_cast %broadcast_in_dim3A_539 : vector<16x1xi32> to vector<16xi32>
        %gather3A_541 = tpu.dynamic_gather %add3A_535[%gather3A_540] in [0] : vector<16xf32>, vector<16xi32> -> vector<16xf32>
        %add3A_542 = arith.addf %add3A_535, %gather3A_541 : vector<16xf32>
        %iota3A_543 = tpu.iota {dimensions = array<i32: 0>} : vector<16xi32>
        %xor3A_544 = arith.constant 8 : i32
        %xor3A_545 = vector.broadcast %xor3A_544 : i32 to vector<16xi32>
        %xor3A_546 = arith.xori %iota3A_543, %xor3A_545 : vector<16xi32>
        %broadcast_in_dim3A_547 = vector.shape_cast %xor3A_546 : vector<16xi32> to vector<16x1xi32>
        %gather3A_548 = vector.shape_cast %broadcast_in_dim3A_547 : vector<16x1xi32> to vector<16xi32>
        %gather3A_549 = tpu.dynamic_gather %while3A_513#1[%gather3A_548] in [0] : vector<16xf32>, vector<16xi32> -> vector<16xf32>
        %add3A_550 = arith.addf %while3A_513#1, %gather3A_549 : vector<16xf32>
        %xor3A_551 = arith.constant 4 : i32
        %xor3A_552 = vector.broadcast %xor3A_551 : i32 to vector<16xi32>
        %xor3A_553 = arith.xori %iota3A_543, %xor3A_552 : vector<16xi32>
        %broadcast_in_dim3A_554 = vector.shape_cast %xor3A_553 : vector<16xi32> to vector<16x1xi32>
        %gather3A_555 = vector.shape_cast %broadcast_in_dim3A_554 : vector<16x1xi32> to vector<16xi32>
        %gather3A_556 = tpu.dynamic_gather %add3A_550[%gather3A_555] in [0] : vector<16xf32>, vector<16xi32> -> vector<16xf32>
        %add3A_557 = arith.addf %add3A_550, %gather3A_556 : vector<16xf32>
        %xor3A_558 = arith.constant 2 : i32
        %xor3A_559 = vector.broadcast %xor3A_558 : i32 to vector<16xi32>
        %xor3A_560 = arith.xori %iota3A_543, %xor3A_559 : vector<16xi32>
        %broadcast_in_dim3A_561 = vector.shape_cast %xor3A_560 : vector<16xi32> to vector<16x1xi32>
        %gather3A_562 = vector.shape_cast %broadcast_in_dim3A_561 : vector<16x1xi32> to vector<16xi32>
        %gather3A_563 = tpu.dynamic_gather %add3A_557[%gather3A_562] in [0] : vector<16xf32>, vector<16xi32> -> vector<16xf32>
        %add3A_564 = arith.addf %add3A_557, %gather3A_563 : vector<16xf32>
        %xor3A_565 = arith.constant 1 : i32
        %xor3A_566 = vector.broadcast %xor3A_565 : i32 to vector<16xi32>
        %xor3A_567 = arith.xori %iota3A_543, %xor3A_566 : vector<16xi32>
        %broadcast_in_dim3A_568 = vector.shape_cast %xor3A_567 : vector<16xi32> to vector<16x1xi32>
        %gather3A_569 = vector.shape_cast %broadcast_in_dim3A_568 : vector<16x1xi32> to vector<16xi32>
        %gather3A_570 = tpu.dynamic_gather %add3A_564[%gather3A_569] in [0] : vector<16xf32>, vector<16xi32> -> vector<16xf32>
        %add3A_571 = arith.addf %add3A_564, %gather3A_570 : vector<16xf32>
        %sub3A_572 = arith.constant 1.000000e+00 : f32
        %sub3A_573 = vector.broadcast %sub3A_572 : f32 to vector<16xf32>
        %sub3A_574 = arith.subf %add3A_542, %sub3A_573 : vector<16xf32>
        %div3A = arith.divf %sub3A_574, %add3A_571 : vector<16xf32>
        %slice3A_575 = vector.extract_strided_slice %div3A {offsets = [0], sizes = [1], strides = [1]} : vector<16xf32> to vector<1xf32>
        %squeeze3A_576 = vector.extract %slice3A_575[0] : f32 from vector<1xf32>
        %slice3A_577 = vector.extract_strided_slice %get3A_502 {offsets = [0], sizes = [1], strides = [1]} : vector<16xf32> to vector<1xf32>
        %squeeze3A_578 = vector.extract %slice3A_577[0] : f32 from vector<1xf32>
        %le3A = arith.cmpf ole, %squeeze3A_576, %squeeze3A_578 : f32
        %convert_element_type3A_579 = arith.extui %le3A : i1 to i32
        %swap3A_580 = arith.constant 0 : i32
        %swap3A_581 = arith.index_cast %swap3A_580 : i32 to index
        %swap3A_582 = memref.load %arg10[%swap3A_581] : memref<1xi32, #tpu.memory_space<smem>>
        memref.store %convert_element_type3A_579, %arg10[%swap3A_581] : memref<1xi32, #tpu.memory_space<smem>>
        %max3A_583 = arith.maximumf %div3A, %get3A_502 : vector<16xf32>
        %swap3A_584 = arith.constant 0 : index
        %swap3A_585 = tpu.vector_load %arg7[%swap3A_584] {strides = array<i32>} : memref<16xf32, #tpu.memory_space<vmem>>, vector<16xf32>,
        %swap3A_586 = vector.shape_cast %swap3A_585 : vector<16xf32> to vector<16xf32>
        %swap3A_587 = vector.shape_cast %max3A_583 : vector<16xf32> to vector<16xf32>
        tpu.vector_store %arg7[%swap3A_584], %swap3A_587 {strides = array<i32>} : memref<16xf32, #tpu.memory_space<vmem>>, vector<16xf32>,
      } else {
      }
    }
    %scan3A_335 = arith.constant 24 : i32
    "tpu.trace_stop"() : () -> ()
    %dma_wait3A_336 = arith.constant 0 : i32
    %dma_wait3A_337 = tpu.memref_slice %arg3[%add3A_241, %dma_wait3A_336] : memref<128x32768xf32, #tpu.memory_space<hbm>> -> memref<1x32768xf32, #tpu.memory_space<hbm>>
    %dma_wait3A_338 = tpu.memref_squeeze %dma_wait3A_337 : memref<1x32768xf32, #tpu.memory_space<hbm>> -> memref<32768xf32, #tpu.memory_space<hbm>>
    %dma_wait3A_339 = arith.constant 0 : i32
    %dma_wait3A_340 = tpu.memref_slice %arg3[%add3A_241, %dma_wait3A_339] : memref<128x32768xf32, #tpu.memory_space<hbm>> -> memref<1x32768xf32, #tpu.memory_space<hbm>>
    %dma_wait3A_341 = tpu.memref_squeeze %dma_wait3A_340 : memref<1x32768xf32, #tpu.memory_space<hbm>> -> memref<32768xf32, #tpu.memory_space<hbm>>
    tpu.wait_dma2 semaphore(%arg13 : memref<!tpu.dma_semaphore, #tpu.memory_space<semaphore_mem>>) src(%arg6 : memref<32768xf32, #tpu.memory_space<vmem>>) dst(%dma_wait3A_341 : memref<32768xf32, #tpu.memory_space<hbm>>)
    %while3A_342 = arith.constant 0 : i32
    %while3A_343 = arith.constant 0 : i32
    %while3A_344 = arith.subi %scan3A_195, %while3A_343 : i32
    %while3A_345 = arith.addi %while3A_343, %while3A_344 : i32
    %while3A_346 = arith.constant 1 : i32
    %while3A_347 = arith.divsi %while3A_344, %while3A_346 : i32
    %while3A_348 = arith.muli %while3A_347, %while3A_346 : i32
    %while3A_349 = arith.addi %while3A_343, %while3A_348 : i32
    %while3A_350 = arith.constant 1 : i32
    scf.for %while3A_494 = %while3A_343 to %while3A_349 step %while3A_350  : i32 {
      %get3A_495 = arith.index_cast %while3A_494 : i32 to index
      %get3A_496 = memref.load %arg9[%get3A_495] : memref<512xi32, #tpu.memory_space<smem>>
      %mul3A_497 = arith.constant 64 : i32
      %mul3A_498 = arith.muli %get3A_496, %mul3A_497 : i32
      %add3A_499 = arith.constant 0 : i32
      %add3A_500 = arith.addi %mul3A_498, %add3A_499 : i32
      %swap3A_501 = arith.index_cast %add3A_500 : i32 to index
      %swap3A_502 = tpu.vector_load %arg6[%swap3A_501] {strides = array<i32>} : memref<32768xf32, #tpu.memory_space<vmem>>, vector<16xf32>,
      %swap3A_503 = vector.shape_cast %swap3A_502 : vector<16xf32> to vector<16xf32>
      %swap3A_504 = vector.shape_cast %broadcast_in_dim3A_3 : vector<16xf32> to vector<16xf32>
      tpu.vector_store %arg6[%swap3A_501], %swap3A_504 {strides = array<i32>} : memref<32768xf32, #tpu.memory_space<vmem>>, vector<16xf32>,
      %add3A_505 = arith.constant 16 : i32
      %add3A_506 = arith.addi %mul3A_498, %add3A_505 : i32
      %swap3A_507 = arith.index_cast %add3A_506 : i32 to index
      %swap3A_508 = tpu.vector_load %arg6[%swap3A_507] {strides = array<i32>} : memref<32768xf32, #tpu.memory_space<vmem>>, vector<16xf32>,
      %swap3A_509 = vector.shape_cast %swap3A_508 : vector<16xf32> to vector<16xf32>
      %swap3A_510 = vector.shape_cast %broadcast_in_dim3A_3 : vector<16xf32> to vector<16xf32>
      tpu.vector_store %arg6[%swap3A_507], %swap3A_510 {strides = array<i32>} : memref<32768xf32, #tpu.memory_space<vmem>>, vector<16xf32>,
      %add3A_511 = arith.constant 32 : i32
      %add3A_512 = arith.addi %mul3A_498, %add3A_511 : i32
      %swap3A_513 = arith.index_cast %add3A_512 : i32 to index
      %swap3A_514 = tpu.vector_load %arg6[%swap3A_513] {strides = array<i32>} : memref<32768xf32, #tpu.memory_space<vmem>>, vector<16xf32>,
      %swap3A_515 = vector.shape_cast %swap3A_514 : vector<16xf32> to vector<16xf32>
      %swap3A_516 = vector.shape_cast %broadcast_in_dim3A_3 : vector<16xf32> to vector<16xf32>
      tpu.vector_store %arg6[%swap3A_513], %swap3A_516 {strides = array<i32>} : memref<32768xf32, #tpu.memory_space<vmem>>, vector<16xf32>,
      %add3A_517 = arith.constant 48 : i32
      %add3A_518 = arith.addi %mul3A_498, %add3A_517 : i32
      %swap3A_519 = arith.index_cast %add3A_518 : i32 to index
      %swap3A_520 = tpu.vector_load %arg6[%swap3A_519] {strides = array<i32>} : memref<32768xf32, #tpu.memory_space<vmem>>, vector<16xf32>,
      %swap3A_521 = vector.shape_cast %swap3A_520 : vector<16xf32> to vector<16xf32>
      %swap3A_522 = vector.shape_cast %broadcast_in_dim3A_3 : vector<16xf32> to vector<16xf32>
      tpu.vector_store %arg6[%swap3A_519], %swap3A_522 {strides = array<i32>} : memref<32768xf32, #tpu.memory_space<vmem>>, vector<16xf32>,
    }
    %while3A_351 = arith.constant 1 : i32
    scf.for %while3A_494 = %while3A_349 to %while3A_345 step %while3A_351  : i32 {
      %get3A_495 = arith.index_cast %while3A_494 : i32 to index
      %get3A_496 = memref.load %arg9[%get3A_495] : memref<512xi32, #tpu.memory_space<smem>>
      %mul3A_497 = arith.constant 64 : i32
      %mul3A_498 = arith.muli %get3A_496, %mul3A_497 : i32
      %add3A_499 = arith.constant 0 : i32
      %add3A_500 = arith.addi %mul3A_498, %add3A_499 : i32
      %swap3A_501 = arith.index_cast %add3A_500 : i32 to index
      %swap3A_502 = tpu.vector_load %arg6[%swap3A_501] {strides = array<i32>} : memref<32768xf32, #tpu.memory_space<vmem>>, vector<16xf32>,
      %swap3A_503 = vector.shape_cast %swap3A_502 : vector<16xf32> to vector<16xf32>
      %swap3A_504 = vector.shape_cast %broadcast_in_dim3A_3 : vector<16xf32> to vector<16xf32>
      tpu.vector_store %arg6[%swap3A_501], %swap3A_504 {strides = array<i32>} : memref<32768xf32, #tpu.memory_space<vmem>>, vector<16xf32>,
      %add3A_505 = arith.constant 16 : i32
      %add3A_506 = arith.addi %mul3A_498, %add3A_505 : i32
      %swap3A_507 = arith.index_cast %add3A_506 : i32 to index
      %swap3A_508 = tpu.vector_load %arg6[%swap3A_507] {strides = array<i32>} : memref<32768xf32, #tpu.memory_space<vmem>>, vector<16xf32>,
      %swap3A_509 = vector.shape_cast %swap3A_508 : vector<16xf32> to vector<16xf32>
      %swap3A_510 = vector.shape_cast %broadcast_in_dim3A_3 : vector<16xf32> to vector<16xf32>
      tpu.vector_store %arg6[%swap3A_507], %swap3A_510 {strides = array<i32>} : memref<32768xf32, #tpu.memory_space<vmem>>, vector<16xf32>,
      %add3A_511 = arith.constant 32 : i32
      %add3A_512 = arith.addi %mul3A_498, %add3A_511 : i32
      %swap3A_513 = arith.index_cast %add3A_512 : i32 to index
      %swap3A_514 = tpu.vector_load %arg6[%swap3A_513] {strides = array<i32>} : memref<32768xf32, #tpu.memory_space<vmem>>, vector<16xf32>,
      %swap3A_515 = vector.shape_cast %swap3A_514 : vector<16xf32> to vector<16xf32>
      %swap3A_516 = vector.shape_cast %broadcast_in_dim3A_3 : vector<16xf32> to vector<16xf32>
      tpu.vector_store %arg6[%swap3A_513], %swap3A_516 {strides = array<i32>} : memref<32768xf32, #tpu.memory_space<vmem>>, vector<16xf32>,
      %add3A_517 = arith.constant 48 : i32
      %add3A_518 = arith.addi %mul3A_498, %add3A_517 : i32
      %swap3A_519 = arith.index_cast %add3A_518 : i32 to index
      %swap3A_520 = tpu.vector_load %arg6[%swap3A_519] {strides = array<i32>} : memref<32768xf32, #tpu.memory_space<vmem>>, vector<16xf32>,
      %swap3A_521 = vector.shape_cast %swap3A_520 : vector<16xf32> to vector<16xf32>
      %swap3A_522 = vector.shape_cast %broadcast_in_dim3A_3 : vector<16xf32> to vector<16xf32>
      tpu.vector_store %arg6[%swap3A_519], %swap3A_522 {strides = array<i32>} : memref<32768xf32, #tpu.memory_space<vmem>>, vector<16xf32>,
    }
    %get3A_352 = arith.constant 0 : index
    %get3A_353 = tpu.vector_load %arg7[%get3A_352] {strides = array<i32>} : memref<16xf32, #tpu.memory_space<vmem>>, vector<16xf32>,
    %get3A_354 = vector.shape_cast %get3A_353 : vector<16xf32> to vector<16xf32>
    %while3A_355 = arith.constant 0 : i32
    %while3A_356 = arith.constant 0 : i32
    "tpu.trace_start"() <{level = 10 : i32, message = "p3_write"}> : () -> ()
    %while3A_357 = arith.subi %scan3A_320, %while3A_356 : i32
    %while3A_358 = arith.addi %while3A_356, %while3A_357 : i32
    %while3A_359 = arith.constant 1 : i32
    %while3A_360 = arith.divsi %while3A_357, %while3A_359 : i32
    %while3A_361 = arith.muli %while3A_360, %while3A_359 : i32
    %while3A_362 = arith.addi %while3A_356, %while3A_361 : i32
    %while3A_363 = arith.constant 1 : i32
    scf.for %while3A_494 = %while3A_356 to %while3A_362 step %while3A_363  : i32 {
      %get3A_495 = arith.index_cast %while3A_494 : i32 to index
      %get3A_496 = memref.load %arg8[%get3A_495] : memref<512xi32, #tpu.memory_space<smem>>
      %mul3A_497 = arith.constant 64 : i32
      %mul3A_498 = arith.muli %get3A_496, %mul3A_497 : i32
      %add3A_499 = arith.constant 0 : i32
      %add3A_500 = arith.addi %mul3A_498, %add3A_499 : i32
      %get3A_501 = arith.index_cast %add3A_500 : i32 to index
      %get3A_502 = tpu.vector_load %arg4[%get3A_501] {strides = array<i32>} : memref<32768xf32, #tpu.memory_space<vmem>>, vector<16xf32>,
      %get3A_503 = vector.shape_cast %get3A_502 : vector<16xf32> to vector<16xf32>
      %sub3A_504 = arith.subf %get3A_503, %get3A_354 : vector<16xf32>
      %max3A_505 = arith.constant 0.000000e+00 : f32
      %max3A_506 = vector.broadcast %max3A_505 : f32 to vector<16xf32>
      %max3A_507 = arith.maximumf %sub3A_504, %max3A_506 : vector<16xf32>
      %swap3A_508 = arith.index_cast %add3A_500 : i32 to index
      %swap3A_509 = tpu.vector_load %arg6[%swap3A_508] {strides = array<i32>} : memref<32768xf32, #tpu.memory_space<vmem>>, vector<16xf32>,
      %swap3A_510 = vector.shape_cast %swap3A_509 : vector<16xf32> to vector<16xf32>
      %swap3A_511 = vector.shape_cast %max3A_507 : vector<16xf32> to vector<16xf32>
      tpu.vector_store %arg6[%swap3A_508], %swap3A_511 {strides = array<i32>} : memref<32768xf32, #tpu.memory_space<vmem>>, vector<16xf32>,
      %add3A_512 = arith.constant 16 : i32
      %add3A_513 = arith.addi %mul3A_498, %add3A_512 : i32
      %get3A_514 = arith.index_cast %add3A_513 : i32 to index
      %get3A_515 = tpu.vector_load %arg4[%get3A_514] {strides = array<i32>} : memref<32768xf32, #tpu.memory_space<vmem>>, vector<16xf32>,
      %get3A_516 = vector.shape_cast %get3A_515 : vector<16xf32> to vector<16xf32>
      %sub3A_517 = arith.subf %get3A_516, %get3A_354 : vector<16xf32>
      %max3A_518 = arith.constant 0.000000e+00 : f32
      %max3A_519 = vector.broadcast %max3A_518 : f32 to vector<16xf32>
      %max3A_520 = arith.maximumf %sub3A_517, %max3A_519 : vector<16xf32>
      %swap3A_521 = arith.index_cast %add3A_513 : i32 to index
      %swap3A_522 = tpu.vector_load %arg6[%swap3A_521] {strides = array<i32>} : memref<32768xf32, #tpu.memory_space<vmem>>, vector<16xf32>,
      %swap3A_523 = vector.shape_cast %swap3A_522 : vector<16xf32> to vector<16xf32>
      %swap3A_524 = vector.shape_cast %max3A_520 : vector<16xf32> to vector<16xf32>
      tpu.vector_store %arg6[%swap3A_521], %swap3A_524 {strides = array<i32>} : memref<32768xf32, #tpu.memory_space<vmem>>, vector<16xf32>,
      %add3A_525 = arith.constant 32 : i32
      %add3A_526 = arith.addi %mul3A_498, %add3A_525 : i32
      %get3A_527 = arith.index_cast %add3A_526 : i32 to index
      %get3A_528 = tpu.vector_load %arg4[%get3A_527] {strides = array<i32>} : memref<32768xf32, #tpu.memory_space<vmem>>, vector<16xf32>,
      %get3A_529 = vector.shape_cast %get3A_528 : vector<16xf32> to vector<16xf32>
      %sub3A_530 = arith.subf %get3A_529, %get3A_354 : vector<16xf32>
      %max3A_531 = arith.constant 0.000000e+00 : f32
      %max3A_532 = vector.broadcast %max3A_531 : f32 to vector<16xf32>
      %max3A_533 = arith.maximumf %sub3A_530, %max3A_532 : vector<16xf32>
      %swap3A_534 = arith.index_cast %add3A_526 : i32 to index
      %swap3A_535 = tpu.vector_load %arg6[%swap3A_534] {strides = array<i32>} : memref<32768xf32, #tpu.memory_space<vmem>>, vector<16xf32>,
      %swap3A_536 = vector.shape_cast %swap3A_535 : vector<16xf32> to vector<16xf32>
      %swap3A_537 = vector.shape_cast %max3A_533 : vector<16xf32> to vector<16xf32>
      tpu.vector_store %arg6[%swap3A_534], %swap3A_537 {strides = array<i32>} : memref<32768xf32, #tpu.memory_space<vmem>>, vector<16xf32>,
      %add3A_538 = arith.constant 48 : i32
      %add3A_539 = arith.addi %mul3A_498, %add3A_538 : i32
      %get3A_540 = arith.index_cast %add3A_539 : i32 to index
      %get3A_541 = tpu.vector_load %arg4[%get3A_540] {strides = array<i32>} : memref<32768xf32, #tpu.memory_space<vmem>>, vector<16xf32>,
      %get3A_542 = vector.shape_cast %get3A_541 : vector<16xf32> to vector<16xf32>
      %sub3A_543 = arith.subf %get3A_542, %get3A_354 : vector<16xf32>
      %max3A_544 = arith.constant 0.000000e+00 : f32
      %max3A_545 = vector.broadcast %max3A_544 : f32 to vector<16xf32>
      %max3A_546 = arith.maximumf %sub3A_543, %max3A_545 : vector<16xf32>
      %swap3A_547 = arith.index_cast %add3A_539 : i32 to index
      %swap3A_548 = tpu.vector_load %arg6[%swap3A_547] {strides = array<i32>} : memref<32768xf32, #tpu.memory_space<vmem>>, vector<16xf32>,
      %swap3A_549 = vector.shape_cast %swap3A_548 : vector<16xf32> to vector<16xf32>
      %swap3A_550 = vector.shape_cast %max3A_546 : vector<16xf32> to vector<16xf32>
      tpu.vector_store %arg6[%swap3A_547], %swap3A_550 {strides = array<i32>} : memref<32768xf32, #tpu.memory_space<vmem>>, vector<16xf32>,
    }
    %while3A_364 = arith.constant 1 : i32
    scf.for %while3A_494 = %while3A_362 to %while3A_358 step %while3A_364  : i32 {
      %get3A_495 = arith.index_cast %while3A_494 : i32 to index
      %get3A_496 = memref.load %arg8[%get3A_495] : memref<512xi32, #tpu.memory_space<smem>>
      %mul3A_497 = arith.constant 64 : i32
      %mul3A_498 = arith.muli %get3A_496, %mul3A_497 : i32
      %add3A_499 = arith.constant 0 : i32
      %add3A_500 = arith.addi %mul3A_498, %add3A_499 : i32
      %get3A_501 = arith.index_cast %add3A_500 : i32 to index
      %get3A_502 = tpu.vector_load %arg4[%get3A_501] {strides = array<i32>} : memref<32768xf32, #tpu.memory_space<vmem>>, vector<16xf32>,
      %get3A_503 = vector.shape_cast %get3A_502 : vector<16xf32> to vector<16xf32>
      %sub3A_504 = arith.subf %get3A_503, %get3A_354 : vector<16xf32>
      %max3A_505 = arith.constant 0.000000e+00 : f32
      %max3A_506 = vector.broadcast %max3A_505 : f32 to vector<16xf32>
      %max3A_507 = arith.maximumf %sub3A_504, %max3A_506 : vector<16xf32>
      %swap3A_508 = arith.index_cast %add3A_500 : i32 to index
      %swap3A_509 = tpu.vector_load %arg6[%swap3A_508] {strides = array<i32>} : memref<32768xf32, #tpu.memory_space<vmem>>, vector<16xf32>,
      %swap3A_510 = vector.shape_cast %swap3A_509 : vector<16xf32> to vector<16xf32>
      %swap3A_511 = vector.shape_cast %max3A_507 : vector<16xf32> to vector<16xf32>
      tpu.vector_store %arg6[%swap3A_508], %swap3A_511 {strides = array<i32>} : memref<32768xf32, #tpu.memory_space<vmem>>, vector<16xf32>,
      %add3A_512 = arith.constant 16 : i32
      %add3A_513 = arith.addi %mul3A_498, %add3A_512 : i32
      %get3A_514 = arith.index_cast %add3A_513 : i32 to index
      %get3A_515 = tpu.vector_load %arg4[%get3A_514] {strides = array<i32>} : memref<32768xf32, #tpu.memory_space<vmem>>, vector<16xf32>,
      %get3A_516 = vector.shape_cast %get3A_515 : vector<16xf32> to vector<16xf32>
      %sub3A_517 = arith.subf %get3A_516, %get3A_354 : vector<16xf32>
      %max3A_518 = arith.constant 0.000000e+00 : f32
      %max3A_519 = vector.broadcast %max3A_518 : f32 to vector<16xf32>
      %max3A_520 = arith.maximumf %sub3A_517, %max3A_519 : vector<16xf32>
      %swap3A_521 = arith.index_cast %add3A_513 : i32 to index
      %swap3A_522 = tpu.vector_load %arg6[%swap3A_521] {strides = array<i32>} : memref<32768xf32, #tpu.memory_space<vmem>>, vector<16xf32>,
      %swap3A_523 = vector.shape_cast %swap3A_522 : vector<16xf32> to vector<16xf32>
      %swap3A_524 = vector.shape_cast %max3A_520 : vector<16xf32> to vector<16xf32>
      tpu.vector_store %arg6[%swap3A_521], %swap3A_524 {strides = array<i32>} : memref<32768xf32, #tpu.memory_space<vmem>>, vector<16xf32>,
      %add3A_525 = arith.constant 32 : i32
      %add3A_526 = arith.addi %mul3A_498, %add3A_525 : i32
      %get3A_527 = arith.index_cast %add3A_526 : i32 to index
      %get3A_528 = tpu.vector_load %arg4[%get3A_527] {strides = array<i32>} : memref<32768xf32, #tpu.memory_space<vmem>>, vector<16xf32>,
      %get3A_529 = vector.shape_cast %get3A_528 : vector<16xf32> to vector<16xf32>
      %sub3A_530 = arith.subf %get3A_529, %get3A_354 : vector<16xf32>
      %max3A_531 = arith.constant 0.000000e+00 : f32
      %max3A_532 = vector.broadcast %max3A_531 : f32 to vector<16xf32>
      %max3A_533 = arith.maximumf %sub3A_530, %max3A_532 : vector<16xf32>
      %swap3A_534 = arith.index_cast %add3A_526 : i32 to index
      %swap3A_535 = tpu.vector_load %arg6[%swap3A_534] {strides = array<i32>} : memref<32768xf32, #tpu.memory_space<vmem>>, vector<16xf32>,
      %swap3A_536 = vector.shape_cast %swap3A_535 : vector<16xf32> to vector<16xf32>
      %swap3A_537 = vector.shape_cast %max3A_533 : vector<16xf32> to vector<16xf32>
      tpu.vector_store %arg6[%swap3A_534], %swap3A_537 {strides = array<i32>} : memref<32768xf32, #tpu.memory_space<vmem>>, vector<16xf32>,
      %add3A_538 = arith.constant 48 : i32
      %add3A_539 = arith.addi %mul3A_498, %add3A_538 : i32
      %get3A_540 = arith.index_cast %add3A_539 : i32 to index
      %get3A_541 = tpu.vector_load %arg4[%get3A_540] {strides = array<i32>} : memref<32768xf32, #tpu.memory_space<vmem>>, vector<16xf32>,
      %get3A_542 = vector.shape_cast %get3A_541 : vector<16xf32> to vector<16xf32>
      %sub3A_543 = arith.subf %get3A_542, %get3A_354 : vector<16xf32>
      %max3A_544 = arith.constant 0.000000e+00 : f32
      %max3A_545 = vector.broadcast %max3A_544 : f32 to vector<16xf32>
      %max3A_546 = arith.maximumf %sub3A_543, %max3A_545 : vector<16xf32>
      %swap3A_547 = arith.index_cast %add3A_539 : i32 to index
      %swap3A_548 = tpu.vector_load %arg6[%swap3A_547] {strides = array<i32>} : memref<32768xf32, #tpu.memory_space<vmem>>, vector<16xf32>,
      %swap3A_549 = vector.shape_cast %swap3A_548 : vector<16xf32> to vector<16xf32>
      %swap3A_550 = vector.shape_cast %max3A_546 : vector<16xf32> to vector<16xf32>
      tpu.vector_store %arg6[%swap3A_547], %swap3A_550 {strides = array<i32>} : memref<32768xf32, #tpu.memory_space<vmem>>, vector<16xf32>,
    }
    "tpu.trace_stop"() : () -> ()
    %add3A_365 = arith.constant 2 : i32
    %add3A_366 = arith.addi %mul3A_2, %add3A_365 : i32
    %dma_start3A_367 = arith.constant 0 : i32
    %dma_start3A_368 = tpu.memref_slice %arg3[%add3A_366, %dma_start3A_367] : memref<128x32768xf32, #tpu.memory_space<hbm>> -> memref<1x32768xf32, #tpu.memory_space<hbm>>
    %dma_start3A_369 = tpu.memref_squeeze %dma_start3A_368 : memref<1x32768xf32, #tpu.memory_space<hbm>> -> memref<32768xf32, #tpu.memory_space<hbm>>
    %dma_start3A_370 = arith.constant 0 : i32
    %dma_start3A_371 = tpu.memref_slice %arg3[%add3A_366, %dma_start3A_370] : memref<128x32768xf32, #tpu.memory_space<hbm>> -> memref<1x32768xf32, #tpu.memory_space<hbm>>
    %dma_start3A_372 = tpu.memref_squeeze %dma_start3A_371 : memref<1x32768xf32, #tpu.memory_space<hbm>> -> memref<32768xf32, #tpu.memory_space<hbm>>
    tpu.enqueue_dma source(%arg6 : memref<32768xf32, #tpu.memory_space<vmem>>) target(%dma_start3A_372 : memref<32768xf32, #tpu.memory_space<hbm>>) target_semaphore(%arg13 : memref<!tpu.dma_semaphore, #tpu.memory_space<semaphore_mem>>)
    %dma_wait3A_373 = arith.constant 0 : i32
    %dma_wait3A_374 = tpu.memref_slice %arg2[%add3A_251, %dma_wait3A_373] : memref<128x32768xf32, #tpu.memory_space<hbm>> -> memref<1x32768xf32, #tpu.memory_space<hbm>>
    %dma_wait3A_375 = tpu.memref_squeeze %dma_wait3A_374 : memref<1x32768xf32, #tpu.memory_space<hbm>> -> memref<32768xf32, #tpu.memory_space<hbm>>
    %dma_wait3A_376 = arith.constant 0 : i32
    %dma_wait3A_377 = tpu.memref_slice %arg2[%add3A_251, %dma_wait3A_376] : memref<128x32768xf32, #tpu.memory_space<hbm>> -> memref<1x32768xf32, #tpu.memory_space<hbm>>
    %dma_wait3A_378 = tpu.memref_squeeze %dma_wait3A_377 : memref<1x32768xf32, #tpu.memory_space<hbm>> -> memref<32768xf32, #tpu.memory_space<hbm>>
    tpu.wait_dma2 semaphore(%arg12 : memref<!tpu.dma_semaphore, #tpu.memory_space<semaphore_mem>>) src(%dma_wait3A_378 : memref<32768xf32, #tpu.memory_space<hbm>>) dst(%arg5 : memref<32768xf32, #tpu.memory_space<vmem>>)
    %broadcast_in_dim3A_379 = arith.constant 0.000000e+00 : f32
    %broadcast_in_dim3A_380 = vector.broadcast %broadcast_in_dim3A_379 : f32 to vector<16xf32>
    %broadcast_in_dim3A_381 = arith.constant -3.000000e+38 : f32
    %broadcast_in_dim3A_382 = vector.broadcast %broadcast_in_dim3A_381 : f32 to vector<16xf32>
    %scan3A_383 = arith.constant 0 : i32
    %scan3A_384 = arith.constant 256 : i32
    %scan3A_385 = arith.addi %scan3A_383, %scan3A_384 : i32
    %scan3A_386 = arith.constant 1 : i32
    %scan3A_387:8 = scf.for %scan3A_494 = %scan3A_383 to %scan3A_385 step %scan3A_386 iter_args(%scan3A_495 = %broadcast_in_dim3A_382, %scan3A_496 = %broadcast_in_dim3A_382, %scan3A_497 = %broadcast_in_dim3A_382, %scan3A_498 = %broadcast_in_dim3A_382, %scan3A_499 = %broadcast_in_dim3A_382, %scan3A_500 = %broadcast_in_dim3A_382, %scan3A_501 = %broadcast_in_dim3A_382, %scan3A_502 = %broadcast_in_dim3A_382) -> (vector<16xf32>, vector<16xf32>, vector<16xf32>, vector<16xf32>, vector<16xf32>, vector<16xf32>, vector<16xf32>, vector<16xf32>)  : i32 {
      %mul3A_503 = arith.constant 128 : i32
      %mul3A_504 = arith.muli %scan3A_494, %mul3A_503 : i32
      %add3A_505 = arith.constant 0 : i32
      %add3A_506 = arith.addi %mul3A_504, %add3A_505 : i32
      %get3A_507 = arith.index_cast %add3A_506 : i32 to index
      %get3A_508 = tpu.vector_load %arg5[%get3A_507] {strides = array<i32>} : memref<32768xf32, #tpu.memory_space<vmem>>, vector<16xf32>,
      %get3A_509 = vector.shape_cast %get3A_508 : vector<16xf32> to vector<16xf32>
      %max3A_510 = arith.maximumf %scan3A_495, %get3A_509 : vector<16xf32>
      %add3A_511 = arith.constant 16 : i32
      %add3A_512 = arith.addi %mul3A_504, %add3A_511 : i32
      %get3A_513 = arith.index_cast %add3A_512 : i32 to index
      %get3A_514 = tpu.vector_load %arg5[%get3A_513] {strides = array<i32>} : memref<32768xf32, #tpu.memory_space<vmem>>, vector<16xf32>,
      %get3A_515 = vector.shape_cast %get3A_514 : vector<16xf32> to vector<16xf32>
      %max3A_516 = arith.maximumf %scan3A_496, %get3A_515 : vector<16xf32>
      %add3A_517 = arith.constant 32 : i32
      %add3A_518 = arith.addi %mul3A_504, %add3A_517 : i32
      %get3A_519 = arith.index_cast %add3A_518 : i32 to index
      %get3A_520 = tpu.vector_load %arg5[%get3A_519] {strides = array<i32>} : memref<32768xf32, #tpu.memory_space<vmem>>, vector<16xf32>,
      %get3A_521 = vector.shape_cast %get3A_520 : vector<16xf32> to vector<16xf32>
      %max3A_522 = arith.maximumf %scan3A_497, %get3A_521 : vector<16xf32>
      %add3A_523 = arith.constant 48 : i32
      %add3A_524 = arith.addi %mul3A_504, %add3A_523 : i32
      %get3A_525 = arith.index_cast %add3A_524 : i32 to index
      %get3A_526 = tpu.vector_load %arg5[%get3A_525] {strides = array<i32>} : memref<32768xf32, #tpu.memory_space<vmem>>, vector<16xf32>,
      %get3A_527 = vector.shape_cast %get3A_526 : vector<16xf32> to vector<16xf32>
      %max3A_528 = arith.maximumf %scan3A_498, %get3A_527 : vector<16xf32>
      %add3A_529 = arith.constant 64 : i32
      %add3A_530 = arith.addi %mul3A_504, %add3A_529 : i32
      %get3A_531 = arith.index_cast %add3A_530 : i32 to index
      %get3A_532 = tpu.vector_load %arg5[%get3A_531] {strides = array<i32>} : memref<32768xf32, #tpu.memory_space<vmem>>, vector<16xf32>,
      %get3A_533 = vector.shape_cast %get3A_532 : vector<16xf32> to vector<16xf32>
      %max3A_534 = arith.maximumf %scan3A_499, %get3A_533 : vector<16xf32>
      %add3A_535 = arith.constant 80 : i32
      %add3A_536 = arith.addi %mul3A_504, %add3A_535 : i32
      %get3A_537 = arith.index_cast %add3A_536 : i32 to index
      %get3A_538 = tpu.vector_load %arg5[%get3A_537] {strides = array<i32>} : memref<32768xf32, #tpu.memory_space<vmem>>, vector<16xf32>,
      %get3A_539 = vector.shape_cast %get3A_538 : vector<16xf32> to vector<16xf32>
      %max3A_540 = arith.maximumf %scan3A_500, %get3A_539 : vector<16xf32>
      %add3A_541 = arith.constant 96 : i32
      %add3A_542 = arith.addi %mul3A_504, %add3A_541 : i32
      %get3A_543 = arith.index_cast %add3A_542 : i32 to index
      %get3A_544 = tpu.vector_load %arg5[%get3A_543] {strides = array<i32>} : memref<32768xf32, #tpu.memory_space<vmem>>, vector<16xf32>,
      %get3A_545 = vector.shape_cast %get3A_544 : vector<16xf32> to vector<16xf32>
      %max3A_546 = arith.maximumf %scan3A_501, %get3A_545 : vector<16xf32>
      %add3A_547 = arith.constant 112 : i32
      %add3A_548 = arith.addi %mul3A_504, %add3A_547 : i32
      %get3A_549 = arith.index_cast %add3A_548 : i32 to index
      %get3A_550 = tpu.vector_load %arg5[%get3A_549] {strides = array<i32>} : memref<32768xf32, #tpu.memory_space<vmem>>, vector<16xf32>,
      %get3A_551 = vector.shape_cast %get3A_550 : vector<16xf32> to vector<16xf32>
      %max3A_552 = arith.maximumf %scan3A_502, %get3A_551 : vector<16xf32>
      scf.yield %max3A_510, %max3A_516, %max3A_522, %max3A_528, %max3A_534, %max3A_540, %max3A_546, %max3A_552 : vector<16xf32>, vector<16xf32>, vector<16xf32>, vector<16xf32>, vector<16xf32>, vector<16xf32>, vector<16xf32>, vector<16xf32>
    }
    %scan3A_388 = arith.constant 256 : i32
    %max3A_389 = arith.maximumf %scan3A_387#0, %scan3A_387#1 : vector<16xf32>
    %max3A_390 = arith.maximumf %max3A_389, %scan3A_387#2 : vector<16xf32>
    %max3A_391 = arith.maximumf %max3A_390, %scan3A_387#3 : vector<16xf32>
    %max3A_392 = arith.maximumf %max3A_391, %scan3A_387#4 : vector<16xf32>
    %max3A_393 = arith.maximumf %max3A_392, %scan3A_387#5 : vector<16xf32>
    %max3A_394 = arith.maximumf %max3A_393, %scan3A_387#6 : vector<16xf32>
    %max3A_395 = arith.maximumf %max3A_394, %scan3A_387#7 : vector<16xf32>
    %iota3A_396 = tpu.iota {dimensions = array<i32: 0>} : vector<16xi32>
    %xor3A_397 = arith.constant 8 : i32
    %xor3A_398 = vector.broadcast %xor3A_397 : i32 to vector<16xi32>
    %xor3A_399 = arith.xori %iota3A_396, %xor3A_398 : vector<16xi32>
    %broadcast_in_dim3A_400 = vector.shape_cast %xor3A_399 : vector<16xi32> to vector<16x1xi32>
    %gather3A_401 = vector.shape_cast %broadcast_in_dim3A_400 : vector<16x1xi32> to vector<16xi32>
    %gather3A_402 = tpu.dynamic_gather %max3A_395[%gather3A_401] in [0] : vector<16xf32>, vector<16xi32> -> vector<16xf32>
    %max3A_403 = arith.maximumf %max3A_395, %gather3A_402 : vector<16xf32>
    %xor3A_404 = arith.constant 4 : i32
    %xor3A_405 = vector.broadcast %xor3A_404 : i32 to vector<16xi32>
    %xor3A_406 = arith.xori %iota3A_396, %xor3A_405 : vector<16xi32>
    %broadcast_in_dim3A_407 = vector.shape_cast %xor3A_406 : vector<16xi32> to vector<16x1xi32>
    %gather3A_408 = vector.shape_cast %broadcast_in_dim3A_407 : vector<16x1xi32> to vector<16xi32>
    %gather3A_409 = tpu.dynamic_gather %max3A_403[%gather3A_408] in [0] : vector<16xf32>, vector<16xi32> -> vector<16xf32>
    %max3A_410 = arith.maximumf %max3A_403, %gather3A_409 : vector<16xf32>
    %xor3A_411 = arith.constant 2 : i32
    %xor3A_412 = vector.broadcast %xor3A_411 : i32 to vector<16xi32>
    %xor3A_413 = arith.xori %iota3A_396, %xor3A_412 : vector<16xi32>
    %broadcast_in_dim3A_414 = vector.shape_cast %xor3A_413 : vector<16xi32> to vector<16x1xi32>
    %gather3A_415 = vector.shape_cast %broadcast_in_dim3A_414 : vector<16x1xi32> to vector<16xi32>
    %gather3A_416 = tpu.dynamic_gather %max3A_410[%gather3A_415] in [0] : vector<16xf32>, vector<16xi32> -> vector<16xf32>
    %max3A_417 = arith.maximumf %max3A_410, %gather3A_416 : vector<16xf32>
    %xor3A_418 = arith.constant 1 : i32
    %xor3A_419 = vector.broadcast %xor3A_418 : i32 to vector<16xi32>
    %xor3A_420 = arith.xori %iota3A_396, %xor3A_419 : vector<16xi32>
    %broadcast_in_dim3A_421 = vector.shape_cast %xor3A_420 : vector<16xi32> to vector<16x1xi32>
    %gather3A_422 = vector.shape_cast %broadcast_in_dim3A_421 : vector<16x1xi32> to vector<16xi32>
    %gather3A_423 = tpu.dynamic_gather %max3A_417[%gather3A_422] in [0] : vector<16xf32>, vector<16xi32> -> vector<16xf32>
    %max3A_424 = arith.maximumf %max3A_417, %gather3A_423 : vector<16xf32>
    %sub3A_425 = arith.constant 1.000000e+00 : f32
    %sub3A_426 = vector.broadcast %sub3A_425 : f32 to vector<16xf32>
    %sub3A_427 = arith.subf %max3A_424, %sub3A_426 : vector<16xf32>
    %slice3A_428 = vector.extract_strided_slice %sub3A_427 {offsets = [0], sizes = [1], strides = [1]} : vector<16xf32> to vector<1xf32>
    %squeeze3A_429 = vector.extract %slice3A_428[0] : f32 from vector<1xf32>
    %scan3A_430 = arith.constant 0 : i32
    %scan3A_431 = arith.constant 0 : i32
    %scan3A_432 = arith.constant 256 : i32
    %scan3A_433 = arith.addi %scan3A_431, %scan3A_432 : i32
    %scan3A_434 = arith.constant 1 : i32
    %scan3A_435 = scf.for %scan3A_494 = %scan3A_431 to %scan3A_433 step %scan3A_434 iter_args(%scan3A_495 = %scan3A_430) -> (i32)  : i32 {
      %mul3A_496 = arith.constant 2 : i32
      %mul3A_497 = arith.muli %scan3A_494, %mul3A_496 : i32
      %add3A_498 = arith.constant 0 : i32
      %add3A_499 = arith.addi %mul3A_497, %add3A_498 : i32
      %mul3A_500 = arith.constant 64 : i32
      %mul3A_501 = arith.muli %add3A_499, %mul3A_500 : i32
      %get3A_502 = arith.index_cast %mul3A_501 : i32 to index
      %get3A_503 = tpu.vector_load %arg5[%get3A_502] {strides = array<i32>} : memref<32768xf32, #tpu.memory_space<vmem>>, vector<16xf32>,
      %get3A_504 = vector.shape_cast %get3A_503 : vector<16xf32> to vector<16xf32>
      %add3A_505 = arith.constant 16 : i32
      %add3A_506 = arith.addi %mul3A_501, %add3A_505 : i32
      %get3A_507 = arith.index_cast %add3A_506 : i32 to index
      %get3A_508 = tpu.vector_load %arg5[%get3A_507] {strides = array<i32>} : memref<32768xf32, #tpu.memory_space<vmem>>, vector<16xf32>,
      %get3A_509 = vector.shape_cast %get3A_508 : vector<16xf32> to vector<16xf32>
      %max3A_510 = arith.maximumf %get3A_504, %get3A_509 : vector<16xf32>
      %add3A_511 = arith.constant 32 : i32
      %add3A_512 = arith.addi %mul3A_501, %add3A_511 : i32
      %get3A_513 = arith.index_cast %add3A_512 : i32 to index
      %get3A_514 = tpu.vector_load %arg5[%get3A_513] {strides = array<i32>} : memref<32768xf32, #tpu.memory_space<vmem>>, vector<16xf32>,
      %get3A_515 = vector.shape_cast %get3A_514 : vector<16xf32> to vector<16xf32>
      %max3A_516 = arith.maximumf %max3A_510, %get3A_515 : vector<16xf32>
      %add3A_517 = arith.constant 48 : i32
      %add3A_518 = arith.addi %mul3A_501, %add3A_517 : i32
      %get3A_519 = arith.index_cast %add3A_518 : i32 to index
      %get3A_520 = tpu.vector_load %arg5[%get3A_519] {strides = array<i32>} : memref<32768xf32, #tpu.memory_space<vmem>>, vector<16xf32>,
      %get3A_521 = vector.shape_cast %get3A_520 : vector<16xf32> to vector<16xf32>
      %max3A_522 = arith.maximumf %max3A_516, %get3A_521 : vector<16xf32>
      %iota3A_523 = tpu.iota {dimensions = array<i32: 0>} : vector<16xi32>
      %xor3A_524 = arith.constant 8 : i32
      %xor3A_525 = vector.broadcast %xor3A_524 : i32 to vector<16xi32>
      %xor3A_526 = arith.xori %iota3A_523, %xor3A_525 : vector<16xi32>
      %broadcast_in_dim3A_527 = vector.shape_cast %xor3A_526 : vector<16xi32> to vector<16x1xi32>
      %gather3A_528 = vector.shape_cast %broadcast_in_dim3A_527 : vector<16x1xi32> to vector<16xi32>
      %gather3A_529 = tpu.dynamic_gather %max3A_522[%gather3A_528] in [0] : vector<16xf32>, vector<16xi32> -> vector<16xf32>
      %max3A_530 = arith.maximumf %max3A_522, %gather3A_529 : vector<16xf32>
      %xor3A_531 = arith.constant 4 : i32
      %xor3A_532 = vector.broadcast %xor3A_531 : i32 to vector<16xi32>
      %xor3A_533 = arith.xori %iota3A_523, %xor3A_532 : vector<16xi32>
      %broadcast_in_dim3A_534 = vector.shape_cast %xor3A_533 : vector<16xi32> to vector<16x1xi32>
      %gather3A_535 = vector.shape_cast %broadcast_in_dim3A_534 : vector<16x1xi32> to vector<16xi32>
      %gather3A_536 = tpu.dynamic_gather %max3A_530[%gather3A_535] in [0] : vector<16xf32>, vector<16xi32> -> vector<16xf32>
      %max3A_537 = arith.maximumf %max3A_530, %gather3A_536 : vector<16xf32>
      %xor3A_538 = arith.constant 2 : i32
      %xor3A_539 = vector.broadcast %xor3A_538 : i32 to vector<16xi32>
      %xor3A_540 = arith.xori %iota3A_523, %xor3A_539 : vector<16xi32>
      %broadcast_in_dim3A_541 = vector.shape_cast %xor3A_540 : vector<16xi32> to vector<16x1xi32>
      %gather3A_542 = vector.shape_cast %broadcast_in_dim3A_541 : vector<16x1xi32> to vector<16xi32>
      %gather3A_543 = tpu.dynamic_gather %max3A_537[%gather3A_542] in [0] : vector<16xf32>, vector<16xi32> -> vector<16xf32>
      %max3A_544 = arith.maximumf %max3A_537, %gather3A_543 : vector<16xf32>
      %xor3A_545 = arith.constant 1 : i32
      %xor3A_546 = vector.broadcast %xor3A_545 : i32 to vector<16xi32>
      %xor3A_547 = arith.xori %iota3A_523, %xor3A_546 : vector<16xi32>
      %broadcast_in_dim3A_548 = vector.shape_cast %xor3A_547 : vector<16xi32> to vector<16x1xi32>
      %gather3A_549 = vector.shape_cast %broadcast_in_dim3A_548 : vector<16x1xi32> to vector<16xi32>
      %gather3A_550 = tpu.dynamic_gather %max3A_544[%gather3A_549] in [0] : vector<16xf32>, vector<16xi32> -> vector<16xf32>
      %max3A_551 = arith.maximumf %max3A_544, %gather3A_550 : vector<16xf32>
      %slice3A_552 = vector.extract_strided_slice %max3A_551 {offsets = [0], sizes = [1], strides = [1]} : vector<16xf32> to vector<1xf32>
      %squeeze3A_553 = vector.extract %slice3A_552[0] : f32 from vector<1xf32>
      %swap3A_554 = arith.index_cast %scan3A_495 : i32 to index
      %swap3A_555 = memref.load %arg9[%swap3A_554] : memref<512xi32, #tpu.memory_space<smem>>
      memref.store %add3A_499, %arg9[%swap3A_554] : memref<512xi32, #tpu.memory_space<smem>>
      %gt3A = arith.cmpf ogt, %squeeze3A_553, %squeeze3A_429 : f32
      %convert_element_type3A = arith.extui %gt3A : i1 to i32
      %add3A_556 = arith.addi %scan3A_495, %convert_element_type3A : i32
      %mul3A_557 = arith.constant 2 : i32
      %mul3A_558 = arith.muli %scan3A_494, %mul3A_557 : i32
      %add3A_559 = arith.constant 1 : i32
      %add3A_560 = arith.addi %mul3A_558, %add3A_559 : i32
      %mul3A_561 = arith.constant 64 : i32
      %mul3A_562 = arith.muli %add3A_560, %mul3A_561 : i32
      %get3A_563 = arith.index_cast %mul3A_562 : i32 to index
      %get3A_564 = tpu.vector_load %arg5[%get3A_563] {strides = array<i32>} : memref<32768xf32, #tpu.memory_space<vmem>>, vector<16xf32>,
      %get3A_565 = vector.shape_cast %get3A_564 : vector<16xf32> to vector<16xf32>
      %add3A_566 = arith.constant 16 : i32
      %add3A_567 = arith.addi %mul3A_562, %add3A_566 : i32
      %get3A_568 = arith.index_cast %add3A_567 : i32 to index
      %get3A_569 = tpu.vector_load %arg5[%get3A_568] {strides = array<i32>} : memref<32768xf32, #tpu.memory_space<vmem>>, vector<16xf32>,
      %get3A_570 = vector.shape_cast %get3A_569 : vector<16xf32> to vector<16xf32>
      %max3A_571 = arith.maximumf %get3A_565, %get3A_570 : vector<16xf32>
      %add3A_572 = arith.constant 32 : i32
      %add3A_573 = arith.addi %mul3A_562, %add3A_572 : i32
      %get3A_574 = arith.index_cast %add3A_573 : i32 to index
      %get3A_575 = tpu.vector_load %arg5[%get3A_574] {strides = array<i32>} : memref<32768xf32, #tpu.memory_space<vmem>>, vector<16xf32>,
      %get3A_576 = vector.shape_cast %get3A_575 : vector<16xf32> to vector<16xf32>
      %max3A_577 = arith.maximumf %max3A_571, %get3A_576 : vector<16xf32>
      %add3A_578 = arith.constant 48 : i32
      %add3A_579 = arith.addi %mul3A_562, %add3A_578 : i32
      %get3A_580 = arith.index_cast %add3A_579 : i32 to index
      %get3A_581 = tpu.vector_load %arg5[%get3A_580] {strides = array<i32>} : memref<32768xf32, #tpu.memory_space<vmem>>, vector<16xf32>,
      %get3A_582 = vector.shape_cast %get3A_581 : vector<16xf32> to vector<16xf32>
      %max3A_583 = arith.maximumf %max3A_577, %get3A_582 : vector<16xf32>
      %iota3A_584 = tpu.iota {dimensions = array<i32: 0>} : vector<16xi32>
      %xor3A_585 = arith.constant 8 : i32
      %xor3A_586 = vector.broadcast %xor3A_585 : i32 to vector<16xi32>
      %xor3A_587 = arith.xori %iota3A_584, %xor3A_586 : vector<16xi32>
      %broadcast_in_dim3A_588 = vector.shape_cast %xor3A_587 : vector<16xi32> to vector<16x1xi32>
      %gather3A_589 = vector.shape_cast %broadcast_in_dim3A_588 : vector<16x1xi32> to vector<16xi32>
      %gather3A_590 = tpu.dynamic_gather %max3A_583[%gather3A_589] in [0] : vector<16xf32>, vector<16xi32> -> vector<16xf32>
      %max3A_591 = arith.maximumf %max3A_583, %gather3A_590 : vector<16xf32>
      %xor3A_592 = arith.constant 4 : i32
      %xor3A_593 = vector.broadcast %xor3A_592 : i32 to vector<16xi32>
      %xor3A_594 = arith.xori %iota3A_584, %xor3A_593 : vector<16xi32>
      %broadcast_in_dim3A_595 = vector.shape_cast %xor3A_594 : vector<16xi32> to vector<16x1xi32>
      %gather3A_596 = vector.shape_cast %broadcast_in_dim3A_595 : vector<16x1xi32> to vector<16xi32>
      %gather3A_597 = tpu.dynamic_gather %max3A_591[%gather3A_596] in [0] : vector<16xf32>, vector<16xi32> -> vector<16xf32>
      %max3A_598 = arith.maximumf %max3A_591, %gather3A_597 : vector<16xf32>
      %xor3A_599 = arith.constant 2 : i32
      %xor3A_600 = vector.broadcast %xor3A_599 : i32 to vector<16xi32>
      %xor3A_601 = arith.xori %iota3A_584, %xor3A_600 : vector<16xi32>
      %broadcast_in_dim3A_602 = vector.shape_cast %xor3A_601 : vector<16xi32> to vector<16x1xi32>
      %gather3A_603 = vector.shape_cast %broadcast_in_dim3A_602 : vector<16x1xi32> to vector<16xi32>
      %gather3A_604 = tpu.dynamic_gather %max3A_598[%gather3A_603] in [0] : vector<16xf32>, vector<16xi32> -> vector<16xf32>
      %max3A_605 = arith.maximumf %max3A_598, %gather3A_604 : vector<16xf32>
      %xor3A_606 = arith.constant 1 : i32
      %xor3A_607 = vector.broadcast %xor3A_606 : i32 to vector<16xi32>
      %xor3A_608 = arith.xori %iota3A_584, %xor3A_607 : vector<16xi32>
      %broadcast_in_dim3A_609 = vector.shape_cast %xor3A_608 : vector<16xi32> to vector<16x1xi32>
      %gather3A_610 = vector.shape_cast %broadcast_in_dim3A_609 : vector<16x1xi32> to vector<16xi32>
      %gather3A_611 = tpu.dynamic_gather %max3A_605[%gather3A_610] in [0] : vector<16xf32>, vector<16xi32> -> vector<16xf32>
      %max3A_612 = arith.maximumf %max3A_605, %gather3A_611 : vector<16xf32>
      %slice3A_613 = vector.extract_strided_slice %max3A_612 {offsets = [0], sizes = [1], strides = [1]} : vector<16xf32> to vector<1xf32>
      %squeeze3A_614 = vector.extract %slice3A_613[0] : f32 from vector<1xf32>
      %swap3A_615 = arith.index_cast %add3A_556 : i32 to index
      %swap3A_616 = memref.load %arg9[%swap3A_615] : memref<512xi32, #tpu.memory_space<smem>>
      memref.store %add3A_560, %arg9[%swap3A_615] : memref<512xi32, #tpu.memory_space<smem>>
      %gt3A_617 = arith.cmpf ogt, %squeeze3A_614, %squeeze3A_429 : f32
      %convert_element_type3A_618 = arith.extui %gt3A_617 : i1 to i32
      %add3A_619 = arith.addi %add3A_556, %convert_element_type3A_618 : i32
      scf.yield %add3A_619 : i32
    }
    %scan3A_436 = arith.constant 256 : i32
    %swap3A_437 = arith.constant 0 : index
    %swap3A_438 = tpu.vector_load %arg7[%swap3A_437] {strides = array<i32>} : memref<16xf32, #tpu.memory_space<vmem>>, vector<16xf32>,
    %swap3A_439 = vector.shape_cast %swap3A_438 : vector<16xf32> to vector<16xf32>
    %swap3A_440 = vector.shape_cast %sub3A_427 : vector<16xf32> to vector<16xf32>
    tpu.vector_store %arg7[%swap3A_437], %swap3A_440 {strides = array<i32>} : memref<16xf32, #tpu.memory_space<vmem>>, vector<16xf32>,
    %swap3A_441 = arith.constant 0 : i32
    %swap3A_442 = arith.constant 0 : i32
    %swap3A_443 = arith.index_cast %swap3A_442 : i32 to index
    %swap3A_444 = memref.load %arg10[%swap3A_443] : memref<1xi32, #tpu.memory_space<smem>>
    memref.store %swap3A_441, %arg10[%swap3A_443] : memref<1xi32, #tpu.memory_space<smem>>
    "tpu.trace_start"() <{level = 10 : i32, message = "p2_michelot"}> : () -> ()
    %scan3A_445 = arith.constant 0 : i32
    %scan3A_446 = arith.constant 0 : i32
    %scan3A_447 = arith.constant 24 : i32
    %scan3A_448 = arith.addi %scan3A_446, %scan3A_447 : i32
    %scan3A_449 = arith.constant 1 : i32
    scf.for %scan3A_494 = %scan3A_446 to %scan3A_448 step %scan3A_449  : i32 {
      %get3A_495 = arith.constant 0 : i32
      %get3A_496 = arith.index_cast %get3A_495 : i32 to index
      %get3A_497 = memref.load %arg10[%get3A_496] : memref<1xi32, #tpu.memory_space<smem>>
      %eq3A = arith.constant 0 : i32
      %eq3A_498 = arith.cmpi eq, %get3A_497, %eq3A : i32
      %convert_element_type3A = arith.extui %eq3A_498 : i1 to i32
      %cond3A = arith.constant 0 : i32
      %cond3A_499 = arith.cmpi ne, %convert_element_type3A, %cond3A : i32
      scf.if %cond3A_499 {
        %get3A_500 = arith.constant 0 : index
        %get3A_501 = tpu.vector_load %arg7[%get3A_500] {strides = array<i32>} : memref<16xf32, #tpu.memory_space<vmem>>, vector<16xf32>,
        %get3A_502 = vector.shape_cast %get3A_501 : vector<16xf32> to vector<16xf32>
        %while3A_503 = arith.constant 0 : i32
        %while3A_504 = arith.subi %scan3A_435, %while3A_503 : i32
        %while3A_505 = arith.addi %while3A_503, %while3A_504 : i32
        %while3A_506 = arith.constant 1 : i32
        %while3A_507 = arith.divsi %while3A_504, %while3A_506 : i32
        %while3A_508 = arith.muli %while3A_507, %while3A_506 : i32
        %while3A_509 = arith.addi %while3A_503, %while3A_508 : i32
        %while3A_510 = arith.constant 1 : i32
        %while3A_511:2 = scf.for %while3A_588 = %while3A_503 to %while3A_509 step %while3A_510 iter_args(%while3A_589 = %broadcast_in_dim3A_380, %while3A_590 = %broadcast_in_dim3A_380) -> (vector<16xf32>, vector<16xf32>)  : i32 {
          %get3A_591 = arith.index_cast %while3A_588 : i32 to index
          %get3A_592 = memref.load %arg9[%get3A_591] : memref<512xi32, #tpu.memory_space<smem>>
          %mul3A_593 = arith.constant 64 : i32
          %mul3A_594 = arith.muli %get3A_592, %mul3A_593 : i32
          %add3A_595 = arith.constant 0 : i32
          %add3A_596 = arith.addi %mul3A_594, %add3A_595 : i32
          %get3A_597 = arith.index_cast %add3A_596 : i32 to index
          %get3A_598 = tpu.vector_load %arg5[%get3A_597] {strides = array<i32>} : memref<32768xf32, #tpu.memory_space<vmem>>, vector<16xf32>,
          %get3A_599 = vector.shape_cast %get3A_598 : vector<16xf32> to vector<16xf32>
          %gt3A = arith.cmpf ogt, %get3A_599, %get3A_502 : vector<16xf32>
          %jit3A = arith.constant 0.000000e+00 : f32
          %broadcast_in_dim3A_600 = vector.broadcast %jit3A : f32 to vector<16xf32>
          %select_n3A = arith.select %gt3A, %get3A_599, %broadcast_in_dim3A_600 : vector<16xi1>, vector<16xf32>
          %add3A_601 = arith.addf %while3A_589, %select_n3A : vector<16xf32>
          %jit3A_602 = arith.constant 1.000000e+00 : f32
          %jit3A_603 = arith.constant 0.000000e+00 : f32
          %broadcast_in_dim3A_604 = vector.broadcast %jit3A_602 : f32 to vector<16xf32>
          %broadcast_in_dim3A_605 = vector.broadcast %jit3A_603 : f32 to vector<16xf32>
          %select_n3A_606 = arith.select %gt3A, %broadcast_in_dim3A_604, %broadcast_in_dim3A_605 : vector<16xi1>, vector<16xf32>
          %add3A_607 = arith.addf %while3A_590, %select_n3A_606 : vector<16xf32>
          %add3A_608 = arith.constant 16 : i32
          %add3A_609 = arith.addi %mul3A_594, %add3A_608 : i32
          %get3A_610 = arith.index_cast %add3A_609 : i32 to index
          %get3A_611 = tpu.vector_load %arg5[%get3A_610] {strides = array<i32>} : memref<32768xf32, #tpu.memory_space<vmem>>, vector<16xf32>,
          %get3A_612 = vector.shape_cast %get3A_611 : vector<16xf32> to vector<16xf32>
          %gt3A_613 = arith.cmpf ogt, %get3A_612, %get3A_502 : vector<16xf32>
          %jit3A_614 = arith.constant 0.000000e+00 : f32
          %broadcast_in_dim3A_615 = vector.broadcast %jit3A_614 : f32 to vector<16xf32>
          %select_n3A_616 = arith.select %gt3A_613, %get3A_612, %broadcast_in_dim3A_615 : vector<16xi1>, vector<16xf32>
          %add3A_617 = arith.addf %add3A_601, %select_n3A_616 : vector<16xf32>
          %jit3A_618 = arith.constant 1.000000e+00 : f32
          %jit3A_619 = arith.constant 0.000000e+00 : f32
          %broadcast_in_dim3A_620 = vector.broadcast %jit3A_618 : f32 to vector<16xf32>
          %broadcast_in_dim3A_621 = vector.broadcast %jit3A_619 : f32 to vector<16xf32>
          %select_n3A_622 = arith.select %gt3A_613, %broadcast_in_dim3A_620, %broadcast_in_dim3A_621 : vector<16xi1>, vector<16xf32>
          %add3A_623 = arith.addf %add3A_607, %select_n3A_622 : vector<16xf32>
          %add3A_624 = arith.constant 32 : i32
          %add3A_625 = arith.addi %mul3A_594, %add3A_624 : i32
          %get3A_626 = arith.index_cast %add3A_625 : i32 to index
          %get3A_627 = tpu.vector_load %arg5[%get3A_626] {strides = array<i32>} : memref<32768xf32, #tpu.memory_space<vmem>>, vector<16xf32>,
          %get3A_628 = vector.shape_cast %get3A_627 : vector<16xf32> to vector<16xf32>
          %gt3A_629 = arith.cmpf ogt, %get3A_628, %get3A_502 : vector<16xf32>
          %jit3A_630 = arith.constant 0.000000e+00 : f32
          %broadcast_in_dim3A_631 = vector.broadcast %jit3A_630 : f32 to vector<16xf32>
          %select_n3A_632 = arith.select %gt3A_629, %get3A_628, %broadcast_in_dim3A_631 : vector<16xi1>, vector<16xf32>
          %add3A_633 = arith.addf %add3A_617, %select_n3A_632 : vector<16xf32>
          %jit3A_634 = arith.constant 1.000000e+00 : f32
          %jit3A_635 = arith.constant 0.000000e+00 : f32
          %broadcast_in_dim3A_636 = vector.broadcast %jit3A_634 : f32 to vector<16xf32>
          %broadcast_in_dim3A_637 = vector.broadcast %jit3A_635 : f32 to vector<16xf32>
          %select_n3A_638 = arith.select %gt3A_629, %broadcast_in_dim3A_636, %broadcast_in_dim3A_637 : vector<16xi1>, vector<16xf32>
          %add3A_639 = arith.addf %add3A_623, %select_n3A_638 : vector<16xf32>
          %add3A_640 = arith.constant 48 : i32
          %add3A_641 = arith.addi %mul3A_594, %add3A_640 : i32
          %get3A_642 = arith.index_cast %add3A_641 : i32 to index
          %get3A_643 = tpu.vector_load %arg5[%get3A_642] {strides = array<i32>} : memref<32768xf32, #tpu.memory_space<vmem>>, vector<16xf32>,
          %get3A_644 = vector.shape_cast %get3A_643 : vector<16xf32> to vector<16xf32>
          %gt3A_645 = arith.cmpf ogt, %get3A_644, %get3A_502 : vector<16xf32>
          %jit3A_646 = arith.constant 0.000000e+00 : f32
          %broadcast_in_dim3A_647 = vector.broadcast %jit3A_646 : f32 to vector<16xf32>
          %select_n3A_648 = arith.select %gt3A_645, %get3A_644, %broadcast_in_dim3A_647 : vector<16xi1>, vector<16xf32>
          %add3A_649 = arith.addf %add3A_633, %select_n3A_648 : vector<16xf32>
          %jit3A_650 = arith.constant 1.000000e+00 : f32
          %jit3A_651 = arith.constant 0.000000e+00 : f32
          %broadcast_in_dim3A_652 = vector.broadcast %jit3A_650 : f32 to vector<16xf32>
          %broadcast_in_dim3A_653 = vector.broadcast %jit3A_651 : f32 to vector<16xf32>
          %select_n3A_654 = arith.select %gt3A_645, %broadcast_in_dim3A_652, %broadcast_in_dim3A_653 : vector<16xi1>, vector<16xf32>
          %add3A_655 = arith.addf %add3A_639, %select_n3A_654 : vector<16xf32>
          scf.yield %add3A_649, %add3A_655 : vector<16xf32>, vector<16xf32>
        }
        %while3A_512 = arith.constant 1 : i32
        %while3A_513:2 = scf.for %while3A_588 = %while3A_509 to %while3A_505 step %while3A_512 iter_args(%while3A_589 = %while3A_511#0, %while3A_590 = %while3A_511#1) -> (vector<16xf32>, vector<16xf32>)  : i32 {
          %get3A_591 = arith.index_cast %while3A_588 : i32 to index
          %get3A_592 = memref.load %arg9[%get3A_591] : memref<512xi32, #tpu.memory_space<smem>>
          %mul3A_593 = arith.constant 64 : i32
          %mul3A_594 = arith.muli %get3A_592, %mul3A_593 : i32
          %add3A_595 = arith.constant 0 : i32
          %add3A_596 = arith.addi %mul3A_594, %add3A_595 : i32
          %get3A_597 = arith.index_cast %add3A_596 : i32 to index
          %get3A_598 = tpu.vector_load %arg5[%get3A_597] {strides = array<i32>} : memref<32768xf32, #tpu.memory_space<vmem>>, vector<16xf32>,
          %get3A_599 = vector.shape_cast %get3A_598 : vector<16xf32> to vector<16xf32>
          %gt3A = arith.cmpf ogt, %get3A_599, %get3A_502 : vector<16xf32>
          %jit3A = arith.constant 0.000000e+00 : f32
          %broadcast_in_dim3A_600 = vector.broadcast %jit3A : f32 to vector<16xf32>
          %select_n3A = arith.select %gt3A, %get3A_599, %broadcast_in_dim3A_600 : vector<16xi1>, vector<16xf32>
          %add3A_601 = arith.addf %while3A_589, %select_n3A : vector<16xf32>
          %jit3A_602 = arith.constant 1.000000e+00 : f32
          %jit3A_603 = arith.constant 0.000000e+00 : f32
          %broadcast_in_dim3A_604 = vector.broadcast %jit3A_602 : f32 to vector<16xf32>
          %broadcast_in_dim3A_605 = vector.broadcast %jit3A_603 : f32 to vector<16xf32>
          %select_n3A_606 = arith.select %gt3A, %broadcast_in_dim3A_604, %broadcast_in_dim3A_605 : vector<16xi1>, vector<16xf32>
          %add3A_607 = arith.addf %while3A_590, %select_n3A_606 : vector<16xf32>
          %add3A_608 = arith.constant 16 : i32
          %add3A_609 = arith.addi %mul3A_594, %add3A_608 : i32
          %get3A_610 = arith.index_cast %add3A_609 : i32 to index
          %get3A_611 = tpu.vector_load %arg5[%get3A_610] {strides = array<i32>} : memref<32768xf32, #tpu.memory_space<vmem>>, vector<16xf32>,
          %get3A_612 = vector.shape_cast %get3A_611 : vector<16xf32> to vector<16xf32>
          %gt3A_613 = arith.cmpf ogt, %get3A_612, %get3A_502 : vector<16xf32>
          %jit3A_614 = arith.constant 0.000000e+00 : f32
          %broadcast_in_dim3A_615 = vector.broadcast %jit3A_614 : f32 to vector<16xf32>
          %select_n3A_616 = arith.select %gt3A_613, %get3A_612, %broadcast_in_dim3A_615 : vector<16xi1>, vector<16xf32>
          %add3A_617 = arith.addf %add3A_601, %select_n3A_616 : vector<16xf32>
          %jit3A_618 = arith.constant 1.000000e+00 : f32
          %jit3A_619 = arith.constant 0.000000e+00 : f32
          %broadcast_in_dim3A_620 = vector.broadcast %jit3A_618 : f32 to vector<16xf32>
          %broadcast_in_dim3A_621 = vector.broadcast %jit3A_619 : f32 to vector<16xf32>
          %select_n3A_622 = arith.select %gt3A_613, %broadcast_in_dim3A_620, %broadcast_in_dim3A_621 : vector<16xi1>, vector<16xf32>
          %add3A_623 = arith.addf %add3A_607, %select_n3A_622 : vector<16xf32>
          %add3A_624 = arith.constant 32 : i32
          %add3A_625 = arith.addi %mul3A_594, %add3A_624 : i32
          %get3A_626 = arith.index_cast %add3A_625 : i32 to index
          %get3A_627 = tpu.vector_load %arg5[%get3A_626] {strides = array<i32>} : memref<32768xf32, #tpu.memory_space<vmem>>, vector<16xf32>,
          %get3A_628 = vector.shape_cast %get3A_627 : vector<16xf32> to vector<16xf32>
          %gt3A_629 = arith.cmpf ogt, %get3A_628, %get3A_502 : vector<16xf32>
          %jit3A_630 = arith.constant 0.000000e+00 : f32
          %broadcast_in_dim3A_631 = vector.broadcast %jit3A_630 : f32 to vector<16xf32>
          %select_n3A_632 = arith.select %gt3A_629, %get3A_628, %broadcast_in_dim3A_631 : vector<16xi1>, vector<16xf32>
          %add3A_633 = arith.addf %add3A_617, %select_n3A_632 : vector<16xf32>
          %jit3A_634 = arith.constant 1.000000e+00 : f32
          %jit3A_635 = arith.constant 0.000000e+00 : f32
          %broadcast_in_dim3A_636 = vector.broadcast %jit3A_634 : f32 to vector<16xf32>
          %broadcast_in_dim3A_637 = vector.broadcast %jit3A_635 : f32 to vector<16xf32>
          %select_n3A_638 = arith.select %gt3A_629, %broadcast_in_dim3A_636, %broadcast_in_dim3A_637 : vector<16xi1>, vector<16xf32>
          %add3A_639 = arith.addf %add3A_623, %select_n3A_638 : vector<16xf32>
          %add3A_640 = arith.constant 48 : i32
          %add3A_641 = arith.addi %mul3A_594, %add3A_640 : i32
          %get3A_642 = arith.index_cast %add3A_641 : i32 to index
          %get3A_643 = tpu.vector_load %arg5[%get3A_642] {strides = array<i32>} : memref<32768xf32, #tpu.memory_space<vmem>>, vector<16xf32>,
          %get3A_644 = vector.shape_cast %get3A_643 : vector<16xf32> to vector<16xf32>
          %gt3A_645 = arith.cmpf ogt, %get3A_644, %get3A_502 : vector<16xf32>
          %jit3A_646 = arith.constant 0.000000e+00 : f32
          %broadcast_in_dim3A_647 = vector.broadcast %jit3A_646 : f32 to vector<16xf32>
          %select_n3A_648 = arith.select %gt3A_645, %get3A_644, %broadcast_in_dim3A_647 : vector<16xi1>, vector<16xf32>
          %add3A_649 = arith.addf %add3A_633, %select_n3A_648 : vector<16xf32>
          %jit3A_650 = arith.constant 1.000000e+00 : f32
          %jit3A_651 = arith.constant 0.000000e+00 : f32
          %broadcast_in_dim3A_652 = vector.broadcast %jit3A_650 : f32 to vector<16xf32>
          %broadcast_in_dim3A_653 = vector.broadcast %jit3A_651 : f32 to vector<16xf32>
          %select_n3A_654 = arith.select %gt3A_645, %broadcast_in_dim3A_652, %broadcast_in_dim3A_653 : vector<16xi1>, vector<16xf32>
          %add3A_655 = arith.addf %add3A_639, %select_n3A_654 : vector<16xf32>
          scf.yield %add3A_649, %add3A_655 : vector<16xf32>, vector<16xf32>
        }
        %iota3A_514 = tpu.iota {dimensions = array<i32: 0>} : vector<16xi32>
        %xor3A_515 = arith.constant 8 : i32
        %xor3A_516 = vector.broadcast %xor3A_515 : i32 to vector<16xi32>
        %xor3A_517 = arith.xori %iota3A_514, %xor3A_516 : vector<16xi32>
        %broadcast_in_dim3A_518 = vector.shape_cast %xor3A_517 : vector<16xi32> to vector<16x1xi32>
        %gather3A_519 = vector.shape_cast %broadcast_in_dim3A_518 : vector<16x1xi32> to vector<16xi32>
        %gather3A_520 = tpu.dynamic_gather %while3A_513#0[%gather3A_519] in [0] : vector<16xf32>, vector<16xi32> -> vector<16xf32>
        %add3A_521 = arith.addf %while3A_513#0, %gather3A_520 : vector<16xf32>
        %xor3A_522 = arith.constant 4 : i32
        %xor3A_523 = vector.broadcast %xor3A_522 : i32 to vector<16xi32>
        %xor3A_524 = arith.xori %iota3A_514, %xor3A_523 : vector<16xi32>
        %broadcast_in_dim3A_525 = vector.shape_cast %xor3A_524 : vector<16xi32> to vector<16x1xi32>
        %gather3A_526 = vector.shape_cast %broadcast_in_dim3A_525 : vector<16x1xi32> to vector<16xi32>
        %gather3A_527 = tpu.dynamic_gather %add3A_521[%gather3A_526] in [0] : vector<16xf32>, vector<16xi32> -> vector<16xf32>
        %add3A_528 = arith.addf %add3A_521, %gather3A_527 : vector<16xf32>
        %xor3A_529 = arith.constant 2 : i32
        %xor3A_530 = vector.broadcast %xor3A_529 : i32 to vector<16xi32>
        %xor3A_531 = arith.xori %iota3A_514, %xor3A_530 : vector<16xi32>
        %broadcast_in_dim3A_532 = vector.shape_cast %xor3A_531 : vector<16xi32> to vector<16x1xi32>
        %gather3A_533 = vector.shape_cast %broadcast_in_dim3A_532 : vector<16x1xi32> to vector<16xi32>
        %gather3A_534 = tpu.dynamic_gather %add3A_528[%gather3A_533] in [0] : vector<16xf32>, vector<16xi32> -> vector<16xf32>
        %add3A_535 = arith.addf %add3A_528, %gather3A_534 : vector<16xf32>
        %xor3A_536 = arith.constant 1 : i32
        %xor3A_537 = vector.broadcast %xor3A_536 : i32 to vector<16xi32>
        %xor3A_538 = arith.xori %iota3A_514, %xor3A_537 : vector<16xi32>
        %broadcast_in_dim3A_539 = vector.shape_cast %xor3A_538 : vector<16xi32> to vector<16x1xi32>
        %gather3A_540 = vector.shape_cast %broadcast_in_dim3A_539 : vector<16x1xi32> to vector<16xi32>
        %gather3A_541 = tpu.dynamic_gather %add3A_535[%gather3A_540] in [0] : vector<16xf32>, vector<16xi32> -> vector<16xf32>
        %add3A_542 = arith.addf %add3A_535, %gather3A_541 : vector<16xf32>
        %iota3A_543 = tpu.iota {dimensions = array<i32: 0>} : vector<16xi32>
        %xor3A_544 = arith.constant 8 : i32
        %xor3A_545 = vector.broadcast %xor3A_544 : i32 to vector<16xi32>
        %xor3A_546 = arith.xori %iota3A_543, %xor3A_545 : vector<16xi32>
        %broadcast_in_dim3A_547 = vector.shape_cast %xor3A_546 : vector<16xi32> to vector<16x1xi32>
        %gather3A_548 = vector.shape_cast %broadcast_in_dim3A_547 : vector<16x1xi32> to vector<16xi32>
        %gather3A_549 = tpu.dynamic_gather %while3A_513#1[%gather3A_548] in [0] : vector<16xf32>, vector<16xi32> -> vector<16xf32>
        %add3A_550 = arith.addf %while3A_513#1, %gather3A_549 : vector<16xf32>
        %xor3A_551 = arith.constant 4 : i32
        %xor3A_552 = vector.broadcast %xor3A_551 : i32 to vector<16xi32>
        %xor3A_553 = arith.xori %iota3A_543, %xor3A_552 : vector<16xi32>
        %broadcast_in_dim3A_554 = vector.shape_cast %xor3A_553 : vector<16xi32> to vector<16x1xi32>
        %gather3A_555 = vector.shape_cast %broadcast_in_dim3A_554 : vector<16x1xi32> to vector<16xi32>
        %gather3A_556 = tpu.dynamic_gather %add3A_550[%gather3A_555] in [0] : vector<16xf32>, vector<16xi32> -> vector<16xf32>
        %add3A_557 = arith.addf %add3A_550, %gather3A_556 : vector<16xf32>
        %xor3A_558 = arith.constant 2 : i32
        %xor3A_559 = vector.broadcast %xor3A_558 : i32 to vector<16xi32>
        %xor3A_560 = arith.xori %iota3A_543, %xor3A_559 : vector<16xi32>
        %broadcast_in_dim3A_561 = vector.shape_cast %xor3A_560 : vector<16xi32> to vector<16x1xi32>
        %gather3A_562 = vector.shape_cast %broadcast_in_dim3A_561 : vector<16x1xi32> to vector<16xi32>
        %gather3A_563 = tpu.dynamic_gather %add3A_557[%gather3A_562] in [0] : vector<16xf32>, vector<16xi32> -> vector<16xf32>
        %add3A_564 = arith.addf %add3A_557, %gather3A_563 : vector<16xf32>
        %xor3A_565 = arith.constant 1 : i32
        %xor3A_566 = vector.broadcast %xor3A_565 : i32 to vector<16xi32>
        %xor3A_567 = arith.xori %iota3A_543, %xor3A_566 : vector<16xi32>
        %broadcast_in_dim3A_568 = vector.shape_cast %xor3A_567 : vector<16xi32> to vector<16x1xi32>
        %gather3A_569 = vector.shape_cast %broadcast_in_dim3A_568 : vector<16x1xi32> to vector<16xi32>
        %gather3A_570 = tpu.dynamic_gather %add3A_564[%gather3A_569] in [0] : vector<16xf32>, vector<16xi32> -> vector<16xf32>
        %add3A_571 = arith.addf %add3A_564, %gather3A_570 : vector<16xf32>
        %sub3A_572 = arith.constant 1.000000e+00 : f32
        %sub3A_573 = vector.broadcast %sub3A_572 : f32 to vector<16xf32>
        %sub3A_574 = arith.subf %add3A_542, %sub3A_573 : vector<16xf32>
        %div3A = arith.divf %sub3A_574, %add3A_571 : vector<16xf32>
        %slice3A_575 = vector.extract_strided_slice %div3A {offsets = [0], sizes = [1], strides = [1]} : vector<16xf32> to vector<1xf32>
        %squeeze3A_576 = vector.extract %slice3A_575[0] : f32 from vector<1xf32>
        %slice3A_577 = vector.extract_strided_slice %get3A_502 {offsets = [0], sizes = [1], strides = [1]} : vector<16xf32> to vector<1xf32>
        %squeeze3A_578 = vector.extract %slice3A_577[0] : f32 from vector<1xf32>
        %le3A = arith.cmpf ole, %squeeze3A_576, %squeeze3A_578 : f32
        %convert_element_type3A_579 = arith.extui %le3A : i1 to i32
        %swap3A_580 = arith.constant 0 : i32
        %swap3A_581 = arith.index_cast %swap3A_580 : i32 to index
        %swap3A_582 = memref.load %arg10[%swap3A_581] : memref<1xi32, #tpu.memory_space<smem>>
        memref.store %convert_element_type3A_579, %arg10[%swap3A_581] : memref<1xi32, #tpu.memory_space<smem>>
        %max3A_583 = arith.maximumf %div3A, %get3A_502 : vector<16xf32>
        %swap3A_584 = arith.constant 0 : index
        %swap3A_585 = tpu.vector_load %arg7[%swap3A_584] {strides = array<i32>} : memref<16xf32, #tpu.memory_space<vmem>>, vector<16xf32>,
        %swap3A_586 = vector.shape_cast %swap3A_585 : vector<16xf32> to vector<16xf32>
        %swap3A_587 = vector.shape_cast %max3A_583 : vector<16xf32> to vector<16xf32>
        tpu.vector_store %arg7[%swap3A_584], %swap3A_587 {strides = array<i32>} : memref<16xf32, #tpu.memory_space<vmem>>, vector<16xf32>,
      } else {
      }
    }
    %scan3A_450 = arith.constant 24 : i32
    "tpu.trace_stop"() : () -> ()
    %dma_wait3A_451 = arith.constant 0 : i32
    %dma_wait3A_452 = tpu.memref_slice %arg3[%add3A_366, %dma_wait3A_451] : memref<128x32768xf32, #tpu.memory_space<hbm>> -> memref<1x32768xf32, #tpu.memory_space<hbm>>
    %dma_wait3A_453 = tpu.memref_squeeze %dma_wait3A_452 : memref<1x32768xf32, #tpu.memory_space<hbm>> -> memref<32768xf32, #tpu.memory_space<hbm>>
    %dma_wait3A_454 = arith.constant 0 : i32
    %dma_wait3A_455 = tpu.memref_slice %arg3[%add3A_366, %dma_wait3A_454] : memref<128x32768xf32, #tpu.memory_space<hbm>> -> memref<1x32768xf32, #tpu.memory_space<hbm>>
    %dma_wait3A_456 = tpu.memref_squeeze %dma_wait3A_455 : memref<1x32768xf32, #tpu.memory_space<hbm>> -> memref<32768xf32, #tpu.memory_space<hbm>>
    tpu.wait_dma2 semaphore(%arg13 : memref<!tpu.dma_semaphore, #tpu.memory_space<semaphore_mem>>) src(%arg6 : memref<32768xf32, #tpu.memory_space<vmem>>) dst(%dma_wait3A_456 : memref<32768xf32, #tpu.memory_space<hbm>>)
    %while3A_457 = arith.constant 0 : i32
    %while3A_458 = arith.constant 0 : i32
    %while3A_459 = arith.subi %scan3A_320, %while3A_458 : i32
    %while3A_460 = arith.addi %while3A_458, %while3A_459 : i32
    %while3A_461 = arith.constant 1 : i32
    %while3A_462 = arith.divsi %while3A_459, %while3A_461 : i32
    %while3A_463 = arith.muli %while3A_462, %while3A_461 : i32
    %while3A_464 = arith.addi %while3A_458, %while3A_463 : i32
    %while3A_465 = arith.constant 1 : i32
    scf.for %while3A_494 = %while3A_458 to %while3A_464 step %while3A_465  : i32 {
      %get3A_495 = arith.index_cast %while3A_494 : i32 to index
      %get3A_496 = memref.load %arg8[%get3A_495] : memref<512xi32, #tpu.memory_space<smem>>
      %mul3A_497 = arith.constant 64 : i32
      %mul3A_498 = arith.muli %get3A_496, %mul3A_497 : i32
      %add3A_499 = arith.constant 0 : i32
      %add3A_500 = arith.addi %mul3A_498, %add3A_499 : i32
      %swap3A_501 = arith.index_cast %add3A_500 : i32 to index
      %swap3A_502 = tpu.vector_load %arg6[%swap3A_501] {strides = array<i32>} : memref<32768xf32, #tpu.memory_space<vmem>>, vector<16xf32>,
      %swap3A_503 = vector.shape_cast %swap3A_502 : vector<16xf32> to vector<16xf32>
      %swap3A_504 = vector.shape_cast %broadcast_in_dim3A_3 : vector<16xf32> to vector<16xf32>
      tpu.vector_store %arg6[%swap3A_501], %swap3A_504 {strides = array<i32>} : memref<32768xf32, #tpu.memory_space<vmem>>, vector<16xf32>,
      %add3A_505 = arith.constant 16 : i32
      %add3A_506 = arith.addi %mul3A_498, %add3A_505 : i32
      %swap3A_507 = arith.index_cast %add3A_506 : i32 to index
      %swap3A_508 = tpu.vector_load %arg6[%swap3A_507] {strides = array<i32>} : memref<32768xf32, #tpu.memory_space<vmem>>, vector<16xf32>,
      %swap3A_509 = vector.shape_cast %swap3A_508 : vector<16xf32> to vector<16xf32>
      %swap3A_510 = vector.shape_cast %broadcast_in_dim3A_3 : vector<16xf32> to vector<16xf32>
      tpu.vector_store %arg6[%swap3A_507], %swap3A_510 {strides = array<i32>} : memref<32768xf32, #tpu.memory_space<vmem>>, vector<16xf32>,
      %add3A_511 = arith.constant 32 : i32
      %add3A_512 = arith.addi %mul3A_498, %add3A_511 : i32
      %swap3A_513 = arith.index_cast %add3A_512 : i32 to index
      %swap3A_514 = tpu.vector_load %arg6[%swap3A_513] {strides = array<i32>} : memref<32768xf32, #tpu.memory_space<vmem>>, vector<16xf32>,
      %swap3A_515 = vector.shape_cast %swap3A_514 : vector<16xf32> to vector<16xf32>
      %swap3A_516 = vector.shape_cast %broadcast_in_dim3A_3 : vector<16xf32> to vector<16xf32>
      tpu.vector_store %arg6[%swap3A_513], %swap3A_516 {strides = array<i32>} : memref<32768xf32, #tpu.memory_space<vmem>>, vector<16xf32>,
      %add3A_517 = arith.constant 48 : i32
      %add3A_518 = arith.addi %mul3A_498, %add3A_517 : i32
      %swap3A_519 = arith.index_cast %add3A_518 : i32 to index
      %swap3A_520 = tpu.vector_load %arg6[%swap3A_519] {strides = array<i32>} : memref<32768xf32, #tpu.memory_space<vmem>>, vector<16xf32>,
      %swap3A_521 = vector.shape_cast %swap3A_520 : vector<16xf32> to vector<16xf32>
      %swap3A_522 = vector.shape_cast %broadcast_in_dim3A_3 : vector<16xf32> to vector<16xf32>
      tpu.vector_store %arg6[%swap3A_519], %swap3A_522 {strides = array<i32>} : memref<32768xf32, #tpu.memory_space<vmem>>, vector<16xf32>,
    }
    %while3A_466 = arith.constant 1 : i32
    scf.for %while3A_494 = %while3A_464 to %while3A_460 step %while3A_466  : i32 {
      %get3A_495 = arith.index_cast %while3A_494 : i32 to index
      %get3A_496 = memref.load %arg8[%get3A_495] : memref<512xi32, #tpu.memory_space<smem>>
      %mul3A_497 = arith.constant 64 : i32
      %mul3A_498 = arith.muli %get3A_496, %mul3A_497 : i32
      %add3A_499 = arith.constant 0 : i32
      %add3A_500 = arith.addi %mul3A_498, %add3A_499 : i32
      %swap3A_501 = arith.index_cast %add3A_500 : i32 to index
      %swap3A_502 = tpu.vector_load %arg6[%swap3A_501] {strides = array<i32>} : memref<32768xf32, #tpu.memory_space<vmem>>, vector<16xf32>,
      %swap3A_503 = vector.shape_cast %swap3A_502 : vector<16xf32> to vector<16xf32>
      %swap3A_504 = vector.shape_cast %broadcast_in_dim3A_3 : vector<16xf32> to vector<16xf32>
      tpu.vector_store %arg6[%swap3A_501], %swap3A_504 {strides = array<i32>} : memref<32768xf32, #tpu.memory_space<vmem>>, vector<16xf32>,
      %add3A_505 = arith.constant 16 : i32
      %add3A_506 = arith.addi %mul3A_498, %add3A_505 : i32
      %swap3A_507 = arith.index_cast %add3A_506 : i32 to index
      %swap3A_508 = tpu.vector_load %arg6[%swap3A_507] {strides = array<i32>} : memref<32768xf32, #tpu.memory_space<vmem>>, vector<16xf32>,
      %swap3A_509 = vector.shape_cast %swap3A_508 : vector<16xf32> to vector<16xf32>
      %swap3A_510 = vector.shape_cast %broadcast_in_dim3A_3 : vector<16xf32> to vector<16xf32>
      tpu.vector_store %arg6[%swap3A_507], %swap3A_510 {strides = array<i32>} : memref<32768xf32, #tpu.memory_space<vmem>>, vector<16xf32>,
      %add3A_511 = arith.constant 32 : i32
      %add3A_512 = arith.addi %mul3A_498, %add3A_511 : i32
      %swap3A_513 = arith.index_cast %add3A_512 : i32 to index
      %swap3A_514 = tpu.vector_load %arg6[%swap3A_513] {strides = array<i32>} : memref<32768xf32, #tpu.memory_space<vmem>>, vector<16xf32>,
      %swap3A_515 = vector.shape_cast %swap3A_514 : vector<16xf32> to vector<16xf32>
      %swap3A_516 = vector.shape_cast %broadcast_in_dim3A_3 : vector<16xf32> to vector<16xf32>
      tpu.vector_store %arg6[%swap3A_513], %swap3A_516 {strides = array<i32>} : memref<32768xf32, #tpu.memory_space<vmem>>, vector<16xf32>,
      %add3A_517 = arith.constant 48 : i32
      %add3A_518 = arith.addi %mul3A_498, %add3A_517 : i32
      %swap3A_519 = arith.index_cast %add3A_518 : i32 to index
      %swap3A_520 = tpu.vector_load %arg6[%swap3A_519] {strides = array<i32>} : memref<32768xf32, #tpu.memory_space<vmem>>, vector<16xf32>,
      %swap3A_521 = vector.shape_cast %swap3A_520 : vector<16xf32> to vector<16xf32>
      %swap3A_522 = vector.shape_cast %broadcast_in_dim3A_3 : vector<16xf32> to vector<16xf32>
      tpu.vector_store %arg6[%swap3A_519], %swap3A_522 {strides = array<i32>} : memref<32768xf32, #tpu.memory_space<vmem>>, vector<16xf32>,
    }
    %get3A_467 = arith.constant 0 : index
    %get3A_468 = tpu.vector_load %arg7[%get3A_467] {strides = array<i32>} : memref<16xf32, #tpu.memory_space<vmem>>, vector<16xf32>,
    %get3A_469 = vector.shape_cast %get3A_468 : vector<16xf32> to vector<16xf32>
    %while3A_470 = arith.constant 0 : i32
    %while3A_471 = arith.constant 0 : i32
    "tpu.trace_start"() <{level = 10 : i32, message = "p3_write"}> : () -> ()
    %while3A_472 = arith.subi %scan3A_435, %while3A_471 : i32
    %while3A_473 = arith.addi %while3A_471, %while3A_472 : i32
    %while3A_474 = arith.constant 1 : i32
    %while3A_475 = arith.divsi %while3A_472, %while3A_474 : i32
    %while3A_476 = arith.muli %while3A_475, %while3A_474 : i32
    %while3A_477 = arith.addi %while3A_471, %while3A_476 : i32
    %while3A_478 = arith.constant 1 : i32
    scf.for %while3A_494 = %while3A_471 to %while3A_477 step %while3A_478  : i32 {
      %get3A_495 = arith.index_cast %while3A_494 : i32 to index
      %get3A_496 = memref.load %arg9[%get3A_495] : memref<512xi32, #tpu.memory_space<smem>>
      %mul3A_497 = arith.constant 64 : i32
      %mul3A_498 = arith.muli %get3A_496, %mul3A_497 : i32
      %add3A_499 = arith.constant 0 : i32
      %add3A_500 = arith.addi %mul3A_498, %add3A_499 : i32
      %get3A_501 = arith.index_cast %add3A_500 : i32 to index
      %get3A_502 = tpu.vector_load %arg5[%get3A_501] {strides = array<i32>} : memref<32768xf32, #tpu.memory_space<vmem>>, vector<16xf32>,
      %get3A_503 = vector.shape_cast %get3A_502 : vector<16xf32> to vector<16xf32>
      %sub3A_504 = arith.subf %get3A_503, %get3A_469 : vector<16xf32>
      %max3A_505 = arith.constant 0.000000e+00 : f32
      %max3A_506 = vector.broadcast %max3A_505 : f32 to vector<16xf32>
      %max3A_507 = arith.maximumf %sub3A_504, %max3A_506 : vector<16xf32>
      %swap3A_508 = arith.index_cast %add3A_500 : i32 to index
      %swap3A_509 = tpu.vector_load %arg6[%swap3A_508] {strides = array<i32>} : memref<32768xf32, #tpu.memory_space<vmem>>, vector<16xf32>,
      %swap3A_510 = vector.shape_cast %swap3A_509 : vector<16xf32> to vector<16xf32>
      %swap3A_511 = vector.shape_cast %max3A_507 : vector<16xf32> to vector<16xf32>
      tpu.vector_store %arg6[%swap3A_508], %swap3A_511 {strides = array<i32>} : memref<32768xf32, #tpu.memory_space<vmem>>, vector<16xf32>,
      %add3A_512 = arith.constant 16 : i32
      %add3A_513 = arith.addi %mul3A_498, %add3A_512 : i32
      %get3A_514 = arith.index_cast %add3A_513 : i32 to index
      %get3A_515 = tpu.vector_load %arg5[%get3A_514] {strides = array<i32>} : memref<32768xf32, #tpu.memory_space<vmem>>, vector<16xf32>,
      %get3A_516 = vector.shape_cast %get3A_515 : vector<16xf32> to vector<16xf32>
      %sub3A_517 = arith.subf %get3A_516, %get3A_469 : vector<16xf32>
      %max3A_518 = arith.constant 0.000000e+00 : f32
      %max3A_519 = vector.broadcast %max3A_518 : f32 to vector<16xf32>
      %max3A_520 = arith.maximumf %sub3A_517, %max3A_519 : vector<16xf32>
      %swap3A_521 = arith.index_cast %add3A_513 : i32 to index
      %swap3A_522 = tpu.vector_load %arg6[%swap3A_521] {strides = array<i32>} : memref<32768xf32, #tpu.memory_space<vmem>>, vector<16xf32>,
      %swap3A_523 = vector.shape_cast %swap3A_522 : vector<16xf32> to vector<16xf32>
      %swap3A_524 = vector.shape_cast %max3A_520 : vector<16xf32> to vector<16xf32>
      tpu.vector_store %arg6[%swap3A_521], %swap3A_524 {strides = array<i32>} : memref<32768xf32, #tpu.memory_space<vmem>>, vector<16xf32>,
      %add3A_525 = arith.constant 32 : i32
      %add3A_526 = arith.addi %mul3A_498, %add3A_525 : i32
      %get3A_527 = arith.index_cast %add3A_526 : i32 to index
      %get3A_528 = tpu.vector_load %arg5[%get3A_527] {strides = array<i32>} : memref<32768xf32, #tpu.memory_space<vmem>>, vector<16xf32>,
      %get3A_529 = vector.shape_cast %get3A_528 : vector<16xf32> to vector<16xf32>
      %sub3A_530 = arith.subf %get3A_529, %get3A_469 : vector<16xf32>
      %max3A_531 = arith.constant 0.000000e+00 : f32
      %max3A_532 = vector.broadcast %max3A_531 : f32 to vector<16xf32>
      %max3A_533 = arith.maximumf %sub3A_530, %max3A_532 : vector<16xf32>
      %swap3A_534 = arith.index_cast %add3A_526 : i32 to index
      %swap3A_535 = tpu.vector_load %arg6[%swap3A_534] {strides = array<i32>} : memref<32768xf32, #tpu.memory_space<vmem>>, vector<16xf32>,
      %swap3A_536 = vector.shape_cast %swap3A_535 : vector<16xf32> to vector<16xf32>
      %swap3A_537 = vector.shape_cast %max3A_533 : vector<16xf32> to vector<16xf32>
      tpu.vector_store %arg6[%swap3A_534], %swap3A_537 {strides = array<i32>} : memref<32768xf32, #tpu.memory_space<vmem>>, vector<16xf32>,
      %add3A_538 = arith.constant 48 : i32
      %add3A_539 = arith.addi %mul3A_498, %add3A_538 : i32
      %get3A_540 = arith.index_cast %add3A_539 : i32 to index
      %get3A_541 = tpu.vector_load %arg5[%get3A_540] {strides = array<i32>} : memref<32768xf32, #tpu.memory_space<vmem>>, vector<16xf32>,
      %get3A_542 = vector.shape_cast %get3A_541 : vector<16xf32> to vector<16xf32>
      %sub3A_543 = arith.subf %get3A_542, %get3A_469 : vector<16xf32>
      %max3A_544 = arith.constant 0.000000e+00 : f32
      %max3A_545 = vector.broadcast %max3A_544 : f32 to vector<16xf32>
      %max3A_546 = arith.maximumf %sub3A_543, %max3A_545 : vector<16xf32>
      %swap3A_547 = arith.index_cast %add3A_539 : i32 to index
      %swap3A_548 = tpu.vector_load %arg6[%swap3A_547] {strides = array<i32>} : memref<32768xf32, #tpu.memory_space<vmem>>, vector<16xf32>,
      %swap3A_549 = vector.shape_cast %swap3A_548 : vector<16xf32> to vector<16xf32>
      %swap3A_550 = vector.shape_cast %max3A_546 : vector<16xf32> to vector<16xf32>
      tpu.vector_store %arg6[%swap3A_547], %swap3A_550 {strides = array<i32>} : memref<32768xf32, #tpu.memory_space<vmem>>, vector<16xf32>,
    }
    %while3A_479 = arith.constant 1 : i32
    scf.for %while3A_494 = %while3A_477 to %while3A_473 step %while3A_479  : i32 {
      %get3A_495 = arith.index_cast %while3A_494 : i32 to index
      %get3A_496 = memref.load %arg9[%get3A_495] : memref<512xi32, #tpu.memory_space<smem>>
      %mul3A_497 = arith.constant 64 : i32
      %mul3A_498 = arith.muli %get3A_496, %mul3A_497 : i32
      %add3A_499 = arith.constant 0 : i32
      %add3A_500 = arith.addi %mul3A_498, %add3A_499 : i32
      %get3A_501 = arith.index_cast %add3A_500 : i32 to index
      %get3A_502 = tpu.vector_load %arg5[%get3A_501] {strides = array<i32>} : memref<32768xf32, #tpu.memory_space<vmem>>, vector<16xf32>,
      %get3A_503 = vector.shape_cast %get3A_502 : vector<16xf32> to vector<16xf32>
      %sub3A_504 = arith.subf %get3A_503, %get3A_469 : vector<16xf32>
      %max3A_505 = arith.constant 0.000000e+00 : f32
      %max3A_506 = vector.broadcast %max3A_505 : f32 to vector<16xf32>
      %max3A_507 = arith.maximumf %sub3A_504, %max3A_506 : vector<16xf32>
      %swap3A_508 = arith.index_cast %add3A_500 : i32 to index
      %swap3A_509 = tpu.vector_load %arg6[%swap3A_508] {strides = array<i32>} : memref<32768xf32, #tpu.memory_space<vmem>>, vector<16xf32>,
      %swap3A_510 = vector.shape_cast %swap3A_509 : vector<16xf32> to vector<16xf32>
      %swap3A_511 = vector.shape_cast %max3A_507 : vector<16xf32> to vector<16xf32>
      tpu.vector_store %arg6[%swap3A_508], %swap3A_511 {strides = array<i32>} : memref<32768xf32, #tpu.memory_space<vmem>>, vector<16xf32>,
      %add3A_512 = arith.constant 16 : i32
      %add3A_513 = arith.addi %mul3A_498, %add3A_512 : i32
      %get3A_514 = arith.index_cast %add3A_513 : i32 to index
      %get3A_515 = tpu.vector_load %arg5[%get3A_514] {strides = array<i32>} : memref<32768xf32, #tpu.memory_space<vmem>>, vector<16xf32>,
      %get3A_516 = vector.shape_cast %get3A_515 : vector<16xf32> to vector<16xf32>
      %sub3A_517 = arith.subf %get3A_516, %get3A_469 : vector<16xf32>
      %max3A_518 = arith.constant 0.000000e+00 : f32
      %max3A_519 = vector.broadcast %max3A_518 : f32 to vector<16xf32>
      %max3A_520 = arith.maximumf %sub3A_517, %max3A_519 : vector<16xf32>
      %swap3A_521 = arith.index_cast %add3A_513 : i32 to index
      %swap3A_522 = tpu.vector_load %arg6[%swap3A_521] {strides = array<i32>} : memref<32768xf32, #tpu.memory_space<vmem>>, vector<16xf32>,
      %swap3A_523 = vector.shape_cast %swap3A_522 : vector<16xf32> to vector<16xf32>
      %swap3A_524 = vector.shape_cast %max3A_520 : vector<16xf32> to vector<16xf32>
      tpu.vector_store %arg6[%swap3A_521], %swap3A_524 {strides = array<i32>} : memref<32768xf32, #tpu.memory_space<vmem>>, vector<16xf32>,
      %add3A_525 = arith.constant 32 : i32
      %add3A_526 = arith.addi %mul3A_498, %add3A_525 : i32
      %get3A_527 = arith.index_cast %add3A_526 : i32 to index
      %get3A_528 = tpu.vector_load %arg5[%get3A_527] {strides = array<i32>} : memref<32768xf32, #tpu.memory_space<vmem>>, vector<16xf32>,
      %get3A_529 = vector.shape_cast %get3A_528 : vector<16xf32> to vector<16xf32>
      %sub3A_530 = arith.subf %get3A_529, %get3A_469 : vector<16xf32>
      %max3A_531 = arith.constant 0.000000e+00 : f32
      %max3A_532 = vector.broadcast %max3A_531 : f32 to vector<16xf32>
      %max3A_533 = arith.maximumf %sub3A_530, %max3A_532 : vector<16xf32>
      %swap3A_534 = arith.index_cast %add3A_526 : i32 to index
      %swap3A_535 = tpu.vector_load %arg6[%swap3A_534] {strides = array<i32>} : memref<32768xf32, #tpu.memory_space<vmem>>, vector<16xf32>,
      %swap3A_536 = vector.shape_cast %swap3A_535 : vector<16xf32> to vector<16xf32>
      %swap3A_537 = vector.shape_cast %max3A_533 : vector<16xf32> to vector<16xf32>
      tpu.vector_store %arg6[%swap3A_534], %swap3A_537 {strides = array<i32>} : memref<32768xf32, #tpu.memory_space<vmem>>, vector<16xf32>,
      %add3A_538 = arith.constant 48 : i32
      %add3A_539 = arith.addi %mul3A_498, %add3A_538 : i32
      %get3A_540 = arith.index_cast %add3A_539 : i32 to index
      %get3A_541 = tpu.vector_load %arg5[%get3A_540] {strides = array<i32>} : memref<32768xf32, #tpu.memory_space<vmem>>, vector<16xf32>,
      %get3A_542 = vector.shape_cast %get3A_541 : vector<16xf32> to vector<16xf32>
      %sub3A_543 = arith.subf %get3A_542, %get3A_469 : vector<16xf32>
      %max3A_544 = arith.constant 0.000000e+00 : f32
      %max3A_545 = vector.broadcast %max3A_544 : f32 to vector<16xf32>
      %max3A_546 = arith.maximumf %sub3A_543, %max3A_545 : vector<16xf32>
      %swap3A_547 = arith.index_cast %add3A_539 : i32 to index
      %swap3A_548 = tpu.vector_load %arg6[%swap3A_547] {strides = array<i32>} : memref<32768xf32, #tpu.memory_space<vmem>>, vector<16xf32>,
      %swap3A_549 = vector.shape_cast %swap3A_548 : vector<16xf32> to vector<16xf32>
      %swap3A_550 = vector.shape_cast %max3A_546 : vector<16xf32> to vector<16xf32>
      tpu.vector_store %arg6[%swap3A_547], %swap3A_550 {strides = array<i32>} : memref<32768xf32, #tpu.memory_space<vmem>>, vector<16xf32>,
    }
    "tpu.trace_stop"() : () -> ()
    %add3A_480 = arith.constant 3 : i32
    %add3A_481 = arith.addi %mul3A_2, %add3A_480 : i32
    %dma_start3A_482 = arith.constant 0 : i32
    %dma_start3A_483 = tpu.memref_slice %arg3[%add3A_481, %dma_start3A_482] : memref<128x32768xf32, #tpu.memory_space<hbm>> -> memref<1x32768xf32, #tpu.memory_space<hbm>>
    %dma_start3A_484 = tpu.memref_squeeze %dma_start3A_483 : memref<1x32768xf32, #tpu.memory_space<hbm>> -> memref<32768xf32, #tpu.memory_space<hbm>>
    %dma_start3A_485 = arith.constant 0 : i32
    %dma_start3A_486 = tpu.memref_slice %arg3[%add3A_481, %dma_start3A_485] : memref<128x32768xf32, #tpu.memory_space<hbm>> -> memref<1x32768xf32, #tpu.memory_space<hbm>>
    %dma_start3A_487 = tpu.memref_squeeze %dma_start3A_486 : memref<1x32768xf32, #tpu.memory_space<hbm>> -> memref<32768xf32, #tpu.memory_space<hbm>>
    tpu.enqueue_dma source(%arg6 : memref<32768xf32, #tpu.memory_space<vmem>>) target(%dma_start3A_487 : memref<32768xf32, #tpu.memory_space<hbm>>) target_semaphore(%arg13 : memref<!tpu.dma_semaphore, #tpu.memory_space<semaphore_mem>>)
    %dma_wait3A_488 = arith.constant 0 : i32
    %dma_wait3A_489 = tpu.memref_slice %arg3[%add3A_481, %dma_wait3A_488] : memref<128x32768xf32, #tpu.memory_space<hbm>> -> memref<1x32768xf32, #tpu.memory_space<hbm>>
    %dma_wait3A_490 = tpu.memref_squeeze %dma_wait3A_489 : memref<1x32768xf32, #tpu.memory_space<hbm>> -> memref<32768xf32, #tpu.memory_space<hbm>>
    %dma_wait3A_491 = arith.constant 0 : i32
    %dma_wait3A_492 = tpu.memref_slice %arg3[%add3A_481, %dma_wait3A_491] : memref<128x32768xf32, #tpu.memory_space<hbm>> -> memref<1x32768xf32, #tpu.memory_space<hbm>>
    %dma_wait3A_493 = tpu.memref_squeeze %dma_wait3A_492 : memref<1x32768xf32, #tpu.memory_space<hbm>> -> memref<32768xf32, #tpu.memory_space<hbm>>
    tpu.wait_dma2 semaphore(%arg13 : memref<!tpu.dma_semaphore, #tpu.memory_space<semaphore_mem>>) src(%arg6 : memref<32768xf32, #tpu.memory_space<vmem>>) dst(%dma_wait3A_493 : memref<32768xf32, #tpu.memory_space<hbm>>)
    return
  }
}

</mosaic_0001>

<sc_bundles>
// kernel: kernel.3.cloned.1.call-start
scs
__scs_entry_jumppad:
0x0: {  	(pc) =	sbr.rel $0x88, $3  }
0x1: {  	(tag) =	ssettag $0x0;
	lr =	simm.s32 $0x1  }
0x2: {  	[smem:$0x3FA0] =	sst lr;
	_ =	strace $0xD0000000  }
0x3: {  	_ = 	snop  }
0x4: {  	_ = 	snop  }
0x5: {  	_ = 	snop  }
0x6: {  	_ = 	snop  }
0x7: {  	_ = 	snop  }
__scs_overlays_trampoline_lowered:
0x8: {  	[smem:$0x3FAF] =	sst s0  }
0x9: {  	[smem:$0x3FB0] =	sst s1  }
0xa: {  	[smem:$0x3FB1] =	sst s2  }
0xb: {  	[smem:$0x3FB2] =	sst s3  }
0xc: {  	[smem:$0x3FB3] =	sst s4  }
0xd: {  	[smem:$0x3FB4] =	sst s5  }
0xe: {  	[smem:$0x3FB5] =	sst s6  }
0xf: {  	[smem:$0x3FB6] =	sst s7  }
0x10: {  	[smem:$0x3FB7] =	sst s8  }
0x11: {  	[smem:$0x3FB8] =	sst s9;
	s0 =	simm.s32 @!p0 $0x0  }
0x12: {  	s1 =	sld [smem:$0x3F9E];
	s0 =	simm.s32 @p0 $0x1  }
0x13: {  	[smem:$0x3FB9] =	sst s0;
	s0 =	simm.s32 @!p1 $0x0  }
0x14: {  	s2 =	sld [smem:$0x3F9D];
	s0 =	simm.s32 @p1 $0x1  }
0x15: {  	[smem:$0x3FBA] =	sst s0;
	s0 =	simm.s32 @!p2 $0x0  }
0x16: {  	s3 =	sld [smem:$0x3FDB];
	s0 =	simm.s32 @p2 $0x1  }
0x17: {  	s4 =	simm.s32 $0x1BF5;
	[smem:$0x3FBC] =	sst s0  }
0x18: {  	s0 =	sld [smem:$0x3F9F];
	_ =	swait.ge [sflag:s4], $0x0  }
0x19: {  	s7 =	sld [smem:$0x3FA0]  }
0x1a: {  	s8 =	sadd.s32 $0xFFFFE003, lr  }
0x1b: {  	s9 =	sadd.s32 $0xFFFFFEF7, lr;
	s5 =	simm.s32 $0xFFFFFFFF;
	p2 =	slt.u32 s8, $0xFFFFF086  }
0x1c: {  	p1 =	slt.u32 s9, $0xF7A;
	s5 =	simm.s32 @!p2 $0x0  }
0x1d: {  	s5 =	simm.s32 @p1 $0x1;
	p0 =	seq.s32 s7, s2  }
0x1e: {  	s7 =	smul.u32 @!p0 $0xF7A, s2;
	p2 =	seq.s32 @!p0 s5, $0x0  }
0x1f: {  	s9 =	smul.u32 $0xF7A, s1;
	s8 =	simm.s32 @!p0 $0x1BF5;
	p2 =	por !p2, p0  }
0x20: {  	[sflag:s8] =	ssyncset.s32 @!p0 $0xFFFFF086;
	s6 =	sadd.s32 @!p0 s3, s7;
	s7 =	simm.s32 @!p0 $0x108  }
0x21: {  	s3 =	sadd.s32 s3, s9;
	s6 =	sadd.s32 @!p0 $0x88, s6;
	s7 =	simm.s32 @p2 $0x1082  }
0x22: {  	[simem:s7], [sflag:s8] =	dma.local @!p0 [hbm:s6], $0xF7A  }
0x23: {  	s9 =	sor.u32 $0xD0000000, s2;
	s6 =	simm.s32 $0x108;
	_ =	swait.ge @!p0 [sflag:s8], $0x0  }
0x24: {  	s3 =	sadd.s32 $0x88, s3;
	s6 =	simm.s32 @!p1 $0x1082;
	[sflag:s4] =	ssyncset.s32 $0xFFFFF086  }
0x25: {  	[simem:s6], [sflag:s4] =	dma.local [hbm:s3], $0xF7A  }
0x26: {  	[smem:$0x3FA0] =	sst s1;
	(tag) =	ssettag s2;
	_ =	strace s9  }
0x27: {  	s1 =	sld [smem:$0x3FB0]  }
0x28: {  	s2 =	sld [smem:$0x3FB1]  }
0x29: {  	s4 =	sld [smem:$0x3FB3]  }
0x2a: {  	p0 =	seq.s32 s5, $0x0;
	s5 =	sld [smem:$0x3FB4]  }
0x2b: {  	s6 =	sld [smem:$0x3FB5]  }
0x2c: {  	s7 =	sld [smem:$0x3FB6]  }
0x2d: {  	s3 =	simm.s32 $0x108;
	s8 =	sld [smem:$0x3FB7]  }
0x2e: {  	s3 =	simm.s32 @!p0 $0x1082;
	s9 =	sld [smem:$0x3FB8]  }
0x2f: {  	lr =	sadd.s32 s0, s3;
	s0 =	sld [smem:$0x3FAF]  }
0x30: {  	s3 =	sld [smem:$0x3FB2]  }
0x31: {  	[smem:$0x3FBB] =	sst s10  }
0x32: {  	s10 =	sld [smem:$0x3FB9];
	_ =	sdelay $0x3  }
0x33: {  	p0 =	seq.s32 s10, $0x1;
	s10 =	sld [smem:$0x3FBB];
	_ =	sdelay $0x3  }
0x34: {  	[smem:$0x3FBB] =	sst s10  }
0x35: {  	s10 =	sld [smem:$0x3FBA];
	_ =	sdelay $0x3  }
0x36: {  	p1 =	seq.s32 s10, $0x1;
	s10 =	sld [smem:$0x3FBB];
	_ =	sdelay $0x3  }
0x37: {  	[smem:$0x3FBB] =	sst s10  }
0x38: {  	s10 =	sld [smem:$0x3FBC]  }
0x39: {  	_ = 	snop;
	(pc) =	sbr.ind lr, $3  }
0x3a: {  	_ = 	snop  }
0x3b: {  	_ = 	snop  }
0x3c: {  	p2 =	seq.s32 s10, $0x1;
	s10 =	sld [smem:$0x3FBB]  }
0x3d: {  	_ =	shalt  }
0x3e: {  	_ =	shalt  }
0x3f: {  	_ =	shalt  }
0x40: {  	_ =	shalt  }
0x41: {  	_ =	shalt  }
0x42: {  	_ =	shalt  }
0x43: {  	_ =	shalt  }
0x44: {  	_ =	shalt  }
0x45: {  	_ =	shalt  }
0x46: {  	_ =	shalt  }
0x47: {  	_ =	shalt  }
0x48: {  	_ =	shalt  }
0x49: {  	_ =	shalt  }
0x4a: {  	_ =	shalt  }
0x4b: {  	_ =	shalt  }
0x4c: {  	_ =	shalt  }
0x4d: {  	_ =	shalt  }
0x4e: {  	_ =	shalt  }
0x4f: {  	_ =	shalt  }
0x50: {  	_ =	shalt  }
0x51: {  	_ =	shalt  }
0x52: {  	_ =	shalt  }
0x53: {  	_ =	shalt  }
0x54: {  	_ =	shalt  }
0x55: {  	_ =	shalt  }
0x56: {  	_ =	shalt  }
0x57: {  	_ =	shalt  }
0x58: {  	_ =	shalt  }
0x59: {  	_ =	shalt  }
0x5a: {  	_ =	shalt  }
0x5b: {  	_ =	shalt  }
0x5c: {  	_ =	shalt  }
0x5d: {  	_ =	shalt  }
0x5e: {  	_ =	shalt  }
0x5f: {  	_ =	shalt  }
0x60: {  	_ =	shalt  }
0x61: {  	_ =	shalt  }
0x62: {  	_ =	shalt  }
0x63: {  	_ =	shalt  }
0x64: {  	_ =	shalt  }
0x65: {  	_ =	shalt  }
0x66: {  	_ =	shalt  }
0x67: {  	_ =	shalt  }
0x68: {  	_ =	shalt  }
0x69: {  	_ =	shalt  }
0x6a: {  	_ =	shalt  }
0x6b: {  	_ =	shalt  }
0x6c: {  	_ =	shalt  }
0x6d: {  	_ =	shalt  }
0x6e: {  	_ =	shalt  }
0x6f: {  	_ =	shalt  }
0x70: {  	_ =	shalt  }
0x71: {  	_ =	shalt  }
0x72: {  	_ =	shalt  }
0x73: {  	_ =	shalt  }
0x74: {  	_ =	shalt  }
0x75: {  	_ =	shalt  }
0x76: {  	_ =	shalt  }
0x77: {  	_ =	shalt  }
0x78: {  	_ =	shalt  }
0x79: {  	_ =	shalt  }
0x7a: {  	_ =	shalt  }
0x7b: {  	_ =	shalt  }
0x7c: {  	_ =	shalt  }
0x7d: {  	_ =	shalt  }
0x7e: {  	_ =	shalt  }
0x7f: {  	_ =	shalt  }
0x80: {  	_ =	shalt  }
0x81: {  	_ =	shalt  }
0x82: {  	_ =	shalt  }
0x83: {  	_ =	shalt  }
0x84: {  	_ =	shalt  }
0x85: {  	_ =	shalt  }
0x86: {  	_ =	shalt  }
0x87: {  	_ =	shalt  }
.Lfunc_end0:
.L_simem_size_0:
called_computation_lowered:
.L_overlay_start_0:
0x88: {  	s2 =	sld [smem:$0x3FD9]  }
0x89: {  	s3 =	sld [smem:$0x3FFE];
	_ =	sdelay $0x1  }
0x8a: {  	s1 =	srdreg.scid  }
0x8b: {  	s0 =	sand.u32 $0x1, s1  }
0x8c: {  	s18 =	sshll.u32 s0, $0xA;
	s2 =	sadd.s32 s3, s2  }
0x8d: {  	s2 =	sadd.s32 s2, s18  }
0x8e: {  	[smem:$0x3FC7] =	sst s2  }
0x8f: {  	_ = 	snop  }
0x90: {  	s2 =	sld [smem:$0x3FC9]  }
0x91: {  	s19 =	sld [smem:$0x3FD0];
	(tm) =	ssettm $0x1  }
0x92: {  	s4 =	sld [smem:$0x3FFB];
	_ =	sdelay $0x3  }
0x93: {  	_ =	strace s4  }
0x94: {  	s4 =	sld [smem:$0x3FFC];
	_ =	sdelay $0x3  }
0x95: {  	_ =	strace s4  }
0x96: {  	s4 =	sld [smem:$0x3FFD];
	_ =	sdelay $0x3  }
0x97: {  	_ =	strace s4  }
0x98: {  	_ =	strace $0x8FFFFFFF  }
0x99: {  	s20 =	sld [smem:$0x3FDB];
	_ =	sdelay $0x1  }
0x9a: {  	s5 =	simm.s32 $_scs_section_size  }
0x9b: {  	s6 =	simm.s32 $_size__tile_overlayer_lowered;
	s7 =	simm.s32 $_tile_overlayer_lowered  }
0x9c: {  	s23 =	simm.s32 $0x1BFF;
	s22 =	sshll.u32 s7, $0x1;
	s4 =	sadd.s32 s5, s20  }
0x9d: {  	s8 =	simm.s32 $0x0;
	s21 =	sshll.u32 s6, $0x1;
	s6 =	sadd.s32 s22, s4  }
0x9e: {  	[timem:s8], [sflag:s23] =	dma.local [hbm:s6], s21  }
0x9f: {  	_ =	swait.ge [sflag:s23], s21  }
0xa0: {  	s5 =	ssub.s32 $0x0, s21;
	[sflag:s23] =	ssyncset.done $0x0  }
0xa1: {  	[sflag:s23] =	ssyncadd.s32 s5;
	_ =	sdelay $0x1  }
0xa2: {  	s24 =	simm.s32 $0x1B8B  }
0xa3: {  	_ =	swait.ge [sflag:s24], $0x1  }
0xa4: {  	[sflag:s24] =	ssyncset.done $0x0  }
0xa5: {  	s25 =	simm.s32 $0x1B8E;
	[sflag:s24] =	ssyncadd.s32 $0xFFFFFFFF  }
0xa6: {  	s26 =	simm.s32 $execute0_lowered;
	[smem:$0x3FD2] =	sst s25  }
0xa7: {  	s5 =	sshll.u32 s26, $0x1;
	_ =	strace $0x80000046;
	[dreg:$0x1] =	wrdreg $0xFFFFFFFF  }
0xa8: {  	s28 =	simm.s32 $_size_execute0_lowered;
	s4 =	sadd.s32 s4, s5;
	[dreg:$0x0] =	wrdreg $0x0  }
0xa9: {  	s5 =	sshll.u32 s28, $0x1;
	[dreg:$0x2] =	wrdreg s4  }
0xaa: {  	[dreg:$0x3] =	wrdreg s5  }
0xab: {  	[dreg:$0x4] =	wrdreg $0xC0  }
0xac: {  	_ =	task [dreg:s8], $0x5FFFF  }
0xad: {  	[dreg:$0x1] =	wrdreg $0xFFFFFFFF  }
0xae: {  	[dreg:$0x0] =	wrdreg $0x60  }
0xaf: {  	[dreg:$0x2] =	wrdreg s2  }
0xb0: {  	[dreg:$0x3] =	wrdreg s19  }
0xb1: {  	[dreg:$0x4] =	wrdreg $0x9  }
0xb2: {  	_ =	task.clear_ibuf [dreg:s8], $0x5FFFF;
	_ =	strace $0x90000046  }
0xb3: {  	s29 =	simm.s32 $0x9;
	_ =	strace $0x80000050  }
0xb4: {  	_ =	swait.ge [sflag:s29], $0x1  }
0xb5: {  	[sflag:s29] =	ssyncadd.s32 $0xFFFFFFFF  }
0xb6: {  	_ =	strace $0x90000050  }
0xb7: {  	_ =	sfence  }
0xb8: {  	s30 =	sld [smem:$0x0];
	_ =	sdelay $0x2  }
0xb9: {  	s31 =	sshll.u32 s1, $0xD;
	s1 =	sshrl.u32 s1, $0x2  }
0xba: {  	s3 =	sand.u32 $0x4000, s31;
	s1 =	sadd.s32 s1, s30  }
0xbb: {  	s0 =	sor.u32 s3, s0;
	s1 =	sshll.u32 s1, $0x11  }
0xbc: {  	s0 =	sor.u32 s1, s0  }
0xbd: {  	s0 =	sadd.s32 $0x8F2B, s0  }
0xbe: {  	[sflag:s0] =	ssyncadd.remote.s32 $0x1  }
0xbf: {  	_ =	sfence.sel $0xFFFF  }
0xc0: {  	[dreg:$0x0] =	wrdreg $0xFFFFFFFF;
	(pc) =	sbr.abs _section_cstart, $3  }
0xc1: {  	[dreg:$0x1] =	wrdreg $0xFFFFFFFF  }
0xc2: {  	_ =	task.clear_ibuf [dreg:s8], $0x2FFFF;
	_ =	strace $0x9FFFFFFF  }
0xc3: {  	(tm) =	ssettm $0x7FFFFFFF  }
tec
execute0_lowered:
.L_overlay_start_1:
0x0: {  	(tag) =	ssettag $0x1  }
0x1: {  	s0 =	rddreg [dreg:$0x0]  }
0x2: {  	s10 =	rddreg [dreg:$0x1];
	v0 =	vimm.s32 $0xFEDCBA98;
	v1 =	vimm.s32 $0x76543210  }
0x3: {  	s1 =	simm.s32 $0x0;
	s3 =	srdreg.scid;
	s30 =	stileid.u32;
	v3 =	vimm.s32 $0x32107654;
	v4 =	vimm.s32 $0xDCFE98BA;
	v5 =	vimm.s32 $0x54761032  }
0x4: {  	v6 =	vimm.s32 $0xEFCDAB89;
	v7 =	vimm.s32 $0x67452301;
	s13 =	simm.s32 $0x400;
	s15 =	simm.s32 $0x1;
	s16 =	simm.s32 $0x10000;
	v0 =	vunpack.c.l.s4.s8 v0  }
0x5: {  	s17 =	simm.s32 $0x2;
	s18 =	simm.s32 $0x3;
	v1 =	vunpack.c.l.s4.s8 v1;
	s3 =	sand.u32 $0x1, s3;
	v3 =	vunpack.c.l.s4.s8 v3;
	v4 =	vunpack.c.l.s4.s8 v4  }
0x6: {  	s19 =	simm.s32 $0x0;
	[smem:$0x7FF] =	sst s1;
	v5 =	vunpack.c.l.s4.s8 v5;
	s4 =	ssub.s32 $0x2, s3;
	v2 =	vunpack.c.0.s8.s32 v0;
	v0 =	vimm.s32 $0xBA98FEDC  }
0x7: {  	s5 =	sshll.u32 s30, $0xF;
	v6 =	vunpack.c.l.s4.s8 v6;
	v7 =	vunpack.c.l.s4.s8 v7;
	s3 =	sshll.u32 s3, $0x6;
	s6 =	sshrl.u32 s4, $0x1;
	v0 =	vunpack.c.l.s4.s8 v0  }
0x8: {  	_ =	strace $0x80000047;
	s8 =	sor.u32 s3, s5;
	v3 =	vunpack.c.0.s8.s32 v3;
	v4 =	vunpack.c.0.s8.s32 v4;
	v5 =	vunpack.c.0.s8.s32 v5;
	s11 =	ssub.s32 s4, s6  }
.Ltmp0:
0x9: {  	v6 =	vunpack.c.0.s8.s32 v6;
	v7 =	vunpack.c.0.s8.s32 v7;
	s31 =	sadd.s32 s0, s8;
	s7 =	sor.u32 $0x10, s8;
	v0 =	vunpack.c.0.s8.s32 v0;
	(pc) =	sbr.rel .LBB2_1-.Ltmp0, $4  }
0xa: {  	v8 =	vunpack.c.0.s8.s32 v1;
	s5 =	sadd.s32 s10, s8;
	s9 =	sor.u32 $0x20, s8;
	s12 =	sor.u32 $0x30, s8;
	v1 =	vcombine.low v5, v4  }
0xb: {  	[dreg:$0x3] =	wrdreg s31;
	s4 =	sadd.s32 s0, s7;
	s6 =	sadd.s32 s0, s9;
	v9 =	vand.u32 $0xF, v2;
	v2 =	vcombine.low v7, v6;
	v0 =	vcombine.low v3, v0  }
0xc: {  	s7 =	sadd.s32 s10, s7;
	s8 =	sadd.s32 s0, s12;
	s9 =	sadd.s32 s10, s9;
	v4 =	vcombine.low v9, v8;
	v6 =	vand.u32 $0xF, v1  }
0xd: {  	s10 =	sadd.s32 s10, s12;
	s11 =	smax.u32 s11, $0x1;
	s12 =	simm.s32 $0x80;
	v7 =	vand.u32 $0xF, v2;
	v3 =	vimm.f32 $0.0e+00;
	v5 =	vand.u32 $0xF, v0  }
.LBB2_105:
0xe: {  	_ = 	snop  }
.LBB2_110:
0xf: {  	v15 =	vld @p0 [tilespmem:s22+$0x8010];
	[tilespmem:s20+$0x10030] =	vst @p1 v14;
	s0 =	sld [smem:s23+$0x0];
	v11 =	vsub.f32 @p1 v11, v8;
	v12 =	vmax.f32 @p1 v12, $0.0e+00  }
0x10: {  	v13 =	vmax.f32 @p1 v13, $0.0e+00;
	v14 =	vld @p0 [tilespmem:s22+$0x8000];
	[tilespmem:s20+$0x10020] =	vst @p1 v12  }
0x11: {  	v10 =	vsub.f32 @p0 v10, v8;
	[tilespmem:s20+$0x10010] =	vst @p1 v13;
	v11 =	vmax.f32 @p1 v11, $0.0e+00  }
0x12: {  	s0 =	sshll.u32 s0, $0x6;
	[tilespmem:s20+$0x10000] =	vst @p1 v11  }
0x13: {  	s1 =	smov.u32 @p0 s22;
	v10 =	vmax.f32 @p0 v10, $0.0e+00;
	v11 =	vld [tilespmem:s0+$0x8030]  }
0x14: {  	v9 =	vsub.f32 @p0 v9, v8;
	s1 =	smov.u32 @p0 s1;
	v10 =	vpsel p0, v10, v0;
	v12 =	vld [tilespmem:s0+$0x8020]  }
0x15: {  	v13 =	vld [tilespmem:s0+$0x8010];
	[tilespmem:s1+$0x10030] =	vst @p0 v10;
	v15 =	vsub.f32 @p0 v15, v8  }
0x16: {  	v9 =	vpsel p0, v9, v0;
	v59 =	vld [tilespmem:s0+$0x8000];
	v10 =	vpsel p0, v14, v0  }
0x17: {  	v9 =	vmax.f32 @p0 v9, $0.0e+00;
	v15 =	vpsel p0, v15, v0;
	v10 =	vsub.f32 @p0 v10, v8  }
0x18: {  	[tilespmem:s1+$0x10020] =	vst @p0 v9;
	v15 =	vmax.f32 @p0 v15, $0.0e+00;
	v60 =	vsub.f32 v11, v8  }
0x19: {  	v10 =	vmax.f32 @p0 v10, $0.0e+00;
	[tilespmem:s1+$0x10010] =	vst @p0 v15;
	v61 =	vsub.f32 v12, v8  }
0x1a: {  	v62 =	vsub.f32 v13, v8;
	[tilespmem:s1+$0x10000] =	vst @p0 v10;
	v9 =	vmax.f32 v60, $0.0e+00  }
0x1b: {  	v8 =	vsub.f32 v59, v8;
	v11 =	vmax.f32 v61, $0.0e+00;
	[tilespmem:s0+$0x10030] =	vst v9  }
0x1c: {  	v63 =	vmax.f32 v62, $0.0e+00;
	[tilespmem:s0+$0x10020] =	vst v11  }
0x1d: {  	v8 =	vmax.f32 v8, $0.0e+00;
	[tilespmem:s0+$0x10010] =	vst v63  }
0x1e: {  	[tilespmem:s0+$0x10000] =	vst v8  }
.LBB2_111:
0x1f: {  	s19 =	sadd.s32 $0x1, s19  }
0x20: {  	p0 =	sne.s32 s19, s11  }
.Ltmp1:
0x21: {  	_ =	strace $0x9000004F;
	(pc) =	sbr.rel @!p0 .LBB2_112-.Ltmp1, $4  }
0x22: {  	[hbm4b:s10+s12] =	stream.strided.scatter [tilespmem:s16], [sflag:$0x3], $0x8000, s13, s12, $0x38;
	[tilespmem:$0x18080] =	vst v63  }
0x23: {  	_ =	swait.ge [sflag:s18], $0x8000  }
0x24: {  	[sflag:s18] =	ssyncset.done $0x0  }
0x25: {  	[sflag:s18] =	ssyncadd.s32 $0xFFFF8000  }
.LBB2_1:
0x26: {  	s0 =	simm.s32 $0x0  }
0x27: {  	s1 =	rddreg [dreg:$0x3];
	s20 =	simm.s32 $0x0;
	s21 =	simm.s32 $0x200  }
0x28: {  	[tilespmem:s0], [sflag:$0x1] =	stream.strided.gather [hbm4b:s1+s12], $0x8000, s13, s12, $0x38;
	[tilespmem:$0x18080] =	vst v63  }
.LBB2_2:
0x29: {  	p0 =	sne.s32 s21, $0x1FE00;
	[tilespmem:s20+$0x10070] =	vst v3  }
0x2a: {  	[tilespmem:s20+$0x10000] =	vst v3  }
0x2b: {  	[tilespmem:s20+$0x10010] =	vst v3  }
.Ltmp2:
0x2c: {  	[tilespmem:s20+$0x10020] =	vst v3;
	(pc) =	sbr.rel @p0 .LBB2_2-.Ltmp2, $4  }
0x2d: {  	[tilespmem:s20+$0x10030] =	vst v3  }
0x2e: {  	[tilespmem:s20+$0x10040] =	vst v3  }
0x2f: {  	[tilespmem:s20+$0x10050] =	vst v3  }
0x30: {  	[tilespmem:s20+$0x10060] =	vst v3;
	s20 =	sshra.s32 s21, $0x2;
	s21 =	sadd.s32 $0x200, s21  }
0x31: {  	[tilespmem:s20+$0x10070] =	vst v3  }
0x32: {  	[tilespmem:s20+$0x10000] =	vst v3  }
0x33: {  	[tilespmem:s20+$0x10010] =	vst v3  }
0x34: {  	[tilespmem:s20+$0x10020] =	vst v3  }
0x35: {  	[tilespmem:s20+$0x10030] =	vst v3  }
0x36: {  	[tilespmem:s20+$0x10040] =	vst v3  }
0x37: {  	[tilespmem:s20+$0x10050] =	vst v3  }
0x38: {  	[tilespmem:s20+$0x10060] =	vst v3;
	s0 =	simm.s32 $0x8000  }
0x39: {  	[tilespmem:s0], [sflag:$0x2] =	stream.strided.gather [hbm4b:s4+s12], $0x8000, s13, s12, $0x38;
	[tilespmem:$0x18080] =	vst v63  }
0x3a: {  	_ =	swait.ge [sflag:s15], $0x8000  }
0x3b: {  	[sflag:s15] =	ssyncset.done $0x0  }
0x3c: {  	s31 =	simm.s32 $0x0;
	[sflag:s15] =	ssyncadd.s32 $0xFFFF8000  }
0x3d: {  	v8 =	vld [tilespmem:s31+$0x70]  }
0x3e: {  	v9 =	vld [tilespmem:s31+$0x0]  }
0x3f: {  	v11 =	vld [tilespmem:s31+$0x10]  }
0x40: {  	v20 =	vld [tilespmem:s31+$0x20]  }
0x41: {  	v19 =	vld [tilespmem:s31+$0x30]  }
0x42: {  	v10 =	vimm.f32 $-3.000000010e+38;
	v13 =	vimm.f32 $-3.000000010e+38;
	v12 =	vld [tilespmem:s31+$0x40]  }
0x43: {  	v14 =	vimm.f32 $-3.000000010e+38;
	v15 =	vld [tilespmem:s31+$0x50];
	v8 =	vmax.f32 v10, v8;
	v16 =	vmax.f32 v10, v9  }
0x44: {  	s20 =	simm.s32 $0x80;
	s21 =	simm.s32 $0x400;
	v17 =	vld [tilespmem:s31+$0x60];
	v18 =	vmax.f32 v10, v11;
	v11 =	vimm.f32 $-3.000000010e+38;
	v9 =	vimm.f32 $-3.000000010e+38  }
.LBB2_4:
0x45: {  	p0 =	sne.s32 s21, $0x1FE00;
	v21 =	vld [tilespmem:s20+$0x70];
	v10 =	vmax.f32 v10, v20  }
0x46: {  	v22 =	vld [tilespmem:s20+$0x0];
	v13 =	vmax.f32 v13, v19  }
0x47: {  	v23 =	vld [tilespmem:s20+$0x10];
	v14 =	vmax.f32 v14, v12  }
.Ltmp3:
0x48: {  	v20 =	vld [tilespmem:s20+$0x20];
	v11 =	vmax.f32 v11, v15;
	(pc) =	sbr.rel @p0 .LBB2_4-.Ltmp3, $4  }
0x49: {  	v19 =	vld [tilespmem:s20+$0x30];
	v9 =	vmax.f32 v9, v17  }
0x4a: {  	v12 =	vld [tilespmem:s20+$0x40];
	v8 =	vmax.f32 v8, v21  }
0x4b: {  	v16 =	vmax.f32 v16, v22;
	v15 =	vld [tilespmem:s20+$0x50]  }
0x4c: {  	v18 =	vmax.f32 v18, v23;
	v17 =	vld [tilespmem:s20+$0x60];
	s20 =	sshra.s32 s21, $0x2;
	s21 =	sadd.s32 $0x200, s21  }
0x4d: {  	v21 =	vld [tilespmem:s20+$0x0]  }
0x4e: {  	v22 =	vld [tilespmem:s20+$0x10]  }
0x4f: {  	v23 =	vld [tilespmem:s20+$0x20]  }
0x50: {  	v24 =	vld [tilespmem:s20+$0x30]  }
0x51: {  	v25 =	vld [tilespmem:s20+$0x40]  }
0x52: {  	v26 =	vld [tilespmem:s20+$0x50]  }
0x53: {  	v10 =	vmax.f32 v10, v20;
	v20 =	vld [tilespmem:s20+$0x60];
	v16 =	vmax.f32 v16, v21;
	v18 =	vmax.f32 v18, v22  }
0x54: {  	v13 =	vmax.f32 v13, v19;
	v19 =	vld [tilespmem:s20+$0x70];
	v10 =	vmax.f32 v10, v23;
	v16 =	vmax.f32 v16, v18  }
0x55: {  	v12 =	vmax.f32 v14, v12;
	v13 =	vmax.f32 v13, v24;
	v10 =	vmax.f32 v16, v10  }
0x56: {  	s0 =	simm.s32 $0x20;
	v11 =	vmax.f32 v11, v15;
	v12 =	vmax.f32 v12, v25;
	v10 =	vmax.f32 v10, v13  }
0x57: {  	v9 =	vmax.f32 v9, v17;
	v11 =	vmax.f32 v11, v26;
	v10 =	vmax.f32 v10, v12;
	v12 =	vld [tilespmem:s0+$0xFFFFFFE0]  }
0x58: {  	v9 =	vmax.f32 v9, v20;
	v10 =	vmax.f32 v10, v11;
	v11 =	vld [tilespmem:s0+$0xFFFFFFF0]  }
0x59: {  	v8 =	vmax.f32 v8, v19;
	v9 =	vmax.f32 v10, v9;
	v10 =	vld [tilespmem:s0+$0x0]  }
0x5a: {  	s3 =	simm.s32 $0xA0;
	v8 =	vmax.f32 v9, v8;
	v9 =	vld [tilespmem:s0+$0x10]  }
0x5b: {  	s21 =	simm.s32 $0x40;
	v14 =	vld [tilespmem:s3+$0xFFFFFFE0];
	v13 =	vperm.xlane v8, v4  }
0x5c: {  	s22 =	sor.u32 $0x60, s21;
	v15 =	vld [tilespmem:s3+$0xFFFFFFF0]  }
0x5d: {  	v16 =	vld [tilespmem:s22+$0x0];
	v8 =	vmax.f32 v8, v13;
	v11 =	vmax.f32 v12, v11  }
0x5e: {  	s14 =	sor.u32 $0x50, s21;
	v13 =	vperm.xlane v8, v0;
	v10 =	vmax.f32 v11, v10;
	v11 =	vld [tilespmem:s0+$0x20]  }
0x5f: {  	v9 =	vmax.f32 v10, v9;
	v10 =	vld [tilespmem:s14+$0x0]  }
0x60: {  	s23 =	sor.u32 $0x70, s21;
	v12 =	vld [tilespmem:s3+$0x0];
	v8 =	vmax.f32 v8, v13;
	v13 =	vperm.xlane v9, v4  }
0x61: {  	v18 =	vld [tilespmem:s23+$0x0];
	v17 =	vperm.xlane v8, v1  }
0x62: {  	s24 =	simm.s32 $0x120;
	v19 =	vld [tilespmem:s3+$0x10];
	v9 =	vmax.f32 v9, v13  }
0x63: {  	v21 =	vld [tilespmem:s24+$0xFFFFFFF0];
	v8 =	vmax.f32 v8, v17;
	v17 =	vperm.xlane v9, v5  }
0x64: {  	s25 =	simm.s32 $0xC0;
	v13 =	vld [tilespmem:s24+$0xFFFFFFE0];
	v20 =	vperm.xlane v8, v2;
	v10 =	vmax.f32 v11, v10;
	v11 =	vmax.f32 v14, v15  }
0x65: {  	s26 =	sor.u32 $0x50, s25;
	v9 =	vmax.f32 v9, v17;
	v10 =	vmax.f32 v10, v16;
	v11 =	vmax.f32 v11, v12;
	v12 =	vld [tilespmem:s3+$0x20]  }
0x66: {  	s1 =	sor.u32 $0x60, s25;
	v16 =	vld [tilespmem:s26+$0x0];
	v15 =	vperm.xlane v9, v6;
	v10 =	vmax.f32 v10, v18  }
0x67: {  	v8 =	vmax.f32 v8, v20;
	v11 =	vmax.f32 v11, v19;
	v19 =	vld [tilespmem:s1+$0x0];
	v17 =	vperm.xlane v10, v4  }
0x68: {  	s2 =	sor.u32 $0x70, s25;
	v14 =	vld [tilespmem:s24+$0x0];
	v8 =	vadd.f32 $-1.000000000e+00, v8;
	v18 =	vperm.xlane v11, v4  }
0x69: {  	v13 =	vmax.f32 v13, v21;
	v9 =	vmax.f32 v9, v15;
	v15 =	vld [tilespmem:s2+$0x0];
	v10 =	vmax.f32 v10, v17  }
0x6a: {  	s3 =	simm.s32 $0x1A0;
	v20 =	vperm.xlane v9, v7;
	v17 =	vld [tilespmem:s24+$0x10];
	v11 =	vmax.f32 v11, v18;
	v18 =	vperm.xlane v10, v5  }
0x6b: {  	v21 =	vld [tilespmem:s3+$0xFFFFFFE0];
	(v2sf) =	vpush v8, $0x0;
	v22 =	vperm.xlane v11, v5;
	v12 =	vmax.f32 v12, v16  }
0x6c: {  	v9 =	vmax.f32 v9, v20;
	v20 =	vld [tilespmem:s3+$0xFFFFFFF0];
	v12 =	vmax.f32 v12, v19;
	v10 =	vmax.f32 v10, v18  }
0x6d: {  	s14 =	simm.s32 $0x140;
	(v2sf) =	vpush v9, $0x0;
	v9 =	vld [tilespmem:s3+$0x0];
	v11 =	vmax.f32 v11, v22;
	v16 =	vperm.xlane v10, v6  }
0x6e: {  	s22 =	sor.u32 $0x50, s14;
	v13 =	vmax.f32 v13, v14;
	v14 =	vld [tilespmem:s24+$0x20];
	v18 =	vperm.xlane v11, v6;
	v12 =	vmax.f32 v12, v15  }
0x6f: {  	s23 =	sor.u32 $0x60, s14;
	v15 =	vld [tilespmem:s22+$0x0];
	v13 =	vmax.f32 v13, v17;
	v17 =	vperm.xlane v12, v4;
	v10 =	vmax.f32 v10, v16  }
0x70: {  	s24 =	sor.u32 $0x70, s14;
	v19 =	vld [tilespmem:s23+$0x0];
	v16 =	vperm.xlane v13, v4;
	v11 =	vmax.f32 v11, v18;
	v18 =	vperm.xlane v10, v7  }
0x71: {  	v20 =	vmax.f32 v21, v20;
	v21 =	vld [tilespmem:s24+$0x0];
	v22 =	vperm.xlane v11, v7;
	v12 =	vmax.f32 v12, v17  }
0x72: {  	v17 =	vld [tilespmem:s3+$0x10];
	v13 =	vmax.f32 v13, v16;
	v16 =	vperm.xlane v12, v5;
	v9 =	vmax.f32 v20, v9  }
0x73: {  	s25 =	simm.s32 $0x1C0;
	s26 =	simm.s32 $0x220;
	v10 =	vmax.f32 v10, v18;
	v23 =	vperm.xlane v13, v5;
	v11 =	vmax.f32 v11, v22  }
0x74: {  	s0 =	sor.u32 $0x70, s25;
	v18 =	vld [tilespmem:s26+$0xFFFFFFE0];
	v14 =	vmax.f32 v14, v15;
	(v2sf) =	vpush v10, $0x0;
	v12 =	vmax.f32 v12, v16  }
0x75: {  	v22 =	vld [tilespmem:s0+$0x0];
	v14 =	vmax.f32 v14, v19;
	v13 =	vmax.f32 v13, v23;
	v15 =	vperm.xlane v12, v6  }
0x76: {  	v10 =	vld [tilespmem:s26+$0xFFFFFFF0];
	(v2sf) =	vpush v11, $0x0;
	v19 =	vperm.xlane v13, v6;
	v14 =	vmax.f32 v14, v21  }
0x77: {  	s1 =	sor.u32 $0x50, s25;
	v16 =	vld [tilespmem:s3+$0x20];
	v9 =	vmax.f32 v9, v17;
	v20 =	vperm.xlane v14, v4;
	v12 =	vmax.f32 v12, v15  }
0x78: {  	s2 =	sor.u32 $0x60, s25;
	v17 =	vld [tilespmem:s1+$0x0];
	v15 =	vperm.xlane v9, v4;
	v13 =	vmax.f32 v13, v19;
	v19 =	vperm.xlane v12, v7  }
0x79: {  	v21 =	vld [tilespmem:s2+$0x0];
	v23 =	vperm.xlane v13, v7  }
0x7a: {  	s28 =	simm.s32 $0x2A0;
	v11 =	vld [tilespmem:s26+$0x0];
	v14 =	vmax.f32 v14, v20;
	v15 =	vmax.f32 v9, v15;
	v12 =	vmax.f32 v12, v19  }
0x7b: {  	s29 =	simm.s32 $0x240;
	s30 =	simm.s32 $0x1;
	s20 =	spop (v2sf);
	v20 =	vld [tilespmem:s26+$0x10];
	v9 =	vperm.xlane v14, v5;
	v13 =	vmax.f32 v13, v23;
	(v2sf) =	vpush v12, $0x0  }
0x7c: {  	s31 =	simm.s32 $0x0;
	s21 =	simm.s32 $0xB;
	v18 =	vmax.f32 v18, v10;
	v10 =	vld [tilespmem:s28+$0xFFFFFFE0];
	v19 =	vperm.xlane v15, v5;
	s3 =	spop (v2sf);
	(v2sf) =	vpush v13, $0x0  }
0x7d: {  	s25 =	simm.s32 $0x3;
	s14 =	sor.u32 $0x50, s29;
	v12 =	vld [tilespmem:s28+$0xFFFFFFF0];
	v16 =	vmax.f32 v16, v17;
	v14 =	vmax.f32 v14, v9;
	p0 =	sgt.f32 s3, s20  }
0x7e: {  	s23 =	simm.s32 $0x7;
	s22 =	simm.s32 $0x9;
	s0 =	simm.s32 $0x0;
	v9 =	vld [tilespmem:s28+$0x0];
	v23 =	vmax.f32 v15, v19;
	v13 =	vmax.f32 v16, v21;
	v16 =	vperm.xlane v14, v6  }
0x7f: {  	s24 =	simm.s32 $0x5;
	[smem:s0] =	sst s31;
	v15 =	vmax.f32 v18, v11;
	v11 =	vld [tilespmem:s26+$0x20];
	v18 =	vperm.xlane v23, v6;
	v17 =	vmax.f32 v13, v22;
	s30 =	simm.s32 @!p0 $0x0  }
0x80: {  	s2 =	simm.s32 $0x1;
	s1 =	sor.u32 $0x60, s29;
	v13 =	vld [tilespmem:s14+$0x0];
	v15 =	vmax.f32 v15, v20;
	v19 =	vperm.xlane v17, v4;
	v16 =	vmax.f32 v14, v16;
	s26 =	sadd.s32 $0x0, s30  }
0x81: {  	s31 =	sor.u32 $0x70, s29;
	v20 =	vperm.xlane v15, v4;
	v14 =	vld [tilespmem:s1+$0x0];
	v18 =	vmax.f32 v23, v18;
	s30 =	simm.s32 $0xD;
	v21 =	vperm.xlane v16, v7;
	[smem:s26] =	sst s2  }
.LBB2_6:
0x82: {  	p0 =	sne.s32 s30, $0x1FF  }
0x83: {  	s0 =	smov.u32 s28;
	s1 =	smov.u32 s25;
	s25 =	smov.u32 s24  }
0x84: {  	v22 =	vmax.f32 v10, v12;
	v23 =	vld [tilespmem:s31+$0x0];
	v12 =	vperm.xlane v18, v7;
	v17 =	vmax.f32 v17, v19;
	s24 =	smov.u32 s23;
	s23 =	smov.u32 s22;
	s28 =	sadd.s32 $0x80, s28  }
0x85: {  	s22 =	smov.u32 s21;
	s21 =	smov.u32 s30;
	v19 =	vld [tilespmem:s0+$0x10];
	v15 =	vmax.f32 v15, v20;
	v20 =	vperm.xlane v17, v5;
	v16 =	vmax.f32 v16, v21;
	s2 =	spop (v2sf);
	v21 =	vmovc v9  }
0x86: {  	s29 =	sadd.s32 $0x80, s29;
	v10 =	vld [tilespmem:s28+$0xFFFFFFE0];
	v24 =	vperm.xlane v15, v5;
	v9 =	vmax.f32 v18, v12;
	(v2sf) =	vpush v16, $0x0;
	s31 =	spop (v2sf);
	p2 =	sgt.f32 s2, s20  }
.Ltmp4:
0x87: {  	v12 =	vld [tilespmem:s28+$0xFFFFFFF0];
	v11 =	vmax.f32 v11, v13;
	v16 =	vmax.f32 v17, v20;
	(v2sf) =	vpush v9, $0x0;
	p1 =	sgt.f32 s31, s20;
	s31 =	simm.s32 $0x1;
	(pc) =	sbr.rel @p0 .LBB2_6-.Ltmp4, $4  }
0x88: {  	s14 =	simm.s32 $0x1;
	s2 =	sadd.s32 $0xFFFFFFFF, s1;
	v9 =	vld [tilespmem:s28+$0x0];
	v18 =	vmax.f32 v15, v24;
	v13 =	vmax.f32 v11, v14;
	v14 =	vperm.xlane v16, v6;
	s31 =	simm.s32 @!p2 $0x0  }
0x89: {  	v15 =	vmax.f32 v22, v21;
	v11 =	vld [tilespmem:s0+$0x20];
	s0 =	sor.u32 $0x50, s29;
	v21 =	vperm.xlane v18, v6;
	v17 =	vmax.f32 v13, v23;
	s14 =	simm.s32 @!p1 $0x0;
	s26 =	sadd.s32 s31, s26  }
0x8a: {  	v15 =	vmax.f32 v15, v19;
	v13 =	vld [tilespmem:s0+$0x0];
	s0 =	sor.u32 $0x60, s29;
	v19 =	vperm.xlane v17, v4;
	v16 =	vmax.f32 v16, v14;
	[smem:s26] =	sst s2;
	s26 =	sadd.s32 s14, s26  }
0x8b: {  	s30 =	sadd.s32 $0x2, s30;
	s31 =	sor.u32 $0x70, s29;
	v20 =	vperm.xlane v15, v4;
	v14 =	vld [tilespmem:s0+$0x0];
	v18 =	vmax.f32 v18, v21;
	v21 =	vperm.xlane v16, v7;
	[smem:s26] =	sst s1  }
0x8c: {  	v40 =	vld [tilespmem:s31+$0x0]  }
0x8d: {  	v10 =	vmax.f32 v10, v12;
	v17 =	vmax.f32 v17, v19;
	v41 =	vld [tilespmem:s28+$0x10];
	s0 =	sadd.s32 $0x80, s29  }
0x8e: {  	v22 =	vperm.xlane v18, v7;
	v23 =	vld [tilespmem:s28+$0x20];
	v15 =	vmax.f32 v15, v20;
	v42 =	vperm.xlane v17, v5;
	s1 =	sor.u32 $0x50, s0  }
0x8f: {  	v16 =	vmax.f32 v16, v21;
	s14 =	sor.u32 $0x60, s0;
	v9 =	vmax.f32 v10, v9;
	v44 =	vld [tilespmem:s1+$0x0];
	v11 =	vmax.f32 v11, v13  }
0x90: {  	s0 =	sor.u32 $0x70, s0;
	v43 =	vperm.xlane v15, v5;
	v46 =	vld [tilespmem:s14+$0x0];
	v45 =	vmax.f32 v17, v42;
	v11 =	vmax.f32 v11, v14  }
0x91: {  	v18 =	vmax.f32 v18, v22;
	v48 =	vld [tilespmem:s0+$0x0];
	v47 =	vperm.xlane v45, v6;
	v11 =	vmax.f32 v11, v40  }
0x92: {  	(v2sf) =	vpush v16, $0x0;
	v15 =	vmax.f32 v15, v43;
	v12 =	vperm.xlane v11, v4  }
0x93: {  	v49 =	vperm.xlane v15, v6;
	v9 =	vmax.f32 v9, v41;
	v14 =	vmax.f32 v45, v47  }
0x94: {  	v50 =	vperm.xlane v9, v4;
	v13 =	vmax.f32 v23, v44;
	v11 =	vmax.f32 v11, v12  }
0x95: {  	v15 =	vmax.f32 v15, v49;
	v52 =	vmax.f32 v13, v46;
	v53 =	vperm.xlane v11, v5  }
0x96: {  	v51 =	vperm.xlane v14, v7;
	v9 =	vmax.f32 v9, v50;
	v10 =	vmax.f32 v52, v48  }
0x97: {  	v54 =	vperm.xlane v9, v5;
	v55 =	vperm.xlane v10, v4;
	v11 =	vmax.f32 v11, v53  }
0x98: {  	(v2sf) =	vpush v18, $0x0;
	v56 =	vperm.xlane v15, v7;
	v57 =	vperm.xlane v11, v6  }
0x99: {  	v14 =	vmax.f32 v14, v51;
	v9 =	vmax.f32 v9, v54;
	v10 =	vmax.f32 v10, v55  }
0x9a: {  	v59 =	vperm.xlane v9, v6;
	v60 =	vperm.xlane v10, v5;
	v11 =	vmax.f32 v11, v57  }
0x9b: {  	(v2sf) =	vpush v14, $0x0;
	v58 =	vmax.f32 v15, v56;
	v12 =	vperm.xlane v11, v7  }
0x9c: {  	s28 =	spop (v2sf);
	(v2sf) =	vpush v58, $0x0;
	v9 =	vmax.f32 v9, v59;
	v10 =	vmax.f32 v10, v60  }
0x9d: {  	p0 =	sgt.f32 s28, s20;
	v61 =	vperm.xlane v9, v7;
	v62 =	vperm.xlane v10, v6;
	v11 =	vmax.f32 v11, v12  }
0x9e: {  	s29 =	spop (v2sf);
	s1 =	simm.s32 $0x1;
	(v2sf) =	vpush v11, $0x0  }
0x9f: {  	s30 =	sadd.s32 $0xFFFFFFFF, s25;
	p1 =	sgt.f32 s29, s20;
	s1 =	simm.s32 @!p0 $0x0;
	v9 =	vmax.f32 v9, v61;
	v10 =	vmax.f32 v10, v62  }
0xa0: {  	s14 =	simm.s32 $0x1;
	s1 =	sadd.s32 s1, s26;
	s2 =	spop (v2sf);
	(v2sf) =	vpush v9, $0x0;
	v63 =	vperm.xlane v10, v7  }
0xa1: {  	s14 =	simm.s32 @!p1 $0x0;
	s26 =	sadd.s32 $0xFFFFFFFF, s22;
	[smem:s1] =	sst s30  }
0xa2: {  	s14 =	sadd.s32 s14, s1;
	s31 =	spop (v2sf);
	p0 =	sgt.f32 s2, s20;
	v9 =	vmax.f32 v10, v63  }
0xa3: {  	s1 =	simm.s32 $0x1;
	s30 =	sadd.s32 $0xFFFFFFFF, s24;
	p1 =	sgt.f32 s31, s20;
	(v2sf) =	vpush v9, $0x0  }
0xa4: {  	[smem:s14] =	sst s25;
	s2 =	simm.s32 $0x1;
	s1 =	simm.s32 @!p0 $0x0  }
0xa5: {  	s2 =	simm.s32 @!p1 $0x0;
	s0 =	sadd.s32 s1, s14;
	s1 =	simm.s32 $0x1  }
0xa6: {  	s14 =	simm.s32 $0x1;
	[smem:s0] =	sst s30;
	s3 =	spop (v2sf)  }
0xa7: {  	s0 =	sadd.s32 s2, s0;
	s29 =	spop (v2sf);
	p0 =	sgt.f32 s3, s20  }
0xa8: {  	s2 =	simm.s32 $0x1;
	[smem:s0] =	sst s24;
	p1 =	sgt.f32 s29, s20  }
0xa9: {  	s24 =	simm.s32 $0x1;
	s3 =	sadd.s32 $0xFFFFFFFF, s23;
	s2 =	simm.s32 @!p0 $0x0  }
0xaa: {  	s0 =	sadd.s32 s2, s0;
	s24 =	simm.s32 @!p1 $0x0;
	s31 =	spop (v2sf)  }
0xab: {  	s2 =	simm.s32 $0x1;
	s25 =	spop (v2sf);
	p0 =	sgt.f32 s31, s20  }
0xac: {  	[smem:s0] =	sst s3;
	s0 =	sadd.s32 s24, s0;
	p1 =	sgt.f32 s25, s20  }
0xad: {  	[smem:s0] =	sst s23;
	s1 =	simm.s32 @!p0 $0x0;
	s28 =	spop (v2sf)  }
0xae: {  	s2 =	simm.s32 @!p1 $0x0;
	s0 =	sadd.s32 s1, s0;
	p0 =	sgt.f32 s28, s20  }
0xaf: {  	s1 =	simm.s32 $0x1;
	[smem:s0] =	sst s26;
	s29 =	spop (v2sf)  }
0xb0: {  	s0 =	sadd.s32 s2, s0;
	p1 =	sgt.f32 s29, s20;
	s1 =	simm.s32 @!p0 $0x0  }
0xb1: {  	s30 =	sadd.s32 $0xFFFFFFFF, s21;
	[smem:s0] =	sst s22;
	s0 =	sadd.s32 s1, s0  }
0xb2: {  	s14 =	simm.s32 @!p1 $0x0;
	s31 =	spop (v2sf);
	[smem:s0] =	sst s30  }
.Ltmp5:
0xb3: {  	s0 =	sadd.s32 s14, s0;
	p0 =	sgt.f32 s31, s20;
	(pc) =	sbr.rel .LBB2_8-.Ltmp5, $4  }
0xb4: {  	s1 =	simm.s32 $0x1;
	[smem:s0] =	sst s21;
	s21 =	simm.s32 $0x0  }
0xb5: {  	[tilespmem:$0x18000] =	vst v8;
	s1 =	simm.s32 @!p0 $0x0;
	[smem:$0x400] =	sst s21  }
0xb6: {  	s20 =	sadd.s32 s1, s0;
	_ =	strace $0x80000048  }
0xb7: {  	s0 =	sld [smem:$0x400];
	p0 =	slt.s32 s20, $0x1  }
.LBB2_10:
0xb8: {  	v10 =	vimm.f32 $0.0e+00  }
.LBB2_16:
0xb9: {  	v11 =	vperm.xlane v10, v4;
	_ =	sdelay $0x1  }
0xba: {  	v10 =	vadd.f32 v11, v10;
	_ =	sdelay $0x1  }
0xbb: {  	v11 =	vperm.xlane v10, v5;
	_ =	sdelay $0x1  }
0xbc: {  	v10 =	vadd.f32 v11, v10;
	_ =	sdelay $0x1  }
0xbd: {  	v61 =	vperm.xlane v9, v4;
	v12 =	vperm.xlane v10, v6;
	_ =	sdelay $0x1  }
0xbe: {  	v9 =	vadd.f32 v61, v9;
	v10 =	vadd.f32 v12, v10;
	_ =	sdelay $0x1  }
0xbf: {  	v11 =	vperm.xlane v9, v5;
	v12 =	vperm.xlane v10, v7;
	_ =	sdelay $0x1  }
0xc0: {  	v9 =	vadd.f32 v11, v9;
	v10 =	vadd.f32 v12, v10;
	_ =	sdelay $0x1  }
0xc1: {  	v11 =	vperm.xlane v9, v6;
	(erf) = vrcp.f32 v10;
	_ =	sdelay $0x1  }
0xc2: {  	v9 =	vadd.f32 v11, v9;
	_ =	sdelay $0x1  }
0xc3: {  	v62 =	vperm.xlane v9, v7;
	_ =	sdelay $0x1  }
0xc4: {  	v9 =	vadd.f32 v62, v9;
	_ =	sdelay $0x1  }
0xc5: {  	v9 =	vadd.f32 $-1.000000000e+00, v9  }
0xc6: {  	v63 =	vpop (erf)  }
0xc7: {  	v9 =	vmul.f32 v63, v9;
	_ =	sdelay $0x1  }
0xc8: {  	(v2sf) =	vpush v9, $0x0  }
0xc9: {  	(v2sf) =	vpush v8, $0x0;
	_ =	sdelay $0xd  }
0xca: {  	s0 =	spop (v2sf)  }
0xcb: {  	s1 =	spop (v2sf)  }
0xcc: {  	p1 =	sle.f32 s0, s1  }
0xcd: {  	s0 =	simm.s32 $0x1  }
0xce: {  	v8 =	vmax.f32 v9, v8;
	s0 =	simm.s32 @!p1 $0x0  }
0xcf: {  	[tilespmem:$0x18000] =	vst v8;
	[smem:$0x400] =	sst s0  }
.LBB2_17:
0xd0: {  	s21 =	sadd.s32 $0x1, s21  }
0xd1: {  	p1 =	sne.s32 s21, $0x18  }
.Ltmp6:
0xd2: {  	_ = 	snop;
	(pc) =	sbr.rel @!p1 .LBB2_18-.Ltmp6, $1  }
0xd3: {  	_ =	sdelay $0x3  }
.LBB2_8:
0xd4: {  	_ =	sdelay $0x1  }
0xd5: {  	p1 =	sne.s32 s0, $0x0  }
.Ltmp7:
0xd6: {  	_ = 	snop;
	(pc) =	sbr.rel @p1 .LBB2_17-.Ltmp7, $1  }
0xd7: {  	_ =	sdelay $0x3  }
.Ltmp8:
0xd8: {  	v8 =	vld [tilespmem:$0x18000];
	(pc) =	sbr.rel @p0 .LBB2_10-.Ltmp8, $2  }
0xd9: {  	_ =	sdelay $0x2  }
0xda: {  	s23 =	simm.s32 $0x0;
	v9 =	vimm.f32 $0.0e+00  }
0xdb: {  	s0 =	sld [smem:s23+$0x0];
	_ =	sdelay $0x2  }
0xdc: {  	s1 =	sshll.u32 s0, $0x8;
	s0 =	sadd.s32 $0x1, s23  }
0xdd: {  	p2 =	slt.s32 s0, s20  }
.Ltmp9:
0xde: {  	_ = 	snop;
	(pc) =	sbr.rel @!p2 .LBB2_12-.Ltmp9, $4  }
0xdf: {  	_ = 	snop  }
0xe0: {  	s22 =	sshra.s32 s1, $0x2  }
0xe1: {  	v11 =	vld [tilespmem:s22+$0x0]  }
0xe2: {  	s24 =	sadd.s32 $0x1, s23;
	p1 =	por $0x0, $0x0;
	v10 =	vld [tilespmem:s22+$0x10]  }
0xe3: {  	_ = 	snop  }
0xe4: {  	s1 =	sld [smem:s24+$0x0]  }
0xe5: {  	v15 =	vld [tilespmem:s22+$0x20];
	s23 =	sadd.s32 $0x1, s0  }
0xe6: {  	p2 =	slt.s32 s23, s20;
	vm0 =	vgt.f32 v11, v8  }
.Ltmp10:
0xe7: {  	v12 =	vld [tilespmem:s22+$0x30];
	s1 =	sshll.u32 s1, $0x8;
	v11 =	vnsel vm0, $0x0, v11;
	v13 =	vsel vm0, $0x3F800000, v3;
	(pc) =	sbr.rel @!p2 .LBB2_15-.Ltmp10, $4  }
0xe8: {  	vm14 =	vgt.f32 v10, v8;
	s22 =	sshra.s32 s1, $0x2;
	v14 =	vadd.f32 v11, v9;
	v16 =	vadd.f32 v13, v9  }
0xe9: {  	v10 =	vnsel vm14, $0x0, v10;
	v11 =	vld [tilespmem:s22+$0x0];
	v17 =	vsel vm14, $0x3F800000, v3  }
0xea: {  	vm15 =	vgt.f32 v15, v8;
	v13 =	vadd.f32 v10, v14;
	v14 =	vadd.f32 v17, v16  }
0xeb: {  	s24 =	sadd.s32 $0x1, s24;
	p1 =	por $0x1, $0x1;
	v15 =	vnsel vm15, $0x0, v15;
	v10 =	vld [tilespmem:s22+$0x10];
	v16 =	vsel vm15, $0x3F800000, v3  }
.LBB2_14:
0xec: {  	s0 =	sld [smem:s24+$0x0];
	s23 =	sadd.s32 $0x1, s23;
	v13 =	vadd.f32 v15, v13;
	v14 =	vadd.f32 v16, v14;
	vm0 =	vgt.f32 v12, v8  }
0xed: {  	p2 =	slt.s32 s23, s20;
	v15 =	vld [tilespmem:s22+$0x20];
	v12 =	vnsel vm0, $0x0, v12;
	v16 =	vsel vm0, $0x3F800000, v3  }
0xee: {  	vm0 =	vgt.f32 v11, v8;
	v13 =	vadd.f32 v12, v13;
	v14 =	vadd.f32 v16, v14  }
.Ltmp11:
0xef: {  	s0 =	sshll.u32 s0, $0x8;
	v11 =	vnsel vm0, $0x0, v11;
	v16 =	vsel vm0, $0x3F800000, v3;
	v12 =	vld [tilespmem:s22+$0x30];
	(pc) =	sbr.rel @p2 .LBB2_14-.Ltmp11, $4  }
0xf0: {  	s22 =	sshra.s32 s0, $0x2;
	v13 =	vadd.f32 v11, v13;
	v14 =	vadd.f32 v16, v14;
	vm0 =	vgt.f32 v10, v8  }
0xf1: {  	v11 =	vld [tilespmem:s22+$0x0];
	v10 =	vnsel vm0, $0x0, v10;
	v16 =	vsel vm0, $0x3F800000, v3  }
0xf2: {  	v13 =	vadd.f32 v10, v13;
	v14 =	vadd.f32 v16, v14;
	vm0 =	vgt.f32 v15, v8  }
0xf3: {  	s24 =	sadd.s32 $0x1, s24;
	v10 =	vld [tilespmem:s22+$0x10];
	v15 =	vnsel vm0, $0x0, v15;
	v16 =	vsel vm0, $0x3F800000, v3  }
.LBB2_15:
0xf4: {  	v13 =	vadd.f32 @p1 v15, v13;
	v14 =	vadd.f32 @p1 v16, v14;
	vm0 =	vgt.f32 @p1 v12, v8  }
0xf5: {  	v12 =	vnsel @p1 vm0, $0x0, v12;
	v15 =	vsel @p1 vm0, $0x3F800000, v3  }
0xf6: {  	v58 =	vld [tilespmem:s22+$0x20];
	vm12 =	vgt.f32 v11, v8;
	v12 =	vadd.f32 @p1 v12, v13;
	v13 =	vadd.f32 @p1 v15, v14  }
0xf7: {  	v11 =	vnsel vm12, $0x0, v11  }
0xf8: {  	v60 =	vld [tilespmem:s22+$0x30];
	v59 =	vsel vm12, $0x3F800000, v3;
	v12 =	vpsel p1, v12, v9;
	v9 =	vpsel p1, v13, v9  }
0xf9: {  	vm13 =	vgt.f32 v10, v8;
	v11 =	vadd.f32 v11, v12;
	v9 =	vadd.f32 v59, v9  }
0xfa: {  	v10 =	vnsel vm13, $0x0, v10;
	v61 =	vsel vm13, $0x3F800000, v3  }
0xfb: {  	vm14 =	vgt.f32 v58, v8;
	v10 =	vadd.f32 v10, v11;
	v9 =	vadd.f32 v61, v9  }
.Ltmp12:
0xfc: {  	v62 =	vsel vm14, $0x3F800000, v3;
	v11 =	vnsel vm14, $0x0, v58;
	(pc) =	sbr.rel .LBB2_16-.Ltmp12, $3  }
0xfd: {  	vm15 =	vgt.f32 v60, v8;
	v10 =	vadd.f32 v11, v10;
	v11 =	vadd.f32 v62, v9  }
0xfe: {  	v63 =	vsel vm15, $0x3F800000, v3;
	v9 =	vnsel vm15, $0x0, v60  }
0xff: {  	v9 =	vadd.f32 v9, v10;
	v10 =	vadd.f32 v63, v11;
	_ =	sdelay $0x1  }
.LBB2_12:
.Ltmp13:
0x100: {  	(pc) =	sbr.rel .LBB2_15-.Ltmp13, $2  }
0x101: {  	_ =	sdelay $0x2  }
0x102: {  	_ = 	snop  }
.LBB2_18:
.Ltmp14:
0x103: {  	_ =	strace $0x90000048;
	(pc) =	sbr.rel @p0 .LBB2_28-.Ltmp14, $2  }
0x104: {  	v8 =	vld [tilespmem:$0x18000];
	_ =	sdelay $0x2  }
0x105: {  	_ =	strace $0x80000049  }
0x106: {  	p3 =	sgt.s32 s20, $0x1  }
.Ltmp15:
0x107: {  	_ = 	snop;
	(pc) =	sbr.rel @!p3 .LBB2_20-.Ltmp15, $2  }
0x108: {  	_ =	sdelay $0x2  }
0x109: {  	s24 =	simm.s32 $0x1;
	p1 =	por $0x0, $0x0;
	p2 =	por $0x0, $0x0  }
0x10a: {  	s0 =	sld [smem:$0x0];
	p3 =	sgt.s32 s20, $0x2  }
.Ltmp16:
0x10b: {  	_ = 	snop;
	(pc) =	sbr.rel @!p3 .LBB2_22-.Ltmp16, $4  }
0x10c: {  	_ = 	snop  }
0x10d: {  	s21 =	sshll.u32 s0, $0x6  }
0x10e: {  	v10 =	vld [tilespmem:s21+$0x30]  }
0x10f: {  	s23 =	simm.s32 $0x2;
	p1 =	por $0x1, $0x1;
	v9 =	vld [tilespmem:s21+$0x20]  }
0x110: {  	s0 =	sld [smem:$0x1];
	v13 =	vld [tilespmem:s21+$0x10];
	p3 =	sgt.s32 s20, $0x3  }
.Ltmp17:
0x111: {  	_ = 	snop;
	(pc) =	sbr.rel @!p3 .LBB2_24-.Ltmp17, $4  }
0x112: {  	v11 =	vld [tilespmem:s21+$0x0]  }
0x113: {  	s22 =	sshll.u32 s0, $0x6;
	v14 =	vsub.f32 v10, v8  }
0x114: {  	v10 =	vld [tilespmem:s22+$0x30]  }
0x115: {  	s24 =	simm.s32 $0x3;
	p2 =	por $0x1, $0x1;
	v12 =	vsub.f32 v9, v8;
	v9 =	vld [tilespmem:s22+$0x20];
	v13 =	vsub.f32 v13, v8;
	v14 =	vmax.f32 v14, $0.0e+00  }
.LBB2_25:
0x116: {  	s24 =	sadd.s32 $0x1, s24  }
0x117: {  	s0 =	sld [smem:s23+$0x0];
	v15 =	vld [tilespmem:s22+$0x10];
	v16 =	vsub.f32 v11, v8;
	v12 =	vmax.f32 v12, $0.0e+00;
	[tilespmem:s21+$0x10030] =	vst v14;
	p3 =	slt.s32 s24, s20  }
.Ltmp18:
0x118: {  	v11 =	vld [tilespmem:s22+$0x0];
	v13 =	vmax.f32 v13, $0.0e+00;
	[tilespmem:s21+$0x10020] =	vst v12;
	(pc) =	sbr.rel @p3 .LBB2_25-.Ltmp18, $4  }
0x119: {  	v12 =	vmax.f32 v16, $0.0e+00;
	[tilespmem:s21+$0x10010] =	vst v13  }
0x11a: {  	v14 =	vsub.f32 v10, v8;
	[tilespmem:s21+$0x10000] =	vst v12;
	s21 =	smov.u32 s22;
	s22 =	sshll.u32 s0, $0x6  }
0x11b: {  	v10 =	vld [tilespmem:s22+$0x30];
	v12 =	vsub.f32 v9, v8  }
0x11c: {  	s23 =	sadd.s32 $0x1, s23;
	v9 =	vld [tilespmem:s22+$0x20];
	v13 =	vsub.f32 v15, v8;
	v14 =	vmax.f32 v14, $0.0e+00  }
0x11d: {  	s24 =	smov.u32 s23  }
.LBB2_27:
0x11e: {  	v15 =	vld @p1 [tilespmem:s22+$0x10];
	[tilespmem:s21+$0x10030] =	vst @p2 v14;
	s0 =	sld [smem:s24+$0x0];
	v11 =	vsub.f32 @p2 v11, v8;
	v12 =	vmax.f32 @p2 v12, $0.0e+00  }
0x11f: {  	v13 =	vmax.f32 @p2 v13, $0.0e+00;
	v14 =	vld @p1 [tilespmem:s22+$0x0];
	[tilespmem:s21+$0x10020] =	vst @p2 v12  }
0x120: {  	[tilespmem:s21+$0x10010] =	vst @p2 v13;
	v11 =	vmax.f32 @p2 v11, $0.0e+00;
	v10 =	vsub.f32 @p1 v10, v8  }
0x121: {  	s0 =	sshll.u32 s0, $0x6;
	[tilespmem:s21+$0x10000] =	vst @p2 v11  }
0x122: {  	s1 =	smov.u32 @p1 s22;
	v11 =	vld [tilespmem:s0+$0x30];
	v10 =	vmax.f32 @p1 v10, $0.0e+00  }
0x123: {  	s1 =	smov.u32 @p1 s1;
	v9 =	vsub.f32 @p1 v9, v8;
	v12 =	vld [tilespmem:s0+$0x20];
	v10 =	vpsel p1, v10, v0  }
0x124: {  	v13 =	vld [tilespmem:s0+$0x10];
	v15 =	vsub.f32 @p1 v15, v8;
	[tilespmem:s1+$0x10030] =	vst @p1 v10  }
0x125: {  	v9 =	vpsel p1, v9, v0;
	v10 =	vpsel p1, v14, v0;
	v59 =	vld [tilespmem:s0+$0x0]  }
0x126: {  	v9 =	vmax.f32 @p1 v9, $0.0e+00;
	v15 =	vpsel p1, v15, v0;
	v10 =	vsub.f32 @p1 v10, v8  }
0x127: {  	[tilespmem:s1+$0x10020] =	vst @p1 v9;
	v15 =	vmax.f32 @p1 v15, $0.0e+00;
	v60 =	vsub.f32 v11, v8  }
0x128: {  	v10 =	vmax.f32 @p1 v10, $0.0e+00;
	[tilespmem:s1+$0x10010] =	vst @p1 v15;
	v61 =	vsub.f32 v12, v8  }
0x129: {  	v62 =	vsub.f32 v13, v8;
	[tilespmem:s1+$0x10000] =	vst @p1 v10;
	v9 =	vmax.f32 v60, $0.0e+00  }
0x12a: {  	v11 =	vmax.f32 v61, $0.0e+00;
	v8 =	vsub.f32 v59, v8;
	[tilespmem:s0+$0x10030] =	vst v9  }
0x12b: {  	v63 =	vmax.f32 v62, $0.0e+00;
	[tilespmem:s0+$0x10020] =	vst v11  }
0x12c: {  	[tilespmem:s0+$0x10010] =	vst v63;
	v8 =	vmax.f32 v8, $0.0e+00  }
0x12d: {  	[tilespmem:s0+$0x10000] =	vst v8  }
.LBB2_28:
0x12e: {  	_ =	strace $0x90000049  }
0x12f: {  	[hbm4b:s5+s12] =	stream.strided.scatter [tilespmem:s16], [sflag:$0x3], $0x8000, s13, s12, $0x38;
	[tilespmem:$0x18080] =	vst v63  }
0x130: {  	s0 =	simm.s32 $0x0  }
0x131: {  	[tilespmem:s0], [sflag:$0x1] =	stream.strided.gather [hbm4b:s6+s12], $0x8000, s13, s12, $0x38;
	[tilespmem:$0x18080] =	vst v63  }
0x132: {  	_ =	swait.ge [sflag:s17], $0x8000  }
0x133: {  	[sflag:s17] =	ssyncset.done $0x0  }
0x134: {  	s31 =	simm.s32 $0x0;
	[sflag:s17] =	ssyncadd.s32 $0xFFFF8000  }
0x135: {  	v8 =	vld [tilespmem:s31+$0x8070]  }
0x136: {  	v9 =	vld [tilespmem:s31+$0x8000]  }
0x137: {  	v11 =	vld [tilespmem:s31+$0x8010]  }
0x138: {  	v20 =	vld [tilespmem:s31+$0x8020]  }
0x139: {  	v19 =	vld [tilespmem:s31+$0x8030]  }
0x13a: {  	v10 =	vimm.f32 $-3.000000010e+38;
	v14 =	vimm.f32 $-3.000000010e+38;
	v12 =	vld [tilespmem:s31+$0x8040]  }
0x13b: {  	v15 =	vimm.f32 $-3.000000010e+38;
	v13 =	vld [tilespmem:s31+$0x8050];
	v8 =	vmax.f32 v10, v8;
	v17 =	vmax.f32 v10, v9  }
0x13c: {  	s21 =	simm.s32 $0x80;
	s22 =	simm.s32 $0x400;
	v16 =	vld [tilespmem:s31+$0x8060];
	v18 =	vmax.f32 v10, v11;
	v11 =	vimm.f32 $-3.000000010e+38;
	v9 =	vimm.f32 $-3.000000010e+38  }
.LBB2_29:
0x13d: {  	p1 =	sne.s32 s22, $0x1FE00;
	v21 =	vld [tilespmem:s21+$0x8070];
	v10 =	vmax.f32 v10, v20  }
0x13e: {  	v22 =	vld [tilespmem:s21+$0x8000];
	v14 =	vmax.f32 v14, v19  }
0x13f: {  	v23 =	vld [tilespmem:s21+$0x8010];
	v15 =	vmax.f32 v15, v12  }
.Ltmp19:
0x140: {  	v20 =	vld [tilespmem:s21+$0x8020];
	v11 =	vmax.f32 v11, v13;
	(pc) =	sbr.rel @p1 .LBB2_29-.Ltmp19, $4  }
0x141: {  	v19 =	vld [tilespmem:s21+$0x8030];
	v9 =	vmax.f32 v9, v16  }
0x142: {  	v12 =	vld [tilespmem:s21+$0x8040];
	v8 =	vmax.f32 v8, v21  }
0x143: {  	v17 =	vmax.f32 v17, v22;
	v13 =	vld [tilespmem:s21+$0x8050]  }
0x144: {  	v18 =	vmax.f32 v18, v23;
	v16 =	vld [tilespmem:s21+$0x8060];
	s21 =	sshra.s32 s22, $0x2;
	s22 =	sadd.s32 $0x200, s22  }
0x145: {  	v21 =	vld [tilespmem:s21+$0x8000]  }
0x146: {  	v22 =	vld [tilespmem:s21+$0x8010]  }
0x147: {  	v23 =	vld [tilespmem:s21+$0x8020]  }
0x148: {  	v24 =	vld [tilespmem:s21+$0x8030]  }
0x149: {  	v25 =	vld [tilespmem:s21+$0x8040]  }
0x14a: {  	v26 =	vld [tilespmem:s21+$0x8050]  }
0x14b: {  	v10 =	vmax.f32 v10, v20;
	v20 =	vld [tilespmem:s21+$0x8060]  }
0x14c: {  	s1 =	simm.s32 $0x80A0;
	v14 =	vmax.f32 v14, v19;
	v19 =	vld [tilespmem:s21+$0x8070];
	v17 =	vmax.f32 v17, v21;
	v18 =	vmax.f32 v18, v22  }
0x14d: {  	s0 =	simm.s32 $0x8020;
	v12 =	vmax.f32 v15, v12;
	v15 =	vld [tilespmem:s1+$0xFFFFFFF0];
	v10 =	vmax.f32 v10, v23;
	v17 =	vmax.f32 v17, v18  }
0x14e: {  	v11 =	vmax.f32 v11, v13;
	v13 =	vld [tilespmem:s0+$0xFFFFFFE0];
	v14 =	vmax.f32 v14, v24;
	v10 =	vmax.f32 v17, v10  }
0x14f: {  	v9 =	vmax.f32 v9, v16;
	v16 =	vld [tilespmem:s1+$0x0];
	v12 =	vmax.f32 v12, v25;
	v10 =	vmax.f32 v10, v14  }
0x150: {  	v11 =	vmax.f32 v11, v26;
	v10 =	vmax.f32 v10, v12;
	v12 =	vld [tilespmem:s0+$0xFFFFFFF0]  }
0x151: {  	v9 =	vmax.f32 v9, v20;
	v10 =	vmax.f32 v10, v11;
	v11 =	vld [tilespmem:s0+$0x0]  }
0x152: {  	v8 =	vmax.f32 v8, v19;
	v9 =	vmax.f32 v10, v9;
	v10 =	vld [tilespmem:s0+$0x10]  }
0x153: {  	v19 =	vld [tilespmem:s1+$0x10];
	v8 =	vmax.f32 v9, v8  }
0x154: {  	s2 =	simm.s32 $0x40;
	v9 =	vld [tilespmem:s1+$0xFFFFFFE0];
	v14 =	vperm.xlane v8, v4  }
0x155: {  	s23 =	sor.u32 $0x50, s2;
	v12 =	vmax.f32 v13, v12;
	v13 =	vld [tilespmem:s0+$0x20]  }
0x156: {  	s24 =	sor.u32 $0x60, s2;
	v8 =	vmax.f32 v8, v14;
	v11 =	vmax.f32 v12, v11;
	v12 =	vld [tilespmem:s23+$0x8000]  }
0x157: {  	s25 =	sor.u32 $0x70, s2;
	v14 =	vperm.xlane v8, v0;
	v10 =	vmax.f32 v11, v10;
	v11 =	vld [tilespmem:s24+$0x8000]  }
0x158: {  	v17 =	vld [tilespmem:s25+$0x8000]  }
0x159: {  	v8 =	vmax.f32 v8, v14;
	v14 =	vperm.xlane v10, v4  }
0x15a: {  	s26 =	simm.s32 $0x8120;
	v9 =	vmax.f32 v9, v15;
	v18 =	vperm.xlane v8, v1  }
0x15b: {  	s3 =	simm.s32 $0xC0;
	v20 =	vld [tilespmem:s26+$0xFFFFFFF0];
	v9 =	vmax.f32 v9, v16;
	v10 =	vmax.f32 v10, v14;
	v12 =	vmax.f32 v13, v12  }
0x15c: {  	s14 =	sor.u32 $0x50, s3;
	v14 =	vld [tilespmem:s26+$0xFFFFFFE0];
	v8 =	vmax.f32 v8, v18;
	v18 =	vperm.xlane v10, v5;
	v11 =	vmax.f32 v12, v11  }
0x15d: {  	v16 =	vld [tilespmem:s14+$0x8000];
	v9 =	vmax.f32 v9, v19;
	v21 =	vperm.xlane v8, v2;
	v11 =	vmax.f32 v11, v17  }
0x15e: {  	v19 =	vperm.xlane v9, v4;
	v12 =	vld [tilespmem:s1+$0x20];
	v10 =	vmax.f32 v10, v18;
	v17 =	vperm.xlane v11, v4  }
0x15f: {  	s21 =	sor.u32 $0x60, s3;
	v13 =	vld [tilespmem:s26+$0x0];
	v15 =	vperm.xlane v10, v6;
	v8 =	vmax.f32 v8, v21  }
0x160: {  	s22 =	sor.u32 $0x70, s3;
	v9 =	vmax.f32 v9, v19;
	v18 =	vld [tilespmem:s21+$0x8000];
	v8 =	vadd.f32 $-1.000000000e+00, v8;
	v11 =	vmax.f32 v11, v17  }
0x161: {  	v14 =	vmax.f32 v14, v20;
	v20 =	vperm.xlane v9, v5;
	v10 =	vmax.f32 v10, v15;
	v15 =	vld [tilespmem:s22+$0x8000]  }
0x162: {  	s23 =	simm.s32 $0x81A0;
	v17 =	vld [tilespmem:s26+$0x10];
	v19 =	vperm.xlane v11, v5;
	v21 =	vperm.xlane v10, v7  }
0x163: {  	v22 =	vld [tilespmem:s23+$0xFFFFFFE0];
	s24 =	simm.s32 $0x140;
	v12 =	vmax.f32 v12, v16;
	(v2sf) =	vpush v8, $0x0  }
0x164: {  	s2 =	sor.u32 $0x70, s24;
	v9 =	vmax.f32 v9, v20;
	v11 =	vmax.f32 v11, v19;
	v10 =	vmax.f32 v10, v21;
	v21 =	vld [tilespmem:s23+$0xFFFFFFF0]  }
0x165: {  	v20 =	vld [tilespmem:s2+$0x8000];
	v12 =	vmax.f32 v12, v18;
	v16 =	vperm.xlane v11, v6;
	(v2sf) =	vpush v10, $0x0  }
0x166: {  	s25 =	sor.u32 $0x50, s24;
	v13 =	vmax.f32 v14, v13;
	v18 =	vld [tilespmem:s26+$0x20];
	v14 =	vperm.xlane v9, v6;
	v12 =	vmax.f32 v12, v15  }
0x167: {  	s26 =	sor.u32 $0x60, s24;
	v13 =	vmax.f32 v13, v17;
	v15 =	vld [tilespmem:s25+$0x8000];
	v11 =	vmax.f32 v11, v16;
	v17 =	vperm.xlane v12, v4  }
0x168: {  	v9 =	vmax.f32 v9, v14;
	v16 =	vld [tilespmem:s26+$0x8000];
	v19 =	vperm.xlane v13, v4;
	v14 =	vperm.xlane v11, v7  }
0x169: {  	v10 =	vld [tilespmem:s23+$0x0];
	v21 =	vmax.f32 v22, v21;
	v22 =	vperm.xlane v9, v7;
	v12 =	vmax.f32 v12, v17  }
0x16a: {  	s3 =	simm.s32 $0x8220;
	v13 =	vmax.f32 v13, v19;
	v17 =	vld [tilespmem:s23+$0x10];
	v11 =	vmax.f32 v11, v14;
	v19 =	vperm.xlane v12, v5  }
0x16b: {  	v14 =	vld [tilespmem:s3+$0xFFFFFFE0];
	v23 =	vperm.xlane v13, v5;
	(v2sf) =	vpush v11, $0x0;
	v9 =	vmax.f32 v9, v22  }
0x16c: {  	v11 =	vld [tilespmem:s3+$0xFFFFFFF0];
	v15 =	vmax.f32 v18, v15;
	v12 =	vmax.f32 v12, v19;
	(v2sf) =	vpush v9, $0x0  }
0x16d: {  	v9 =	vmax.f32 v13, v23;
	v13 =	vmax.f32 v15, v16;
	v15 =	vperm.xlane v12, v6  }
0x16e: {  	s14 =	simm.s32 $0x1C0;
	v10 =	vmax.f32 v21, v10;
	v18 =	vld [tilespmem:s3+$0x0];
	v19 =	vperm.xlane v9, v6;
	v13 =	vmax.f32 v13, v20  }
0x16f: {  	s21 =	sor.u32 $0x50, s14;
	v16 =	vld [tilespmem:s23+$0x20];
	v10 =	vmax.f32 v10, v17;
	v17 =	vperm.xlane v13, v4;
	v12 =	vmax.f32 v12, v15  }
0x170: {  	s22 =	sor.u32 $0x60, s14;
	v20 =	vld [tilespmem:s21+$0x8000];
	v21 =	vperm.xlane v10, v4;
	v9 =	vmax.f32 v9, v19;
	v19 =	vperm.xlane v12, v7  }
0x171: {  	s23 =	sor.u32 $0x70, s14;
	v15 =	vld [tilespmem:s22+$0x8000];
	v14 =	vmax.f32 v14, v11;
	v11 =	vperm.xlane v9, v7  }
0x172: {  	v22 =	vld [tilespmem:s23+$0x8000];
	v13 =	vmax.f32 v13, v17;
	v17 =	vmax.f32 v10, v21;
	v12 =	vmax.f32 v12, v19  }
0x173: {  	s29 =	simm.s32 $0x82A0;
	s30 =	simm.s32 $0x240;
	v23 =	vld [tilespmem:s3+$0x10];
	s21 =	spop (v2sf);
	v21 =	vperm.xlane v13, v5;
	v9 =	vmax.f32 v9, v11;
	(v2sf) =	vpush v12, $0x0  }
0x174: {  	s31 =	simm.s32 $0xD;
	s0 =	sor.u32 $0x70, s30;
	v10 =	vld [tilespmem:s29+$0xFFFFFFE0];
	v19 =	vperm.xlane v17, v5;
	s24 =	spop (v2sf);
	(v2sf) =	vpush v9, $0x0  }
0x175: {  	s1 =	simm.s32 $0x1;
	s2 =	simm.s32 $0x1;
	v11 =	vmax.f32 v16, v20;
	v12 =	vld [tilespmem:s29+$0xFFFFFFF0];
	v16 =	vmax.f32 v13, v21;
	p1 =	sgt.f32 s24, s21  }
0x176: {  	s26 =	simm.s32 $0x3;
	s25 =	simm.s32 $0x5;
	s14 =	simm.s32 $0x0;
	v9 =	vld [tilespmem:s29+$0x0];
	v21 =	vmax.f32 v17, v19;
	v13 =	vmax.f32 v11, v15;
	v20 =	vperm.xlane v16, v6  }
0x177: {  	s23 =	simm.s32 $0x7;
	v14 =	vmax.f32 v14, v18;
	v11 =	vld [tilespmem:s3+$0x20];
	s3 =	sor.u32 $0x50, s30;
	v18 =	vperm.xlane v21, v6;
	v17 =	vmax.f32 v13, v22;
	s2 =	simm.s32 @!p1 $0x0  }
0x178: {  	v15 =	vmax.f32 v14, v23;
	v13 =	vld [tilespmem:s3+$0x8000];
	s3 =	sor.u32 $0x60, s30;
	[smem:$0x200] =	sst s14;
	v19 =	vperm.xlane v17, v4;
	v16 =	vmax.f32 v16, v20;
	s28 =	sadd.s32 $0x0, s2  }
0x179: {  	s22 =	simm.s32 $0xB;
	s24 =	simm.s32 $0x9;
	v20 =	vperm.xlane v15, v4;
	v14 =	vld [tilespmem:s3+$0x8000];
	v18 =	vmax.f32 v21, v18;
	v21 =	vperm.xlane v16, v7;
	[smem:s28+$0x200] =	sst s1  }
.LBB2_31:
0x17a: {  	p1 =	sne.s32 s31, $0x1FF  }
0x17b: {  	v23 =	vld [tilespmem:s0+$0x8000];
	s0 =	smov.u32 s29;
	s1 =	smov.u32 s26;
	s26 =	smov.u32 s25  }
0x17c: {  	v22 =	vmax.f32 v10, v12;
	v12 =	vperm.xlane v18, v7;
	v17 =	vmax.f32 v17, v19;
	s25 =	smov.u32 s23;
	s23 =	smov.u32 s24;
	s29 =	sadd.s32 $0x80, s29  }
0x17d: {  	s24 =	smov.u32 s22;
	s22 =	smov.u32 s31;
	v19 =	vld [tilespmem:s0+$0x10];
	v15 =	vmax.f32 v15, v20;
	v20 =	vperm.xlane v17, v5;
	v16 =	vmax.f32 v16, v21;
	s2 =	spop (v2sf);
	v21 =	vmovc v9  }
0x17e: {  	s30 =	sadd.s32 $0x80, s30;
	v10 =	vld [tilespmem:s29+$0xFFFFFFE0];
	v24 =	vperm.xlane v15, v5;
	v9 =	vmax.f32 v18, v12;
	(v2sf) =	vpush v16, $0x0;
	s14 =	spop (v2sf);
	p3 =	sgt.f32 s2, s21  }
.Ltmp20:
0x17f: {  	v12 =	vld [tilespmem:s29+$0xFFFFFFF0];
	v11 =	vmax.f32 v11, v13;
	v16 =	vmax.f32 v17, v20;
	(v2sf) =	vpush v9, $0x0;
	p2 =	sgt.f32 s14, s21;
	s14 =	simm.s32 $0x1;
	(pc) =	sbr.rel @p1 .LBB2_31-.Ltmp20, $4  }
0x180: {  	s3 =	simm.s32 $0x1;
	s2 =	sadd.s32 $0xFFFFFFFF, s1;
	v9 =	vld [tilespmem:s29+$0x0];
	v18 =	vmax.f32 v15, v24;
	v13 =	vmax.f32 v11, v14;
	v14 =	vperm.xlane v16, v6;
	s14 =	simm.s32 @!p3 $0x0  }
0x181: {  	v15 =	vmax.f32 v22, v21;
	v11 =	vld [tilespmem:s0+$0x20];
	s0 =	sor.u32 $0x50, s30;
	v21 =	vperm.xlane v18, v6;
	v17 =	vmax.f32 v13, v23;
	s3 =	simm.s32 @!p2 $0x0;
	s14 =	sadd.s32 s14, s28  }
0x182: {  	v15 =	vmax.f32 v15, v19;
	v13 =	vld [tilespmem:s0+$0x8000];
	s0 =	sor.u32 $0x60, s30;
	v19 =	vperm.xlane v17, v4;
	v16 =	vmax.f32 v16, v14;
	[smem:s14+$0x200] =	sst s2;
	s28 =	sadd.s32 s3, s14  }
0x183: {  	s31 =	sadd.s32 $0x2, s31;
	v20 =	vperm.xlane v15, v4;
	v14 =	vld [tilespmem:s0+$0x8000];
	s0 =	sor.u32 $0x70, s30;
	v18 =	vmax.f32 v18, v21;
	v21 =	vperm.xlane v16, v7;
	[smem:s28+$0x200] =	sst s1  }
0x184: {  	v40 =	vld [tilespmem:s0+$0x8000]  }
0x185: {  	v10 =	vmax.f32 v10, v12;
	v17 =	vmax.f32 v17, v19;
	v41 =	vld [tilespmem:s29+$0x10];
	s2 =	sadd.s32 $0x80, s30  }
0x186: {  	v22 =	vperm.xlane v18, v7;
	v23 =	vld [tilespmem:s29+$0x20];
	v15 =	vmax.f32 v15, v20;
	v42 =	vperm.xlane v17, v5;
	s1 =	sor.u32 $0x50, s2  }
0x187: {  	v16 =	vmax.f32 v16, v21;
	s3 =	sor.u32 $0x60, s2;
	v9 =	vmax.f32 v10, v9;
	v44 =	vld [tilespmem:s1+$0x8000];
	v11 =	vmax.f32 v11, v13  }
0x188: {  	s0 =	sor.u32 $0x70, s2;
	v43 =	vperm.xlane v15, v5;
	v46 =	vld [tilespmem:s3+$0x8000];
	v45 =	vmax.f32 v17, v42;
	v11 =	vmax.f32 v11, v14  }
0x189: {  	v18 =	vmax.f32 v18, v22;
	v48 =	vld [tilespmem:s0+$0x8000];
	v47 =	vperm.xlane v45, v6;
	v11 =	vmax.f32 v11, v40  }
0x18a: {  	(v2sf) =	vpush v16, $0x0;
	v15 =	vmax.f32 v15, v43;
	v12 =	vperm.xlane v11, v4  }
0x18b: {  	v49 =	vperm.xlane v15, v6;
	v9 =	vmax.f32 v9, v41;
	v14 =	vmax.f32 v45, v47  }
0x18c: {  	v50 =	vperm.xlane v9, v4;
	v13 =	vmax.f32 v23, v44;
	v11 =	vmax.f32 v11, v12  }
0x18d: {  	v15 =	vmax.f32 v15, v49;
	v52 =	vmax.f32 v13, v46;
	v53 =	vperm.xlane v11, v5  }
0x18e: {  	v51 =	vperm.xlane v14, v7;
	v9 =	vmax.f32 v9, v50;
	v10 =	vmax.f32 v52, v48  }
0x18f: {  	v54 =	vperm.xlane v9, v5;
	v55 =	vperm.xlane v10, v4;
	v11 =	vmax.f32 v11, v53  }
0x190: {  	(v2sf) =	vpush v18, $0x0;
	v56 =	vperm.xlane v15, v7;
	v57 =	vperm.xlane v11, v6  }
0x191: {  	v14 =	vmax.f32 v14, v51;
	v9 =	vmax.f32 v9, v54;
	v10 =	vmax.f32 v10, v55  }
0x192: {  	v59 =	vperm.xlane v9, v6;
	v60 =	vperm.xlane v10, v5;
	v11 =	vmax.f32 v11, v57  }
0x193: {  	(v2sf) =	vpush v14, $0x0;
	v58 =	vmax.f32 v15, v56;
	v12 =	vperm.xlane v11, v7  }
0x194: {  	s14 =	spop (v2sf);
	(v2sf) =	vpush v58, $0x0;
	v9 =	vmax.f32 v9, v59;
	v10 =	vmax.f32 v10, v60  }
0x195: {  	p1 =	sgt.f32 s14, s21;
	v61 =	vperm.xlane v9, v7;
	v62 =	vperm.xlane v10, v6;
	v11 =	vmax.f32 v11, v12  }
0x196: {  	s29 =	spop (v2sf);
	s1 =	simm.s32 $0x1;
	(v2sf) =	vpush v11, $0x0  }
0x197: {  	s30 =	sadd.s32 $0xFFFFFFFF, s26;
	p2 =	sgt.f32 s29, s21;
	s1 =	simm.s32 @!p1 $0x0;
	v9 =	vmax.f32 v9, v61;
	v10 =	vmax.f32 v10, v62  }
0x198: {  	s3 =	simm.s32 $0x1;
	s1 =	sadd.s32 s1, s28;
	s2 =	spop (v2sf);
	(v2sf) =	vpush v9, $0x0;
	v63 =	vperm.xlane v10, v7  }
0x199: {  	s29 =	sadd.s32 $0xFFFFFFFF, s25;
	s3 =	simm.s32 @!p2 $0x0;
	[smem:s1+$0x200] =	sst s30  }
0x19a: {  	s3 =	sadd.s32 s3, s1;
	s14 =	spop (v2sf);
	p1 =	sgt.f32 s2, s21;
	v9 =	vmax.f32 v10, v63  }
0x19b: {  	s1 =	simm.s32 $0x1;
	[smem:s3+$0x200] =	sst s26;
	p2 =	sgt.f32 s14, s21;
	(v2sf) =	vpush v9, $0x0  }
0x19c: {  	s2 =	simm.s32 $0x1;
	s14 =	simm.s32 $0x1;
	s1 =	simm.s32 @!p1 $0x0  }
0x19d: {  	s2 =	simm.s32 @!p2 $0x0;
	s0 =	sadd.s32 s1, s3;
	s1 =	simm.s32 $0x1  }
0x19e: {  	s3 =	simm.s32 $0x1;
	[smem:s0+$0x200] =	sst s29;
	s31 =	spop (v2sf)  }
0x19f: {  	s0 =	sadd.s32 s2, s0;
	s26 =	spop (v2sf);
	p1 =	sgt.f32 s31, s21  }
0x1a0: {  	s2 =	simm.s32 $0x1;
	[smem:s0+$0x200] =	sst s25;
	p2 =	sgt.f32 s26, s21  }
0x1a1: {  	s31 =	sadd.s32 $0xFFFFFFFF, s23;
	s26 =	sadd.s32 $0xFFFFFFFF, s24;
	s2 =	simm.s32 @!p1 $0x0  }
0x1a2: {  	s0 =	sadd.s32 s2, s0;
	s14 =	simm.s32 @!p2 $0x0;
	s30 =	spop (v2sf)  }
0x1a3: {  	s2 =	simm.s32 $0x1;
	s25 =	spop (v2sf);
	p1 =	sgt.f32 s30, s21  }
0x1a4: {  	[smem:s0+$0x200] =	sst s31;
	s0 =	sadd.s32 s14, s0;
	p2 =	sgt.f32 s25, s21  }
0x1a5: {  	[smem:s0+$0x200] =	sst s23;
	s1 =	simm.s32 @!p1 $0x0;
	s28 =	spop (v2sf)  }
0x1a6: {  	s2 =	simm.s32 @!p2 $0x0;
	s0 =	sadd.s32 s1, s0;
	p1 =	sgt.f32 s28, s21  }
0x1a7: {  	s1 =	simm.s32 $0x1;
	[smem:s0+$0x200] =	sst s26;
	s29 =	spop (v2sf)  }
0x1a8: {  	s0 =	sadd.s32 s2, s0;
	p2 =	sgt.f32 s29, s21;
	s1 =	simm.s32 @!p1 $0x0  }
0x1a9: {  	s30 =	sadd.s32 $0xFFFFFFFF, s22;
	[smem:s0+$0x200] =	sst s24;
	s0 =	sadd.s32 s1, s0  }
0x1aa: {  	s3 =	simm.s32 @!p2 $0x0;
	s31 =	spop (v2sf);
	[smem:s0+$0x200] =	sst s30  }
.Ltmp21:
0x1ab: {  	s0 =	sadd.s32 s3, s0;
	p1 =	sgt.f32 s31, s21;
	(pc) =	sbr.rel .LBB2_33-.Ltmp21, $4  }
0x1ac: {  	s1 =	simm.s32 $0x1;
	[smem:s0+$0x200] =	sst s22;
	s22 =	simm.s32 $0x0  }
0x1ad: {  	[tilespmem:$0x18000] =	vst v8;
	s1 =	simm.s32 @!p1 $0x0;
	[smem:$0x400] =	sst s22  }
0x1ae: {  	s21 =	sadd.s32 s1, s0;
	_ =	strace $0x8000004A  }
0x1af: {  	s0 =	sld [smem:$0x400];
	p1 =	slt.s32 s21, $0x1  }
.LBB2_35:
0x1b0: {  	v10 =	vimm.f32 $0.0e+00  }
.LBB2_41:
0x1b1: {  	v11 =	vperm.xlane v10, v4;
	_ =	sdelay $0x1  }
0x1b2: {  	v10 =	vadd.f32 v11, v10;
	_ =	sdelay $0x1  }
0x1b3: {  	v11 =	vperm.xlane v10, v5;
	_ =	sdelay $0x1  }
0x1b4: {  	v10 =	vadd.f32 v11, v10;
	_ =	sdelay $0x1  }
0x1b5: {  	v61 =	vperm.xlane v9, v4;
	v12 =	vperm.xlane v10, v6;
	_ =	sdelay $0x1  }
0x1b6: {  	v9 =	vadd.f32 v61, v9;
	v10 =	vadd.f32 v12, v10;
	_ =	sdelay $0x1  }
0x1b7: {  	v11 =	vperm.xlane v9, v5;
	v12 =	vperm.xlane v10, v7;
	_ =	sdelay $0x1  }
0x1b8: {  	v9 =	vadd.f32 v11, v9;
	v10 =	vadd.f32 v12, v10;
	_ =	sdelay $0x1  }
0x1b9: {  	v11 =	vperm.xlane v9, v6;
	(erf) = vrcp.f32 v10;
	_ =	sdelay $0x1  }
0x1ba: {  	v9 =	vadd.f32 v11, v9;
	_ =	sdelay $0x1  }
0x1bb: {  	v62 =	vperm.xlane v9, v7;
	_ =	sdelay $0x1  }
0x1bc: {  	v9 =	vadd.f32 v62, v9;
	_ =	sdelay $0x1  }
0x1bd: {  	v9 =	vadd.f32 $-1.000000000e+00, v9  }
0x1be: {  	v63 =	vpop (erf)  }
0x1bf: {  	v9 =	vmul.f32 v63, v9;
	_ =	sdelay $0x1  }
0x1c0: {  	(v2sf) =	vpush v9, $0x0  }
0x1c1: {  	(v2sf) =	vpush v8, $0x0;
	_ =	sdelay $0xd  }
0x1c2: {  	s0 =	spop (v2sf)  }
0x1c3: {  	s1 =	spop (v2sf)  }
0x1c4: {  	p2 =	sle.f32 s0, s1  }
0x1c5: {  	s0 =	simm.s32 $0x1  }
0x1c6: {  	v8 =	vmax.f32 v9, v8;
	s0 =	simm.s32 @!p2 $0x0  }
0x1c7: {  	[tilespmem:$0x18000] =	vst v8;
	[smem:$0x400] =	sst s0  }
.LBB2_42:
0x1c8: {  	s22 =	sadd.s32 $0x1, s22  }
0x1c9: {  	p2 =	sne.s32 s22, $0x18  }
.Ltmp22:
0x1ca: {  	_ = 	snop;
	(pc) =	sbr.rel @!p2 .LBB2_43-.Ltmp22, $1  }
0x1cb: {  	_ =	sdelay $0x3  }
.LBB2_33:
0x1cc: {  	_ =	sdelay $0x1  }
0x1cd: {  	p2 =	sne.s32 s0, $0x0  }
.Ltmp23:
0x1ce: {  	_ = 	snop;
	(pc) =	sbr.rel @p2 .LBB2_42-.Ltmp23, $1  }
0x1cf: {  	_ =	sdelay $0x3  }
.Ltmp24:
0x1d0: {  	v8 =	vld [tilespmem:$0x18000];
	(pc) =	sbr.rel @p1 .LBB2_35-.Ltmp24, $2  }
0x1d1: {  	_ =	sdelay $0x2  }
0x1d2: {  	v9 =	vimm.f32 $0.0e+00  }
0x1d3: {  	s0 =	sld [smem:$0x200]  }
0x1d4: {  	p3 =	sgt.s32 s21, $0x1  }
.Ltmp25:
0x1d5: {  	_ = 	snop;
	(pc) =	sbr.rel @!p3 .LBB2_37-.Ltmp25, $4  }
0x1d6: {  	s0 =	sshll.u32 s0, $0x8  }
0x1d7: {  	s23 =	sshra.s32 s0, $0x2  }
0x1d8: {  	v11 =	vld [tilespmem:s23+$0x8000]  }
0x1d9: {  	p2 =	por $0x0, $0x0;
	v10 =	vld [tilespmem:s23+$0x8010]  }
0x1da: {  	_ = 	snop  }
0x1db: {  	s0 =	sld [smem:$0x201]  }
0x1dc: {  	v15 =	vld [tilespmem:s23+$0x8020]  }
0x1dd: {  	p3 =	sgt.s32 s21, $0x2;
	vm0 =	vgt.f32 v11, v8  }
.Ltmp26:
0x1de: {  	v12 =	vld [tilespmem:s23+$0x8030];
	s0 =	sshll.u32 s0, $0x8;
	v11 =	vnsel vm0, $0x0, v11;
	v13 =	vsel vm0, $0x3F800000, v3;
	(pc) =	sbr.rel @!p3 .LBB2_40-.Ltmp26, $4  }
0x1df: {  	vm14 =	vgt.f32 v10, v8;
	s23 =	sshra.s32 s0, $0x2;
	v14 =	vadd.f32 v11, v9;
	v16 =	vadd.f32 v13, v9  }
0x1e0: {  	v10 =	vnsel vm14, $0x0, v10;
	v11 =	vld [tilespmem:s23+$0x8000];
	v17 =	vsel vm14, $0x3F800000, v3  }
0x1e1: {  	vm15 =	vgt.f32 v15, v8;
	v13 =	vadd.f32 v10, v14;
	v14 =	vadd.f32 v17, v16  }
0x1e2: {  	s24 =	simm.s32 $0x2;
	s25 =	simm.s32 $0x202;
	p2 =	por $0x1, $0x1;
	v15 =	vnsel vm15, $0x0, v15;
	v10 =	vld [tilespmem:s23+$0x8010];
	v16 =	vsel vm15, $0x3F800000, v3  }
.LBB2_39:
0x1e3: {  	s0 =	sld [smem:s25+$0x0];
	s24 =	sadd.s32 $0x1, s24;
	v13 =	vadd.f32 v15, v13;
	v14 =	vadd.f32 v16, v14;
	vm0 =	vgt.f32 v12, v8  }
0x1e4: {  	p3 =	slt.s32 s24, s21;
	v15 =	vld [tilespmem:s23+$0x8020];
	v12 =	vnsel vm0, $0x0, v12;
	v16 =	vsel vm0, $0x3F800000, v3  }
0x1e5: {  	vm0 =	vgt.f32 v11, v8;
	v13 =	vadd.f32 v12, v13;
	v14 =	vadd.f32 v16, v14  }
.Ltmp27:
0x1e6: {  	s0 =	sshll.u32 s0, $0x8;
	v11 =	vnsel vm0, $0x0, v11;
	v16 =	vsel vm0, $0x3F800000, v3;
	v12 =	vld [tilespmem:s23+$0x8030];
	(pc) =	sbr.rel @p3 .LBB2_39-.Ltmp27, $4  }
0x1e7: {  	s23 =	sshra.s32 s0, $0x2;
	v13 =	vadd.f32 v11, v13;
	v14 =	vadd.f32 v16, v14;
	vm0 =	vgt.f32 v10, v8  }
0x1e8: {  	v11 =	vld [tilespmem:s23+$0x8000];
	v10 =	vnsel vm0, $0x0, v10;
	v16 =	vsel vm0, $0x3F800000, v3  }
0x1e9: {  	v13 =	vadd.f32 v10, v13;
	v14 =	vadd.f32 v16, v14;
	vm0 =	vgt.f32 v15, v8  }
0x1ea: {  	s25 =	sadd.s32 $0x1, s25;
	v10 =	vld [tilespmem:s23+$0x8010];
	v15 =	vnsel vm0, $0x0, v15;
	v16 =	vsel vm0, $0x3F800000, v3  }
.LBB2_40:
0x1eb: {  	v13 =	vadd.f32 @p2 v15, v13;
	v14 =	vadd.f32 @p2 v16, v14;
	vm0 =	vgt.f32 @p2 v12, v8  }
0x1ec: {  	v12 =	vnsel @p2 vm0, $0x0, v12;
	v15 =	vsel @p2 vm0, $0x3F800000, v3  }
0x1ed: {  	v58 =	vld [tilespmem:s23+$0x8020];
	vm12 =	vgt.f32 v11, v8;
	v12 =	vadd.f32 @p2 v12, v13;
	v13 =	vadd.f32 @p2 v15, v14  }
0x1ee: {  	v11 =	vnsel vm12, $0x0, v11  }
0x1ef: {  	v60 =	vld [tilespmem:s23+$0x8030];
	v59 =	vsel vm12, $0x3F800000, v3;
	v12 =	vpsel p2, v12, v9;
	v9 =	vpsel p2, v13, v9  }
0x1f0: {  	vm13 =	vgt.f32 v10, v8;
	v11 =	vadd.f32 v11, v12;
	v9 =	vadd.f32 v59, v9  }
0x1f1: {  	v10 =	vnsel vm13, $0x0, v10;
	v61 =	vsel vm13, $0x3F800000, v3  }
0x1f2: {  	vm14 =	vgt.f32 v58, v8;
	v10 =	vadd.f32 v10, v11;
	v9 =	vadd.f32 v61, v9  }
.Ltmp28:
0x1f3: {  	v62 =	vsel vm14, $0x3F800000, v3;
	v11 =	vnsel vm14, $0x0, v58;
	(pc) =	sbr.rel .LBB2_41-.Ltmp28, $3  }
0x1f4: {  	vm15 =	vgt.f32 v60, v8;
	v10 =	vadd.f32 v11, v10;
	v11 =	vadd.f32 v62, v9  }
0x1f5: {  	v63 =	vsel vm15, $0x3F800000, v3;
	v9 =	vnsel vm15, $0x0, v60  }
0x1f6: {  	v9 =	vadd.f32 v9, v10;
	v10 =	vadd.f32 v63, v11;
	_ =	sdelay $0x1  }
.LBB2_37:
.Ltmp29:
0x1f7: {  	(pc) =	sbr.rel .LBB2_40-.Ltmp29, $2  }
0x1f8: {  	_ =	sdelay $0x2  }
0x1f9: {  	_ = 	snop  }
.LBB2_43:
.Ltmp30:
0x1fa: {  	(pc) =	sbr.rel @p0 .LBB2_47-.Ltmp30, $4  }
0x1fb: {  	_ =	strace $0x9000004A  }
0x1fc: {  	_ =	swait.ge [sflag:s18], $0x8000  }
0x1fd: {  	[sflag:s18] =	ssyncset.done $0x0  }
0x1fe: {  	s22 =	simm.s32 $0x0;
	[sflag:s18] =	ssyncadd.s32 $0xFFFF8000  }
0x1ff: {  	s23 =	sadd.s32 $0x1, s22  }
0x200: {  	p0 =	slt.s32 s23, s20  }
.Ltmp31:
0x201: {  	s0 =	sld [smem:s22+$0x0];
	(pc) =	sbr.rel @!p0 .LBB2_46-.Ltmp31, $3  }
0x202: {  	_ =	sdelay $0x1  }
0x203: {  	s0 =	sshll.u32 s0, $0x8  }
0x204: {  	s24 =	sshra.s32 s0, $0x2  }
.LBB2_45:
0x205: {  	s23 =	sadd.s32 $0x1, s23  }
0x206: {  	[tilespmem:s24+$0x10030] =	vst v3;
	s22 =	sadd.s32 $0x1, s22;
	p0 =	slt.s32 s23, s20  }
.Ltmp32:
0x207: {  	s0 =	sld [smem:s22+$0x0];
	[tilespmem:s24+$0x10020] =	vst v3;
	(pc) =	sbr.rel @p0 .LBB2_45-.Ltmp32, $4  }
0x208: {  	[tilespmem:s24+$0x10000] =	vst v3  }
0x209: {  	[tilespmem:s24+$0x10010] =	vst v3  }
0x20a: {  	s0 =	sshll.u32 s0, $0x8  }
0x20b: {  	s24 =	sshra.s32 s0, $0x2  }
.LBB2_46:
0x20c: {  	[tilespmem:s24+$0x10030] =	vst v3  }
0x20d: {  	[tilespmem:s24+$0x10020] =	vst v3  }
0x20e: {  	[tilespmem:s24+$0x10000] =	vst v3  }
0x20f: {  	[tilespmem:s24+$0x10010] =	vst v3  }
.LBB2_47:
.Ltmp33:
0x210: {  	(pc) =	sbr.rel @p1 .LBB2_55-.Ltmp33, $2  }
0x211: {  	v8 =	vld [tilespmem:$0x18000];
	_ =	sdelay $0x2  }
0x212: {  	_ =	strace $0x8000004B  }
0x213: {  	p3 =	sgt.s32 s21, $0x1  }
.Ltmp34:
0x214: {  	_ = 	snop;
	(pc) =	sbr.rel @!p3 .LBB2_49-.Ltmp34, $2  }
0x215: {  	_ =	sdelay $0x2  }
0x216: {  	s23 =	simm.s32 $0x200;
	p0 =	por $0x0, $0x0;
	p2 =	por $0x0, $0x0  }
0x217: {  	s0 =	sld [smem:$0x200];
	p3 =	sgt.s32 s21, $0x2  }
.Ltmp35:
0x218: {  	_ = 	snop;
	(pc) =	sbr.rel @!p3 .LBB2_51-.Ltmp35, $4  }
0x219: {  	_ = 	snop  }
0x21a: {  	s20 =	sshll.u32 s0, $0x6  }
0x21b: {  	v10 =	vld [tilespmem:s20+$0x8030]  }
0x21c: {  	s23 =	simm.s32 $0x201;
	p0 =	por $0x1, $0x1;
	v9 =	vld [tilespmem:s20+$0x8020]  }
0x21d: {  	s0 =	sld [smem:$0x201];
	v13 =	vld [tilespmem:s20+$0x8010];
	p3 =	sgt.s32 s21, $0x3  }
.Ltmp36:
0x21e: {  	_ = 	snop;
	(pc) =	sbr.rel @!p3 .LBB2_54-.Ltmp36, $4  }
0x21f: {  	v11 =	vld [tilespmem:s20+$0x8000]  }
0x220: {  	s22 =	sshll.u32 s0, $0x6;
	v14 =	vsub.f32 v10, v8  }
0x221: {  	v10 =	vld [tilespmem:s22+$0x8030]  }
0x222: {  	s24 =	simm.s32 $0x3;
	s23 =	simm.s32 $0x202;
	p2 =	por $0x1, $0x1;
	v12 =	vsub.f32 v9, v8;
	v9 =	vld [tilespmem:s22+$0x8020];
	v13 =	vsub.f32 v13, v8;
	v14 =	vmax.f32 v14, $0.0e+00  }
.LBB2_53:
0x223: {  	s24 =	sadd.s32 $0x1, s24  }
0x224: {  	s0 =	sld [smem:s23+$0x0];
	v15 =	vld [tilespmem:s22+$0x8010];
	v16 =	vsub.f32 v11, v8;
	v12 =	vmax.f32 v12, $0.0e+00;
	[tilespmem:s20+$0x10030] =	vst v14;
	p3 =	slt.s32 s24, s21  }
.Ltmp37:
0x225: {  	v11 =	vld [tilespmem:s22+$0x8000];
	v13 =	vmax.f32 v13, $0.0e+00;
	[tilespmem:s20+$0x10020] =	vst v12;
	(pc) =	sbr.rel @p3 .LBB2_53-.Ltmp37, $4  }
0x226: {  	v12 =	vmax.f32 v16, $0.0e+00;
	[tilespmem:s20+$0x10010] =	vst v13  }
0x227: {  	v14 =	vsub.f32 v10, v8;
	[tilespmem:s20+$0x10000] =	vst v12;
	s20 =	smov.u32 s22;
	s22 =	sshll.u32 s0, $0x6  }
0x228: {  	v10 =	vld [tilespmem:s22+$0x8030];
	v12 =	vsub.f32 v9, v8  }
0x229: {  	s23 =	sadd.s32 $0x1, s23;
	v9 =	vld [tilespmem:s22+$0x8020];
	v13 =	vsub.f32 v15, v8;
	v14 =	vmax.f32 v14, $0.0e+00  }
.LBB2_54:
0x22a: {  	_ = 	snop  }
0x22b: {  	v15 =	vld @p0 [tilespmem:s22+$0x8010];
	[tilespmem:s20+$0x10030] =	vst @p2 v14;
	s0 =	sld [smem:s23+$0x0];
	v11 =	vsub.f32 @p2 v11, v8;
	v12 =	vmax.f32 @p2 v12, $0.0e+00  }
0x22c: {  	v14 =	vld @p0 [tilespmem:s22+$0x8000];
	v13 =	vmax.f32 @p2 v13, $0.0e+00;
	[tilespmem:s20+$0x10020] =	vst @p2 v12  }
0x22d: {  	[tilespmem:s20+$0x10010] =	vst @p2 v13;
	v11 =	vmax.f32 @p2 v11, $0.0e+00;
	v10 =	vsub.f32 @p0 v10, v8  }
0x22e: {  	s0 =	sshll.u32 s0, $0x6;
	[tilespmem:s20+$0x10000] =	vst @p2 v11  }
0x22f: {  	s1 =	smov.u32 @p0 s22;
	v11 =	vld [tilespmem:s0+$0x8030];
	v10 =	vmax.f32 @p0 v10, $0.0e+00  }
0x230: {  	s1 =	smov.u32 @p0 s1;
	v9 =	vsub.f32 @p0 v9, v8;
	v12 =	vld [tilespmem:s0+$0x8020];
	v10 =	vpsel p0, v10, v0  }
0x231: {  	v13 =	vld [tilespmem:s0+$0x8010];
	v15 =	vsub.f32 @p0 v15, v8;
	[tilespmem:s1+$0x10030] =	vst @p0 v10  }
0x232: {  	v9 =	vpsel p0, v9, v0;
	v10 =	vpsel p0, v14, v0;
	v59 =	vld [tilespmem:s0+$0x8000]  }
0x233: {  	v15 =	vpsel p0, v15, v0;
	v9 =	vmax.f32 @p0 v9, $0.0e+00;
	v10 =	vsub.f32 @p0 v10, v8  }
0x234: {  	v15 =	vmax.f32 @p0 v15, $0.0e+00;
	[tilespmem:s1+$0x10020] =	vst @p0 v9;
	v60 =	vsub.f32 v11, v8  }
0x235: {  	[tilespmem:s1+$0x10010] =	vst @p0 v15;
	v10 =	vmax.f32 @p0 v10, $0.0e+00;
	v61 =	vsub.f32 v12, v8  }
0x236: {  	v62 =	vsub.f32 v13, v8;
	[tilespmem:s1+$0x10000] =	vst @p0 v10;
	v9 =	vmax.f32 v60, $0.0e+00  }
0x237: {  	v11 =	vmax.f32 v61, $0.0e+00;
	v8 =	vsub.f32 v59, v8;
	[tilespmem:s0+$0x10030] =	vst v9  }
0x238: {  	v63 =	vmax.f32 v62, $0.0e+00;
	[tilespmem:s0+$0x10020] =	vst v11  }
0x239: {  	[tilespmem:s0+$0x10010] =	vst v63;
	v8 =	vmax.f32 v8, $0.0e+00  }
0x23a: {  	[tilespmem:s0+$0x10000] =	vst v8  }
.LBB2_55:
0x23b: {  	_ =	strace $0x9000004B  }
0x23c: {  	[hbm4b:s7+s12] =	stream.strided.scatter [tilespmem:s16], [sflag:$0x3], $0x8000, s13, s12, $0x38;
	[tilespmem:$0x18080] =	vst v63  }
0x23d: {  	s0 =	simm.s32 $0x8000  }
0x23e: {  	[tilespmem:s0], [sflag:$0x2] =	stream.strided.gather [hbm4b:s8+s12], $0x8000, s13, s12, $0x38;
	[tilespmem:$0x18080] =	vst v63  }
0x23f: {  	_ =	swait.ge [sflag:s15], $0x8000  }
0x240: {  	[sflag:s15] =	ssyncset.done $0x0  }
0x241: {  	s31 =	simm.s32 $0x0;
	[sflag:s15] =	ssyncadd.s32 $0xFFFF8000  }
0x242: {  	v8 =	vld [tilespmem:s31+$0x70]  }
0x243: {  	v9 =	vld [tilespmem:s31+$0x0]  }
0x244: {  	v11 =	vld [tilespmem:s31+$0x10]  }
0x245: {  	v20 =	vld [tilespmem:s31+$0x20]  }
0x246: {  	v19 =	vld [tilespmem:s31+$0x30]  }
0x247: {  	v10 =	vimm.f32 $-3.000000010e+38;
	v13 =	vimm.f32 $-3.000000010e+38;
	v12 =	vld [tilespmem:s31+$0x40]  }
0x248: {  	v14 =	vimm.f32 $-3.000000010e+38;
	v15 =	vld [tilespmem:s31+$0x50];
	v8 =	vmax.f32 v10, v8;
	v16 =	vmax.f32 v10, v9  }
0x249: {  	s20 =	simm.s32 $0x80;
	s22 =	simm.s32 $0x400;
	v17 =	vld [tilespmem:s31+$0x60];
	v18 =	vmax.f32 v10, v11;
	v11 =	vimm.f32 $-3.000000010e+38;
	v9 =	vimm.f32 $-3.000000010e+38  }
.LBB2_56:
0x24a: {  	p0 =	sne.s32 s22, $0x1FE00;
	v21 =	vld [tilespmem:s20+$0x70];
	v10 =	vmax.f32 v10, v20  }
0x24b: {  	v22 =	vld [tilespmem:s20+$0x0];
	v13 =	vmax.f32 v13, v19  }
0x24c: {  	v23 =	vld [tilespmem:s20+$0x10];
	v14 =	vmax.f32 v14, v12  }
.Ltmp38:
0x24d: {  	v20 =	vld [tilespmem:s20+$0x20];
	v11 =	vmax.f32 v11, v15;
	(pc) =	sbr.rel @p0 .LBB2_56-.Ltmp38, $4  }
0x24e: {  	v19 =	vld [tilespmem:s20+$0x30];
	v9 =	vmax.f32 v9, v17  }
0x24f: {  	v12 =	vld [tilespmem:s20+$0x40];
	v8 =	vmax.f32 v8, v21  }
0x250: {  	v16 =	vmax.f32 v16, v22;
	v15 =	vld [tilespmem:s20+$0x50]  }
0x251: {  	v18 =	vmax.f32 v18, v23;
	v17 =	vld [tilespmem:s20+$0x60];
	s20 =	sshra.s32 s22, $0x2;
	s22 =	sadd.s32 $0x200, s22  }
0x252: {  	v21 =	vld [tilespmem:s20+$0x0]  }
0x253: {  	v22 =	vld [tilespmem:s20+$0x10]  }
0x254: {  	v23 =	vld [tilespmem:s20+$0x20]  }
0x255: {  	v24 =	vld [tilespmem:s20+$0x30]  }
0x256: {  	v25 =	vld [tilespmem:s20+$0x40]  }
0x257: {  	v26 =	vld [tilespmem:s20+$0x50]  }
0x258: {  	v10 =	vmax.f32 v10, v20;
	v20 =	vld [tilespmem:s20+$0x60];
	v16 =	vmax.f32 v16, v21;
	v18 =	vmax.f32 v18, v22  }
0x259: {  	v13 =	vmax.f32 v13, v19;
	v19 =	vld [tilespmem:s20+$0x70];
	v10 =	vmax.f32 v10, v23;
	v16 =	vmax.f32 v16, v18  }
0x25a: {  	v12 =	vmax.f32 v14, v12;
	v13 =	vmax.f32 v13, v24;
	v10 =	vmax.f32 v16, v10  }
0x25b: {  	s0 =	simm.s32 $0x20;
	v11 =	vmax.f32 v11, v15;
	v12 =	vmax.f32 v12, v25;
	v10 =	vmax.f32 v10, v13  }
0x25c: {  	v9 =	vmax.f32 v9, v17;
	v11 =	vmax.f32 v11, v26;
	v10 =	vmax.f32 v10, v12;
	v12 =	vld [tilespmem:s0+$0xFFFFFFE0]  }
0x25d: {  	v9 =	vmax.f32 v9, v20;
	v10 =	vmax.f32 v10, v11;
	v11 =	vld [tilespmem:s0+$0xFFFFFFF0]  }
0x25e: {  	v8 =	vmax.f32 v8, v19;
	v9 =	vmax.f32 v10, v9;
	v10 =	vld [tilespmem:s0+$0x0]  }
0x25f: {  	s1 =	simm.s32 $0xA0;
	v8 =	vmax.f32 v9, v8;
	v9 =	vld [tilespmem:s0+$0x10]  }
0x260: {  	s2 =	simm.s32 $0x40;
	v14 =	vld [tilespmem:s1+$0xFFFFFFE0];
	v13 =	vperm.xlane v8, v4  }
0x261: {  	s24 =	sor.u32 $0x60, s2;
	v15 =	vld [tilespmem:s1+$0xFFFFFFF0]  }
0x262: {  	v16 =	vld [tilespmem:s24+$0x0];
	v8 =	vmax.f32 v8, v13;
	v11 =	vmax.f32 v12, v11  }
0x263: {  	s23 =	sor.u32 $0x50, s2;
	v13 =	vperm.xlane v8, v0;
	v10 =	vmax.f32 v11, v10;
	v11 =	vld [tilespmem:s0+$0x20]  }
0x264: {  	v9 =	vmax.f32 v10, v9;
	v10 =	vld [tilespmem:s23+$0x0]  }
0x265: {  	s25 =	sor.u32 $0x70, s2;
	v12 =	vld [tilespmem:s1+$0x0];
	v8 =	vmax.f32 v8, v13;
	v13 =	vperm.xlane v9, v4  }
0x266: {  	v18 =	vld [tilespmem:s25+$0x0];
	v17 =	vperm.xlane v8, v1  }
0x267: {  	s26 =	simm.s32 $0x120;
	v19 =	vld [tilespmem:s1+$0x10];
	v9 =	vmax.f32 v9, v13  }
0x268: {  	v21 =	vld [tilespmem:s26+$0xFFFFFFF0];
	v8 =	vmax.f32 v8, v17;
	v17 =	vperm.xlane v9, v5  }
0x269: {  	s3 =	simm.s32 $0xC0;
	v13 =	vld [tilespmem:s26+$0xFFFFFFE0];
	v20 =	vperm.xlane v8, v2;
	v10 =	vmax.f32 v11, v10;
	v11 =	vmax.f32 v14, v15  }
0x26a: {  	s14 =	sor.u32 $0x50, s3;
	v9 =	vmax.f32 v9, v17;
	v10 =	vmax.f32 v10, v16;
	v11 =	vmax.f32 v11, v12;
	v12 =	vld [tilespmem:s1+$0x20]  }
0x26b: {  	s20 =	sor.u32 $0x60, s3;
	v16 =	vld [tilespmem:s14+$0x0];
	v15 =	vperm.xlane v9, v6;
	v10 =	vmax.f32 v10, v18  }
0x26c: {  	v8 =	vmax.f32 v8, v20;
	v11 =	vmax.f32 v11, v19;
	v19 =	vld [tilespmem:s20+$0x0];
	v17 =	vperm.xlane v10, v4  }
0x26d: {  	s22 =	sor.u32 $0x70, s3;
	v14 =	vld [tilespmem:s26+$0x0];
	v8 =	vadd.f32 $-1.000000000e+00, v8;
	v18 =	vperm.xlane v11, v4  }
0x26e: {  	v13 =	vmax.f32 v13, v21;
	v9 =	vmax.f32 v9, v15;
	v15 =	vld [tilespmem:s22+$0x0];
	v10 =	vmax.f32 v10, v17  }
0x26f: {  	s23 =	simm.s32 $0x1A0;
	v20 =	vperm.xlane v9, v7;
	v17 =	vld [tilespmem:s26+$0x10];
	v11 =	vmax.f32 v11, v18;
	v18 =	vperm.xlane v10, v5  }
0x270: {  	v21 =	vld [tilespmem:s23+$0xFFFFFFE0];
	(v2sf) =	vpush v8, $0x0;
	v22 =	vperm.xlane v11, v5;
	v12 =	vmax.f32 v12, v16  }
0x271: {  	v9 =	vmax.f32 v9, v20;
	v20 =	vld [tilespmem:s23+$0xFFFFFFF0];
	v12 =	vmax.f32 v12, v19;
	v10 =	vmax.f32 v10, v18  }
0x272: {  	s24 =	simm.s32 $0x140;
	(v2sf) =	vpush v9, $0x0;
	v9 =	vld [tilespmem:s23+$0x0];
	v11 =	vmax.f32 v11, v22;
	v16 =	vperm.xlane v10, v6  }
0x273: {  	s25 =	sor.u32 $0x50, s24;
	v13 =	vmax.f32 v13, v14;
	v14 =	vld [tilespmem:s26+$0x20];
	v18 =	vperm.xlane v11, v6;
	v12 =	vmax.f32 v12, v15  }
0x274: {  	s26 =	sor.u32 $0x60, s24;
	v15 =	vld [tilespmem:s25+$0x0];
	v13 =	vmax.f32 v13, v17;
	v17 =	vperm.xlane v12, v4;
	v10 =	vmax.f32 v10, v16  }
0x275: {  	s2 =	sor.u32 $0x70, s24;
	v19 =	vld [tilespmem:s26+$0x0];
	v16 =	vperm.xlane v13, v4;
	v11 =	vmax.f32 v11, v18;
	v18 =	vperm.xlane v10, v7  }
0x276: {  	v20 =	vmax.f32 v21, v20;
	v21 =	vld [tilespmem:s2+$0x0];
	v22 =	vperm.xlane v11, v7;
	v12 =	vmax.f32 v12, v17  }
0x277: {  	v17 =	vld [tilespmem:s23+$0x10];
	v13 =	vmax.f32 v13, v16;
	v16 =	vperm.xlane v12, v5;
	v9 =	vmax.f32 v20, v9  }
0x278: {  	s28 =	simm.s32 $0x220;
	s3 =	simm.s32 $0x1C0;
	v10 =	vmax.f32 v10, v18;
	v23 =	vperm.xlane v13, v5;
	v11 =	vmax.f32 v11, v22  }
0x279: {  	s0 =	sor.u32 $0x70, s3;
	v18 =	vld [tilespmem:s28+$0xFFFFFFE0];
	v14 =	vmax.f32 v14, v15;
	(v2sf) =	vpush v10, $0x0;
	v12 =	vmax.f32 v12, v16  }
0x27a: {  	v22 =	vld [tilespmem:s0+$0x0];
	v14 =	vmax.f32 v14, v19;
	v13 =	vmax.f32 v13, v23;
	v15 =	vperm.xlane v12, v6  }
0x27b: {  	v10 =	vld [tilespmem:s28+$0xFFFFFFF0];
	(v2sf) =	vpush v11, $0x0;
	v19 =	vperm.xlane v13, v6;
	v14 =	vmax.f32 v14, v21  }
0x27c: {  	s14 =	sor.u32 $0x50, s3;
	v16 =	vld [tilespmem:s23+$0x20];
	v9 =	vmax.f32 v9, v17;
	v20 =	vperm.xlane v14, v4;
	v12 =	vmax.f32 v12, v15  }
0x27d: {  	s20 =	sor.u32 $0x60, s3;
	v17 =	vld [tilespmem:s14+$0x0];
	v15 =	vperm.xlane v9, v4;
	v13 =	vmax.f32 v13, v19;
	v19 =	vperm.xlane v12, v7  }
0x27e: {  	v21 =	vld [tilespmem:s20+$0x0];
	v23 =	vperm.xlane v13, v7  }
0x27f: {  	s29 =	simm.s32 $0x2A0;
	v11 =	vld [tilespmem:s28+$0x0];
	v14 =	vmax.f32 v14, v20;
	v15 =	vmax.f32 v9, v15;
	v12 =	vmax.f32 v12, v19  }
0x280: {  	s30 =	simm.s32 $0x240;
	s31 =	simm.s32 $0xD;
	s20 =	spop (v2sf);
	v20 =	vld [tilespmem:s28+$0x10];
	v9 =	vperm.xlane v14, v5;
	v13 =	vmax.f32 v13, v23;
	(v2sf) =	vpush v12, $0x0  }
0x281: {  	s1 =	simm.s32 $0x1;
	s3 =	simm.s32 $0x0;
	v18 =	vmax.f32 v18, v10;
	v10 =	vld [tilespmem:s29+$0xFFFFFFE0];
	v19 =	vperm.xlane v15, v5;
	s22 =	spop (v2sf);
	(v2sf) =	vpush v13, $0x0  }
0x282: {  	s24 =	simm.s32 $0x7;
	s26 =	simm.s32 $0x3;
	v12 =	vld [tilespmem:s29+$0xFFFFFFF0];
	v16 =	vmax.f32 v16, v17;
	v14 =	vmax.f32 v14, v9;
	p0 =	sgt.f32 s22, s20  }
0x283: {  	s25 =	simm.s32 $0x5;
	s2 =	simm.s32 $0x1;
	s0 =	simm.s32 $0x0;
	v9 =	vld [tilespmem:s29+$0x0];
	v23 =	vmax.f32 v15, v19;
	v13 =	vmax.f32 v16, v21;
	v16 =	vperm.xlane v14, v6  }
0x284: {  	s23 =	simm.s32 $0x9;
	s14 =	sor.u32 $0x50, s30;
	v15 =	vmax.f32 v18, v11;
	v11 =	vld [tilespmem:s28+$0x20];
	v18 =	vperm.xlane v23, v6;
	v17 =	vmax.f32 v13, v22;
	s2 =	simm.s32 @!p0 $0x0  }
0x285: {  	[smem:s0] =	sst s3;
	v13 =	vld [tilespmem:s14+$0x0];
	s14 =	sor.u32 $0x60, s30;
	v15 =	vmax.f32 v15, v20;
	v19 =	vperm.xlane v17, v4;
	v16 =	vmax.f32 v14, v16;
	s28 =	sadd.s32 $0x0, s2  }
0x286: {  	s0 =	sor.u32 $0x70, s30;
	s22 =	simm.s32 $0xB;
	v20 =	vperm.xlane v15, v4;
	v14 =	vld [tilespmem:s14+$0x0];
	v18 =	vmax.f32 v23, v18;
	v21 =	vperm.xlane v16, v7;
	[smem:s28] =	sst s1  }
.LBB2_58:
0x287: {  	p0 =	sne.s32 s31, $0x1FF  }
0x288: {  	v23 =	vld [tilespmem:s0+$0x0];
	s0 =	smov.u32 s29;
	s1 =	smov.u32 s26;
	s26 =	smov.u32 s25  }
0x289: {  	v22 =	vmax.f32 v10, v12;
	v12 =	vperm.xlane v18, v7;
	v17 =	vmax.f32 v17, v19;
	s25 =	smov.u32 s24;
	s24 =	smov.u32 s23;
	s29 =	sadd.s32 $0x80, s29  }
0x28a: {  	s23 =	smov.u32 s22;
	s22 =	smov.u32 s31;
	v19 =	vld [tilespmem:s0+$0x10];
	v15 =	vmax.f32 v15, v20;
	v20 =	vperm.xlane v17, v5;
	v16 =	vmax.f32 v16, v21;
	s2 =	spop (v2sf);
	v21 =	vmovc v9  }
0x28b: {  	s30 =	sadd.s32 $0x80, s30;
	v10 =	vld [tilespmem:s29+$0xFFFFFFE0];
	v24 =	vperm.xlane v15, v5;
	v9 =	vmax.f32 v18, v12;
	(v2sf) =	vpush v16, $0x0;
	s3 =	spop (v2sf);
	p3 =	sgt.f32 s2, s20  }
.Ltmp39:
0x28c: {  	v12 =	vld [tilespmem:s29+$0xFFFFFFF0];
	v11 =	vmax.f32 v11, v13;
	v16 =	vmax.f32 v17, v20;
	(v2sf) =	vpush v9, $0x0;
	p2 =	sgt.f32 s3, s20;
	s3 =	simm.s32 $0x1;
	(pc) =	sbr.rel @p0 .LBB2_58-.Ltmp39, $4  }
0x28d: {  	s14 =	simm.s32 $0x1;
	s2 =	sadd.s32 $0xFFFFFFFF, s1;
	v9 =	vld [tilespmem:s29+$0x0];
	v18 =	vmax.f32 v15, v24;
	v13 =	vmax.f32 v11, v14;
	v14 =	vperm.xlane v16, v6;
	s3 =	simm.s32 @!p3 $0x0  }
0x28e: {  	v15 =	vmax.f32 v22, v21;
	v11 =	vld [tilespmem:s0+$0x20];
	s0 =	sor.u32 $0x50, s30;
	v21 =	vperm.xlane v18, v6;
	v17 =	vmax.f32 v13, v23;
	s14 =	simm.s32 @!p2 $0x0;
	s3 =	sadd.s32 s3, s28  }
0x28f: {  	v15 =	vmax.f32 v15, v19;
	v13 =	vld [tilespmem:s0+$0x0];
	s0 =	sor.u32 $0x60, s30;
	v19 =	vperm.xlane v17, v4;
	v16 =	vmax.f32 v16, v14;
	[smem:s3] =	sst s2;
	s28 =	sadd.s32 s14, s3  }
0x290: {  	s31 =	sadd.s32 $0x2, s31;
	v20 =	vperm.xlane v15, v4;
	v14 =	vld [tilespmem:s0+$0x0];
	s0 =	sor.u32 $0x70, s30;
	v18 =	vmax.f32 v18, v21;
	v21 =	vperm.xlane v16, v7;
	[smem:s28] =	sst s1  }
0x291: {  	v40 =	vld [tilespmem:s0+$0x0]  }
0x292: {  	v10 =	vmax.f32 v10, v12;
	v17 =	vmax.f32 v17, v19;
	v41 =	vld [tilespmem:s29+$0x10];
	s2 =	sadd.s32 $0x80, s30  }
0x293: {  	v22 =	vperm.xlane v18, v7;
	v23 =	vld [tilespmem:s29+$0x20];
	v15 =	vmax.f32 v15, v20;
	v42 =	vperm.xlane v17, v5;
	s1 =	sor.u32 $0x50, s2  }
0x294: {  	v16 =	vmax.f32 v16, v21;
	s3 =	sor.u32 $0x60, s2;
	v9 =	vmax.f32 v10, v9;
	v44 =	vld [tilespmem:s1+$0x0];
	v11 =	vmax.f32 v11, v13  }
0x295: {  	s0 =	sor.u32 $0x70, s2;
	v43 =	vperm.xlane v15, v5;
	v46 =	vld [tilespmem:s3+$0x0];
	v45 =	vmax.f32 v17, v42;
	v11 =	vmax.f32 v11, v14  }
0x296: {  	v18 =	vmax.f32 v18, v22;
	v48 =	vld [tilespmem:s0+$0x0];
	v47 =	vperm.xlane v45, v6;
	v11 =	vmax.f32 v11, v40  }
0x297: {  	(v2sf) =	vpush v16, $0x0;
	v15 =	vmax.f32 v15, v43;
	v12 =	vperm.xlane v11, v4  }
0x298: {  	v49 =	vperm.xlane v15, v6;
	v9 =	vmax.f32 v9, v41;
	v14 =	vmax.f32 v45, v47  }
0x299: {  	v50 =	vperm.xlane v9, v4;
	v13 =	vmax.f32 v23, v44;
	v11 =	vmax.f32 v11, v12  }
0x29a: {  	v15 =	vmax.f32 v15, v49;
	v52 =	vmax.f32 v13, v46;
	v53 =	vperm.xlane v11, v5  }
0x29b: {  	v51 =	vperm.xlane v14, v7;
	v9 =	vmax.f32 v9, v50;
	v10 =	vmax.f32 v52, v48  }
0x29c: {  	v54 =	vperm.xlane v9, v5;
	v55 =	vperm.xlane v10, v4;
	v11 =	vmax.f32 v11, v53  }
0x29d: {  	(v2sf) =	vpush v18, $0x0;
	v56 =	vperm.xlane v15, v7;
	v57 =	vperm.xlane v11, v6  }
0x29e: {  	v14 =	vmax.f32 v14, v51;
	v9 =	vmax.f32 v9, v54;
	v10 =	vmax.f32 v10, v55  }
0x29f: {  	v59 =	vperm.xlane v9, v6;
	v60 =	vperm.xlane v10, v5;
	v11 =	vmax.f32 v11, v57  }
0x2a0: {  	(v2sf) =	vpush v14, $0x0;
	v58 =	vmax.f32 v15, v56;
	v12 =	vperm.xlane v11, v7  }
0x2a1: {  	s14 =	spop (v2sf);
	(v2sf) =	vpush v58, $0x0;
	v9 =	vmax.f32 v9, v59;
	v10 =	vmax.f32 v10, v60  }
0x2a2: {  	p0 =	sgt.f32 s14, s20;
	v61 =	vperm.xlane v9, v7;
	v62 =	vperm.xlane v10, v6;
	v11 =	vmax.f32 v11, v12  }
0x2a3: {  	s29 =	spop (v2sf);
	s1 =	simm.s32 $0x1;
	(v2sf) =	vpush v11, $0x0  }
0x2a4: {  	s30 =	sadd.s32 $0xFFFFFFFF, s26;
	p2 =	sgt.f32 s29, s20;
	s1 =	simm.s32 @!p0 $0x0;
	v9 =	vmax.f32 v9, v61;
	v10 =	vmax.f32 v10, v62  }
0x2a5: {  	s3 =	simm.s32 $0x1;
	s1 =	sadd.s32 s1, s28;
	s2 =	spop (v2sf);
	(v2sf) =	vpush v9, $0x0;
	v63 =	vperm.xlane v10, v7  }
0x2a6: {  	s29 =	sadd.s32 $0xFFFFFFFF, s25;
	s3 =	simm.s32 @!p2 $0x0;
	[smem:s1] =	sst s30  }
0x2a7: {  	s3 =	sadd.s32 s3, s1;
	s14 =	spop (v2sf);
	p0 =	sgt.f32 s2, s20;
	v9 =	vmax.f32 v10, v63  }
0x2a8: {  	s1 =	simm.s32 $0x1;
	[smem:s3] =	sst s26;
	p2 =	sgt.f32 s14, s20;
	(v2sf) =	vpush v9, $0x0  }
0x2a9: {  	s2 =	simm.s32 $0x1;
	s14 =	simm.s32 $0x1;
	s1 =	simm.s32 @!p0 $0x0  }
0x2aa: {  	s2 =	simm.s32 @!p2 $0x0;
	s0 =	sadd.s32 s1, s3;
	s1 =	simm.s32 $0x1  }
0x2ab: {  	s3 =	simm.s32 $0x1;
	[smem:s0] =	sst s29;
	s31 =	spop (v2sf)  }
0x2ac: {  	s0 =	sadd.s32 s2, s0;
	s26 =	spop (v2sf);
	p0 =	sgt.f32 s31, s20  }
0x2ad: {  	s2 =	simm.s32 $0x1;
	[smem:s0] =	sst s25;
	p2 =	sgt.f32 s26, s20  }
0x2ae: {  	s31 =	sadd.s32 $0xFFFFFFFF, s24;
	s26 =	sadd.s32 $0xFFFFFFFF, s23;
	s2 =	simm.s32 @!p0 $0x0  }
0x2af: {  	s0 =	sadd.s32 s2, s0;
	s14 =	simm.s32 @!p2 $0x0;
	s30 =	spop (v2sf)  }
0x2b0: {  	s2 =	simm.s32 $0x1;
	s25 =	spop (v2sf);
	p0 =	sgt.f32 s30, s20  }
0x2b1: {  	[smem:s0] =	sst s31;
	s0 =	sadd.s32 s14, s0;
	p2 =	sgt.f32 s25, s20  }
0x2b2: {  	[smem:s0] =	sst s24;
	s1 =	simm.s32 @!p0 $0x0;
	s28 =	spop (v2sf)  }
0x2b3: {  	s2 =	simm.s32 @!p2 $0x0;
	s0 =	sadd.s32 s1, s0;
	p0 =	sgt.f32 s28, s20  }
0x2b4: {  	s1 =	simm.s32 $0x1;
	[smem:s0] =	sst s26;
	s29 =	spop (v2sf)  }
0x2b5: {  	s0 =	sadd.s32 s2, s0;
	p2 =	sgt.f32 s29, s20;
	s1 =	simm.s32 @!p0 $0x0  }
0x2b6: {  	s30 =	sadd.s32 $0xFFFFFFFF, s22;
	[smem:s0] =	sst s23;
	s0 =	sadd.s32 s1, s0  }
0x2b7: {  	s3 =	simm.s32 @!p2 $0x0;
	s31 =	spop (v2sf);
	[smem:s0] =	sst s30  }
.Ltmp40:
0x2b8: {  	s0 =	sadd.s32 s3, s0;
	p0 =	sgt.f32 s31, s20;
	(pc) =	sbr.rel .LBB2_60-.Ltmp40, $4  }
0x2b9: {  	s1 =	simm.s32 $0x1;
	[smem:s0] =	sst s22;
	s22 =	simm.s32 $0x0  }
0x2ba: {  	[tilespmem:$0x18000] =	vst v8;
	s1 =	simm.s32 @!p0 $0x0;
	[smem:$0x400] =	sst s22  }
0x2bb: {  	s20 =	sadd.s32 s1, s0;
	_ =	strace $0x8000004C  }
0x2bc: {  	s0 =	sld [smem:$0x400];
	p0 =	slt.s32 s20, $0x1  }
.LBB2_62:
0x2bd: {  	v10 =	vimm.f32 $0.0e+00  }
.LBB2_68:
0x2be: {  	v11 =	vperm.xlane v10, v4;
	_ =	sdelay $0x1  }
0x2bf: {  	v10 =	vadd.f32 v11, v10;
	_ =	sdelay $0x1  }
0x2c0: {  	v11 =	vperm.xlane v10, v5;
	_ =	sdelay $0x1  }
0x2c1: {  	v10 =	vadd.f32 v11, v10;
	_ =	sdelay $0x1  }
0x2c2: {  	v61 =	vperm.xlane v9, v4;
	v12 =	vperm.xlane v10, v6;
	_ =	sdelay $0x1  }
0x2c3: {  	v9 =	vadd.f32 v61, v9;
	v10 =	vadd.f32 v12, v10;
	_ =	sdelay $0x1  }
0x2c4: {  	v11 =	vperm.xlane v9, v5;
	v12 =	vperm.xlane v10, v7;
	_ =	sdelay $0x1  }
0x2c5: {  	v9 =	vadd.f32 v11, v9;
	v10 =	vadd.f32 v12, v10;
	_ =	sdelay $0x1  }
0x2c6: {  	v11 =	vperm.xlane v9, v6;
	(erf) = vrcp.f32 v10;
	_ =	sdelay $0x1  }
0x2c7: {  	v9 =	vadd.f32 v11, v9;
	_ =	sdelay $0x1  }
0x2c8: {  	v62 =	vperm.xlane v9, v7;
	_ =	sdelay $0x1  }
0x2c9: {  	v9 =	vadd.f32 v62, v9;
	_ =	sdelay $0x1  }
0x2ca: {  	v9 =	vadd.f32 $-1.000000000e+00, v9  }
0x2cb: {  	v63 =	vpop (erf)  }
0x2cc: {  	v9 =	vmul.f32 v63, v9;
	_ =	sdelay $0x1  }
0x2cd: {  	(v2sf) =	vpush v9, $0x0  }
0x2ce: {  	(v2sf) =	vpush v8, $0x0;
	_ =	sdelay $0xd  }
0x2cf: {  	s0 =	spop (v2sf)  }
0x2d0: {  	s1 =	spop (v2sf)  }
0x2d1: {  	p2 =	sle.f32 s0, s1  }
0x2d2: {  	s0 =	simm.s32 $0x1  }
0x2d3: {  	v8 =	vmax.f32 v9, v8;
	s0 =	simm.s32 @!p2 $0x0  }
0x2d4: {  	[tilespmem:$0x18000] =	vst v8;
	[smem:$0x400] =	sst s0  }
.LBB2_69:
0x2d5: {  	s22 =	sadd.s32 $0x1, s22  }
0x2d6: {  	p2 =	sne.s32 s22, $0x18  }
.Ltmp41:
0x2d7: {  	_ = 	snop;
	(pc) =	sbr.rel @!p2 .LBB2_70-.Ltmp41, $1  }
0x2d8: {  	_ =	sdelay $0x3  }
.LBB2_60:
0x2d9: {  	_ =	sdelay $0x1  }
0x2da: {  	p2 =	sne.s32 s0, $0x0  }
.Ltmp42:
0x2db: {  	_ = 	snop;
	(pc) =	sbr.rel @p2 .LBB2_69-.Ltmp42, $1  }
0x2dc: {  	_ =	sdelay $0x3  }
.Ltmp43:
0x2dd: {  	v8 =	vld [tilespmem:$0x18000];
	(pc) =	sbr.rel @p0 .LBB2_62-.Ltmp43, $2  }
0x2de: {  	_ =	sdelay $0x2  }
0x2df: {  	s24 =	simm.s32 $0x0;
	v9 =	vimm.f32 $0.0e+00  }
0x2e0: {  	s0 =	sld [smem:s24+$0x0];
	_ =	sdelay $0x2  }
0x2e1: {  	s1 =	sshll.u32 s0, $0x8;
	s0 =	sadd.s32 $0x1, s24  }
0x2e2: {  	p3 =	slt.s32 s0, s20  }
.Ltmp44:
0x2e3: {  	_ = 	snop;
	(pc) =	sbr.rel @!p3 .LBB2_64-.Ltmp44, $4  }
0x2e4: {  	_ = 	snop  }
0x2e5: {  	s23 =	sshra.s32 s1, $0x2  }
0x2e6: {  	v11 =	vld [tilespmem:s23+$0x0]  }
0x2e7: {  	s25 =	sadd.s32 $0x1, s24;
	p2 =	por $0x0, $0x0;
	v10 =	vld [tilespmem:s23+$0x10]  }
0x2e8: {  	_ = 	snop  }
0x2e9: {  	s1 =	sld [smem:s25+$0x0]  }
0x2ea: {  	v15 =	vld [tilespmem:s23+$0x20];
	s24 =	sadd.s32 $0x1, s0  }
0x2eb: {  	p3 =	slt.s32 s24, s20;
	vm0 =	vgt.f32 v11, v8  }
.Ltmp45:
0x2ec: {  	v12 =	vld [tilespmem:s23+$0x30];
	s1 =	sshll.u32 s1, $0x8;
	v11 =	vnsel vm0, $0x0, v11;
	v13 =	vsel vm0, $0x3F800000, v3;
	(pc) =	sbr.rel @!p3 .LBB2_67-.Ltmp45, $4  }
0x2ed: {  	vm14 =	vgt.f32 v10, v8;
	s23 =	sshra.s32 s1, $0x2;
	v14 =	vadd.f32 v11, v9;
	v16 =	vadd.f32 v13, v9  }
0x2ee: {  	v10 =	vnsel vm14, $0x0, v10;
	v11 =	vld [tilespmem:s23+$0x0];
	v17 =	vsel vm14, $0x3F800000, v3  }
0x2ef: {  	vm15 =	vgt.f32 v15, v8;
	v13 =	vadd.f32 v10, v14;
	v14 =	vadd.f32 v17, v16  }
0x2f0: {  	s25 =	sadd.s32 $0x1, s25;
	p2 =	por $0x1, $0x1;
	v15 =	vnsel vm15, $0x0, v15;
	v10 =	vld [tilespmem:s23+$0x10];
	v16 =	vsel vm15, $0x3F800000, v3  }
.LBB2_66:
0x2f1: {  	s0 =	sld [smem:s25+$0x0];
	s24 =	sadd.s32 $0x1, s24;
	v13 =	vadd.f32 v15, v13;
	v14 =	vadd.f32 v16, v14;
	vm0 =	vgt.f32 v12, v8  }
0x2f2: {  	p3 =	slt.s32 s24, s20;
	v15 =	vld [tilespmem:s23+$0x20];
	v12 =	vnsel vm0, $0x0, v12;
	v16 =	vsel vm0, $0x3F800000, v3  }
0x2f3: {  	vm0 =	vgt.f32 v11, v8;
	v13 =	vadd.f32 v12, v13;
	v14 =	vadd.f32 v16, v14  }
.Ltmp46:
0x2f4: {  	s0 =	sshll.u32 s0, $0x8;
	v11 =	vnsel vm0, $0x0, v11;
	v16 =	vsel vm0, $0x3F800000, v3;
	v12 =	vld [tilespmem:s23+$0x30];
	(pc) =	sbr.rel @p3 .LBB2_66-.Ltmp46, $4  }
0x2f5: {  	s23 =	sshra.s32 s0, $0x2;
	v13 =	vadd.f32 v11, v13;
	v14 =	vadd.f32 v16, v14;
	vm0 =	vgt.f32 v10, v8  }
0x2f6: {  	v11 =	vld [tilespmem:s23+$0x0];
	v10 =	vnsel vm0, $0x0, v10;
	v16 =	vsel vm0, $0x3F800000, v3  }
0x2f7: {  	v13 =	vadd.f32 v10, v13;
	v14 =	vadd.f32 v16, v14;
	vm0 =	vgt.f32 v15, v8  }
0x2f8: {  	s25 =	sadd.s32 $0x1, s25;
	v10 =	vld [tilespmem:s23+$0x10];
	v15 =	vnsel vm0, $0x0, v15;
	v16 =	vsel vm0, $0x3F800000, v3  }
.LBB2_67:
0x2f9: {  	v13 =	vadd.f32 @p2 v15, v13;
	v14 =	vadd.f32 @p2 v16, v14;
	vm0 =	vgt.f32 @p2 v12, v8  }
0x2fa: {  	v12 =	vnsel @p2 vm0, $0x0, v12;
	v15 =	vsel @p2 vm0, $0x3F800000, v3  }
0x2fb: {  	v58 =	vld [tilespmem:s23+$0x20];
	vm12 =	vgt.f32 v11, v8;
	v12 =	vadd.f32 @p2 v12, v13;
	v13 =	vadd.f32 @p2 v15, v14  }
0x2fc: {  	v11 =	vnsel vm12, $0x0, v11  }
0x2fd: {  	v60 =	vld [tilespmem:s23+$0x30];
	v59 =	vsel vm12, $0x3F800000, v3;
	v12 =	vpsel p2, v12, v9;
	v9 =	vpsel p2, v13, v9  }
0x2fe: {  	vm13 =	vgt.f32 v10, v8;
	v11 =	vadd.f32 v11, v12;
	v9 =	vadd.f32 v59, v9  }
0x2ff: {  	v10 =	vnsel vm13, $0x0, v10;
	v61 =	vsel vm13, $0x3F800000, v3  }
0x300: {  	vm14 =	vgt.f32 v58, v8;
	v10 =	vadd.f32 v10, v11;
	v9 =	vadd.f32 v61, v9  }
.Ltmp47:
0x301: {  	v62 =	vsel vm14, $0x3F800000, v3;
	v11 =	vnsel vm14, $0x0, v58;
	(pc) =	sbr.rel .LBB2_68-.Ltmp47, $3  }
0x302: {  	vm15 =	vgt.f32 v60, v8;
	v10 =	vadd.f32 v11, v10;
	v11 =	vadd.f32 v62, v9  }
0x303: {  	v63 =	vsel vm15, $0x3F800000, v3;
	v9 =	vnsel vm15, $0x0, v60  }
0x304: {  	v9 =	vadd.f32 v9, v10;
	v10 =	vadd.f32 v63, v11;
	_ =	sdelay $0x1  }
.LBB2_64:
.Ltmp48:
0x305: {  	(pc) =	sbr.rel .LBB2_67-.Ltmp48, $2  }
0x306: {  	_ =	sdelay $0x2  }
0x307: {  	_ = 	snop  }
.LBB2_70:
.Ltmp49:
0x308: {  	(pc) =	sbr.rel @p1 .LBB2_74-.Ltmp49, $4  }
0x309: {  	_ =	strace $0x9000004C  }
0x30a: {  	_ =	swait.ge [sflag:s18], $0x8000  }
0x30b: {  	[sflag:s18] =	ssyncset.done $0x0  }
0x30c: {  	[sflag:s18] =	ssyncadd.s32 $0xFFFF8000  }
0x30d: {  	p1 =	sgt.s32 s21, $0x1  }
.Ltmp50:
0x30e: {  	s0 =	sld [smem:$0x200];
	(pc) =	sbr.rel @!p1 .LBB2_73-.Ltmp50, $3  }
0x30f: {  	_ =	sdelay $0x1  }
0x310: {  	s0 =	sshll.u32 s0, $0x8  }
0x311: {  	s22 =	simm.s32 $0x200;
	s23 =	simm.s32 $0x1;
	s24 =	sshra.s32 s0, $0x2  }
.LBB2_72:
0x312: {  	s23 =	sadd.s32 $0x1, s23  }
0x313: {  	[tilespmem:s24+$0x10030] =	vst v3;
	s22 =	sadd.s32 $0x1, s22;
	p1 =	slt.s32 s23, s21  }
.Ltmp51:
0x314: {  	s0 =	sld [smem:s22+$0x0];
	[tilespmem:s24+$0x10020] =	vst v3;
	(pc) =	sbr.rel @p1 .LBB2_72-.Ltmp51, $4  }
0x315: {  	[tilespmem:s24+$0x10000] =	vst v3  }
0x316: {  	[tilespmem:s24+$0x10010] =	vst v3  }
0x317: {  	s0 =	sshll.u32 s0, $0x8  }
0x318: {  	s24 =	sshra.s32 s0, $0x2  }
.LBB2_73:
0x319: {  	[tilespmem:s24+$0x10030] =	vst v3  }
0x31a: {  	[tilespmem:s24+$0x10020] =	vst v3  }
0x31b: {  	[tilespmem:s24+$0x10000] =	vst v3  }
0x31c: {  	[tilespmem:s24+$0x10010] =	vst v3  }
.LBB2_74:
.Ltmp52:
0x31d: {  	(pc) =	sbr.rel @p0 .LBB2_84-.Ltmp52, $2  }
0x31e: {  	v8 =	vld [tilespmem:$0x18000];
	_ =	sdelay $0x2  }
0x31f: {  	_ =	strace $0x8000004D  }
0x320: {  	p3 =	sgt.s32 s20, $0x1  }
.Ltmp53:
0x321: {  	_ = 	snop;
	(pc) =	sbr.rel @!p3 .LBB2_76-.Ltmp53, $2  }
0x322: {  	_ =	sdelay $0x2  }
0x323: {  	s24 =	simm.s32 $0x1;
	p1 =	por $0x0, $0x0;
	p2 =	por $0x0, $0x0  }
0x324: {  	s0 =	sld [smem:$0x0];
	p3 =	sgt.s32 s20, $0x2  }
.Ltmp54:
0x325: {  	_ = 	snop;
	(pc) =	sbr.rel @!p3 .LBB2_78-.Ltmp54, $4  }
0x326: {  	_ = 	snop  }
0x327: {  	s21 =	sshll.u32 s0, $0x6  }
0x328: {  	v10 =	vld [tilespmem:s21+$0x30]  }
0x329: {  	s23 =	simm.s32 $0x2;
	p1 =	por $0x1, $0x1;
	v9 =	vld [tilespmem:s21+$0x20]  }
0x32a: {  	s0 =	sld [smem:$0x1];
	v13 =	vld [tilespmem:s21+$0x10];
	p3 =	sgt.s32 s20, $0x3  }
.Ltmp55:
0x32b: {  	_ = 	snop;
	(pc) =	sbr.rel @!p3 .LBB2_80-.Ltmp55, $4  }
0x32c: {  	v11 =	vld [tilespmem:s21+$0x0]  }
0x32d: {  	s22 =	sshll.u32 s0, $0x6;
	v14 =	vsub.f32 v10, v8  }
0x32e: {  	v10 =	vld [tilespmem:s22+$0x30]  }
0x32f: {  	s24 =	simm.s32 $0x3;
	p2 =	por $0x1, $0x1;
	v12 =	vsub.f32 v9, v8;
	v9 =	vld [tilespmem:s22+$0x20];
	v13 =	vsub.f32 v13, v8;
	v14 =	vmax.f32 v14, $0.0e+00  }
.LBB2_81:
0x330: {  	s24 =	sadd.s32 $0x1, s24  }
0x331: {  	s0 =	sld [smem:s23+$0x0];
	v15 =	vld [tilespmem:s22+$0x10];
	v16 =	vsub.f32 v11, v8;
	v12 =	vmax.f32 v12, $0.0e+00;
	[tilespmem:s21+$0x10030] =	vst v14;
	p3 =	slt.s32 s24, s20  }
.Ltmp56:
0x332: {  	v11 =	vld [tilespmem:s22+$0x0];
	v13 =	vmax.f32 v13, $0.0e+00;
	[tilespmem:s21+$0x10020] =	vst v12;
	(pc) =	sbr.rel @p3 .LBB2_81-.Ltmp56, $4  }
0x333: {  	v12 =	vmax.f32 v16, $0.0e+00;
	[tilespmem:s21+$0x10010] =	vst v13  }
0x334: {  	v14 =	vsub.f32 v10, v8;
	[tilespmem:s21+$0x10000] =	vst v12;
	s21 =	smov.u32 s22;
	s22 =	sshll.u32 s0, $0x6  }
0x335: {  	v10 =	vld [tilespmem:s22+$0x30];
	v12 =	vsub.f32 v9, v8  }
0x336: {  	s23 =	sadd.s32 $0x1, s23;
	v9 =	vld [tilespmem:s22+$0x20];
	v13 =	vsub.f32 v15, v8;
	v14 =	vmax.f32 v14, $0.0e+00  }
0x337: {  	s24 =	smov.u32 s23  }
.LBB2_83:
0x338: {  	v15 =	vld @p1 [tilespmem:s22+$0x10];
	[tilespmem:s21+$0x10030] =	vst @p2 v14;
	s0 =	sld [smem:s24+$0x0];
	v11 =	vsub.f32 @p2 v11, v8;
	v12 =	vmax.f32 @p2 v12, $0.0e+00  }
0x339: {  	v13 =	vmax.f32 @p2 v13, $0.0e+00;
	v14 =	vld @p1 [tilespmem:s22+$0x0];
	[tilespmem:s21+$0x10020] =	vst @p2 v12  }
0x33a: {  	[tilespmem:s21+$0x10010] =	vst @p2 v13;
	v11 =	vmax.f32 @p2 v11, $0.0e+00;
	v10 =	vsub.f32 @p1 v10, v8  }
0x33b: {  	s0 =	sshll.u32 s0, $0x6;
	[tilespmem:s21+$0x10000] =	vst @p2 v11  }
0x33c: {  	s1 =	smov.u32 @p1 s22;
	v11 =	vld [tilespmem:s0+$0x30];
	v10 =	vmax.f32 @p1 v10, $0.0e+00  }
0x33d: {  	s1 =	smov.u32 @p1 s1;
	v9 =	vsub.f32 @p1 v9, v8;
	v12 =	vld [tilespmem:s0+$0x20];
	v10 =	vpsel p1, v10, v0  }
0x33e: {  	v13 =	vld [tilespmem:s0+$0x10];
	v15 =	vsub.f32 @p1 v15, v8;
	[tilespmem:s1+$0x10030] =	vst @p1 v10  }
0x33f: {  	v9 =	vpsel p1, v9, v0;
	v10 =	vpsel p1, v14, v0;
	v59 =	vld [tilespmem:s0+$0x0]  }
0x340: {  	v9 =	vmax.f32 @p1 v9, $0.0e+00;
	v15 =	vpsel p1, v15, v0;
	v10 =	vsub.f32 @p1 v10, v8  }
0x341: {  	[tilespmem:s1+$0x10020] =	vst @p1 v9;
	v15 =	vmax.f32 @p1 v15, $0.0e+00;
	v60 =	vsub.f32 v11, v8  }
0x342: {  	v10 =	vmax.f32 @p1 v10, $0.0e+00;
	[tilespmem:s1+$0x10010] =	vst @p1 v15;
	v61 =	vsub.f32 v12, v8  }
0x343: {  	v62 =	vsub.f32 v13, v8;
	[tilespmem:s1+$0x10000] =	vst @p1 v10;
	v9 =	vmax.f32 v60, $0.0e+00  }
0x344: {  	v11 =	vmax.f32 v61, $0.0e+00;
	v8 =	vsub.f32 v59, v8;
	[tilespmem:s0+$0x10030] =	vst v9  }
0x345: {  	v63 =	vmax.f32 v62, $0.0e+00;
	[tilespmem:s0+$0x10020] =	vst v11  }
0x346: {  	[tilespmem:s0+$0x10010] =	vst v63;
	v8 =	vmax.f32 v8, $0.0e+00  }
0x347: {  	[tilespmem:s0+$0x10000] =	vst v8  }
.LBB2_84:
0x348: {  	_ =	strace $0x9000004D  }
0x349: {  	[hbm4b:s9+s12] =	stream.strided.scatter [tilespmem:s16], [sflag:$0x3], $0x8000, s13, s12, $0x38;
	[tilespmem:$0x18080] =	vst v63  }
0x34a: {  	_ =	swait.ge [sflag:s17], $0x8000  }
0x34b: {  	[sflag:s17] =	ssyncset.done $0x0  }
0x34c: {  	s0 =	simm.s32 $0x0;
	[sflag:s17] =	ssyncadd.s32 $0xFFFF8000  }
0x34d: {  	v8 =	vld [tilespmem:s0+$0x8070]  }
0x34e: {  	v9 =	vld [tilespmem:s0+$0x8000]  }
0x34f: {  	v11 =	vld [tilespmem:s0+$0x8010]  }
0x350: {  	v20 =	vld [tilespmem:s0+$0x8020]  }
0x351: {  	v19 =	vld [tilespmem:s0+$0x8030]  }
0x352: {  	v10 =	vimm.f32 $-3.000000010e+38;
	v14 =	vimm.f32 $-3.000000010e+38;
	v12 =	vld [tilespmem:s0+$0x8040]  }
0x353: {  	v15 =	vimm.f32 $-3.000000010e+38;
	v13 =	vld [tilespmem:s0+$0x8050];
	v8 =	vmax.f32 v10, v8;
	v17 =	vmax.f32 v10, v9  }
0x354: {  	s21 =	simm.s32 $0x80;
	s22 =	simm.s32 $0x400;
	v16 =	vld [tilespmem:s0+$0x8060];
	v18 =	vmax.f32 v10, v11;
	v11 =	vimm.f32 $-3.000000010e+38;
	v9 =	vimm.f32 $-3.000000010e+38  }
.LBB2_85:
0x355: {  	p1 =	sne.s32 s22, $0x1FE00;
	v21 =	vld [tilespmem:s21+$0x8070];
	v10 =	vmax.f32 v10, v20  }
0x356: {  	v22 =	vld [tilespmem:s21+$0x8000];
	v14 =	vmax.f32 v14, v19  }
0x357: {  	v23 =	vld [tilespmem:s21+$0x8010];
	v15 =	vmax.f32 v15, v12  }
.Ltmp57:
0x358: {  	v20 =	vld [tilespmem:s21+$0x8020];
	v11 =	vmax.f32 v11, v13;
	(pc) =	sbr.rel @p1 .LBB2_85-.Ltmp57, $4  }
0x359: {  	v19 =	vld [tilespmem:s21+$0x8030];
	v9 =	vmax.f32 v9, v16  }
0x35a: {  	v12 =	vld [tilespmem:s21+$0x8040];
	v8 =	vmax.f32 v8, v21  }
0x35b: {  	v17 =	vmax.f32 v17, v22;
	v13 =	vld [tilespmem:s21+$0x8050]  }
0x35c: {  	v18 =	vmax.f32 v18, v23;
	v16 =	vld [tilespmem:s21+$0x8060];
	s21 =	sshra.s32 s22, $0x2;
	s22 =	sadd.s32 $0x200, s22  }
0x35d: {  	v21 =	vld [tilespmem:s21+$0x8000]  }
0x35e: {  	v22 =	vld [tilespmem:s21+$0x8010]  }
0x35f: {  	v23 =	vld [tilespmem:s21+$0x8020]  }
0x360: {  	v24 =	vld [tilespmem:s21+$0x8030]  }
0x361: {  	v25 =	vld [tilespmem:s21+$0x8040]  }
0x362: {  	v26 =	vld [tilespmem:s21+$0x8050]  }
0x363: {  	v10 =	vmax.f32 v10, v20;
	v20 =	vld [tilespmem:s21+$0x8060]  }
0x364: {  	s1 =	simm.s32 $0x80A0;
	v14 =	vmax.f32 v14, v19;
	v19 =	vld [tilespmem:s21+$0x8070];
	v17 =	vmax.f32 v17, v21;
	v18 =	vmax.f32 v18, v22  }
0x365: {  	s0 =	simm.s32 $0x8020;
	v12 =	vmax.f32 v15, v12;
	v15 =	vld [tilespmem:s1+$0xFFFFFFF0];
	v10 =	vmax.f32 v10, v23;
	v17 =	vmax.f32 v17, v18  }
0x366: {  	v11 =	vmax.f32 v11, v13;
	v13 =	vld [tilespmem:s0+$0xFFFFFFE0];
	v14 =	vmax.f32 v14, v24;
	v10 =	vmax.f32 v17, v10  }
0x367: {  	v9 =	vmax.f32 v9, v16;
	v16 =	vld [tilespmem:s1+$0x0];
	v12 =	vmax.f32 v12, v25;
	v10 =	vmax.f32 v10, v14  }
0x368: {  	v11 =	vmax.f32 v11, v26;
	v10 =	vmax.f32 v10, v12;
	v12 =	vld [tilespmem:s0+$0xFFFFFFF0]  }
0x369: {  	v9 =	vmax.f32 v9, v20;
	v10 =	vmax.f32 v10, v11;
	v11 =	vld [tilespmem:s0+$0x0]  }
0x36a: {  	v8 =	vmax.f32 v8, v19;
	v9 =	vmax.f32 v10, v9;
	v10 =	vld [tilespmem:s0+$0x10]  }
0x36b: {  	v19 =	vld [tilespmem:s1+$0x10];
	v8 =	vmax.f32 v9, v8  }
0x36c: {  	s2 =	simm.s32 $0x40;
	v9 =	vld [tilespmem:s1+$0xFFFFFFE0];
	v14 =	vperm.xlane v8, v4  }
0x36d: {  	s25 =	sor.u32 $0x50, s2;
	v12 =	vmax.f32 v13, v12;
	v13 =	vld [tilespmem:s0+$0x20]  }
0x36e: {  	s26 =	sor.u32 $0x60, s2;
	v8 =	vmax.f32 v8, v14;
	v11 =	vmax.f32 v12, v11;
	v12 =	vld [tilespmem:s25+$0x8000]  }
0x36f: {  	s3 =	sor.u32 $0x70, s2;
	v14 =	vperm.xlane v8, v0;
	v10 =	vmax.f32 v11, v10;
	v11 =	vld [tilespmem:s26+$0x8000]  }
0x370: {  	v17 =	vld [tilespmem:s3+$0x8000]  }
0x371: {  	v8 =	vmax.f32 v8, v14;
	v14 =	vperm.xlane v10, v4  }
0x372: {  	s14 =	simm.s32 $0x8120;
	v9 =	vmax.f32 v9, v15;
	v18 =	vperm.xlane v8, v1  }
0x373: {  	s21 =	simm.s32 $0xC0;
	v20 =	vld [tilespmem:s14+$0xFFFFFFF0];
	v9 =	vmax.f32 v9, v16;
	v10 =	vmax.f32 v10, v14;
	v12 =	vmax.f32 v13, v12  }
0x374: {  	s22 =	sor.u32 $0x50, s21;
	v14 =	vld [tilespmem:s14+$0xFFFFFFE0];
	v8 =	vmax.f32 v8, v18;
	v18 =	vperm.xlane v10, v5;
	v11 =	vmax.f32 v12, v11  }
0x375: {  	v16 =	vld [tilespmem:s22+$0x8000];
	v9 =	vmax.f32 v9, v19;
	v21 =	vperm.xlane v8, v2;
	v11 =	vmax.f32 v11, v17  }
0x376: {  	v19 =	vperm.xlane v9, v4;
	v12 =	vld [tilespmem:s1+$0x20];
	v10 =	vmax.f32 v10, v18;
	v17 =	vperm.xlane v11, v4  }
0x377: {  	s23 =	sor.u32 $0x60, s21;
	v13 =	vld [tilespmem:s14+$0x0];
	v15 =	vperm.xlane v10, v6;
	v8 =	vmax.f32 v8, v21  }
0x378: {  	s24 =	sor.u32 $0x70, s21;
	v9 =	vmax.f32 v9, v19;
	v18 =	vld [tilespmem:s23+$0x8000];
	v8 =	vadd.f32 $-1.000000000e+00, v8;
	v11 =	vmax.f32 v11, v17  }
0x379: {  	v14 =	vmax.f32 v14, v20;
	v20 =	vperm.xlane v9, v5;
	v10 =	vmax.f32 v10, v15;
	v15 =	vld [tilespmem:s24+$0x8000]  }
0x37a: {  	s25 =	simm.s32 $0x81A0;
	v17 =	vld [tilespmem:s14+$0x10];
	v19 =	vperm.xlane v11, v5;
	v21 =	vperm.xlane v10, v7  }
0x37b: {  	v22 =	vld [tilespmem:s25+$0xFFFFFFE0];
	s26 =	simm.s32 $0x140;
	v12 =	vmax.f32 v12, v16;
	(v2sf) =	vpush v8, $0x0  }
0x37c: {  	s21 =	sor.u32 $0x70, s26;
	v9 =	vmax.f32 v9, v20;
	v11 =	vmax.f32 v11, v19;
	v10 =	vmax.f32 v10, v21;
	v21 =	vld [tilespmem:s25+$0xFFFFFFF0]  }
0x37d: {  	v20 =	vld [tilespmem:s21+$0x8000];
	v12 =	vmax.f32 v12, v18;
	v16 =	vperm.xlane v11, v6;
	(v2sf) =	vpush v10, $0x0  }
0x37e: {  	s3 =	sor.u32 $0x50, s26;
	v13 =	vmax.f32 v14, v13;
	v18 =	vld [tilespmem:s14+$0x20];
	v14 =	vperm.xlane v9, v6;
	v12 =	vmax.f32 v12, v15  }
0x37f: {  	s14 =	sor.u32 $0x60, s26;
	v13 =	vmax.f32 v13, v17;
	v15 =	vld [tilespmem:s3+$0x8000];
	v11 =	vmax.f32 v11, v16;
	v17 =	vperm.xlane v12, v4  }
0x380: {  	v9 =	vmax.f32 v9, v14;
	v16 =	vld [tilespmem:s14+$0x8000];
	v19 =	vperm.xlane v13, v4;
	v14 =	vperm.xlane v11, v7  }
0x381: {  	v10 =	vld [tilespmem:s25+$0x0];
	v21 =	vmax.f32 v22, v21;
	v22 =	vperm.xlane v9, v7;
	v12 =	vmax.f32 v12, v17  }
0x382: {  	s22 =	simm.s32 $0x8220;
	v13 =	vmax.f32 v13, v19;
	v17 =	vld [tilespmem:s25+$0x10];
	v11 =	vmax.f32 v11, v14;
	v19 =	vperm.xlane v12, v5  }
0x383: {  	v14 =	vld [tilespmem:s22+$0xFFFFFFE0];
	v23 =	vperm.xlane v13, v5;
	(v2sf) =	vpush v11, $0x0;
	v9 =	vmax.f32 v9, v22  }
0x384: {  	v11 =	vld [tilespmem:s22+$0xFFFFFFF0];
	v15 =	vmax.f32 v18, v15;
	v12 =	vmax.f32 v12, v19;
	(v2sf) =	vpush v9, $0x0  }
0x385: {  	v9 =	vmax.f32 v13, v23;
	v13 =	vmax.f32 v15, v16;
	v15 =	vperm.xlane v12, v6  }
0x386: {  	s24 =	simm.s32 $0x1C0;
	v10 =	vmax.f32 v21, v10;
	v18 =	vld [tilespmem:s22+$0x0];
	v19 =	vperm.xlane v9, v6;
	v13 =	vmax.f32 v13, v20  }
0x387: {  	v16 =	vld [tilespmem:s25+$0x20];
	s25 =	sor.u32 $0x50, s24;
	v10 =	vmax.f32 v10, v17;
	v17 =	vperm.xlane v13, v4;
	v12 =	vmax.f32 v12, v15  }
0x388: {  	s26 =	sor.u32 $0x60, s24;
	v20 =	vld [tilespmem:s25+$0x8000];
	v21 =	vperm.xlane v10, v4;
	v9 =	vmax.f32 v9, v19;
	v19 =	vperm.xlane v12, v7  }
0x389: {  	s2 =	sor.u32 $0x70, s24;
	v15 =	vld [tilespmem:s26+$0x8000];
	v14 =	vmax.f32 v14, v11;
	v11 =	vperm.xlane v9, v7  }
0x38a: {  	v22 =	vld [tilespmem:s2+$0x8000];
	v13 =	vmax.f32 v13, v17;
	v17 =	vmax.f32 v10, v21;
	v12 =	vmax.f32 v12, v19  }
0x38b: {  	s29 =	simm.s32 $0x82A0;
	s30 =	simm.s32 $0x240;
	v23 =	vld [tilespmem:s22+$0x10];
	s21 =	spop (v2sf);
	v21 =	vperm.xlane v13, v5;
	v9 =	vmax.f32 v9, v11;
	(v2sf) =	vpush v12, $0x0  }
0x38c: {  	s31 =	simm.s32 $0xD;
	s0 =	sor.u32 $0x70, s30;
	v10 =	vld [tilespmem:s29+$0xFFFFFFE0];
	v19 =	vperm.xlane v17, v5;
	s3 =	spop (v2sf);
	(v2sf) =	vpush v9, $0x0  }
0x38d: {  	s1 =	simm.s32 $0x1;
	s23 =	simm.s32 $0x7;
	v11 =	vmax.f32 v16, v20;
	v12 =	vld [tilespmem:s29+$0xFFFFFFF0];
	v16 =	vmax.f32 v13, v21;
	p1 =	sgt.f32 s3, s21  }
0x38e: {  	s14 =	sor.u32 $0x50, s30;
	s2 =	simm.s32 $0x1;
	s24 =	simm.s32 $0x9;
	v9 =	vld [tilespmem:s29+$0x0];
	v21 =	vmax.f32 v17, v19;
	v13 =	vmax.f32 v11, v15;
	v20 =	vperm.xlane v16, v6  }
0x38f: {  	s25 =	simm.s32 $0x5;
	v14 =	vmax.f32 v14, v18;
	v11 =	vld [tilespmem:s22+$0x20];
	s3 =	simm.s32 $0x0;
	v18 =	vperm.xlane v21, v6;
	v17 =	vmax.f32 v13, v22;
	s2 =	simm.s32 @!p1 $0x0  }
0x390: {  	v15 =	vmax.f32 v14, v23;
	v13 =	vld [tilespmem:s14+$0x8000];
	s14 =	sor.u32 $0x60, s30;
	v19 =	vperm.xlane v17, v4;
	v16 =	vmax.f32 v16, v20;
	[smem:$0x200] =	sst s3;
	s28 =	sadd.s32 $0x0, s2  }
0x391: {  	s26 =	simm.s32 $0x3;
	s22 =	simm.s32 $0xB;
	v20 =	vperm.xlane v15, v4;
	v14 =	vld [tilespmem:s14+$0x8000];
	v18 =	vmax.f32 v21, v18;
	v21 =	vperm.xlane v16, v7;
	[smem:s28+$0x200] =	sst s1  }
.LBB2_87:
0x392: {  	p1 =	sne.s32 s31, $0x1FF  }
0x393: {  	v23 =	vld [tilespmem:s0+$0x8000];
	s0 =	smov.u32 s29;
	s1 =	smov.u32 s26;
	s26 =	smov.u32 s25  }
0x394: {  	v22 =	vmax.f32 v10, v12;
	v12 =	vperm.xlane v18, v7;
	v17 =	vmax.f32 v17, v19;
	s25 =	smov.u32 s23;
	s23 =	smov.u32 s24;
	s29 =	sadd.s32 $0x80, s29  }
0x395: {  	s24 =	smov.u32 s22;
	s22 =	smov.u32 s31;
	v19 =	vld [tilespmem:s0+$0x10];
	v15 =	vmax.f32 v15, v20;
	v20 =	vperm.xlane v17, v5;
	v16 =	vmax.f32 v16, v21;
	s2 =	spop (v2sf);
	v21 =	vmovc v9  }
0x396: {  	s30 =	sadd.s32 $0x80, s30;
	v10 =	vld [tilespmem:s29+$0xFFFFFFE0];
	v24 =	vperm.xlane v15, v5;
	v9 =	vmax.f32 v18, v12;
	(v2sf) =	vpush v16, $0x0;
	s3 =	spop (v2sf);
	p3 =	sgt.f32 s2, s21  }
.Ltmp58:
0x397: {  	v12 =	vld [tilespmem:s29+$0xFFFFFFF0];
	v11 =	vmax.f32 v11, v13;
	v16 =	vmax.f32 v17, v20;
	(v2sf) =	vpush v9, $0x0;
	p2 =	sgt.f32 s3, s21;
	s3 =	simm.s32 $0x1;
	(pc) =	sbr.rel @p1 .LBB2_87-.Ltmp58, $4  }
0x398: {  	s14 =	simm.s32 $0x1;
	s2 =	sadd.s32 $0xFFFFFFFF, s1;
	v9 =	vld [tilespmem:s29+$0x0];
	v18 =	vmax.f32 v15, v24;
	v13 =	vmax.f32 v11, v14;
	v14 =	vperm.xlane v16, v6;
	s3 =	simm.s32 @!p3 $0x0  }
0x399: {  	v15 =	vmax.f32 v22, v21;
	v11 =	vld [tilespmem:s0+$0x20];
	s0 =	sor.u32 $0x50, s30;
	v21 =	vperm.xlane v18, v6;
	v17 =	vmax.f32 v13, v23;
	s14 =	simm.s32 @!p2 $0x0;
	s3 =	sadd.s32 s3, s28  }
0x39a: {  	v15 =	vmax.f32 v15, v19;
	v13 =	vld [tilespmem:s0+$0x8000];
	s0 =	sor.u32 $0x60, s30;
	v19 =	vperm.xlane v17, v4;
	v16 =	vmax.f32 v16, v14;
	[smem:s3+$0x200] =	sst s2;
	s28 =	sadd.s32 s14, s3  }
0x39b: {  	s31 =	sadd.s32 $0x2, s31;
	v20 =	vperm.xlane v15, v4;
	v14 =	vld [tilespmem:s0+$0x8000];
	s0 =	sor.u32 $0x70, s30;
	v18 =	vmax.f32 v18, v21;
	v21 =	vperm.xlane v16, v7;
	[smem:s28+$0x200] =	sst s1  }
0x39c: {  	v40 =	vld [tilespmem:s0+$0x8000]  }
0x39d: {  	v10 =	vmax.f32 v10, v12;
	v17 =	vmax.f32 v17, v19;
	v41 =	vld [tilespmem:s29+$0x10];
	s2 =	sadd.s32 $0x80, s30  }
0x39e: {  	v22 =	vperm.xlane v18, v7;
	v23 =	vld [tilespmem:s29+$0x20];
	v15 =	vmax.f32 v15, v20;
	v42 =	vperm.xlane v17, v5;
	s1 =	sor.u32 $0x50, s2  }
0x39f: {  	v16 =	vmax.f32 v16, v21;
	s3 =	sor.u32 $0x60, s2;
	v9 =	vmax.f32 v10, v9;
	v44 =	vld [tilespmem:s1+$0x8000];
	v11 =	vmax.f32 v11, v13  }
0x3a0: {  	s0 =	sor.u32 $0x70, s2;
	v43 =	vperm.xlane v15, v5;
	v46 =	vld [tilespmem:s3+$0x8000];
	v45 =	vmax.f32 v17, v42;
	v11 =	vmax.f32 v11, v14  }
0x3a1: {  	v18 =	vmax.f32 v18, v22;
	v48 =	vld [tilespmem:s0+$0x8000];
	v47 =	vperm.xlane v45, v6;
	v11 =	vmax.f32 v11, v40  }
0x3a2: {  	(v2sf) =	vpush v16, $0x0;
	v15 =	vmax.f32 v15, v43;
	v12 =	vperm.xlane v11, v4  }
0x3a3: {  	v49 =	vperm.xlane v15, v6;
	v9 =	vmax.f32 v9, v41;
	v14 =	vmax.f32 v45, v47  }
0x3a4: {  	v50 =	vperm.xlane v9, v4;
	v13 =	vmax.f32 v23, v44;
	v11 =	vmax.f32 v11, v12  }
0x3a5: {  	v15 =	vmax.f32 v15, v49;
	v52 =	vmax.f32 v13, v46;
	v53 =	vperm.xlane v11, v5  }
0x3a6: {  	v51 =	vperm.xlane v14, v7;
	v9 =	vmax.f32 v9, v50;
	v10 =	vmax.f32 v52, v48  }
0x3a7: {  	v54 =	vperm.xlane v9, v5;
	v55 =	vperm.xlane v10, v4;
	v11 =	vmax.f32 v11, v53  }
0x3a8: {  	(v2sf) =	vpush v18, $0x0;
	v56 =	vperm.xlane v15, v7;
	v57 =	vperm.xlane v11, v6  }
0x3a9: {  	v14 =	vmax.f32 v14, v51;
	v9 =	vmax.f32 v9, v54;
	v10 =	vmax.f32 v10, v55  }
0x3aa: {  	v59 =	vperm.xlane v9, v6;
	v60 =	vperm.xlane v10, v5;
	v11 =	vmax.f32 v11, v57  }
0x3ab: {  	(v2sf) =	vpush v14, $0x0;
	v58 =	vmax.f32 v15, v56;
	v12 =	vperm.xlane v11, v7  }
0x3ac: {  	s14 =	spop (v2sf);
	(v2sf) =	vpush v58, $0x0;
	v9 =	vmax.f32 v9, v59;
	v10 =	vmax.f32 v10, v60  }
0x3ad: {  	p1 =	sgt.f32 s14, s21;
	v61 =	vperm.xlane v9, v7;
	v62 =	vperm.xlane v10, v6;
	v11 =	vmax.f32 v11, v12  }
0x3ae: {  	s29 =	spop (v2sf);
	s1 =	simm.s32 $0x1;
	(v2sf) =	vpush v11, $0x0  }
0x3af: {  	s30 =	sadd.s32 $0xFFFFFFFF, s26;
	p2 =	sgt.f32 s29, s21;
	s1 =	simm.s32 @!p1 $0x0;
	v9 =	vmax.f32 v9, v61;
	v10 =	vmax.f32 v10, v62  }
0x3b0: {  	s3 =	simm.s32 $0x1;
	s1 =	sadd.s32 s1, s28;
	s2 =	spop (v2sf);
	(v2sf) =	vpush v9, $0x0;
	v63 =	vperm.xlane v10, v7  }
0x3b1: {  	s29 =	sadd.s32 $0xFFFFFFFF, s25;
	s3 =	simm.s32 @!p2 $0x0;
	[smem:s1+$0x200] =	sst s30  }
0x3b2: {  	s3 =	sadd.s32 s3, s1;
	s14 =	spop (v2sf);
	p1 =	sgt.f32 s2, s21;
	v9 =	vmax.f32 v10, v63  }
0x3b3: {  	s1 =	simm.s32 $0x1;
	[smem:s3+$0x200] =	sst s26;
	p2 =	sgt.f32 s14, s21;
	(v2sf) =	vpush v9, $0x0  }
0x3b4: {  	s2 =	simm.s32 $0x1;
	s14 =	simm.s32 $0x1;
	s1 =	simm.s32 @!p1 $0x0  }
0x3b5: {  	s2 =	simm.s32 @!p2 $0x0;
	s0 =	sadd.s32 s1, s3;
	s1 =	simm.s32 $0x1  }
0x3b6: {  	s3 =	simm.s32 $0x1;
	[smem:s0+$0x200] =	sst s29;
	s31 =	spop (v2sf)  }
0x3b7: {  	s0 =	sadd.s32 s2, s0;
	s26 =	spop (v2sf);
	p1 =	sgt.f32 s31, s21  }
0x3b8: {  	s2 =	simm.s32 $0x1;
	[smem:s0+$0x200] =	sst s25;
	p2 =	sgt.f32 s26, s21  }
0x3b9: {  	s31 =	sadd.s32 $0xFFFFFFFF, s23;
	s26 =	sadd.s32 $0xFFFFFFFF, s24;
	s2 =	simm.s32 @!p1 $0x0  }
0x3ba: {  	s0 =	sadd.s32 s2, s0;
	s14 =	simm.s32 @!p2 $0x0;
	s30 =	spop (v2sf)  }
0x3bb: {  	s2 =	simm.s32 $0x1;
	s25 =	spop (v2sf);
	p1 =	sgt.f32 s30, s21  }
0x3bc: {  	[smem:s0+$0x200] =	sst s31;
	s0 =	sadd.s32 s14, s0;
	p2 =	sgt.f32 s25, s21  }
0x3bd: {  	[smem:s0+$0x200] =	sst s23;
	s1 =	simm.s32 @!p1 $0x0;
	s28 =	spop (v2sf)  }
0x3be: {  	s2 =	simm.s32 @!p2 $0x0;
	s0 =	sadd.s32 s1, s0;
	p1 =	sgt.f32 s28, s21  }
0x3bf: {  	s1 =	simm.s32 $0x1;
	[smem:s0+$0x200] =	sst s26;
	s29 =	spop (v2sf)  }
0x3c0: {  	s0 =	sadd.s32 s2, s0;
	p2 =	sgt.f32 s29, s21;
	s1 =	simm.s32 @!p1 $0x0  }
0x3c1: {  	s30 =	sadd.s32 $0xFFFFFFFF, s22;
	[smem:s0+$0x200] =	sst s24;
	s0 =	sadd.s32 s1, s0  }
0x3c2: {  	s3 =	simm.s32 @!p2 $0x0;
	s31 =	spop (v2sf);
	[smem:s0+$0x200] =	sst s30  }
.Ltmp59:
0x3c3: {  	s0 =	sadd.s32 s3, s0;
	p1 =	sgt.f32 s31, s21;
	(pc) =	sbr.rel .LBB2_89-.Ltmp59, $4  }
0x3c4: {  	s1 =	simm.s32 $0x1;
	[smem:s0+$0x200] =	sst s22;
	s22 =	simm.s32 $0x0  }
0x3c5: {  	[tilespmem:$0x18000] =	vst v8;
	s1 =	simm.s32 @!p1 $0x0;
	[smem:$0x400] =	sst s22  }
0x3c6: {  	s21 =	sadd.s32 s1, s0;
	_ =	strace $0x8000004E  }
0x3c7: {  	s0 =	sld [smem:$0x400];
	p1 =	slt.s32 s21, $0x1  }
.LBB2_91:
0x3c8: {  	v10 =	vimm.f32 $0.0e+00  }
.LBB2_97:
0x3c9: {  	v11 =	vperm.xlane v10, v4;
	_ =	sdelay $0x1  }
0x3ca: {  	v10 =	vadd.f32 v11, v10;
	_ =	sdelay $0x1  }
0x3cb: {  	v11 =	vperm.xlane v10, v5;
	_ =	sdelay $0x1  }
0x3cc: {  	v10 =	vadd.f32 v11, v10;
	_ =	sdelay $0x1  }
0x3cd: {  	v61 =	vperm.xlane v9, v4;
	v12 =	vperm.xlane v10, v6;
	_ =	sdelay $0x1  }
0x3ce: {  	v9 =	vadd.f32 v61, v9;
	v10 =	vadd.f32 v12, v10;
	_ =	sdelay $0x1  }
0x3cf: {  	v11 =	vperm.xlane v9, v5;
	v12 =	vperm.xlane v10, v7;
	_ =	sdelay $0x1  }
0x3d0: {  	v9 =	vadd.f32 v11, v9;
	v10 =	vadd.f32 v12, v10;
	_ =	sdelay $0x1  }
0x3d1: {  	v11 =	vperm.xlane v9, v6;
	(erf) = vrcp.f32 v10;
	_ =	sdelay $0x1  }
0x3d2: {  	v9 =	vadd.f32 v11, v9;
	_ =	sdelay $0x1  }
0x3d3: {  	v62 =	vperm.xlane v9, v7;
	_ =	sdelay $0x1  }
0x3d4: {  	v9 =	vadd.f32 v62, v9;
	_ =	sdelay $0x1  }
0x3d5: {  	v9 =	vadd.f32 $-1.000000000e+00, v9  }
0x3d6: {  	v63 =	vpop (erf)  }
0x3d7: {  	v9 =	vmul.f32 v63, v9;
	_ =	sdelay $0x1  }
0x3d8: {  	(v2sf) =	vpush v9, $0x0  }
0x3d9: {  	(v2sf) =	vpush v8, $0x0;
	_ =	sdelay $0xd  }
0x3da: {  	s0 =	spop (v2sf)  }
0x3db: {  	s1 =	spop (v2sf)  }
0x3dc: {  	p2 =	sle.f32 s0, s1  }
0x3dd: {  	s0 =	simm.s32 $0x1  }
0x3de: {  	v8 =	vmax.f32 v9, v8;
	s0 =	simm.s32 @!p2 $0x0  }
0x3df: {  	[tilespmem:$0x18000] =	vst v8;
	[smem:$0x400] =	sst s0  }
.LBB2_98:
0x3e0: {  	s22 =	sadd.s32 $0x1, s22  }
0x3e1: {  	p2 =	sne.s32 s22, $0x18  }
.Ltmp60:
0x3e2: {  	_ = 	snop;
	(pc) =	sbr.rel @!p2 .LBB2_99-.Ltmp60, $1  }
0x3e3: {  	_ =	sdelay $0x3  }
.LBB2_89:
0x3e4: {  	_ =	sdelay $0x1  }
0x3e5: {  	p2 =	sne.s32 s0, $0x0  }
.Ltmp61:
0x3e6: {  	_ = 	snop;
	(pc) =	sbr.rel @p2 .LBB2_98-.Ltmp61, $1  }
0x3e7: {  	_ =	sdelay $0x3  }
.Ltmp62:
0x3e8: {  	v8 =	vld [tilespmem:$0x18000];
	(pc) =	sbr.rel @p1 .LBB2_91-.Ltmp62, $2  }
0x3e9: {  	_ =	sdelay $0x2  }
0x3ea: {  	v9 =	vimm.f32 $0.0e+00  }
0x3eb: {  	s0 =	sld [smem:$0x200]  }
0x3ec: {  	p3 =	sgt.s32 s21, $0x1  }
.Ltmp63:
0x3ed: {  	_ = 	snop;
	(pc) =	sbr.rel @!p3 .LBB2_93-.Ltmp63, $4  }
0x3ee: {  	s0 =	sshll.u32 s0, $0x8  }
0x3ef: {  	s23 =	sshra.s32 s0, $0x2  }
0x3f0: {  	v11 =	vld [tilespmem:s23+$0x8000]  }
0x3f1: {  	p2 =	por $0x0, $0x0;
	v10 =	vld [tilespmem:s23+$0x8010]  }
0x3f2: {  	_ = 	snop  }
0x3f3: {  	s0 =	sld [smem:$0x201]  }
0x3f4: {  	v15 =	vld [tilespmem:s23+$0x8020]  }
0x3f5: {  	p3 =	sgt.s32 s21, $0x2;
	vm0 =	vgt.f32 v11, v8  }
.Ltmp64:
0x3f6: {  	v12 =	vld [tilespmem:s23+$0x8030];
	s0 =	sshll.u32 s0, $0x8;
	v11 =	vnsel vm0, $0x0, v11;
	v13 =	vsel vm0, $0x3F800000, v3;
	(pc) =	sbr.rel @!p3 .LBB2_96-.Ltmp64, $4  }
0x3f7: {  	vm14 =	vgt.f32 v10, v8;
	s23 =	sshra.s32 s0, $0x2;
	v14 =	vadd.f32 v11, v9;
	v16 =	vadd.f32 v13, v9  }
0x3f8: {  	v10 =	vnsel vm14, $0x0, v10;
	v11 =	vld [tilespmem:s23+$0x8000];
	v17 =	vsel vm14, $0x3F800000, v3  }
0x3f9: {  	vm15 =	vgt.f32 v15, v8;
	v13 =	vadd.f32 v10, v14;
	v14 =	vadd.f32 v17, v16  }
0x3fa: {  	s24 =	simm.s32 $0x2;
	s25 =	simm.s32 $0x202;
	p2 =	por $0x1, $0x1;
	v15 =	vnsel vm15, $0x0, v15;
	v10 =	vld [tilespmem:s23+$0x8010];
	v16 =	vsel vm15, $0x3F800000, v3  }
.LBB2_95:
0x3fb: {  	s0 =	sld [smem:s25+$0x0];
	s24 =	sadd.s32 $0x1, s24;
	v13 =	vadd.f32 v15, v13;
	v14 =	vadd.f32 v16, v14;
	vm0 =	vgt.f32 v12, v8  }
0x3fc: {  	p3 =	slt.s32 s24, s21;
	v15 =	vld [tilespmem:s23+$0x8020];
	v12 =	vnsel vm0, $0x0, v12;
	v16 =	vsel vm0, $0x3F800000, v3  }
0x3fd: {  	vm0 =	vgt.f32 v11, v8;
	v13 =	vadd.f32 v12, v13;
	v14 =	vadd.f32 v16, v14  }
.Ltmp65:
0x3fe: {  	s0 =	sshll.u32 s0, $0x8;
	v11 =	vnsel vm0, $0x0, v11;
	v16 =	vsel vm0, $0x3F800000, v3;
	v12 =	vld [tilespmem:s23+$0x8030];
	(pc) =	sbr.rel @p3 .LBB2_95-.Ltmp65, $4  }
0x3ff: {  	s23 =	sshra.s32 s0, $0x2;
	v13 =	vadd.f32 v11, v13;
	v14 =	vadd.f32 v16, v14;
	vm0 =	vgt.f32 v10, v8  }
0x400: {  	v11 =	vld [tilespmem:s23+$0x8000];
	v10 =	vnsel vm0, $0x0, v10;
	v16 =	vsel vm0, $0x3F800000, v3  }
0x401: {  	v13 =	vadd.f32 v10, v13;
	v14 =	vadd.f32 v16, v14;
	vm0 =	vgt.f32 v15, v8  }
0x402: {  	s25 =	sadd.s32 $0x1, s25;
	v10 =	vld [tilespmem:s23+$0x8010];
	v15 =	vnsel vm0, $0x0, v15;
	v16 =	vsel vm0, $0x3F800000, v3  }
.LBB2_96:
0x403: {  	v13 =	vadd.f32 @p2 v15, v13;
	v14 =	vadd.f32 @p2 v16, v14;
	vm0 =	vgt.f32 @p2 v12, v8  }
0x404: {  	v12 =	vnsel @p2 vm0, $0x0, v12;
	v15 =	vsel @p2 vm0, $0x3F800000, v3  }
0x405: {  	v58 =	vld [tilespmem:s23+$0x8020];
	vm12 =	vgt.f32 v11, v8;
	v12 =	vadd.f32 @p2 v12, v13;
	v13 =	vadd.f32 @p2 v15, v14  }
0x406: {  	v11 =	vnsel vm12, $0x0, v11  }
0x407: {  	v60 =	vld [tilespmem:s23+$0x8030];
	v59 =	vsel vm12, $0x3F800000, v3;
	v12 =	vpsel p2, v12, v9;
	v9 =	vpsel p2, v13, v9  }
0x408: {  	vm13 =	vgt.f32 v10, v8;
	v11 =	vadd.f32 v11, v12;
	v9 =	vadd.f32 v59, v9  }
0x409: {  	v10 =	vnsel vm13, $0x0, v10;
	v61 =	vsel vm13, $0x3F800000, v3  }
0x40a: {  	vm14 =	vgt.f32 v58, v8;
	v10 =	vadd.f32 v10, v11;
	v9 =	vadd.f32 v61, v9  }
.Ltmp66:
0x40b: {  	v62 =	vsel vm14, $0x3F800000, v3;
	v11 =	vnsel vm14, $0x0, v58;
	(pc) =	sbr.rel .LBB2_97-.Ltmp66, $3  }
0x40c: {  	vm15 =	vgt.f32 v60, v8;
	v10 =	vadd.f32 v11, v10;
	v11 =	vadd.f32 v62, v9  }
0x40d: {  	v63 =	vsel vm15, $0x3F800000, v3;
	v9 =	vnsel vm15, $0x0, v60  }
0x40e: {  	v9 =	vadd.f32 v9, v10;
	v10 =	vadd.f32 v63, v11;
	_ =	sdelay $0x1  }
.LBB2_93:
.Ltmp67:
0x40f: {  	(pc) =	sbr.rel .LBB2_96-.Ltmp67, $2  }
0x410: {  	_ =	sdelay $0x2  }
0x411: {  	_ = 	snop  }
.LBB2_99:
.Ltmp68:
0x412: {  	(pc) =	sbr.rel @p0 .LBB2_103-.Ltmp68, $4  }
0x413: {  	_ =	strace $0x9000004E  }
0x414: {  	_ =	swait.ge [sflag:s18], $0x8000  }
0x415: {  	[sflag:s18] =	ssyncset.done $0x0  }
0x416: {  	s22 =	simm.s32 $0x0;
	[sflag:s18] =	ssyncadd.s32 $0xFFFF8000  }
0x417: {  	s23 =	sadd.s32 $0x1, s22  }
0x418: {  	p0 =	slt.s32 s23, s20  }
.Ltmp69:
0x419: {  	s0 =	sld [smem:s22+$0x0];
	(pc) =	sbr.rel @!p0 .LBB2_102-.Ltmp69, $3  }
0x41a: {  	_ =	sdelay $0x1  }
0x41b: {  	s0 =	sshll.u32 s0, $0x8  }
0x41c: {  	s24 =	sshra.s32 s0, $0x2  }
.LBB2_101:
0x41d: {  	s23 =	sadd.s32 $0x1, s23  }
0x41e: {  	[tilespmem:s24+$0x10030] =	vst v3;
	s22 =	sadd.s32 $0x1, s22;
	p0 =	slt.s32 s23, s20  }
.Ltmp70:
0x41f: {  	s0 =	sld [smem:s22+$0x0];
	[tilespmem:s24+$0x10020] =	vst v3;
	(pc) =	sbr.rel @p0 .LBB2_101-.Ltmp70, $4  }
0x420: {  	[tilespmem:s24+$0x10000] =	vst v3  }
0x421: {  	[tilespmem:s24+$0x10010] =	vst v3  }
0x422: {  	s0 =	sshll.u32 s0, $0x8  }
0x423: {  	s24 =	sshra.s32 s0, $0x2  }
.LBB2_102:
0x424: {  	[tilespmem:s24+$0x10030] =	vst v3  }
0x425: {  	[tilespmem:s24+$0x10020] =	vst v3  }
0x426: {  	[tilespmem:s24+$0x10000] =	vst v3  }
0x427: {  	[tilespmem:s24+$0x10010] =	vst v3  }
.LBB2_103:
.Ltmp71:
0x428: {  	v8 =	vld [tilespmem:$0x18000];
	(pc) =	sbr.rel @p1 .LBB2_111-.Ltmp71, $2  }
0x429: {  	_ =	sdelay $0x2  }
0x42a: {  	_ =	strace $0x8000004F  }
0x42b: {  	p2 =	sgt.s32 s21, $0x1  }
.Ltmp72:
0x42c: {  	_ = 	snop;
	(pc) =	sbr.rel @!p2 .LBB2_105-.Ltmp72, $2  }
0x42d: {  	_ =	sdelay $0x2  }
0x42e: {  	s23 =	simm.s32 $0x200;
	p0 =	por $0x0, $0x0;
	p1 =	por $0x0, $0x0  }
0x42f: {  	s0 =	sld [smem:$0x200]  }
0x430: {  	p2 =	sgt.s32 s21, $0x2  }
.Ltmp73:
0x431: {  	_ = 	snop;
	(pc) =	sbr.rel @!p2 .LBB2_107-.Ltmp73, $3  }
0x432: {  	s20 =	sshll.u32 s0, $0x6  }
0x433: {  	v10 =	vld [tilespmem:s20+$0x8030];
	_ =	sdelay $0x1  }
0x434: {  	s23 =	simm.s32 $0x201;
	p0 =	por $0x1, $0x1;
	v9 =	vld [tilespmem:s20+$0x8020]  }
0x435: {  	s0 =	sld [smem:$0x201]  }
0x436: {  	v13 =	vld [tilespmem:s20+$0x8010];
	p2 =	sgt.s32 s21, $0x3  }
.Ltmp74:
0x437: {  	v11 =	vld [tilespmem:s20+$0x8000];
	(pc) =	sbr.rel @!p2 .LBB2_110-.Ltmp74, $4  }
0x438: {  	s22 =	sshll.u32 s0, $0x6  }
0x439: {  	v14 =	vsub.f32 v10, v8;
	v10 =	vld [tilespmem:s22+$0x8030]  }
0x43a: {  	v12 =	vsub.f32 v9, v8  }
0x43b: {  	s24 =	simm.s32 $0x3;
	s23 =	simm.s32 $0x202;
	p1 =	por $0x1, $0x1;
	v9 =	vld [tilespmem:s22+$0x8020];
	v14 =	vmax.f32 v14, $0.0e+00;
	v13 =	vsub.f32 v13, v8  }
.LBB2_109:
0x43c: {  	s24 =	sadd.s32 $0x1, s24  }
0x43d: {  	s0 =	sld [smem:s23+$0x0];
	v15 =	vld [tilespmem:s22+$0x8010];
	v16 =	vsub.f32 v11, v8;
	v12 =	vmax.f32 v12, $0.0e+00;
	[tilespmem:s20+$0x10030] =	vst v14;
	p2 =	slt.s32 s24, s21  }
.Ltmp75:
0x43e: {  	v13 =	vmax.f32 v13, $0.0e+00;
	v11 =	vld [tilespmem:s22+$0x8000];
	[tilespmem:s20+$0x10020] =	vst v12;
	(pc) =	sbr.rel @p2 .LBB2_109-.Ltmp75, $4  }
0x43f: {  	v12 =	vmax.f32 v16, $0.0e+00;
	[tilespmem:s20+$0x10010] =	vst v13  }
0x440: {  	v14 =	vsub.f32 v10, v8;
	[tilespmem:s20+$0x10000] =	vst v12;
	s20 =	smov.u32 s22;
	s22 =	sshll.u32 s0, $0x6  }
0x441: {  	v12 =	vsub.f32 v9, v8;
	v10 =	vld [tilespmem:s22+$0x8030]  }
0x442: {  	s23 =	sadd.s32 $0x1, s23;
	v14 =	vmax.f32 v14, $0.0e+00;
	v9 =	vld [tilespmem:s22+$0x8020];
	v13 =	vsub.f32 v15, v8  }
.Ltmp76:
0x443: {  	_ = 	snop;
	(pc) =	sbr.rel .LBB2_110-.Ltmp76, $1  }
0x444: {  	_ =	sdelay $0x3  }
.LBB2_20:
.Ltmp77:
0x445: {  	(pc) =	sbr.rel .LBB2_27-.Ltmp77, $2  }
0x446: {  	_ =	sdelay $0x2  }
0x447: {  	s24 =	simm.s32 $0x0  }
.LBB2_49:
.Ltmp78:
0x448: {  	(pc) =	sbr.rel .LBB2_54-.Ltmp78, $2  }
0x449: {  	_ =	sdelay $0x2  }
0x44a: {  	_ = 	snop  }
.LBB2_76:
.Ltmp79:
0x44b: {  	(pc) =	sbr.rel .LBB2_83-.Ltmp79, $2  }
0x44c: {  	_ =	sdelay $0x2  }
0x44d: {  	s24 =	simm.s32 $0x0  }
.LBB2_22:
.Ltmp80:
0x44e: {  	(pc) =	sbr.rel .LBB2_27-.Ltmp80, $2  }
0x44f: {  	_ =	sdelay $0x2  }
0x450: {  	s22 =	smov.u32 s21  }
.LBB2_51:
.Ltmp81:
0x451: {  	(pc) =	sbr.rel .LBB2_54-.Ltmp81, $2  }
0x452: {  	_ =	sdelay $0x2  }
0x453: {  	s22 =	smov.u32 s20  }
.LBB2_78:
.Ltmp82:
0x454: {  	(pc) =	sbr.rel .LBB2_83-.Ltmp82, $2  }
0x455: {  	_ =	sdelay $0x2  }
0x456: {  	s22 =	smov.u32 s21  }
.LBB2_107:
.Ltmp83:
0x457: {  	(pc) =	sbr.rel .LBB2_110-.Ltmp83, $2  }
0x458: {  	_ =	sdelay $0x2  }
0x459: {  	s22 =	smov.u32 s20  }
.LBB2_24:
.Ltmp84:
0x45a: {  	(pc) =	sbr.rel .LBB2_27-.Ltmp84, $2  }
0x45b: {  	_ =	sdelay $0x2  }
0x45c: {  	s24 =	simm.s32 $0x2  }
.LBB2_80:
.Ltmp85:
0x45d: {  	(pc) =	sbr.rel .LBB2_83-.Ltmp85, $2  }
0x45e: {  	_ =	sdelay $0x2  }
0x45f: {  	s24 =	simm.s32 $0x2  }
.LBB2_112:
0x460: {  	_ =	sfence.sel $0x180000  }
0x461: {  	[bflag:$0x0] =	sbarrier.arrive $0xFFFF  }
0x462: {  	_ =	strace $0x90000047  }
0x463: {  	s0 =	stileid.u32;
	[bflag:$0x2] =	sbarrier.arrive $0xFFFF  }
0x464: {  	p0 =	sne.s32 s0, $0x0;
	s0 =	rddreg [dreg:$0x2]  }
0x465: {  	s0 =	sadd.s32 @!p0 $0x100000, s0  }
0x466: {  	[sflag:s0] =	ssyncadd.tile.s32 @!p0 $0x1;
	_ =	shalt  }
.Lfunc_end2:
_tile_overlayer_lowered:
.L_overlay_start_2:
0x467: {  	(tag) =	ssettag $0x2  }
0x468: {  	s0 =	rddreg [dreg:$0x0];
	s2 =	stileid.u32  }
0x469: {  	s1 =	rddreg [dreg:$0x1];
	p0 =	sne.s32 s2, $0x0  }
0x46a: {  	s3 =	rddreg [dreg:$0x2];
	[bflag:$0x3] =	sbarrier.arrive $0xFFFF;
	s2 =	simm.s32 @!p0 $0x1C04  }
0x46b: {  	[timem:s3], [sflag:s2] =	dma.local @!p0 [hbm:s0], s1  }
0x46c: {  	s0 =	simm.s32 @!p0 $0x4  }
0x46d: {  	_ =	swait.ge @!p0 [sflag:s0], s1  }
0x46e: {  	s1 =	ssub.s32 @!p0 $0x0, s1;
	[sflag:s0] =	ssyncset.done @!p0 $0x0  }
0x46f: {  	[sflag:s0] =	ssyncadd.s32 @!p0 s1  }
0x470: {  	[bflag:$0x3] =	sbarrier.arrive $0xFFFF  }
0x471: {  	_ =	shalt  }

</sc_bundles>
